<compile_context>
chip_gen: v7x
topology: tpu7x:2x2x1
jax: 0.10.2.dev20260603
libtpu: 0.0.44.dev20260713+nightly
codegen_flags: <defaults>
</compile_context>

<pallas_src>
import functools

import jax
import jax.numpy as jnp
from jax import lax
from jax.experimental import pallas as pl
from jax.experimental.pallas import tpu as pltpu
from jax.experimental.pallas import tpu_sc as plsc

K = 20
PATCH = 16
NROWS = 14
NUM_PATCHES = NROWS * NROWS
D = 384
N_TRAIN = 500
BS = 16
HW = NROWS * PATCH

PB = 8
NSTEP = (NUM_PATCHES + PB - 1) // PB
ROWS = PB * BS

NW = 32
NPAIR = BS * NUM_PATCHES
PPW = 98
NB = 8
NGRP = (PPW + NB - 1) // NB
IDXP = 8


def _topk_body(test_ref, feat_ref, idx_ref, dist_ref):
    sims = []
    for j in range(PB):
        t = test_ref[j]
        f = feat_ref[j]
        sims.append(lax.dot_general(t, f, (((1,), (1,)), ((), ())),
                                    preferred_element_type=jnp.float32))
    sim = jnp.concatenate(sims, axis=0)

    iota = lax.broadcasted_iota(jnp.int32, (ROWS, N_TRAIN), 1)
    dists = []
    idxs = []
    for _ in range(K):
        m = jnp.max(sim, axis=1, keepdims=True)
        amin = jnp.min(jnp.where(sim == m, iota, N_TRAIN), axis=1,
                       keepdims=True)
        dists.append(m)
        idxs.append(amin)
        sim = jnp.where(iota == amin, -jnp.inf, sim)
    dist_ref[0] = jnp.concatenate(dists, axis=1)
    idx_ref[0] = jnp.concatenate(idxs, axis=1)


def _topk(test_t, feat_t):
    idxo, disto = pl.pallas_call(
        _topk_body,
        grid=(NSTEP,),
        in_specs=[
            pl.BlockSpec((PB, BS, D), lambda p: (p, 0, 0)),
            pl.BlockSpec((PB, N_TRAIN, D), lambda p: (p, 0, 0)),
        ],
        out_specs=[
            pl.BlockSpec((1, ROWS, K), lambda p: (p, 0, 0)),
            pl.BlockSpec((1, ROWS, K), lambda p: (p, 0, 0)),
        ],
        out_shape=[
            jax.ShapeDtypeStruct((NSTEP, ROWS, K), jnp.int32),
            jax.ShapeDtypeStruct((NSTEP, ROWS, K), jnp.float32),
        ],
    )(test_t, feat_t)
    idx3 = idxo.reshape(NSTEP * PB, BS, K)[:NUM_PATCHES]
    dist3 = disto.reshape(NSTEP * PB, BS, K)[:NUM_PATCHES]
    return idx3, dist3


def _gather_body(lab_hbm, idx_hbm, out_hbm, idxc, rid, stage,
                 sem_idx, sem_g, sem_o):
    wid = lax.axis_index("s") * 2 + lax.axis_index("c")
    e0 = wid * PPW
    p_lo = jnp.minimum(e0 // BS, NUM_PATCHES - IDXP)
    pltpu.sync_copy(idx_hbm.at[pl.ds(p_lo, IDXP)], idxc)

    def pair(e):
        p = e // BS
        b = e % BS
        return p, b

    def prep(t, s):
        p, b = pair(e0 + t)
        pl_ = p - p_lo
        off = p * N_TRAIN
        v0 = idxc[pl_, b, pl.ds(0, 16)] + off
        v1 = idxc[pl_, b, pl.ds(K - 16, 16)] + off
        rid[s, pl.ds(0, 16)] = v0
        rid[s, pl.ds(K - 16, 16)] = v1

    def fire_gather(t, s):
        return pltpu.make_async_copy(lab_hbm.at[rid.at[s]], stage.at[s], sem_g)

    def fire_out(t, s):
        p, b = pair(e0 + t)
        r = p // NROWS
        c = p % NROWS
        return pltpu.make_async_copy(
            stage.at[s], out_hbm.at[b, :, r, :, c, :], sem_o)

    def per_group(g, carry):
        for j in range(NB):
            t = g * NB + j

            @pl.when(jnp.logical_and(t < PPW, g > 0))
            def _wo():
                fire_out(t - NB, j).wait()

            @pl.when(t < PPW)
            def _fg():
                prep(t, j)
                fire_gather(t, j).start()
        for j in range(NB):
            t = g * NB + j

            @pl.when(t < PPW)
            def _fo():
                fire_gather(t, j).wait()
                fire_out(t, j).start()
        return carry

    lax.fori_loop(0, NGRP, per_group, 0)
    for t in range(PPW - NB, PPW):
        fire_out(jnp.int32(t), t % NB).wait()


def _gather(lab3, idx3):
    kern = functools.partial(
        pl.kernel,
        out_type=jax.ShapeDtypeStruct((BS, K, NROWS, PATCH, NROWS, PATCH),
                                      jnp.int32),
        mesh=plsc.VectorSubcoreMesh(core_axis_name="c", subcore_axis_name="s"),
        scratch_types=[
            pltpu.VMEM((IDXP, BS, K), jnp.int32),
            pltpu.VMEM((NB, K), jnp.int32),
            pltpu.VMEM((NB, K, PATCH, PATCH), jnp.int32),
            pltpu.SemaphoreType.DMA,
            pltpu.SemaphoreType.DMA,
            pltpu.SemaphoreType.DMA,
        ],
        compiler_params=pltpu.CompilerParams(use_tc_tiling_on_sc=False,
                                             needs_layout_passes=False),
    )(_gather_body)
    return kern(lab3, idx3)


def kernel(test_feature, train_features, train_labels):
    test_t = jnp.transpose(test_feature, (1, 0, 2))
    feat_t = jnp.transpose(train_features, (0, 2, 1))
    lab3 = jnp.transpose(train_labels, (0, 2, 1)).reshape(
        NUM_PATCHES * N_TRAIN, PATCH, PATCH)

    idx3, dist3 = _topk(test_t, feat_t)
    out6 = _gather(lab3, idx3)
    grids = out6.reshape(BS, K, HW, HW)
    distances = jnp.transpose(dist3, (1, 0, 2))
    return grids, distances

# --- scband reference (transcript-rebuilt; emitter-appended) ---
"""Pipeline reference for scband-knnsegmentator-43207370998078 (READ-ONLY COPY).

The authoritative reference and input builder live on the scoring server;
editing this copy changes nothing except your own understanding.
"""

import jax, jax.numpy as jnp
import numpy as np

K = 20
PATCH = 16
NROWS = 14  # img_size 224 // patch_size 16
NUM_PATCHES = NROWS * NROWS  # 196
D = 384
N_TRAIN = 500
BS = 16
NUM_CLASSES = 21


def setup_inputs(seed: int = 0) -> dict:
    key = jax.random.key(seed)
    k1, k2, k3 = jax.random.split(key, 3)
    test_feature = jax.random.normal(k1, (BS, NUM_PATCHES, D), dtype=jnp.float32)
    train_features = jax.random.normal(k2, (NUM_PATCHES, D, N_TRAIN), dtype=jnp.float32)
    train_labels = jax.random.randint(k3, (NUM_PATCHES, PATCH * PATCH, N_TRAIN), 0, NUM_CLASSES, dtype=jnp.int32)
    return {"test_feature": test_feature, "train_features": train_features, "train_labels": train_labels}


def reference(test_feature, train_features, train_labels):
    bs = test_feature.shape[0]
    n_train = train_labels.shape[-1]
    # similarity = (test_feature.unsqueeze(3) * train_features).sum(dim=2)
    # test_feature: [bs, P, d], train_features: [P, d, N] -> [bs, P, N]
    similarity = jnp.einsum('bpd,pdn->bpn', test_feature, train_features)
    # distances, indices = similarity.topk(k, largest=True, sorted=True)
    distances, indices = jax.lax.top_k(similarity, K)  # [bs, P, K]
    # indices -> [bs, P, patch_size**2, K]; train_labels -> [bs, P, patch_size**2, N]
    idx = jnp.broadcast_to(indices[:, :, None, :], (bs, NUM_PATCHES, PATCH * PATCH, K))
    labels = jnp.broadcast_to(train_labels[None, :, :, :], (bs, NUM_PATCHES, PATCH * PATCH, n_train))
    retrieved = jnp.take_along_axis(labels, idx, axis=3)  # [bs, P, p*p, K]
    # permute(0,1,3,2) then view(bs, P, K, p, p)
    retrieved = jnp.transpose(retrieved, (0, 1, 3, 2))
    retrieved = retrieved.reshape(bs, NUM_PATCHES, K, PATCH, PATCH)
    # make_grid(nns, nrow=NROWS, padding=0) per sample: [P, K, p, p] -> [K, H, W]
    g = retrieved.reshape(bs, NROWS, NROWS, K, PATCH, PATCH)
    g = jnp.transpose(g, (0, 3, 1, 4, 2, 5))  # [bs, K, nrows, p, nrows, p]
    grids = g.reshape(bs, K, NROWS * PATCH, NROWS * PATCH)
    # grids[:, 0] is the top-1 retrieved segmentation map used for IoU
    return grids, distances

if __name__ == "__main__":
    import jax
    _d = setup_inputs()
    print(jax.jit(kernel)(*tuple(_d.values())))

</pallas_src>

<mosaic_0001>
#map = affine_map<(d0, d1) -> (0, 0, 0)>
#map1 = affine_map<(d0, d1) -> (0, 0, 0, 0, 0, 0)>
module attributes {stable_mosaic.version = 14 : i64} {
  func.func @_gather_body(%arg0: i32, %arg1: i32, %arg2: memref<98000x16x16xi32, #tpu.memory_space<hbm>>, %arg3: memref<196x16x20xi32, #tpu.memory_space<hbm>>, %arg4: memref<16x20x14x16x14x16xi32, #tpu.memory_space<hbm>>, %arg5: memref<8x16x20xi32, #tpu.memory_space<vmem>>, %arg6: memref<8x20xi32, #tpu.memory_space<vmem>>, %arg7: memref<8x20x16x16xi32, #tpu.memory_space<vmem>>, %arg8: memref<!tpu.dma_semaphore, #tpu.memory_space<semaphore_mem>>, %arg9: memref<!tpu.dma_semaphore, #tpu.memory_space<semaphore_mem>>, %arg10: memref<!tpu.dma_semaphore, #tpu.memory_space<semaphore_mem>>) attributes {dimension_semantics = [#tpu.dimension_semantics<core_parallel>, #tpu.dimension_semantics<subcore_parallel>], iteration_bounds = array<i64: 2, 16>, scalar_prefetch = 0 : i64, scratch_operands = 6 : i64, tpu.core_type = #tpu.core_type<sc_vector_subcore>, window_params = [{transform_indices = #map}, {transform_indices = #map}, {transform_indices = #map1}]} {
    %mul3A = arith.constant 2 : i32
    %mul3A_0 = arith.muli %arg1, %mul3A : i32
    %add3A = arith.addi %mul3A_0, %arg0 : i32
    %mul3A_1 = arith.constant 98 : i32
    %mul3A_2 = arith.muli %add3A, %mul3A_1 : i32
    %jit3A = arith.constant 16 : i32
    %div3A = arith.divsi %mul3A_2, %jit3A : i32
    %sign3A = arith.constant 0 : i32
    %sign3A_3 = arith.cmpi sgt, %mul3A_2, %sign3A : i32
    %sign3A_4 = arith.extui %sign3A_3 : i1 to i32
    %sign3A_5 = arith.constant 0 : i32
    %sign3A_6 = arith.cmpi slt, %mul3A_2, %sign3A_5 : i32
    %sign3A_7 = arith.extui %sign3A_6 : i1 to i32
    %sign3A_8 = arith.subi %sign3A_4, %sign3A_7 : i32
    %sign3A_9 = arith.constant 0 : i32
    %sign3A_10 = arith.cmpi sgt, %jit3A, %sign3A_9 : i32
    %sign3A_11 = arith.extui %sign3A_10 : i1 to i32
    %sign3A_12 = arith.constant 0 : i32
    %sign3A_13 = arith.cmpi slt, %jit3A, %sign3A_12 : i32
    %sign3A_14 = arith.extui %sign3A_13 : i1 to i32
    %sign3A_15 = arith.subi %sign3A_11, %sign3A_14 : i32
    %ne3A = arith.cmpi ne, %sign3A_8, %sign3A_15 : i32
    %rem3A = arith.remsi %mul3A_2, %jit3A : i32
    %ne3A_16 = arith.constant 0 : i32
    %ne3A_17 = arith.cmpi ne, %rem3A, %ne3A_16 : i32
    %and3A = arith.andi %ne3A, %ne3A_17 : i1
    %sub3A = arith.constant 1 : i32
    %sub3A_18 = arith.subi %div3A, %sub3A : i32
    %select_n3A = arith.select %and3A, %sub3A_18, %div3A : i32
    %min3A = arith.constant 188 : i32
    %min3A_19 = arith.minsi %select_n3A, %min3A : i32
    "tpu.region"() ({
      %run_scoped3A = tpu.sem_alloc : memref<!tpu.dma_semaphore, #tpu.memory_space<semaphore_mem>>
      %dma_start3A = arith.constant 0 : i32
      %dma_start3A_846 = arith.constant 0 : i32
      %dma_start3A_847 = tpu.memref_slice %arg3[%min3A_19, %dma_start3A, %dma_start3A_846] : memref<196x16x20xi32, #tpu.memory_space<hbm>> -> memref<8x16x20xi32, #tpu.memory_space<hbm>>
      %dma_start3A_848 = arith.constant 0 : i32
      %dma_start3A_849 = arith.constant 0 : i32
      %dma_start3A_850 = tpu.memref_slice %arg3[%min3A_19, %dma_start3A_848, %dma_start3A_849] : memref<196x16x20xi32, #tpu.memory_space<hbm>> -> memref<8x16x20xi32, #tpu.memory_space<hbm>>
      tpu.enqueue_dma source(%dma_start3A_850 : memref<8x16x20xi32, #tpu.memory_space<hbm>>) target(%arg5 : memref<8x16x20xi32, #tpu.memory_space<vmem>>) target_semaphore(%run_scoped3A : memref<!tpu.dma_semaphore, #tpu.memory_space<semaphore_mem>>)
      %dma_wait3A_851 = arith.constant 0 : i32
      %dma_wait3A_852 = arith.constant 0 : i32
      %dma_wait3A_853 = tpu.memref_slice %arg3[%min3A_19, %dma_wait3A_851, %dma_wait3A_852] : memref<196x16x20xi32, #tpu.memory_space<hbm>> -> memref<8x16x20xi32, #tpu.memory_space<hbm>>
      %dma_wait3A_854 = arith.constant 0 : i32
      %dma_wait3A_855 = arith.constant 0 : i32
      %dma_wait3A_856 = tpu.memref_slice %arg3[%min3A_19, %dma_wait3A_854, %dma_wait3A_855] : memref<196x16x20xi32, #tpu.memory_space<hbm>> -> memref<8x16x20xi32, #tpu.memory_space<hbm>>
      tpu.wait_dma2 semaphore(%run_scoped3A : memref<!tpu.dma_semaphore, #tpu.memory_space<semaphore_mem>>) src(%dma_wait3A_856 : memref<8x16x20xi32, #tpu.memory_space<hbm>>) dst(%arg5 : memref<8x16x20xi32, #tpu.memory_space<vmem>>)
      tpu.yield
    }) : () -> ()
    %scan3A = arith.constant 0 : i32
    %scan3A_20 = arith.constant 0 : i32
    %scan3A_21 = arith.constant 13 : i32
    %scan3A_22 = arith.addi %scan3A_20, %scan3A_21 : i32
    %scan3A_23 = arith.constant 1 : i32
    scf.for %scan3A_846 = %scan3A_20 to %scan3A_22 step %scan3A_23  : i32 {
      %mul3A_847 = arith.constant 8 : i32
      %mul3A_848 = arith.muli %scan3A_846, %mul3A_847 : i32
      %add3A_849 = arith.constant 0 : i32
      %add3A_850 = arith.addi %mul3A_848, %add3A_849 : i32
      %lt3A_851 = arith.constant 98 : i32
      %lt3A_852 = arith.cmpi slt, %add3A_850, %lt3A_851 : i32
      %gt3A = arith.constant 0 : i32
      %gt3A_853 = arith.cmpi sgt, %scan3A_846, %gt3A : i32
      %and3A_854 = arith.andi %lt3A_852, %gt3A_853 : i1
      %convert_element_type3A = arith.extui %and3A_854 : i1 to i32
      %cond3A = arith.constant 0 : i32
      %cond3A_855 = arith.cmpi ne, %convert_element_type3A, %cond3A : i32
      scf.if %cond3A_855 {
        %sub3A_1052 = arith.constant 8 : i32
        %sub3A_1053 = arith.subi %add3A_850, %sub3A_1052 : i32
        %add3A_1054 = arith.addi %mul3A_2, %sub3A_1053 : i32
        %jit3A_1055 = arith.constant 16 : i32
        %div3A_1056 = arith.divsi %add3A_1054, %jit3A_1055 : i32
        %sign3A_1057 = arith.constant 0 : i32
        %sign3A_1058 = arith.cmpi sgt, %add3A_1054, %sign3A_1057 : i32
        %sign3A_1059 = arith.extui %sign3A_1058 : i1 to i32
        %sign3A_1060 = arith.constant 0 : i32
        %sign3A_1061 = arith.cmpi slt, %add3A_1054, %sign3A_1060 : i32
        %sign3A_1062 = arith.extui %sign3A_1061 : i1 to i32
        %sign3A_1063 = arith.subi %sign3A_1059, %sign3A_1062 : i32
        %sign3A_1064 = arith.constant 0 : i32
        %sign3A_1065 = arith.cmpi sgt, %jit3A_1055, %sign3A_1064 : i32
        %sign3A_1066 = arith.extui %sign3A_1065 : i1 to i32
        %sign3A_1067 = arith.constant 0 : i32
        %sign3A_1068 = arith.cmpi slt, %jit3A_1055, %sign3A_1067 : i32
        %sign3A_1069 = arith.extui %sign3A_1068 : i1 to i32
        %sign3A_1070 = arith.subi %sign3A_1066, %sign3A_1069 : i32
        %ne3A_1071 = arith.cmpi ne, %sign3A_1063, %sign3A_1070 : i32
        %rem3A_1072 = arith.remsi %add3A_1054, %jit3A_1055 : i32
        %ne3A_1073 = arith.constant 0 : i32
        %ne3A_1074 = arith.cmpi ne, %rem3A_1072, %ne3A_1073 : i32
        %and3A_1075 = arith.andi %ne3A_1071, %ne3A_1074 : i1
        %sub3A_1076 = arith.constant 1 : i32
        %sub3A_1077 = arith.subi %div3A_1056, %sub3A_1076 : i32
        %select_n3A_1078 = arith.select %and3A_1075, %sub3A_1077, %div3A_1056 : i32
        %jit3A_1079 = arith.constant 16 : i32
        %eq3A_1080 = arith.constant 0 : i32
        %eq3A_1081 = arith.cmpi eq, %jit3A_1079, %eq3A_1080 : i32
        %jit3A_1082 = arith.constant 1 : i32
        %select_n3A_1083 = arith.select %eq3A_1081, %jit3A_1082, %jit3A_1079 : i32
        %rem3A_1084 = arith.remsi %add3A_1054, %select_n3A_1083 : i32
        %ne3A_1085 = arith.constant 0 : i32
        %ne3A_1086 = arith.cmpi ne, %rem3A_1084, %ne3A_1085 : i32
        %lt3A_1087 = arith.constant 0 : i32
        %lt3A_1088 = arith.cmpi slt, %rem3A_1084, %lt3A_1087 : i32
        %lt3A_1089 = arith.constant 0 : i32
        %lt3A_1090 = arith.cmpi slt, %select_n3A_1083, %lt3A_1089 : i32
        %ne3A_1091 = arith.xori %lt3A_1088, %lt3A_1090 : i1
        %and3A_1092 = arith.andi %ne3A_1091, %ne3A_1086 : i1
        %add3A_1093 = arith.addi %rem3A_1084, %select_n3A_1083 : i32
        %select_n3A_1094 = arith.select %and3A_1092, %add3A_1093, %rem3A_1084 : i32
        %jit3A_1095 = arith.constant 14 : i32
        %div3A_1096 = arith.divsi %select_n3A_1078, %jit3A_1095 : i32
        %sign3A_1097 = arith.constant 0 : i32
        %sign3A_1098 = arith.cmpi sgt, %select_n3A_1078, %sign3A_1097 : i32
        %sign3A_1099 = arith.extui %sign3A_1098 : i1 to i32
        %sign3A_1100 = arith.constant 0 : i32
        %sign3A_1101 = arith.cmpi slt, %select_n3A_1078, %sign3A_1100 : i32
        %sign3A_1102 = arith.extui %sign3A_1101 : i1 to i32
        %sign3A_1103 = arith.subi %sign3A_1099, %sign3A_1102 : i32
        %sign3A_1104 = arith.constant 0 : i32
        %sign3A_1105 = arith.cmpi sgt, %jit3A_1095, %sign3A_1104 : i32
        %sign3A_1106 = arith.extui %sign3A_1105 : i1 to i32
        %sign3A_1107 = arith.constant 0 : i32
        %sign3A_1108 = arith.cmpi slt, %jit3A_1095, %sign3A_1107 : i32
        %sign3A_1109 = arith.extui %sign3A_1108 : i1 to i32
        %sign3A_1110 = arith.subi %sign3A_1106, %sign3A_1109 : i32
        %ne3A_1111 = arith.cmpi ne, %sign3A_1103, %sign3A_1110 : i32
        %rem3A_1112 = arith.remsi %select_n3A_1078, %jit3A_1095 : i32
        %ne3A_1113 = arith.constant 0 : i32
        %ne3A_1114 = arith.cmpi ne, %rem3A_1112, %ne3A_1113 : i32
        %and3A_1115 = arith.andi %ne3A_1111, %ne3A_1114 : i1
        %sub3A_1116 = arith.constant 1 : i32
        %sub3A_1117 = arith.subi %div3A_1096, %sub3A_1116 : i32
        %select_n3A_1118 = arith.select %and3A_1115, %sub3A_1117, %div3A_1096 : i32
        %jit3A_1119 = arith.constant 14 : i32
        %eq3A_1120 = arith.constant 0 : i32
        %eq3A_1121 = arith.cmpi eq, %jit3A_1119, %eq3A_1120 : i32
        %jit3A_1122 = arith.constant 1 : i32
        %select_n3A_1123 = arith.select %eq3A_1121, %jit3A_1122, %jit3A_1119 : i32
        %rem3A_1124 = arith.remsi %select_n3A_1078, %select_n3A_1123 : i32
        %ne3A_1125 = arith.constant 0 : i32
        %ne3A_1126 = arith.cmpi ne, %rem3A_1124, %ne3A_1125 : i32
        %lt3A_1127 = arith.constant 0 : i32
        %lt3A_1128 = arith.cmpi slt, %rem3A_1124, %lt3A_1127 : i32
        %lt3A_1129 = arith.constant 0 : i32
        %lt3A_1130 = arith.cmpi slt, %select_n3A_1123, %lt3A_1129 : i32
        %ne3A_1131 = arith.xori %lt3A_1128, %lt3A_1130 : i1
        %and3A_1132 = arith.andi %ne3A_1131, %ne3A_1126 : i1
        %add3A_1133 = arith.addi %rem3A_1124, %select_n3A_1123 : i32
        %select_n3A_1134 = arith.select %and3A_1132, %add3A_1133, %rem3A_1124 : i32
        %dma_wait3A_1135 = arith.constant 0 : i32
        %dma_wait3A_1136 = arith.constant 0 : i32
        %dma_wait3A_1137 = arith.constant 0 : i32
        %dma_wait3A_1138 = arith.constant 0 : i32
        %dma_wait3A_1139 = tpu.memref_slice %arg7[%dma_wait3A_1135, %dma_wait3A_1136, %dma_wait3A_1137, %dma_wait3A_1138] : memref<8x20x16x16xi32, #tpu.memory_space<vmem>> -> memref<1x20x16x16xi32, #tpu.memory_space<vmem>>
        %dma_wait3A_1140 = tpu.memref_squeeze %dma_wait3A_1139 : memref<1x20x16x16xi32, #tpu.memory_space<vmem>> -> memref<20x16x16xi32, #tpu.memory_space<vmem>>
        %dma_wait3A_1141 = arith.constant 0 : i32
        %dma_wait3A_1142 = arith.constant 0 : i32
        %dma_wait3A_1143 = arith.constant 0 : i32
        %dma_wait3A_1144 = tpu.memref_slice %arg4[%select_n3A_1094, %dma_wait3A_1141, %select_n3A_1118, %dma_wait3A_1142, %select_n3A_1134, %dma_wait3A_1143] : memref<16x20x14x16x14x16xi32, #tpu.memory_space<hbm>> -> memref<1x20x1x16x1x16xi32, #tpu.memory_space<hbm>>
        %dma_wait3A_1145 = tpu.memref_squeeze %dma_wait3A_1144 : memref<1x20x1x16x1x16xi32, #tpu.memory_space<hbm>> -> memref<20x16x16xi32, #tpu.memory_space<hbm>>
        %dma_wait3A_1146 = arith.constant 0 : i32
        %dma_wait3A_1147 = arith.constant 0 : i32
        %dma_wait3A_1148 = arith.constant 0 : i32
        %dma_wait3A_1149 = tpu.memref_slice %arg4[%select_n3A_1094, %dma_wait3A_1146, %select_n3A_1118, %dma_wait3A_1147, %select_n3A_1134, %dma_wait3A_1148] : memref<16x20x14x16x14x16xi32, #tpu.memory_space<hbm>> -> memref<1x20x1x16x1x16xi32, #tpu.memory_space<hbm>>
        %dma_wait3A_1150 = tpu.memref_squeeze %dma_wait3A_1149 : memref<1x20x1x16x1x16xi32, #tpu.memory_space<hbm>> -> memref<20x16x16xi32, #tpu.memory_space<hbm>>
        %dma_wait3A_1151 = arith.constant 0 : i32
        %dma_wait3A_1152 = arith.constant 0 : i32
        %dma_wait3A_1153 = arith.constant 0 : i32
        %dma_wait3A_1154 = tpu.memref_slice %arg7[%dma_wait3A_1135, %dma_wait3A_1151, %dma_wait3A_1152, %dma_wait3A_1153] : memref<8x20x16x16xi32, #tpu.memory_space<vmem>> -> memref<1x20x16x16xi32, #tpu.memory_space<vmem>>
        %dma_wait3A_1155 = tpu.memref_squeeze %dma_wait3A_1154 : memref<1x20x16x16xi32, #tpu.memory_space<vmem>> -> memref<20x16x16xi32, #tpu.memory_space<vmem>>
        tpu.wait_dma2 semaphore(%arg10 : memref<!tpu.dma_semaphore, #tpu.memory_space<semaphore_mem>>) src(%dma_wait3A_1155 : memref<20x16x16xi32, #tpu.memory_space<vmem>>) dst(%dma_wait3A_1150 : memref<20x16x16xi32, #tpu.memory_space<hbm>>)
      } else {
      }
      %lt3A_856 = arith.constant 98 : i32
      %lt3A_857 = arith.cmpi slt, %add3A_850, %lt3A_856 : i32
      %convert_element_type3A_858 = arith.extui %lt3A_857 : i1 to i32
      %cond3A_859 = arith.constant 0 : i32
      %cond3A_860 = arith.cmpi ne, %convert_element_type3A_858, %cond3A_859 : i32
      scf.if %cond3A_860 {
        %add3A_1052 = arith.addi %mul3A_2, %add3A_850 : i32
        %jit3A_1053 = arith.constant 16 : i32
        %div3A_1054 = arith.divsi %add3A_1052, %jit3A_1053 : i32
        %sign3A_1055 = arith.constant 0 : i32
        %sign3A_1056 = arith.cmpi sgt, %add3A_1052, %sign3A_1055 : i32
        %sign3A_1057 = arith.extui %sign3A_1056 : i1 to i32
        %sign3A_1058 = arith.constant 0 : i32
        %sign3A_1059 = arith.cmpi slt, %add3A_1052, %sign3A_1058 : i32
        %sign3A_1060 = arith.extui %sign3A_1059 : i1 to i32
        %sign3A_1061 = arith.subi %sign3A_1057, %sign3A_1060 : i32
        %sign3A_1062 = arith.constant 0 : i32
        %sign3A_1063 = arith.cmpi sgt, %jit3A_1053, %sign3A_1062 : i32
        %sign3A_1064 = arith.extui %sign3A_1063 : i1 to i32
        %sign3A_1065 = arith.constant 0 : i32
        %sign3A_1066 = arith.cmpi slt, %jit3A_1053, %sign3A_1065 : i32
        %sign3A_1067 = arith.extui %sign3A_1066 : i1 to i32
        %sign3A_1068 = arith.subi %sign3A_1064, %sign3A_1067 : i32
        %ne3A_1069 = arith.cmpi ne, %sign3A_1061, %sign3A_1068 : i32
        %rem3A_1070 = arith.remsi %add3A_1052, %jit3A_1053 : i32
        %ne3A_1071 = arith.constant 0 : i32
        %ne3A_1072 = arith.cmpi ne, %rem3A_1070, %ne3A_1071 : i32
        %and3A_1073 = arith.andi %ne3A_1069, %ne3A_1072 : i1
        %sub3A_1074 = arith.constant 1 : i32
        %sub3A_1075 = arith.subi %div3A_1054, %sub3A_1074 : i32
        %select_n3A_1076 = arith.select %and3A_1073, %sub3A_1075, %div3A_1054 : i32
        %jit3A_1077 = arith.constant 16 : i32
        %eq3A_1078 = arith.constant 0 : i32
        %eq3A_1079 = arith.cmpi eq, %jit3A_1077, %eq3A_1078 : i32
        %jit3A_1080 = arith.constant 1 : i32
        %select_n3A_1081 = arith.select %eq3A_1079, %jit3A_1080, %jit3A_1077 : i32
        %rem3A_1082 = arith.remsi %add3A_1052, %select_n3A_1081 : i32
        %ne3A_1083 = arith.constant 0 : i32
        %ne3A_1084 = arith.cmpi ne, %rem3A_1082, %ne3A_1083 : i32
        %lt3A_1085 = arith.constant 0 : i32
        %lt3A_1086 = arith.cmpi slt, %rem3A_1082, %lt3A_1085 : i32
        %lt3A_1087 = arith.constant 0 : i32
        %lt3A_1088 = arith.cmpi slt, %select_n3A_1081, %lt3A_1087 : i32
        %ne3A_1089 = arith.xori %lt3A_1086, %lt3A_1088 : i1
        %and3A_1090 = arith.andi %ne3A_1089, %ne3A_1084 : i1
        %add3A_1091 = arith.addi %rem3A_1082, %select_n3A_1081 : i32
        %select_n3A_1092 = arith.select %and3A_1090, %add3A_1091, %rem3A_1082 : i32
        %sub3A_1093 = arith.subi %select_n3A_1076, %min3A_19 : i32
        %mul3A_1094 = arith.constant 500 : i32
        %mul3A_1095 = arith.muli %select_n3A_1076, %mul3A_1094 : i32
        %get3A = arith.index_cast %sub3A_1093 : i32 to index
        %get3A_1096 = arith.index_cast %select_n3A_1092 : i32 to index
        %get3A_1097 = arith.constant 0 : index
        %get3A_1098 = tpu.vector_load %arg5[%get3A, %get3A_1096, %get3A_1097] {strides = array<i32>} : memref<8x16x20xi32, #tpu.memory_space<vmem>>, vector<16xi32>,
        %add3A_1099 = vector.broadcast %mul3A_1095 : i32 to vector<16xi32>
        %add3A_1100 = arith.addi %get3A_1098, %add3A_1099 : vector<16xi32>
        %get3A_1101 = arith.index_cast %sub3A_1093 : i32 to index
        %get3A_1102 = arith.index_cast %select_n3A_1092 : i32 to index
        %get3A_1103 = arith.constant 4 : index
        %get3A_1104 = tpu.vector_load %arg5[%get3A_1101, %get3A_1102, %get3A_1103] {strides = array<i32>} : memref<8x16x20xi32, #tpu.memory_space<vmem>>, vector<16xi32>,
        %add3A_1105 = vector.broadcast %mul3A_1095 : i32 to vector<16xi32>
        %add3A_1106 = arith.addi %get3A_1104, %add3A_1105 : vector<16xi32>
        %swap3A = arith.constant 0 : i32
        %swap3A_1107 = arith.index_cast %swap3A : i32 to index
        %swap3A_1108 = arith.constant 0 : index
        %swap3A_1109 = tpu.vector_load %arg6[%swap3A_1107, %swap3A_1108] {strides = array<i32>} : memref<8x20xi32, #tpu.memory_space<vmem>>, vector<16xi32>,
        tpu.vector_store %arg6[%swap3A_1107, %swap3A_1108], %add3A_1100 {strides = array<i32>} : memref<8x20xi32, #tpu.memory_space<vmem>>, vector<16xi32>,
        %swap3A_1110 = arith.constant 0 : i32
        %swap3A_1111 = arith.index_cast %swap3A_1110 : i32 to index
        %swap3A_1112 = arith.constant 4 : index
        %swap3A_1113 = tpu.vector_load %arg6[%swap3A_1111, %swap3A_1112] {strides = array<i32>} : memref<8x20xi32, #tpu.memory_space<vmem>>, vector<16xi32>,
        tpu.vector_store %arg6[%swap3A_1111, %swap3A_1112], %add3A_1106 {strides = array<i32>} : memref<8x20xi32, #tpu.memory_space<vmem>>, vector<16xi32>,
        %dma_start3A = arith.constant 0 : i32
        %dma_start3A_1114 = arith.constant 0 : i32
        %dma_start3A_1115 = arith.constant 0 : i32
        %dma_start3A_1116 = arith.constant 0 : i32
        %dma_start3A_1117 = arith.constant 0 : i32
        %dma_start3A_1118 = tpu.memref_slice %arg7[%dma_start3A_1114, %dma_start3A_1115, %dma_start3A_1116, %dma_start3A_1117] : memref<8x20x16x16xi32, #tpu.memory_space<vmem>> -> memref<1x20x16x16xi32, #tpu.memory_space<vmem>>
        %dma_start3A_1119 = tpu.memref_squeeze %dma_start3A_1118 : memref<1x20x16x16xi32, #tpu.memory_space<vmem>> -> memref<20x16x16xi32, #tpu.memory_space<vmem>>
        %dma_start3A_1120 = arith.constant 0 : i32
        %dma_start3A_1121 = tpu.memref_slice %arg6[%dma_start3A, %dma_start3A_1120] : memref<8x20xi32, #tpu.memory_space<vmem>> -> memref<1x20xi32, #tpu.memory_space<vmem>>
        %dma_start3A_1122 = tpu.memref_squeeze %dma_start3A_1121 : memref<1x20xi32, #tpu.memory_space<vmem>> -> memref<20xi32, #tpu.memory_space<vmem>>
        %dma_start3A_1123 = arith.constant 0 : i32
        %dma_start3A_1124 = arith.constant 0 : i32
        %dma_start3A_1125 = arith.constant 0 : i32
        %dma_start3A_1126 = tpu.memref_slice %arg2[%dma_start3A_1123, %dma_start3A_1124, %dma_start3A_1125] : memref<98000x16x16xi32, #tpu.memory_space<hbm>> -> memref<98000x16x16xi32, #tpu.memory_space<hbm>>
        tpu.enqueue_indirect_dma source(%dma_start3A_1126 : memref<98000x16x16xi32, #tpu.memory_space<hbm>>) target(%dma_start3A_1119 : memref<20x16x16xi32, #tpu.memory_space<vmem>>) offsets(%dma_start3A_1122 : memref<20xi32, #tpu.memory_space<vmem>>) semaphore(%arg9 : memref<!tpu.dma_semaphore, #tpu.memory_space<semaphore_mem>>)
      } else {
      }
      %mul3A_861 = arith.constant 8 : i32
      %mul3A_862 = arith.muli %scan3A_846, %mul3A_861 : i32
      %add3A_863 = arith.constant 1 : i32
      %add3A_864 = arith.addi %mul3A_862, %add3A_863 : i32
      %lt3A_865 = arith.constant 98 : i32
      %lt3A_866 = arith.cmpi slt, %add3A_864, %lt3A_865 : i32
      %gt3A_867 = arith.constant 0 : i32
      %gt3A_868 = arith.cmpi sgt, %scan3A_846, %gt3A_867 : i32
      %and3A_869 = arith.andi %lt3A_866, %gt3A_868 : i1
      %convert_element_type3A_870 = arith.extui %and3A_869 : i1 to i32
      %cond3A_871 = arith.constant 0 : i32
      %cond3A_872 = arith.cmpi ne, %convert_element_type3A_870, %cond3A_871 : i32
      scf.if %cond3A_872 {
        %sub3A_1052 = arith.constant 8 : i32
        %sub3A_1053 = arith.subi %add3A_864, %sub3A_1052 : i32
        %add3A_1054 = arith.addi %mul3A_2, %sub3A_1053 : i32
        %jit3A_1055 = arith.constant 16 : i32
        %div3A_1056 = arith.divsi %add3A_1054, %jit3A_1055 : i32
        %sign3A_1057 = arith.constant 0 : i32
        %sign3A_1058 = arith.cmpi sgt, %add3A_1054, %sign3A_1057 : i32
        %sign3A_1059 = arith.extui %sign3A_1058 : i1 to i32
        %sign3A_1060 = arith.constant 0 : i32
        %sign3A_1061 = arith.cmpi slt, %add3A_1054, %sign3A_1060 : i32
        %sign3A_1062 = arith.extui %sign3A_1061 : i1 to i32
        %sign3A_1063 = arith.subi %sign3A_1059, %sign3A_1062 : i32
        %sign3A_1064 = arith.constant 0 : i32
        %sign3A_1065 = arith.cmpi sgt, %jit3A_1055, %sign3A_1064 : i32
        %sign3A_1066 = arith.extui %sign3A_1065 : i1 to i32
        %sign3A_1067 = arith.constant 0 : i32
        %sign3A_1068 = arith.cmpi slt, %jit3A_1055, %sign3A_1067 : i32
        %sign3A_1069 = arith.extui %sign3A_1068 : i1 to i32
        %sign3A_1070 = arith.subi %sign3A_1066, %sign3A_1069 : i32
        %ne3A_1071 = arith.cmpi ne, %sign3A_1063, %sign3A_1070 : i32
        %rem3A_1072 = arith.remsi %add3A_1054, %jit3A_1055 : i32
        %ne3A_1073 = arith.constant 0 : i32
        %ne3A_1074 = arith.cmpi ne, %rem3A_1072, %ne3A_1073 : i32
        %and3A_1075 = arith.andi %ne3A_1071, %ne3A_1074 : i1
        %sub3A_1076 = arith.constant 1 : i32
        %sub3A_1077 = arith.subi %div3A_1056, %sub3A_1076 : i32
        %select_n3A_1078 = arith.select %and3A_1075, %sub3A_1077, %div3A_1056 : i32
        %jit3A_1079 = arith.constant 16 : i32
        %eq3A_1080 = arith.constant 0 : i32
        %eq3A_1081 = arith.cmpi eq, %jit3A_1079, %eq3A_1080 : i32
        %jit3A_1082 = arith.constant 1 : i32
        %select_n3A_1083 = arith.select %eq3A_1081, %jit3A_1082, %jit3A_1079 : i32
        %rem3A_1084 = arith.remsi %add3A_1054, %select_n3A_1083 : i32
        %ne3A_1085 = arith.constant 0 : i32
        %ne3A_1086 = arith.cmpi ne, %rem3A_1084, %ne3A_1085 : i32
        %lt3A_1087 = arith.constant 0 : i32
        %lt3A_1088 = arith.cmpi slt, %rem3A_1084, %lt3A_1087 : i32
        %lt3A_1089 = arith.constant 0 : i32
        %lt3A_1090 = arith.cmpi slt, %select_n3A_1083, %lt3A_1089 : i32
        %ne3A_1091 = arith.xori %lt3A_1088, %lt3A_1090 : i1
        %and3A_1092 = arith.andi %ne3A_1091, %ne3A_1086 : i1
        %add3A_1093 = arith.addi %rem3A_1084, %select_n3A_1083 : i32
        %select_n3A_1094 = arith.select %and3A_1092, %add3A_1093, %rem3A_1084 : i32
        %jit3A_1095 = arith.constant 14 : i32
        %div3A_1096 = arith.divsi %select_n3A_1078, %jit3A_1095 : i32
        %sign3A_1097 = arith.constant 0 : i32
        %sign3A_1098 = arith.cmpi sgt, %select_n3A_1078, %sign3A_1097 : i32
        %sign3A_1099 = arith.extui %sign3A_1098 : i1 to i32
        %sign3A_1100 = arith.constant 0 : i32
        %sign3A_1101 = arith.cmpi slt, %select_n3A_1078, %sign3A_1100 : i32
        %sign3A_1102 = arith.extui %sign3A_1101 : i1 to i32
        %sign3A_1103 = arith.subi %sign3A_1099, %sign3A_1102 : i32
        %sign3A_1104 = arith.constant 0 : i32
        %sign3A_1105 = arith.cmpi sgt, %jit3A_1095, %sign3A_1104 : i32
        %sign3A_1106 = arith.extui %sign3A_1105 : i1 to i32
        %sign3A_1107 = arith.constant 0 : i32
        %sign3A_1108 = arith.cmpi slt, %jit3A_1095, %sign3A_1107 : i32
        %sign3A_1109 = arith.extui %sign3A_1108 : i1 to i32
        %sign3A_1110 = arith.subi %sign3A_1106, %sign3A_1109 : i32
        %ne3A_1111 = arith.cmpi ne, %sign3A_1103, %sign3A_1110 : i32
        %rem3A_1112 = arith.remsi %select_n3A_1078, %jit3A_1095 : i32
        %ne3A_1113 = arith.constant 0 : i32
        %ne3A_1114 = arith.cmpi ne, %rem3A_1112, %ne3A_1113 : i32
        %and3A_1115 = arith.andi %ne3A_1111, %ne3A_1114 : i1
        %sub3A_1116 = arith.constant 1 : i32
        %sub3A_1117 = arith.subi %div3A_1096, %sub3A_1116 : i32
        %select_n3A_1118 = arith.select %and3A_1115, %sub3A_1117, %div3A_1096 : i32
        %jit3A_1119 = arith.constant 14 : i32
        %eq3A_1120 = arith.constant 0 : i32
        %eq3A_1121 = arith.cmpi eq, %jit3A_1119, %eq3A_1120 : i32
        %jit3A_1122 = arith.constant 1 : i32
        %select_n3A_1123 = arith.select %eq3A_1121, %jit3A_1122, %jit3A_1119 : i32
        %rem3A_1124 = arith.remsi %select_n3A_1078, %select_n3A_1123 : i32
        %ne3A_1125 = arith.constant 0 : i32
        %ne3A_1126 = arith.cmpi ne, %rem3A_1124, %ne3A_1125 : i32
        %lt3A_1127 = arith.constant 0 : i32
        %lt3A_1128 = arith.cmpi slt, %rem3A_1124, %lt3A_1127 : i32
        %lt3A_1129 = arith.constant 0 : i32
        %lt3A_1130 = arith.cmpi slt, %select_n3A_1123, %lt3A_1129 : i32
        %ne3A_1131 = arith.xori %lt3A_1128, %lt3A_1130 : i1
        %and3A_1132 = arith.andi %ne3A_1131, %ne3A_1126 : i1
        %add3A_1133 = arith.addi %rem3A_1124, %select_n3A_1123 : i32
        %select_n3A_1134 = arith.select %and3A_1132, %add3A_1133, %rem3A_1124 : i32
        %dma_wait3A_1135 = arith.constant 1 : i32
        %dma_wait3A_1136 = arith.constant 0 : i32
        %dma_wait3A_1137 = arith.constant 0 : i32
        %dma_wait3A_1138 = arith.constant 0 : i32
        %dma_wait3A_1139 = tpu.memref_slice %arg7[%dma_wait3A_1135, %dma_wait3A_1136, %dma_wait3A_1137, %dma_wait3A_1138] : memref<8x20x16x16xi32, #tpu.memory_space<vmem>> -> memref<1x20x16x16xi32, #tpu.memory_space<vmem>>
        %dma_wait3A_1140 = tpu.memref_squeeze %dma_wait3A_1139 : memref<1x20x16x16xi32, #tpu.memory_space<vmem>> -> memref<20x16x16xi32, #tpu.memory_space<vmem>>
        %dma_wait3A_1141 = arith.constant 0 : i32
        %dma_wait3A_1142 = arith.constant 0 : i32
        %dma_wait3A_1143 = arith.constant 0 : i32
        %dma_wait3A_1144 = tpu.memref_slice %arg4[%select_n3A_1094, %dma_wait3A_1141, %select_n3A_1118, %dma_wait3A_1142, %select_n3A_1134, %dma_wait3A_1143] : memref<16x20x14x16x14x16xi32, #tpu.memory_space<hbm>> -> memref<1x20x1x16x1x16xi32, #tpu.memory_space<hbm>>
        %dma_wait3A_1145 = tpu.memref_squeeze %dma_wait3A_1144 : memref<1x20x1x16x1x16xi32, #tpu.memory_space<hbm>> -> memref<20x16x16xi32, #tpu.memory_space<hbm>>
        %dma_wait3A_1146 = arith.constant 0 : i32
        %dma_wait3A_1147 = arith.constant 0 : i32
        %dma_wait3A_1148 = arith.constant 0 : i32
        %dma_wait3A_1149 = tpu.memref_slice %arg4[%select_n3A_1094, %dma_wait3A_1146, %select_n3A_1118, %dma_wait3A_1147, %select_n3A_1134, %dma_wait3A_1148] : memref<16x20x14x16x14x16xi32, #tpu.memory_space<hbm>> -> memref<1x20x1x16x1x16xi32, #tpu.memory_space<hbm>>
        %dma_wait3A_1150 = tpu.memref_squeeze %dma_wait3A_1149 : memref<1x20x1x16x1x16xi32, #tpu.memory_space<hbm>> -> memref<20x16x16xi32, #tpu.memory_space<hbm>>
        %dma_wait3A_1151 = arith.constant 0 : i32
        %dma_wait3A_1152 = arith.constant 0 : i32
        %dma_wait3A_1153 = arith.constant 0 : i32
        %dma_wait3A_1154 = tpu.memref_slice %arg7[%dma_wait3A_1135, %dma_wait3A_1151, %dma_wait3A_1152, %dma_wait3A_1153] : memref<8x20x16x16xi32, #tpu.memory_space<vmem>> -> memref<1x20x16x16xi32, #tpu.memory_space<vmem>>
        %dma_wait3A_1155 = tpu.memref_squeeze %dma_wait3A_1154 : memref<1x20x16x16xi32, #tpu.memory_space<vmem>> -> memref<20x16x16xi32, #tpu.memory_space<vmem>>
        tpu.wait_dma2 semaphore(%arg10 : memref<!tpu.dma_semaphore, #tpu.memory_space<semaphore_mem>>) src(%dma_wait3A_1155 : memref<20x16x16xi32, #tpu.memory_space<vmem>>) dst(%dma_wait3A_1150 : memref<20x16x16xi32, #tpu.memory_space<hbm>>)
      } else {
      }
      %lt3A_873 = arith.constant 98 : i32
      %lt3A_874 = arith.cmpi slt, %add3A_864, %lt3A_873 : i32
      %convert_element_type3A_875 = arith.extui %lt3A_874 : i1 to i32
      %cond3A_876 = arith.constant 0 : i32
      %cond3A_877 = arith.cmpi ne, %convert_element_type3A_875, %cond3A_876 : i32
      scf.if %cond3A_877 {
        %add3A_1052 = arith.addi %mul3A_2, %add3A_864 : i32
        %jit3A_1053 = arith.constant 16 : i32
        %div3A_1054 = arith.divsi %add3A_1052, %jit3A_1053 : i32
        %sign3A_1055 = arith.constant 0 : i32
        %sign3A_1056 = arith.cmpi sgt, %add3A_1052, %sign3A_1055 : i32
        %sign3A_1057 = arith.extui %sign3A_1056 : i1 to i32
        %sign3A_1058 = arith.constant 0 : i32
        %sign3A_1059 = arith.cmpi slt, %add3A_1052, %sign3A_1058 : i32
        %sign3A_1060 = arith.extui %sign3A_1059 : i1 to i32
        %sign3A_1061 = arith.subi %sign3A_1057, %sign3A_1060 : i32
        %sign3A_1062 = arith.constant 0 : i32
        %sign3A_1063 = arith.cmpi sgt, %jit3A_1053, %sign3A_1062 : i32
        %sign3A_1064 = arith.extui %sign3A_1063 : i1 to i32
        %sign3A_1065 = arith.constant 0 : i32
        %sign3A_1066 = arith.cmpi slt, %jit3A_1053, %sign3A_1065 : i32
        %sign3A_1067 = arith.extui %sign3A_1066 : i1 to i32
        %sign3A_1068 = arith.subi %sign3A_1064, %sign3A_1067 : i32
        %ne3A_1069 = arith.cmpi ne, %sign3A_1061, %sign3A_1068 : i32
        %rem3A_1070 = arith.remsi %add3A_1052, %jit3A_1053 : i32
        %ne3A_1071 = arith.constant 0 : i32
        %ne3A_1072 = arith.cmpi ne, %rem3A_1070, %ne3A_1071 : i32
        %and3A_1073 = arith.andi %ne3A_1069, %ne3A_1072 : i1
        %sub3A_1074 = arith.constant 1 : i32
        %sub3A_1075 = arith.subi %div3A_1054, %sub3A_1074 : i32
        %select_n3A_1076 = arith.select %and3A_1073, %sub3A_1075, %div3A_1054 : i32
        %jit3A_1077 = arith.constant 16 : i32
        %eq3A_1078 = arith.constant 0 : i32
        %eq3A_1079 = arith.cmpi eq, %jit3A_1077, %eq3A_1078 : i32
        %jit3A_1080 = arith.constant 1 : i32
        %select_n3A_1081 = arith.select %eq3A_1079, %jit3A_1080, %jit3A_1077 : i32
        %rem3A_1082 = arith.remsi %add3A_1052, %select_n3A_1081 : i32
        %ne3A_1083 = arith.constant 0 : i32
        %ne3A_1084 = arith.cmpi ne, %rem3A_1082, %ne3A_1083 : i32
        %lt3A_1085 = arith.constant 0 : i32
        %lt3A_1086 = arith.cmpi slt, %rem3A_1082, %lt3A_1085 : i32
        %lt3A_1087 = arith.constant 0 : i32
        %lt3A_1088 = arith.cmpi slt, %select_n3A_1081, %lt3A_1087 : i32
        %ne3A_1089 = arith.xori %lt3A_1086, %lt3A_1088 : i1
        %and3A_1090 = arith.andi %ne3A_1089, %ne3A_1084 : i1
        %add3A_1091 = arith.addi %rem3A_1082, %select_n3A_1081 : i32
        %select_n3A_1092 = arith.select %and3A_1090, %add3A_1091, %rem3A_1082 : i32
        %sub3A_1093 = arith.subi %select_n3A_1076, %min3A_19 : i32
        %mul3A_1094 = arith.constant 500 : i32
        %mul3A_1095 = arith.muli %select_n3A_1076, %mul3A_1094 : i32
        %get3A = arith.index_cast %sub3A_1093 : i32 to index
        %get3A_1096 = arith.index_cast %select_n3A_1092 : i32 to index
        %get3A_1097 = arith.constant 0 : index
        %get3A_1098 = tpu.vector_load %arg5[%get3A, %get3A_1096, %get3A_1097] {strides = array<i32>} : memref<8x16x20xi32, #tpu.memory_space<vmem>>, vector<16xi32>,
        %add3A_1099 = vector.broadcast %mul3A_1095 : i32 to vector<16xi32>
        %add3A_1100 = arith.addi %get3A_1098, %add3A_1099 : vector<16xi32>
        %get3A_1101 = arith.index_cast %sub3A_1093 : i32 to index
        %get3A_1102 = arith.index_cast %select_n3A_1092 : i32 to index
        %get3A_1103 = arith.constant 4 : index
        %get3A_1104 = tpu.vector_load %arg5[%get3A_1101, %get3A_1102, %get3A_1103] {strides = array<i32>} : memref<8x16x20xi32, #tpu.memory_space<vmem>>, vector<16xi32>,
        %add3A_1105 = vector.broadcast %mul3A_1095 : i32 to vector<16xi32>
        %add3A_1106 = arith.addi %get3A_1104, %add3A_1105 : vector<16xi32>
        %swap3A = arith.constant 1 : i32
        %swap3A_1107 = arith.index_cast %swap3A : i32 to index
        %swap3A_1108 = arith.constant 0 : index
        %swap3A_1109 = tpu.vector_load %arg6[%swap3A_1107, %swap3A_1108] {strides = array<i32>} : memref<8x20xi32, #tpu.memory_space<vmem>>, vector<16xi32>,
        tpu.vector_store %arg6[%swap3A_1107, %swap3A_1108], %add3A_1100 {strides = array<i32>} : memref<8x20xi32, #tpu.memory_space<vmem>>, vector<16xi32>,
        %swap3A_1110 = arith.constant 1 : i32
        %swap3A_1111 = arith.index_cast %swap3A_1110 : i32 to index
        %swap3A_1112 = arith.constant 4 : index
        %swap3A_1113 = tpu.vector_load %arg6[%swap3A_1111, %swap3A_1112] {strides = array<i32>} : memref<8x20xi32, #tpu.memory_space<vmem>>, vector<16xi32>,
        tpu.vector_store %arg6[%swap3A_1111, %swap3A_1112], %add3A_1106 {strides = array<i32>} : memref<8x20xi32, #tpu.memory_space<vmem>>, vector<16xi32>,
        %dma_start3A = arith.constant 1 : i32
        %dma_start3A_1114 = arith.constant 1 : i32
        %dma_start3A_1115 = arith.constant 0 : i32
        %dma_start3A_1116 = arith.constant 0 : i32
        %dma_start3A_1117 = arith.constant 0 : i32
        %dma_start3A_1118 = tpu.memref_slice %arg7[%dma_start3A_1114, %dma_start3A_1115, %dma_start3A_1116, %dma_start3A_1117] : memref<8x20x16x16xi32, #tpu.memory_space<vmem>> -> memref<1x20x16x16xi32, #tpu.memory_space<vmem>>
        %dma_start3A_1119 = tpu.memref_squeeze %dma_start3A_1118 : memref<1x20x16x16xi32, #tpu.memory_space<vmem>> -> memref<20x16x16xi32, #tpu.memory_space<vmem>>
        %dma_start3A_1120 = arith.constant 0 : i32
        %dma_start3A_1121 = tpu.memref_slice %arg6[%dma_start3A, %dma_start3A_1120] : memref<8x20xi32, #tpu.memory_space<vmem>> -> memref<1x20xi32, #tpu.memory_space<vmem>>
        %dma_start3A_1122 = tpu.memref_squeeze %dma_start3A_1121 : memref<1x20xi32, #tpu.memory_space<vmem>> -> memref<20xi32, #tpu.memory_space<vmem>>
        %dma_start3A_1123 = arith.constant 0 : i32
        %dma_start3A_1124 = arith.constant 0 : i32
        %dma_start3A_1125 = arith.constant 0 : i32
        %dma_start3A_1126 = tpu.memref_slice %arg2[%dma_start3A_1123, %dma_start3A_1124, %dma_start3A_1125] : memref<98000x16x16xi32, #tpu.memory_space<hbm>> -> memref<98000x16x16xi32, #tpu.memory_space<hbm>>
        tpu.enqueue_indirect_dma source(%dma_start3A_1126 : memref<98000x16x16xi32, #tpu.memory_space<hbm>>) target(%dma_start3A_1119 : memref<20x16x16xi32, #tpu.memory_space<vmem>>) offsets(%dma_start3A_1122 : memref<20xi32, #tpu.memory_space<vmem>>) semaphore(%arg9 : memref<!tpu.dma_semaphore, #tpu.memory_space<semaphore_mem>>)
      } else {
      }
      %mul3A_878 = arith.constant 8 : i32
      %mul3A_879 = arith.muli %scan3A_846, %mul3A_878 : i32
      %add3A_880 = arith.constant 2 : i32
      %add3A_881 = arith.addi %mul3A_879, %add3A_880 : i32
      %lt3A_882 = arith.constant 98 : i32
      %lt3A_883 = arith.cmpi slt, %add3A_881, %lt3A_882 : i32
      %gt3A_884 = arith.constant 0 : i32
      %gt3A_885 = arith.cmpi sgt, %scan3A_846, %gt3A_884 : i32
      %and3A_886 = arith.andi %lt3A_883, %gt3A_885 : i1
      %convert_element_type3A_887 = arith.extui %and3A_886 : i1 to i32
      %cond3A_888 = arith.constant 0 : i32
      %cond3A_889 = arith.cmpi ne, %convert_element_type3A_887, %cond3A_888 : i32
      scf.if %cond3A_889 {
        %sub3A_1052 = arith.constant 8 : i32
        %sub3A_1053 = arith.subi %add3A_881, %sub3A_1052 : i32
        %add3A_1054 = arith.addi %mul3A_2, %sub3A_1053 : i32
        %jit3A_1055 = arith.constant 16 : i32
        %div3A_1056 = arith.divsi %add3A_1054, %jit3A_1055 : i32
        %sign3A_1057 = arith.constant 0 : i32
        %sign3A_1058 = arith.cmpi sgt, %add3A_1054, %sign3A_1057 : i32
        %sign3A_1059 = arith.extui %sign3A_1058 : i1 to i32
        %sign3A_1060 = arith.constant 0 : i32
        %sign3A_1061 = arith.cmpi slt, %add3A_1054, %sign3A_1060 : i32
        %sign3A_1062 = arith.extui %sign3A_1061 : i1 to i32
        %sign3A_1063 = arith.subi %sign3A_1059, %sign3A_1062 : i32
        %sign3A_1064 = arith.constant 0 : i32
        %sign3A_1065 = arith.cmpi sgt, %jit3A_1055, %sign3A_1064 : i32
        %sign3A_1066 = arith.extui %sign3A_1065 : i1 to i32
        %sign3A_1067 = arith.constant 0 : i32
        %sign3A_1068 = arith.cmpi slt, %jit3A_1055, %sign3A_1067 : i32
        %sign3A_1069 = arith.extui %sign3A_1068 : i1 to i32
        %sign3A_1070 = arith.subi %sign3A_1066, %sign3A_1069 : i32
        %ne3A_1071 = arith.cmpi ne, %sign3A_1063, %sign3A_1070 : i32
        %rem3A_1072 = arith.remsi %add3A_1054, %jit3A_1055 : i32
        %ne3A_1073 = arith.constant 0 : i32
        %ne3A_1074 = arith.cmpi ne, %rem3A_1072, %ne3A_1073 : i32
        %and3A_1075 = arith.andi %ne3A_1071, %ne3A_1074 : i1
        %sub3A_1076 = arith.constant 1 : i32
        %sub3A_1077 = arith.subi %div3A_1056, %sub3A_1076 : i32
        %select_n3A_1078 = arith.select %and3A_1075, %sub3A_1077, %div3A_1056 : i32
        %jit3A_1079 = arith.constant 16 : i32
        %eq3A_1080 = arith.constant 0 : i32
        %eq3A_1081 = arith.cmpi eq, %jit3A_1079, %eq3A_1080 : i32
        %jit3A_1082 = arith.constant 1 : i32
        %select_n3A_1083 = arith.select %eq3A_1081, %jit3A_1082, %jit3A_1079 : i32
        %rem3A_1084 = arith.remsi %add3A_1054, %select_n3A_1083 : i32
        %ne3A_1085 = arith.constant 0 : i32
        %ne3A_1086 = arith.cmpi ne, %rem3A_1084, %ne3A_1085 : i32
        %lt3A_1087 = arith.constant 0 : i32
        %lt3A_1088 = arith.cmpi slt, %rem3A_1084, %lt3A_1087 : i32
        %lt3A_1089 = arith.constant 0 : i32
        %lt3A_1090 = arith.cmpi slt, %select_n3A_1083, %lt3A_1089 : i32
        %ne3A_1091 = arith.xori %lt3A_1088, %lt3A_1090 : i1
        %and3A_1092 = arith.andi %ne3A_1091, %ne3A_1086 : i1
        %add3A_1093 = arith.addi %rem3A_1084, %select_n3A_1083 : i32
        %select_n3A_1094 = arith.select %and3A_1092, %add3A_1093, %rem3A_1084 : i32
        %jit3A_1095 = arith.constant 14 : i32
        %div3A_1096 = arith.divsi %select_n3A_1078, %jit3A_1095 : i32
        %sign3A_1097 = arith.constant 0 : i32
        %sign3A_1098 = arith.cmpi sgt, %select_n3A_1078, %sign3A_1097 : i32
        %sign3A_1099 = arith.extui %sign3A_1098 : i1 to i32
        %sign3A_1100 = arith.constant 0 : i32
        %sign3A_1101 = arith.cmpi slt, %select_n3A_1078, %sign3A_1100 : i32
        %sign3A_1102 = arith.extui %sign3A_1101 : i1 to i32
        %sign3A_1103 = arith.subi %sign3A_1099, %sign3A_1102 : i32
        %sign3A_1104 = arith.constant 0 : i32
        %sign3A_1105 = arith.cmpi sgt, %jit3A_1095, %sign3A_1104 : i32
        %sign3A_1106 = arith.extui %sign3A_1105 : i1 to i32
        %sign3A_1107 = arith.constant 0 : i32
        %sign3A_1108 = arith.cmpi slt, %jit3A_1095, %sign3A_1107 : i32
        %sign3A_1109 = arith.extui %sign3A_1108 : i1 to i32
        %sign3A_1110 = arith.subi %sign3A_1106, %sign3A_1109 : i32
        %ne3A_1111 = arith.cmpi ne, %sign3A_1103, %sign3A_1110 : i32
        %rem3A_1112 = arith.remsi %select_n3A_1078, %jit3A_1095 : i32
        %ne3A_1113 = arith.constant 0 : i32
        %ne3A_1114 = arith.cmpi ne, %rem3A_1112, %ne3A_1113 : i32
        %and3A_1115 = arith.andi %ne3A_1111, %ne3A_1114 : i1
        %sub3A_1116 = arith.constant 1 : i32
        %sub3A_1117 = arith.subi %div3A_1096, %sub3A_1116 : i32
        %select_n3A_1118 = arith.select %and3A_1115, %sub3A_1117, %div3A_1096 : i32
        %jit3A_1119 = arith.constant 14 : i32
        %eq3A_1120 = arith.constant 0 : i32
        %eq3A_1121 = arith.cmpi eq, %jit3A_1119, %eq3A_1120 : i32
        %jit3A_1122 = arith.constant 1 : i32
        %select_n3A_1123 = arith.select %eq3A_1121, %jit3A_1122, %jit3A_1119 : i32
        %rem3A_1124 = arith.remsi %select_n3A_1078, %select_n3A_1123 : i32
        %ne3A_1125 = arith.constant 0 : i32
        %ne3A_1126 = arith.cmpi ne, %rem3A_1124, %ne3A_1125 : i32
        %lt3A_1127 = arith.constant 0 : i32
        %lt3A_1128 = arith.cmpi slt, %rem3A_1124, %lt3A_1127 : i32
        %lt3A_1129 = arith.constant 0 : i32
        %lt3A_1130 = arith.cmpi slt, %select_n3A_1123, %lt3A_1129 : i32
        %ne3A_1131 = arith.xori %lt3A_1128, %lt3A_1130 : i1
        %and3A_1132 = arith.andi %ne3A_1131, %ne3A_1126 : i1
        %add3A_1133 = arith.addi %rem3A_1124, %select_n3A_1123 : i32
        %select_n3A_1134 = arith.select %and3A_1132, %add3A_1133, %rem3A_1124 : i32
        %dma_wait3A_1135 = arith.constant 2 : i32
        %dma_wait3A_1136 = arith.constant 0 : i32
        %dma_wait3A_1137 = arith.constant 0 : i32
        %dma_wait3A_1138 = arith.constant 0 : i32
        %dma_wait3A_1139 = tpu.memref_slice %arg7[%dma_wait3A_1135, %dma_wait3A_1136, %dma_wait3A_1137, %dma_wait3A_1138] : memref<8x20x16x16xi32, #tpu.memory_space<vmem>> -> memref<1x20x16x16xi32, #tpu.memory_space<vmem>>
        %dma_wait3A_1140 = tpu.memref_squeeze %dma_wait3A_1139 : memref<1x20x16x16xi32, #tpu.memory_space<vmem>> -> memref<20x16x16xi32, #tpu.memory_space<vmem>>
        %dma_wait3A_1141 = arith.constant 0 : i32
        %dma_wait3A_1142 = arith.constant 0 : i32
        %dma_wait3A_1143 = arith.constant 0 : i32
        %dma_wait3A_1144 = tpu.memref_slice %arg4[%select_n3A_1094, %dma_wait3A_1141, %select_n3A_1118, %dma_wait3A_1142, %select_n3A_1134, %dma_wait3A_1143] : memref<16x20x14x16x14x16xi32, #tpu.memory_space<hbm>> -> memref<1x20x1x16x1x16xi32, #tpu.memory_space<hbm>>
        %dma_wait3A_1145 = tpu.memref_squeeze %dma_wait3A_1144 : memref<1x20x1x16x1x16xi32, #tpu.memory_space<hbm>> -> memref<20x16x16xi32, #tpu.memory_space<hbm>>
        %dma_wait3A_1146 = arith.constant 0 : i32
        %dma_wait3A_1147 = arith.constant 0 : i32
        %dma_wait3A_1148 = arith.constant 0 : i32
        %dma_wait3A_1149 = tpu.memref_slice %arg4[%select_n3A_1094, %dma_wait3A_1146, %select_n3A_1118, %dma_wait3A_1147, %select_n3A_1134, %dma_wait3A_1148] : memref<16x20x14x16x14x16xi32, #tpu.memory_space<hbm>> -> memref<1x20x1x16x1x16xi32, #tpu.memory_space<hbm>>
        %dma_wait3A_1150 = tpu.memref_squeeze %dma_wait3A_1149 : memref<1x20x1x16x1x16xi32, #tpu.memory_space<hbm>> -> memref<20x16x16xi32, #tpu.memory_space<hbm>>
        %dma_wait3A_1151 = arith.constant 0 : i32
        %dma_wait3A_1152 = arith.constant 0 : i32
        %dma_wait3A_1153 = arith.constant 0 : i32
        %dma_wait3A_1154 = tpu.memref_slice %arg7[%dma_wait3A_1135, %dma_wait3A_1151, %dma_wait3A_1152, %dma_wait3A_1153] : memref<8x20x16x16xi32, #tpu.memory_space<vmem>> -> memref<1x20x16x16xi32, #tpu.memory_space<vmem>>
        %dma_wait3A_1155 = tpu.memref_squeeze %dma_wait3A_1154 : memref<1x20x16x16xi32, #tpu.memory_space<vmem>> -> memref<20x16x16xi32, #tpu.memory_space<vmem>>
        tpu.wait_dma2 semaphore(%arg10 : memref<!tpu.dma_semaphore, #tpu.memory_space<semaphore_mem>>) src(%dma_wait3A_1155 : memref<20x16x16xi32, #tpu.memory_space<vmem>>) dst(%dma_wait3A_1150 : memref<20x16x16xi32, #tpu.memory_space<hbm>>)
      } else {
      }
      %lt3A_890 = arith.constant 98 : i32
      %lt3A_891 = arith.cmpi slt, %add3A_881, %lt3A_890 : i32
      %convert_element_type3A_892 = arith.extui %lt3A_891 : i1 to i32
      %cond3A_893 = arith.constant 0 : i32
      %cond3A_894 = arith.cmpi ne, %convert_element_type3A_892, %cond3A_893 : i32
      scf.if %cond3A_894 {
        %add3A_1052 = arith.addi %mul3A_2, %add3A_881 : i32
        %jit3A_1053 = arith.constant 16 : i32
        %div3A_1054 = arith.divsi %add3A_1052, %jit3A_1053 : i32
        %sign3A_1055 = arith.constant 0 : i32
        %sign3A_1056 = arith.cmpi sgt, %add3A_1052, %sign3A_1055 : i32
        %sign3A_1057 = arith.extui %sign3A_1056 : i1 to i32
        %sign3A_1058 = arith.constant 0 : i32
        %sign3A_1059 = arith.cmpi slt, %add3A_1052, %sign3A_1058 : i32
        %sign3A_1060 = arith.extui %sign3A_1059 : i1 to i32
        %sign3A_1061 = arith.subi %sign3A_1057, %sign3A_1060 : i32
        %sign3A_1062 = arith.constant 0 : i32
        %sign3A_1063 = arith.cmpi sgt, %jit3A_1053, %sign3A_1062 : i32
        %sign3A_1064 = arith.extui %sign3A_1063 : i1 to i32
        %sign3A_1065 = arith.constant 0 : i32
        %sign3A_1066 = arith.cmpi slt, %jit3A_1053, %sign3A_1065 : i32
        %sign3A_1067 = arith.extui %sign3A_1066 : i1 to i32
        %sign3A_1068 = arith.subi %sign3A_1064, %sign3A_1067 : i32
        %ne3A_1069 = arith.cmpi ne, %sign3A_1061, %sign3A_1068 : i32
        %rem3A_1070 = arith.remsi %add3A_1052, %jit3A_1053 : i32
        %ne3A_1071 = arith.constant 0 : i32
        %ne3A_1072 = arith.cmpi ne, %rem3A_1070, %ne3A_1071 : i32
        %and3A_1073 = arith.andi %ne3A_1069, %ne3A_1072 : i1
        %sub3A_1074 = arith.constant 1 : i32
        %sub3A_1075 = arith.subi %div3A_1054, %sub3A_1074 : i32
        %select_n3A_1076 = arith.select %and3A_1073, %sub3A_1075, %div3A_1054 : i32
        %jit3A_1077 = arith.constant 16 : i32
        %eq3A_1078 = arith.constant 0 : i32
        %eq3A_1079 = arith.cmpi eq, %jit3A_1077, %eq3A_1078 : i32
        %jit3A_1080 = arith.constant 1 : i32
        %select_n3A_1081 = arith.select %eq3A_1079, %jit3A_1080, %jit3A_1077 : i32
        %rem3A_1082 = arith.remsi %add3A_1052, %select_n3A_1081 : i32
        %ne3A_1083 = arith.constant 0 : i32
        %ne3A_1084 = arith.cmpi ne, %rem3A_1082, %ne3A_1083 : i32
        %lt3A_1085 = arith.constant 0 : i32
        %lt3A_1086 = arith.cmpi slt, %rem3A_1082, %lt3A_1085 : i32
        %lt3A_1087 = arith.constant 0 : i32
        %lt3A_1088 = arith.cmpi slt, %select_n3A_1081, %lt3A_1087 : i32
        %ne3A_1089 = arith.xori %lt3A_1086, %lt3A_1088 : i1
        %and3A_1090 = arith.andi %ne3A_1089, %ne3A_1084 : i1
        %add3A_1091 = arith.addi %rem3A_1082, %select_n3A_1081 : i32
        %select_n3A_1092 = arith.select %and3A_1090, %add3A_1091, %rem3A_1082 : i32
        %sub3A_1093 = arith.subi %select_n3A_1076, %min3A_19 : i32
        %mul3A_1094 = arith.constant 500 : i32
        %mul3A_1095 = arith.muli %select_n3A_1076, %mul3A_1094 : i32
        %get3A = arith.index_cast %sub3A_1093 : i32 to index
        %get3A_1096 = arith.index_cast %select_n3A_1092 : i32 to index
        %get3A_1097 = arith.constant 0 : index
        %get3A_1098 = tpu.vector_load %arg5[%get3A, %get3A_1096, %get3A_1097] {strides = array<i32>} : memref<8x16x20xi32, #tpu.memory_space<vmem>>, vector<16xi32>,
        %add3A_1099 = vector.broadcast %mul3A_1095 : i32 to vector<16xi32>
        %add3A_1100 = arith.addi %get3A_1098, %add3A_1099 : vector<16xi32>
        %get3A_1101 = arith.index_cast %sub3A_1093 : i32 to index
        %get3A_1102 = arith.index_cast %select_n3A_1092 : i32 to index
        %get3A_1103 = arith.constant 4 : index
        %get3A_1104 = tpu.vector_load %arg5[%get3A_1101, %get3A_1102, %get3A_1103] {strides = array<i32>} : memref<8x16x20xi32, #tpu.memory_space<vmem>>, vector<16xi32>,
        %add3A_1105 = vector.broadcast %mul3A_1095 : i32 to vector<16xi32>
        %add3A_1106 = arith.addi %get3A_1104, %add3A_1105 : vector<16xi32>
        %swap3A = arith.constant 2 : i32
        %swap3A_1107 = arith.index_cast %swap3A : i32 to index
        %swap3A_1108 = arith.constant 0 : index
        %swap3A_1109 = tpu.vector_load %arg6[%swap3A_1107, %swap3A_1108] {strides = array<i32>} : memref<8x20xi32, #tpu.memory_space<vmem>>, vector<16xi32>,
        tpu.vector_store %arg6[%swap3A_1107, %swap3A_1108], %add3A_1100 {strides = array<i32>} : memref<8x20xi32, #tpu.memory_space<vmem>>, vector<16xi32>,
        %swap3A_1110 = arith.constant 2 : i32
        %swap3A_1111 = arith.index_cast %swap3A_1110 : i32 to index
        %swap3A_1112 = arith.constant 4 : index
        %swap3A_1113 = tpu.vector_load %arg6[%swap3A_1111, %swap3A_1112] {strides = array<i32>} : memref<8x20xi32, #tpu.memory_space<vmem>>, vector<16xi32>,
        tpu.vector_store %arg6[%swap3A_1111, %swap3A_1112], %add3A_1106 {strides = array<i32>} : memref<8x20xi32, #tpu.memory_space<vmem>>, vector<16xi32>,
        %dma_start3A = arith.constant 2 : i32
        %dma_start3A_1114 = arith.constant 2 : i32
        %dma_start3A_1115 = arith.constant 0 : i32
        %dma_start3A_1116 = arith.constant 0 : i32
        %dma_start3A_1117 = arith.constant 0 : i32
        %dma_start3A_1118 = tpu.memref_slice %arg7[%dma_start3A_1114, %dma_start3A_1115, %dma_start3A_1116, %dma_start3A_1117] : memref<8x20x16x16xi32, #tpu.memory_space<vmem>> -> memref<1x20x16x16xi32, #tpu.memory_space<vmem>>
        %dma_start3A_1119 = tpu.memref_squeeze %dma_start3A_1118 : memref<1x20x16x16xi32, #tpu.memory_space<vmem>> -> memref<20x16x16xi32, #tpu.memory_space<vmem>>
        %dma_start3A_1120 = arith.constant 0 : i32
        %dma_start3A_1121 = tpu.memref_slice %arg6[%dma_start3A, %dma_start3A_1120] : memref<8x20xi32, #tpu.memory_space<vmem>> -> memref<1x20xi32, #tpu.memory_space<vmem>>
        %dma_start3A_1122 = tpu.memref_squeeze %dma_start3A_1121 : memref<1x20xi32, #tpu.memory_space<vmem>> -> memref<20xi32, #tpu.memory_space<vmem>>
        %dma_start3A_1123 = arith.constant 0 : i32
        %dma_start3A_1124 = arith.constant 0 : i32
        %dma_start3A_1125 = arith.constant 0 : i32
        %dma_start3A_1126 = tpu.memref_slice %arg2[%dma_start3A_1123, %dma_start3A_1124, %dma_start3A_1125] : memref<98000x16x16xi32, #tpu.memory_space<hbm>> -> memref<98000x16x16xi32, #tpu.memory_space<hbm>>
        tpu.enqueue_indirect_dma source(%dma_start3A_1126 : memref<98000x16x16xi32, #tpu.memory_space<hbm>>) target(%dma_start3A_1119 : memref<20x16x16xi32, #tpu.memory_space<vmem>>) offsets(%dma_start3A_1122 : memref<20xi32, #tpu.memory_space<vmem>>) semaphore(%arg9 : memref<!tpu.dma_semaphore, #tpu.memory_space<semaphore_mem>>)
      } else {
      }
      %mul3A_895 = arith.constant 8 : i32
      %mul3A_896 = arith.muli %scan3A_846, %mul3A_895 : i32
      %add3A_897 = arith.constant 3 : i32
      %add3A_898 = arith.addi %mul3A_896, %add3A_897 : i32
      %lt3A_899 = arith.constant 98 : i32
      %lt3A_900 = arith.cmpi slt, %add3A_898, %lt3A_899 : i32
      %gt3A_901 = arith.constant 0 : i32
      %gt3A_902 = arith.cmpi sgt, %scan3A_846, %gt3A_901 : i32
      %and3A_903 = arith.andi %lt3A_900, %gt3A_902 : i1
      %convert_element_type3A_904 = arith.extui %and3A_903 : i1 to i32
      %cond3A_905 = arith.constant 0 : i32
      %cond3A_906 = arith.cmpi ne, %convert_element_type3A_904, %cond3A_905 : i32
      scf.if %cond3A_906 {
        %sub3A_1052 = arith.constant 8 : i32
        %sub3A_1053 = arith.subi %add3A_898, %sub3A_1052 : i32
        %add3A_1054 = arith.addi %mul3A_2, %sub3A_1053 : i32
        %jit3A_1055 = arith.constant 16 : i32
        %div3A_1056 = arith.divsi %add3A_1054, %jit3A_1055 : i32
        %sign3A_1057 = arith.constant 0 : i32
        %sign3A_1058 = arith.cmpi sgt, %add3A_1054, %sign3A_1057 : i32
        %sign3A_1059 = arith.extui %sign3A_1058 : i1 to i32
        %sign3A_1060 = arith.constant 0 : i32
        %sign3A_1061 = arith.cmpi slt, %add3A_1054, %sign3A_1060 : i32
        %sign3A_1062 = arith.extui %sign3A_1061 : i1 to i32
        %sign3A_1063 = arith.subi %sign3A_1059, %sign3A_1062 : i32
        %sign3A_1064 = arith.constant 0 : i32
        %sign3A_1065 = arith.cmpi sgt, %jit3A_1055, %sign3A_1064 : i32
        %sign3A_1066 = arith.extui %sign3A_1065 : i1 to i32
        %sign3A_1067 = arith.constant 0 : i32
        %sign3A_1068 = arith.cmpi slt, %jit3A_1055, %sign3A_1067 : i32
        %sign3A_1069 = arith.extui %sign3A_1068 : i1 to i32
        %sign3A_1070 = arith.subi %sign3A_1066, %sign3A_1069 : i32
        %ne3A_1071 = arith.cmpi ne, %sign3A_1063, %sign3A_1070 : i32
        %rem3A_1072 = arith.remsi %add3A_1054, %jit3A_1055 : i32
        %ne3A_1073 = arith.constant 0 : i32
        %ne3A_1074 = arith.cmpi ne, %rem3A_1072, %ne3A_1073 : i32
        %and3A_1075 = arith.andi %ne3A_1071, %ne3A_1074 : i1
        %sub3A_1076 = arith.constant 1 : i32
        %sub3A_1077 = arith.subi %div3A_1056, %sub3A_1076 : i32
        %select_n3A_1078 = arith.select %and3A_1075, %sub3A_1077, %div3A_1056 : i32
        %jit3A_1079 = arith.constant 16 : i32
        %eq3A_1080 = arith.constant 0 : i32
        %eq3A_1081 = arith.cmpi eq, %jit3A_1079, %eq3A_1080 : i32
        %jit3A_1082 = arith.constant 1 : i32
        %select_n3A_1083 = arith.select %eq3A_1081, %jit3A_1082, %jit3A_1079 : i32
        %rem3A_1084 = arith.remsi %add3A_1054, %select_n3A_1083 : i32
        %ne3A_1085 = arith.constant 0 : i32
        %ne3A_1086 = arith.cmpi ne, %rem3A_1084, %ne3A_1085 : i32
        %lt3A_1087 = arith.constant 0 : i32
        %lt3A_1088 = arith.cmpi slt, %rem3A_1084, %lt3A_1087 : i32
        %lt3A_1089 = arith.constant 0 : i32
        %lt3A_1090 = arith.cmpi slt, %select_n3A_1083, %lt3A_1089 : i32
        %ne3A_1091 = arith.xori %lt3A_1088, %lt3A_1090 : i1
        %and3A_1092 = arith.andi %ne3A_1091, %ne3A_1086 : i1
        %add3A_1093 = arith.addi %rem3A_1084, %select_n3A_1083 : i32
        %select_n3A_1094 = arith.select %and3A_1092, %add3A_1093, %rem3A_1084 : i32
        %jit3A_1095 = arith.constant 14 : i32
        %div3A_1096 = arith.divsi %select_n3A_1078, %jit3A_1095 : i32
        %sign3A_1097 = arith.constant 0 : i32
        %sign3A_1098 = arith.cmpi sgt, %select_n3A_1078, %sign3A_1097 : i32
        %sign3A_1099 = arith.extui %sign3A_1098 : i1 to i32
        %sign3A_1100 = arith.constant 0 : i32
        %sign3A_1101 = arith.cmpi slt, %select_n3A_1078, %sign3A_1100 : i32
        %sign3A_1102 = arith.extui %sign3A_1101 : i1 to i32
        %sign3A_1103 = arith.subi %sign3A_1099, %sign3A_1102 : i32
        %sign3A_1104 = arith.constant 0 : i32
        %sign3A_1105 = arith.cmpi sgt, %jit3A_1095, %sign3A_1104 : i32
        %sign3A_1106 = arith.extui %sign3A_1105 : i1 to i32
        %sign3A_1107 = arith.constant 0 : i32
        %sign3A_1108 = arith.cmpi slt, %jit3A_1095, %sign3A_1107 : i32
        %sign3A_1109 = arith.extui %sign3A_1108 : i1 to i32
        %sign3A_1110 = arith.subi %sign3A_1106, %sign3A_1109 : i32
        %ne3A_1111 = arith.cmpi ne, %sign3A_1103, %sign3A_1110 : i32
        %rem3A_1112 = arith.remsi %select_n3A_1078, %jit3A_1095 : i32
        %ne3A_1113 = arith.constant 0 : i32
        %ne3A_1114 = arith.cmpi ne, %rem3A_1112, %ne3A_1113 : i32
        %and3A_1115 = arith.andi %ne3A_1111, %ne3A_1114 : i1
        %sub3A_1116 = arith.constant 1 : i32
        %sub3A_1117 = arith.subi %div3A_1096, %sub3A_1116 : i32
        %select_n3A_1118 = arith.select %and3A_1115, %sub3A_1117, %div3A_1096 : i32
        %jit3A_1119 = arith.constant 14 : i32
        %eq3A_1120 = arith.constant 0 : i32
        %eq3A_1121 = arith.cmpi eq, %jit3A_1119, %eq3A_1120 : i32
        %jit3A_1122 = arith.constant 1 : i32
        %select_n3A_1123 = arith.select %eq3A_1121, %jit3A_1122, %jit3A_1119 : i32
        %rem3A_1124 = arith.remsi %select_n3A_1078, %select_n3A_1123 : i32
        %ne3A_1125 = arith.constant 0 : i32
        %ne3A_1126 = arith.cmpi ne, %rem3A_1124, %ne3A_1125 : i32
        %lt3A_1127 = arith.constant 0 : i32
        %lt3A_1128 = arith.cmpi slt, %rem3A_1124, %lt3A_1127 : i32
        %lt3A_1129 = arith.constant 0 : i32
        %lt3A_1130 = arith.cmpi slt, %select_n3A_1123, %lt3A_1129 : i32
        %ne3A_1131 = arith.xori %lt3A_1128, %lt3A_1130 : i1
        %and3A_1132 = arith.andi %ne3A_1131, %ne3A_1126 : i1
        %add3A_1133 = arith.addi %rem3A_1124, %select_n3A_1123 : i32
        %select_n3A_1134 = arith.select %and3A_1132, %add3A_1133, %rem3A_1124 : i32
        %dma_wait3A_1135 = arith.constant 3 : i32
        %dma_wait3A_1136 = arith.constant 0 : i32
        %dma_wait3A_1137 = arith.constant 0 : i32
        %dma_wait3A_1138 = arith.constant 0 : i32
        %dma_wait3A_1139 = tpu.memref_slice %arg7[%dma_wait3A_1135, %dma_wait3A_1136, %dma_wait3A_1137, %dma_wait3A_1138] : memref<8x20x16x16xi32, #tpu.memory_space<vmem>> -> memref<1x20x16x16xi32, #tpu.memory_space<vmem>>
        %dma_wait3A_1140 = tpu.memref_squeeze %dma_wait3A_1139 : memref<1x20x16x16xi32, #tpu.memory_space<vmem>> -> memref<20x16x16xi32, #tpu.memory_space<vmem>>
        %dma_wait3A_1141 = arith.constant 0 : i32
        %dma_wait3A_1142 = arith.constant 0 : i32
        %dma_wait3A_1143 = arith.constant 0 : i32
        %dma_wait3A_1144 = tpu.memref_slice %arg4[%select_n3A_1094, %dma_wait3A_1141, %select_n3A_1118, %dma_wait3A_1142, %select_n3A_1134, %dma_wait3A_1143] : memref<16x20x14x16x14x16xi32, #tpu.memory_space<hbm>> -> memref<1x20x1x16x1x16xi32, #tpu.memory_space<hbm>>
        %dma_wait3A_1145 = tpu.memref_squeeze %dma_wait3A_1144 : memref<1x20x1x16x1x16xi32, #tpu.memory_space<hbm>> -> memref<20x16x16xi32, #tpu.memory_space<hbm>>
        %dma_wait3A_1146 = arith.constant 0 : i32
        %dma_wait3A_1147 = arith.constant 0 : i32
        %dma_wait3A_1148 = arith.constant 0 : i32
        %dma_wait3A_1149 = tpu.memref_slice %arg4[%select_n3A_1094, %dma_wait3A_1146, %select_n3A_1118, %dma_wait3A_1147, %select_n3A_1134, %dma_wait3A_1148] : memref<16x20x14x16x14x16xi32, #tpu.memory_space<hbm>> -> memref<1x20x1x16x1x16xi32, #tpu.memory_space<hbm>>
        %dma_wait3A_1150 = tpu.memref_squeeze %dma_wait3A_1149 : memref<1x20x1x16x1x16xi32, #tpu.memory_space<hbm>> -> memref<20x16x16xi32, #tpu.memory_space<hbm>>
        %dma_wait3A_1151 = arith.constant 0 : i32
        %dma_wait3A_1152 = arith.constant 0 : i32
        %dma_wait3A_1153 = arith.constant 0 : i32
        %dma_wait3A_1154 = tpu.memref_slice %arg7[%dma_wait3A_1135, %dma_wait3A_1151, %dma_wait3A_1152, %dma_wait3A_1153] : memref<8x20x16x16xi32, #tpu.memory_space<vmem>> -> memref<1x20x16x16xi32, #tpu.memory_space<vmem>>
        %dma_wait3A_1155 = tpu.memref_squeeze %dma_wait3A_1154 : memref<1x20x16x16xi32, #tpu.memory_space<vmem>> -> memref<20x16x16xi32, #tpu.memory_space<vmem>>
        tpu.wait_dma2 semaphore(%arg10 : memref<!tpu.dma_semaphore, #tpu.memory_space<semaphore_mem>>) src(%dma_wait3A_1155 : memref<20x16x16xi32, #tpu.memory_space<vmem>>) dst(%dma_wait3A_1150 : memref<20x16x16xi32, #tpu.memory_space<hbm>>)
      } else {
      }
      %lt3A_907 = arith.constant 98 : i32
      %lt3A_908 = arith.cmpi slt, %add3A_898, %lt3A_907 : i32
      %convert_element_type3A_909 = arith.extui %lt3A_908 : i1 to i32
      %cond3A_910 = arith.constant 0 : i32
      %cond3A_911 = arith.cmpi ne, %convert_element_type3A_909, %cond3A_910 : i32
      scf.if %cond3A_911 {
        %add3A_1052 = arith.addi %mul3A_2, %add3A_898 : i32
        %jit3A_1053 = arith.constant 16 : i32
        %div3A_1054 = arith.divsi %add3A_1052, %jit3A_1053 : i32
        %sign3A_1055 = arith.constant 0 : i32
        %sign3A_1056 = arith.cmpi sgt, %add3A_1052, %sign3A_1055 : i32
        %sign3A_1057 = arith.extui %sign3A_1056 : i1 to i32
        %sign3A_1058 = arith.constant 0 : i32
        %sign3A_1059 = arith.cmpi slt, %add3A_1052, %sign3A_1058 : i32
        %sign3A_1060 = arith.extui %sign3A_1059 : i1 to i32
        %sign3A_1061 = arith.subi %sign3A_1057, %sign3A_1060 : i32
        %sign3A_1062 = arith.constant 0 : i32
        %sign3A_1063 = arith.cmpi sgt, %jit3A_1053, %sign3A_1062 : i32
        %sign3A_1064 = arith.extui %sign3A_1063 : i1 to i32
        %sign3A_1065 = arith.constant 0 : i32
        %sign3A_1066 = arith.cmpi slt, %jit3A_1053, %sign3A_1065 : i32
        %sign3A_1067 = arith.extui %sign3A_1066 : i1 to i32
        %sign3A_1068 = arith.subi %sign3A_1064, %sign3A_1067 : i32
        %ne3A_1069 = arith.cmpi ne, %sign3A_1061, %sign3A_1068 : i32
        %rem3A_1070 = arith.remsi %add3A_1052, %jit3A_1053 : i32
        %ne3A_1071 = arith.constant 0 : i32
        %ne3A_1072 = arith.cmpi ne, %rem3A_1070, %ne3A_1071 : i32
        %and3A_1073 = arith.andi %ne3A_1069, %ne3A_1072 : i1
        %sub3A_1074 = arith.constant 1 : i32
        %sub3A_1075 = arith.subi %div3A_1054, %sub3A_1074 : i32
        %select_n3A_1076 = arith.select %and3A_1073, %sub3A_1075, %div3A_1054 : i32
        %jit3A_1077 = arith.constant 16 : i32
        %eq3A_1078 = arith.constant 0 : i32
        %eq3A_1079 = arith.cmpi eq, %jit3A_1077, %eq3A_1078 : i32
        %jit3A_1080 = arith.constant 1 : i32
        %select_n3A_1081 = arith.select %eq3A_1079, %jit3A_1080, %jit3A_1077 : i32
        %rem3A_1082 = arith.remsi %add3A_1052, %select_n3A_1081 : i32
        %ne3A_1083 = arith.constant 0 : i32
        %ne3A_1084 = arith.cmpi ne, %rem3A_1082, %ne3A_1083 : i32
        %lt3A_1085 = arith.constant 0 : i32
        %lt3A_1086 = arith.cmpi slt, %rem3A_1082, %lt3A_1085 : i32
        %lt3A_1087 = arith.constant 0 : i32
        %lt3A_1088 = arith.cmpi slt, %select_n3A_1081, %lt3A_1087 : i32
        %ne3A_1089 = arith.xori %lt3A_1086, %lt3A_1088 : i1
        %and3A_1090 = arith.andi %ne3A_1089, %ne3A_1084 : i1
        %add3A_1091 = arith.addi %rem3A_1082, %select_n3A_1081 : i32
        %select_n3A_1092 = arith.select %and3A_1090, %add3A_1091, %rem3A_1082 : i32
        %sub3A_1093 = arith.subi %select_n3A_1076, %min3A_19 : i32
        %mul3A_1094 = arith.constant 500 : i32
        %mul3A_1095 = arith.muli %select_n3A_1076, %mul3A_1094 : i32
        %get3A = arith.index_cast %sub3A_1093 : i32 to index
        %get3A_1096 = arith.index_cast %select_n3A_1092 : i32 to index
        %get3A_1097 = arith.constant 0 : index
        %get3A_1098 = tpu.vector_load %arg5[%get3A, %get3A_1096, %get3A_1097] {strides = array<i32>} : memref<8x16x20xi32, #tpu.memory_space<vmem>>, vector<16xi32>,
        %add3A_1099 = vector.broadcast %mul3A_1095 : i32 to vector<16xi32>
        %add3A_1100 = arith.addi %get3A_1098, %add3A_1099 : vector<16xi32>
        %get3A_1101 = arith.index_cast %sub3A_1093 : i32 to index
        %get3A_1102 = arith.index_cast %select_n3A_1092 : i32 to index
        %get3A_1103 = arith.constant 4 : index
        %get3A_1104 = tpu.vector_load %arg5[%get3A_1101, %get3A_1102, %get3A_1103] {strides = array<i32>} : memref<8x16x20xi32, #tpu.memory_space<vmem>>, vector<16xi32>,
        %add3A_1105 = vector.broadcast %mul3A_1095 : i32 to vector<16xi32>
        %add3A_1106 = arith.addi %get3A_1104, %add3A_1105 : vector<16xi32>
        %swap3A = arith.constant 3 : i32
        %swap3A_1107 = arith.index_cast %swap3A : i32 to index
        %swap3A_1108 = arith.constant 0 : index
        %swap3A_1109 = tpu.vector_load %arg6[%swap3A_1107, %swap3A_1108] {strides = array<i32>} : memref<8x20xi32, #tpu.memory_space<vmem>>, vector<16xi32>,
        tpu.vector_store %arg6[%swap3A_1107, %swap3A_1108], %add3A_1100 {strides = array<i32>} : memref<8x20xi32, #tpu.memory_space<vmem>>, vector<16xi32>,
        %swap3A_1110 = arith.constant 3 : i32
        %swap3A_1111 = arith.index_cast %swap3A_1110 : i32 to index
        %swap3A_1112 = arith.constant 4 : index
        %swap3A_1113 = tpu.vector_load %arg6[%swap3A_1111, %swap3A_1112] {strides = array<i32>} : memref<8x20xi32, #tpu.memory_space<vmem>>, vector<16xi32>,
        tpu.vector_store %arg6[%swap3A_1111, %swap3A_1112], %add3A_1106 {strides = array<i32>} : memref<8x20xi32, #tpu.memory_space<vmem>>, vector<16xi32>,
        %dma_start3A = arith.constant 3 : i32
        %dma_start3A_1114 = arith.constant 3 : i32
        %dma_start3A_1115 = arith.constant 0 : i32
        %dma_start3A_1116 = arith.constant 0 : i32
        %dma_start3A_1117 = arith.constant 0 : i32
        %dma_start3A_1118 = tpu.memref_slice %arg7[%dma_start3A_1114, %dma_start3A_1115, %dma_start3A_1116, %dma_start3A_1117] : memref<8x20x16x16xi32, #tpu.memory_space<vmem>> -> memref<1x20x16x16xi32, #tpu.memory_space<vmem>>
        %dma_start3A_1119 = tpu.memref_squeeze %dma_start3A_1118 : memref<1x20x16x16xi32, #tpu.memory_space<vmem>> -> memref<20x16x16xi32, #tpu.memory_space<vmem>>
        %dma_start3A_1120 = arith.constant 0 : i32
        %dma_start3A_1121 = tpu.memref_slice %arg6[%dma_start3A, %dma_start3A_1120] : memref<8x20xi32, #tpu.memory_space<vmem>> -> memref<1x20xi32, #tpu.memory_space<vmem>>
        %dma_start3A_1122 = tpu.memref_squeeze %dma_start3A_1121 : memref<1x20xi32, #tpu.memory_space<vmem>> -> memref<20xi32, #tpu.memory_space<vmem>>
        %dma_start3A_1123 = arith.constant 0 : i32
        %dma_start3A_1124 = arith.constant 0 : i32
        %dma_start3A_1125 = arith.constant 0 : i32
        %dma_start3A_1126 = tpu.memref_slice %arg2[%dma_start3A_1123, %dma_start3A_1124, %dma_start3A_1125] : memref<98000x16x16xi32, #tpu.memory_space<hbm>> -> memref<98000x16x16xi32, #tpu.memory_space<hbm>>
        tpu.enqueue_indirect_dma source(%dma_start3A_1126 : memref<98000x16x16xi32, #tpu.memory_space<hbm>>) target(%dma_start3A_1119 : memref<20x16x16xi32, #tpu.memory_space<vmem>>) offsets(%dma_start3A_1122 : memref<20xi32, #tpu.memory_space<vmem>>) semaphore(%arg9 : memref<!tpu.dma_semaphore, #tpu.memory_space<semaphore_mem>>)
      } else {
      }
      %mul3A_912 = arith.constant 8 : i32
      %mul3A_913 = arith.muli %scan3A_846, %mul3A_912 : i32
      %add3A_914 = arith.constant 4 : i32
      %add3A_915 = arith.addi %mul3A_913, %add3A_914 : i32
      %lt3A_916 = arith.constant 98 : i32
      %lt3A_917 = arith.cmpi slt, %add3A_915, %lt3A_916 : i32
      %gt3A_918 = arith.constant 0 : i32
      %gt3A_919 = arith.cmpi sgt, %scan3A_846, %gt3A_918 : i32
      %and3A_920 = arith.andi %lt3A_917, %gt3A_919 : i1
      %convert_element_type3A_921 = arith.extui %and3A_920 : i1 to i32
      %cond3A_922 = arith.constant 0 : i32
      %cond3A_923 = arith.cmpi ne, %convert_element_type3A_921, %cond3A_922 : i32
      scf.if %cond3A_923 {
        %sub3A_1052 = arith.constant 8 : i32
        %sub3A_1053 = arith.subi %add3A_915, %sub3A_1052 : i32
        %add3A_1054 = arith.addi %mul3A_2, %sub3A_1053 : i32
        %jit3A_1055 = arith.constant 16 : i32
        %div3A_1056 = arith.divsi %add3A_1054, %jit3A_1055 : i32
        %sign3A_1057 = arith.constant 0 : i32
        %sign3A_1058 = arith.cmpi sgt, %add3A_1054, %sign3A_1057 : i32
        %sign3A_1059 = arith.extui %sign3A_1058 : i1 to i32
        %sign3A_1060 = arith.constant 0 : i32
        %sign3A_1061 = arith.cmpi slt, %add3A_1054, %sign3A_1060 : i32
        %sign3A_1062 = arith.extui %sign3A_1061 : i1 to i32
        %sign3A_1063 = arith.subi %sign3A_1059, %sign3A_1062 : i32
        %sign3A_1064 = arith.constant 0 : i32
        %sign3A_1065 = arith.cmpi sgt, %jit3A_1055, %sign3A_1064 : i32
        %sign3A_1066 = arith.extui %sign3A_1065 : i1 to i32
        %sign3A_1067 = arith.constant 0 : i32
        %sign3A_1068 = arith.cmpi slt, %jit3A_1055, %sign3A_1067 : i32
        %sign3A_1069 = arith.extui %sign3A_1068 : i1 to i32
        %sign3A_1070 = arith.subi %sign3A_1066, %sign3A_1069 : i32
        %ne3A_1071 = arith.cmpi ne, %sign3A_1063, %sign3A_1070 : i32
        %rem3A_1072 = arith.remsi %add3A_1054, %jit3A_1055 : i32
        %ne3A_1073 = arith.constant 0 : i32
        %ne3A_1074 = arith.cmpi ne, %rem3A_1072, %ne3A_1073 : i32
        %and3A_1075 = arith.andi %ne3A_1071, %ne3A_1074 : i1
        %sub3A_1076 = arith.constant 1 : i32
        %sub3A_1077 = arith.subi %div3A_1056, %sub3A_1076 : i32
        %select_n3A_1078 = arith.select %and3A_1075, %sub3A_1077, %div3A_1056 : i32
        %jit3A_1079 = arith.constant 16 : i32
        %eq3A_1080 = arith.constant 0 : i32
        %eq3A_1081 = arith.cmpi eq, %jit3A_1079, %eq3A_1080 : i32
        %jit3A_1082 = arith.constant 1 : i32
        %select_n3A_1083 = arith.select %eq3A_1081, %jit3A_1082, %jit3A_1079 : i32
        %rem3A_1084 = arith.remsi %add3A_1054, %select_n3A_1083 : i32
        %ne3A_1085 = arith.constant 0 : i32
        %ne3A_1086 = arith.cmpi ne, %rem3A_1084, %ne3A_1085 : i32
        %lt3A_1087 = arith.constant 0 : i32
        %lt3A_1088 = arith.cmpi slt, %rem3A_1084, %lt3A_1087 : i32
        %lt3A_1089 = arith.constant 0 : i32
        %lt3A_1090 = arith.cmpi slt, %select_n3A_1083, %lt3A_1089 : i32
        %ne3A_1091 = arith.xori %lt3A_1088, %lt3A_1090 : i1
        %and3A_1092 = arith.andi %ne3A_1091, %ne3A_1086 : i1
        %add3A_1093 = arith.addi %rem3A_1084, %select_n3A_1083 : i32
        %select_n3A_1094 = arith.select %and3A_1092, %add3A_1093, %rem3A_1084 : i32
        %jit3A_1095 = arith.constant 14 : i32
        %div3A_1096 = arith.divsi %select_n3A_1078, %jit3A_1095 : i32
        %sign3A_1097 = arith.constant 0 : i32
        %sign3A_1098 = arith.cmpi sgt, %select_n3A_1078, %sign3A_1097 : i32
        %sign3A_1099 = arith.extui %sign3A_1098 : i1 to i32
        %sign3A_1100 = arith.constant 0 : i32
        %sign3A_1101 = arith.cmpi slt, %select_n3A_1078, %sign3A_1100 : i32
        %sign3A_1102 = arith.extui %sign3A_1101 : i1 to i32
        %sign3A_1103 = arith.subi %sign3A_1099, %sign3A_1102 : i32
        %sign3A_1104 = arith.constant 0 : i32
        %sign3A_1105 = arith.cmpi sgt, %jit3A_1095, %sign3A_1104 : i32
        %sign3A_1106 = arith.extui %sign3A_1105 : i1 to i32
        %sign3A_1107 = arith.constant 0 : i32
        %sign3A_1108 = arith.cmpi slt, %jit3A_1095, %sign3A_1107 : i32
        %sign3A_1109 = arith.extui %sign3A_1108 : i1 to i32
        %sign3A_1110 = arith.subi %sign3A_1106, %sign3A_1109 : i32
        %ne3A_1111 = arith.cmpi ne, %sign3A_1103, %sign3A_1110 : i32
        %rem3A_1112 = arith.remsi %select_n3A_1078, %jit3A_1095 : i32
        %ne3A_1113 = arith.constant 0 : i32
        %ne3A_1114 = arith.cmpi ne, %rem3A_1112, %ne3A_1113 : i32
        %and3A_1115 = arith.andi %ne3A_1111, %ne3A_1114 : i1
        %sub3A_1116 = arith.constant 1 : i32
        %sub3A_1117 = arith.subi %div3A_1096, %sub3A_1116 : i32
        %select_n3A_1118 = arith.select %and3A_1115, %sub3A_1117, %div3A_1096 : i32
        %jit3A_1119 = arith.constant 14 : i32
        %eq3A_1120 = arith.constant 0 : i32
        %eq3A_1121 = arith.cmpi eq, %jit3A_1119, %eq3A_1120 : i32
        %jit3A_1122 = arith.constant 1 : i32
        %select_n3A_1123 = arith.select %eq3A_1121, %jit3A_1122, %jit3A_1119 : i32
        %rem3A_1124 = arith.remsi %select_n3A_1078, %select_n3A_1123 : i32
        %ne3A_1125 = arith.constant 0 : i32
        %ne3A_1126 = arith.cmpi ne, %rem3A_1124, %ne3A_1125 : i32
        %lt3A_1127 = arith.constant 0 : i32
        %lt3A_1128 = arith.cmpi slt, %rem3A_1124, %lt3A_1127 : i32
        %lt3A_1129 = arith.constant 0 : i32
        %lt3A_1130 = arith.cmpi slt, %select_n3A_1123, %lt3A_1129 : i32
        %ne3A_1131 = arith.xori %lt3A_1128, %lt3A_1130 : i1
        %and3A_1132 = arith.andi %ne3A_1131, %ne3A_1126 : i1
        %add3A_1133 = arith.addi %rem3A_1124, %select_n3A_1123 : i32
        %select_n3A_1134 = arith.select %and3A_1132, %add3A_1133, %rem3A_1124 : i32
        %dma_wait3A_1135 = arith.constant 4 : i32
        %dma_wait3A_1136 = arith.constant 0 : i32
        %dma_wait3A_1137 = arith.constant 0 : i32
        %dma_wait3A_1138 = arith.constant 0 : i32
        %dma_wait3A_1139 = tpu.memref_slice %arg7[%dma_wait3A_1135, %dma_wait3A_1136, %dma_wait3A_1137, %dma_wait3A_1138] : memref<8x20x16x16xi32, #tpu.memory_space<vmem>> -> memref<1x20x16x16xi32, #tpu.memory_space<vmem>>
        %dma_wait3A_1140 = tpu.memref_squeeze %dma_wait3A_1139 : memref<1x20x16x16xi32, #tpu.memory_space<vmem>> -> memref<20x16x16xi32, #tpu.memory_space<vmem>>
        %dma_wait3A_1141 = arith.constant 0 : i32
        %dma_wait3A_1142 = arith.constant 0 : i32
        %dma_wait3A_1143 = arith.constant 0 : i32
        %dma_wait3A_1144 = tpu.memref_slice %arg4[%select_n3A_1094, %dma_wait3A_1141, %select_n3A_1118, %dma_wait3A_1142, %select_n3A_1134, %dma_wait3A_1143] : memref<16x20x14x16x14x16xi32, #tpu.memory_space<hbm>> -> memref<1x20x1x16x1x16xi32, #tpu.memory_space<hbm>>
        %dma_wait3A_1145 = tpu.memref_squeeze %dma_wait3A_1144 : memref<1x20x1x16x1x16xi32, #tpu.memory_space<hbm>> -> memref<20x16x16xi32, #tpu.memory_space<hbm>>
        %dma_wait3A_1146 = arith.constant 0 : i32
        %dma_wait3A_1147 = arith.constant 0 : i32
        %dma_wait3A_1148 = arith.constant 0 : i32
        %dma_wait3A_1149 = tpu.memref_slice %arg4[%select_n3A_1094, %dma_wait3A_1146, %select_n3A_1118, %dma_wait3A_1147, %select_n3A_1134, %dma_wait3A_1148] : memref<16x20x14x16x14x16xi32, #tpu.memory_space<hbm>> -> memref<1x20x1x16x1x16xi32, #tpu.memory_space<hbm>>
        %dma_wait3A_1150 = tpu.memref_squeeze %dma_wait3A_1149 : memref<1x20x1x16x1x16xi32, #tpu.memory_space<hbm>> -> memref<20x16x16xi32, #tpu.memory_space<hbm>>
        %dma_wait3A_1151 = arith.constant 0 : i32
        %dma_wait3A_1152 = arith.constant 0 : i32
        %dma_wait3A_1153 = arith.constant 0 : i32
        %dma_wait3A_1154 = tpu.memref_slice %arg7[%dma_wait3A_1135, %dma_wait3A_1151, %dma_wait3A_1152, %dma_wait3A_1153] : memref<8x20x16x16xi32, #tpu.memory_space<vmem>> -> memref<1x20x16x16xi32, #tpu.memory_space<vmem>>
        %dma_wait3A_1155 = tpu.memref_squeeze %dma_wait3A_1154 : memref<1x20x16x16xi32, #tpu.memory_space<vmem>> -> memref<20x16x16xi32, #tpu.memory_space<vmem>>
        tpu.wait_dma2 semaphore(%arg10 : memref<!tpu.dma_semaphore, #tpu.memory_space<semaphore_mem>>) src(%dma_wait3A_1155 : memref<20x16x16xi32, #tpu.memory_space<vmem>>) dst(%dma_wait3A_1150 : memref<20x16x16xi32, #tpu.memory_space<hbm>>)
      } else {
      }
      %lt3A_924 = arith.constant 98 : i32
      %lt3A_925 = arith.cmpi slt, %add3A_915, %lt3A_924 : i32
      %convert_element_type3A_926 = arith.extui %lt3A_925 : i1 to i32
      %cond3A_927 = arith.constant 0 : i32
      %cond3A_928 = arith.cmpi ne, %convert_element_type3A_926, %cond3A_927 : i32
      scf.if %cond3A_928 {
        %add3A_1052 = arith.addi %mul3A_2, %add3A_915 : i32
        %jit3A_1053 = arith.constant 16 : i32
        %div3A_1054 = arith.divsi %add3A_1052, %jit3A_1053 : i32
        %sign3A_1055 = arith.constant 0 : i32
        %sign3A_1056 = arith.cmpi sgt, %add3A_1052, %sign3A_1055 : i32
        %sign3A_1057 = arith.extui %sign3A_1056 : i1 to i32
        %sign3A_1058 = arith.constant 0 : i32
        %sign3A_1059 = arith.cmpi slt, %add3A_1052, %sign3A_1058 : i32
        %sign3A_1060 = arith.extui %sign3A_1059 : i1 to i32
        %sign3A_1061 = arith.subi %sign3A_1057, %sign3A_1060 : i32
        %sign3A_1062 = arith.constant 0 : i32
        %sign3A_1063 = arith.cmpi sgt, %jit3A_1053, %sign3A_1062 : i32
        %sign3A_1064 = arith.extui %sign3A_1063 : i1 to i32
        %sign3A_1065 = arith.constant 0 : i32
        %sign3A_1066 = arith.cmpi slt, %jit3A_1053, %sign3A_1065 : i32
        %sign3A_1067 = arith.extui %sign3A_1066 : i1 to i32
        %sign3A_1068 = arith.subi %sign3A_1064, %sign3A_1067 : i32
        %ne3A_1069 = arith.cmpi ne, %sign3A_1061, %sign3A_1068 : i32
        %rem3A_1070 = arith.remsi %add3A_1052, %jit3A_1053 : i32
        %ne3A_1071 = arith.constant 0 : i32
        %ne3A_1072 = arith.cmpi ne, %rem3A_1070, %ne3A_1071 : i32
        %and3A_1073 = arith.andi %ne3A_1069, %ne3A_1072 : i1
        %sub3A_1074 = arith.constant 1 : i32
        %sub3A_1075 = arith.subi %div3A_1054, %sub3A_1074 : i32
        %select_n3A_1076 = arith.select %and3A_1073, %sub3A_1075, %div3A_1054 : i32
        %jit3A_1077 = arith.constant 16 : i32
        %eq3A_1078 = arith.constant 0 : i32
        %eq3A_1079 = arith.cmpi eq, %jit3A_1077, %eq3A_1078 : i32
        %jit3A_1080 = arith.constant 1 : i32
        %select_n3A_1081 = arith.select %eq3A_1079, %jit3A_1080, %jit3A_1077 : i32
        %rem3A_1082 = arith.remsi %add3A_1052, %select_n3A_1081 : i32
        %ne3A_1083 = arith.constant 0 : i32
        %ne3A_1084 = arith.cmpi ne, %rem3A_1082, %ne3A_1083 : i32
        %lt3A_1085 = arith.constant 0 : i32
        %lt3A_1086 = arith.cmpi slt, %rem3A_1082, %lt3A_1085 : i32
        %lt3A_1087 = arith.constant 0 : i32
        %lt3A_1088 = arith.cmpi slt, %select_n3A_1081, %lt3A_1087 : i32
        %ne3A_1089 = arith.xori %lt3A_1086, %lt3A_1088 : i1
        %and3A_1090 = arith.andi %ne3A_1089, %ne3A_1084 : i1
        %add3A_1091 = arith.addi %rem3A_1082, %select_n3A_1081 : i32
        %select_n3A_1092 = arith.select %and3A_1090, %add3A_1091, %rem3A_1082 : i32
        %sub3A_1093 = arith.subi %select_n3A_1076, %min3A_19 : i32
        %mul3A_1094 = arith.constant 500 : i32
        %mul3A_1095 = arith.muli %select_n3A_1076, %mul3A_1094 : i32
        %get3A = arith.index_cast %sub3A_1093 : i32 to index
        %get3A_1096 = arith.index_cast %select_n3A_1092 : i32 to index
        %get3A_1097 = arith.constant 0 : index
        %get3A_1098 = tpu.vector_load %arg5[%get3A, %get3A_1096, %get3A_1097] {strides = array<i32>} : memref<8x16x20xi32, #tpu.memory_space<vmem>>, vector<16xi32>,
        %add3A_1099 = vector.broadcast %mul3A_1095 : i32 to vector<16xi32>
        %add3A_1100 = arith.addi %get3A_1098, %add3A_1099 : vector<16xi32>
        %get3A_1101 = arith.index_cast %sub3A_1093 : i32 to index
        %get3A_1102 = arith.index_cast %select_n3A_1092 : i32 to index
        %get3A_1103 = arith.constant 4 : index
        %get3A_1104 = tpu.vector_load %arg5[%get3A_1101, %get3A_1102, %get3A_1103] {strides = array<i32>} : memref<8x16x20xi32, #tpu.memory_space<vmem>>, vector<16xi32>,
        %add3A_1105 = vector.broadcast %mul3A_1095 : i32 to vector<16xi32>
        %add3A_1106 = arith.addi %get3A_1104, %add3A_1105 : vector<16xi32>
        %swap3A = arith.constant 4 : i32
        %swap3A_1107 = arith.index_cast %swap3A : i32 to index
        %swap3A_1108 = arith.constant 0 : index
        %swap3A_1109 = tpu.vector_load %arg6[%swap3A_1107, %swap3A_1108] {strides = array<i32>} : memref<8x20xi32, #tpu.memory_space<vmem>>, vector<16xi32>,
        tpu.vector_store %arg6[%swap3A_1107, %swap3A_1108], %add3A_1100 {strides = array<i32>} : memref<8x20xi32, #tpu.memory_space<vmem>>, vector<16xi32>,
        %swap3A_1110 = arith.constant 4 : i32
        %swap3A_1111 = arith.index_cast %swap3A_1110 : i32 to index
        %swap3A_1112 = arith.constant 4 : index
        %swap3A_1113 = tpu.vector_load %arg6[%swap3A_1111, %swap3A_1112] {strides = array<i32>} : memref<8x20xi32, #tpu.memory_space<vmem>>, vector<16xi32>,
        tpu.vector_store %arg6[%swap3A_1111, %swap3A_1112], %add3A_1106 {strides = array<i32>} : memref<8x20xi32, #tpu.memory_space<vmem>>, vector<16xi32>,
        %dma_start3A = arith.constant 4 : i32
        %dma_start3A_1114 = arith.constant 4 : i32
        %dma_start3A_1115 = arith.constant 0 : i32
        %dma_start3A_1116 = arith.constant 0 : i32
        %dma_start3A_1117 = arith.constant 0 : i32
        %dma_start3A_1118 = tpu.memref_slice %arg7[%dma_start3A_1114, %dma_start3A_1115, %dma_start3A_1116, %dma_start3A_1117] : memref<8x20x16x16xi32, #tpu.memory_space<vmem>> -> memref<1x20x16x16xi32, #tpu.memory_space<vmem>>
        %dma_start3A_1119 = tpu.memref_squeeze %dma_start3A_1118 : memref<1x20x16x16xi32, #tpu.memory_space<vmem>> -> memref<20x16x16xi32, #tpu.memory_space<vmem>>
        %dma_start3A_1120 = arith.constant 0 : i32
        %dma_start3A_1121 = tpu.memref_slice %arg6[%dma_start3A, %dma_start3A_1120] : memref<8x20xi32, #tpu.memory_space<vmem>> -> memref<1x20xi32, #tpu.memory_space<vmem>>
        %dma_start3A_1122 = tpu.memref_squeeze %dma_start3A_1121 : memref<1x20xi32, #tpu.memory_space<vmem>> -> memref<20xi32, #tpu.memory_space<vmem>>
        %dma_start3A_1123 = arith.constant 0 : i32
        %dma_start3A_1124 = arith.constant 0 : i32
        %dma_start3A_1125 = arith.constant 0 : i32
        %dma_start3A_1126 = tpu.memref_slice %arg2[%dma_start3A_1123, %dma_start3A_1124, %dma_start3A_1125] : memref<98000x16x16xi32, #tpu.memory_space<hbm>> -> memref<98000x16x16xi32, #tpu.memory_space<hbm>>
        tpu.enqueue_indirect_dma source(%dma_start3A_1126 : memref<98000x16x16xi32, #tpu.memory_space<hbm>>) target(%dma_start3A_1119 : memref<20x16x16xi32, #tpu.memory_space<vmem>>) offsets(%dma_start3A_1122 : memref<20xi32, #tpu.memory_space<vmem>>) semaphore(%arg9 : memref<!tpu.dma_semaphore, #tpu.memory_space<semaphore_mem>>)
      } else {
      }
      %mul3A_929 = arith.constant 8 : i32
      %mul3A_930 = arith.muli %scan3A_846, %mul3A_929 : i32
      %add3A_931 = arith.constant 5 : i32
      %add3A_932 = arith.addi %mul3A_930, %add3A_931 : i32
      %lt3A_933 = arith.constant 98 : i32
      %lt3A_934 = arith.cmpi slt, %add3A_932, %lt3A_933 : i32
      %gt3A_935 = arith.constant 0 : i32
      %gt3A_936 = arith.cmpi sgt, %scan3A_846, %gt3A_935 : i32
      %and3A_937 = arith.andi %lt3A_934, %gt3A_936 : i1
      %convert_element_type3A_938 = arith.extui %and3A_937 : i1 to i32
      %cond3A_939 = arith.constant 0 : i32
      %cond3A_940 = arith.cmpi ne, %convert_element_type3A_938, %cond3A_939 : i32
      scf.if %cond3A_940 {
        %sub3A_1052 = arith.constant 8 : i32
        %sub3A_1053 = arith.subi %add3A_932, %sub3A_1052 : i32
        %add3A_1054 = arith.addi %mul3A_2, %sub3A_1053 : i32
        %jit3A_1055 = arith.constant 16 : i32
        %div3A_1056 = arith.divsi %add3A_1054, %jit3A_1055 : i32
        %sign3A_1057 = arith.constant 0 : i32
        %sign3A_1058 = arith.cmpi sgt, %add3A_1054, %sign3A_1057 : i32
        %sign3A_1059 = arith.extui %sign3A_1058 : i1 to i32
        %sign3A_1060 = arith.constant 0 : i32
        %sign3A_1061 = arith.cmpi slt, %add3A_1054, %sign3A_1060 : i32
        %sign3A_1062 = arith.extui %sign3A_1061 : i1 to i32
        %sign3A_1063 = arith.subi %sign3A_1059, %sign3A_1062 : i32
        %sign3A_1064 = arith.constant 0 : i32
        %sign3A_1065 = arith.cmpi sgt, %jit3A_1055, %sign3A_1064 : i32
        %sign3A_1066 = arith.extui %sign3A_1065 : i1 to i32
        %sign3A_1067 = arith.constant 0 : i32
        %sign3A_1068 = arith.cmpi slt, %jit3A_1055, %sign3A_1067 : i32
        %sign3A_1069 = arith.extui %sign3A_1068 : i1 to i32
        %sign3A_1070 = arith.subi %sign3A_1066, %sign3A_1069 : i32
        %ne3A_1071 = arith.cmpi ne, %sign3A_1063, %sign3A_1070 : i32
        %rem3A_1072 = arith.remsi %add3A_1054, %jit3A_1055 : i32
        %ne3A_1073 = arith.constant 0 : i32
        %ne3A_1074 = arith.cmpi ne, %rem3A_1072, %ne3A_1073 : i32
        %and3A_1075 = arith.andi %ne3A_1071, %ne3A_1074 : i1
        %sub3A_1076 = arith.constant 1 : i32
        %sub3A_1077 = arith.subi %div3A_1056, %sub3A_1076 : i32
        %select_n3A_1078 = arith.select %and3A_1075, %sub3A_1077, %div3A_1056 : i32
        %jit3A_1079 = arith.constant 16 : i32
        %eq3A_1080 = arith.constant 0 : i32
        %eq3A_1081 = arith.cmpi eq, %jit3A_1079, %eq3A_1080 : i32
        %jit3A_1082 = arith.constant 1 : i32
        %select_n3A_1083 = arith.select %eq3A_1081, %jit3A_1082, %jit3A_1079 : i32
        %rem3A_1084 = arith.remsi %add3A_1054, %select_n3A_1083 : i32
        %ne3A_1085 = arith.constant 0 : i32
        %ne3A_1086 = arith.cmpi ne, %rem3A_1084, %ne3A_1085 : i32
        %lt3A_1087 = arith.constant 0 : i32
        %lt3A_1088 = arith.cmpi slt, %rem3A_1084, %lt3A_1087 : i32
        %lt3A_1089 = arith.constant 0 : i32
        %lt3A_1090 = arith.cmpi slt, %select_n3A_1083, %lt3A_1089 : i32
        %ne3A_1091 = arith.xori %lt3A_1088, %lt3A_1090 : i1
        %and3A_1092 = arith.andi %ne3A_1091, %ne3A_1086 : i1
        %add3A_1093 = arith.addi %rem3A_1084, %select_n3A_1083 : i32
        %select_n3A_1094 = arith.select %and3A_1092, %add3A_1093, %rem3A_1084 : i32
        %jit3A_1095 = arith.constant 14 : i32
        %div3A_1096 = arith.divsi %select_n3A_1078, %jit3A_1095 : i32
        %sign3A_1097 = arith.constant 0 : i32
        %sign3A_1098 = arith.cmpi sgt, %select_n3A_1078, %sign3A_1097 : i32
        %sign3A_1099 = arith.extui %sign3A_1098 : i1 to i32
        %sign3A_1100 = arith.constant 0 : i32
        %sign3A_1101 = arith.cmpi slt, %select_n3A_1078, %sign3A_1100 : i32
        %sign3A_1102 = arith.extui %sign3A_1101 : i1 to i32
        %sign3A_1103 = arith.subi %sign3A_1099, %sign3A_1102 : i32
        %sign3A_1104 = arith.constant 0 : i32
        %sign3A_1105 = arith.cmpi sgt, %jit3A_1095, %sign3A_1104 : i32
        %sign3A_1106 = arith.extui %sign3A_1105 : i1 to i32
        %sign3A_1107 = arith.constant 0 : i32
        %sign3A_1108 = arith.cmpi slt, %jit3A_1095, %sign3A_1107 : i32
        %sign3A_1109 = arith.extui %sign3A_1108 : i1 to i32
        %sign3A_1110 = arith.subi %sign3A_1106, %sign3A_1109 : i32
        %ne3A_1111 = arith.cmpi ne, %sign3A_1103, %sign3A_1110 : i32
        %rem3A_1112 = arith.remsi %select_n3A_1078, %jit3A_1095 : i32
        %ne3A_1113 = arith.constant 0 : i32
        %ne3A_1114 = arith.cmpi ne, %rem3A_1112, %ne3A_1113 : i32
        %and3A_1115 = arith.andi %ne3A_1111, %ne3A_1114 : i1
        %sub3A_1116 = arith.constant 1 : i32
        %sub3A_1117 = arith.subi %div3A_1096, %sub3A_1116 : i32
        %select_n3A_1118 = arith.select %and3A_1115, %sub3A_1117, %div3A_1096 : i32
        %jit3A_1119 = arith.constant 14 : i32
        %eq3A_1120 = arith.constant 0 : i32
        %eq3A_1121 = arith.cmpi eq, %jit3A_1119, %eq3A_1120 : i32
        %jit3A_1122 = arith.constant 1 : i32
        %select_n3A_1123 = arith.select %eq3A_1121, %jit3A_1122, %jit3A_1119 : i32
        %rem3A_1124 = arith.remsi %select_n3A_1078, %select_n3A_1123 : i32
        %ne3A_1125 = arith.constant 0 : i32
        %ne3A_1126 = arith.cmpi ne, %rem3A_1124, %ne3A_1125 : i32
        %lt3A_1127 = arith.constant 0 : i32
        %lt3A_1128 = arith.cmpi slt, %rem3A_1124, %lt3A_1127 : i32
        %lt3A_1129 = arith.constant 0 : i32
        %lt3A_1130 = arith.cmpi slt, %select_n3A_1123, %lt3A_1129 : i32
        %ne3A_1131 = arith.xori %lt3A_1128, %lt3A_1130 : i1
        %and3A_1132 = arith.andi %ne3A_1131, %ne3A_1126 : i1
        %add3A_1133 = arith.addi %rem3A_1124, %select_n3A_1123 : i32
        %select_n3A_1134 = arith.select %and3A_1132, %add3A_1133, %rem3A_1124 : i32
        %dma_wait3A_1135 = arith.constant 5 : i32
        %dma_wait3A_1136 = arith.constant 0 : i32
        %dma_wait3A_1137 = arith.constant 0 : i32
        %dma_wait3A_1138 = arith.constant 0 : i32
        %dma_wait3A_1139 = tpu.memref_slice %arg7[%dma_wait3A_1135, %dma_wait3A_1136, %dma_wait3A_1137, %dma_wait3A_1138] : memref<8x20x16x16xi32, #tpu.memory_space<vmem>> -> memref<1x20x16x16xi32, #tpu.memory_space<vmem>>
        %dma_wait3A_1140 = tpu.memref_squeeze %dma_wait3A_1139 : memref<1x20x16x16xi32, #tpu.memory_space<vmem>> -> memref<20x16x16xi32, #tpu.memory_space<vmem>>
        %dma_wait3A_1141 = arith.constant 0 : i32
        %dma_wait3A_1142 = arith.constant 0 : i32
        %dma_wait3A_1143 = arith.constant 0 : i32
        %dma_wait3A_1144 = tpu.memref_slice %arg4[%select_n3A_1094, %dma_wait3A_1141, %select_n3A_1118, %dma_wait3A_1142, %select_n3A_1134, %dma_wait3A_1143] : memref<16x20x14x16x14x16xi32, #tpu.memory_space<hbm>> -> memref<1x20x1x16x1x16xi32, #tpu.memory_space<hbm>>
        %dma_wait3A_1145 = tpu.memref_squeeze %dma_wait3A_1144 : memref<1x20x1x16x1x16xi32, #tpu.memory_space<hbm>> -> memref<20x16x16xi32, #tpu.memory_space<hbm>>
        %dma_wait3A_1146 = arith.constant 0 : i32
        %dma_wait3A_1147 = arith.constant 0 : i32
        %dma_wait3A_1148 = arith.constant 0 : i32
        %dma_wait3A_1149 = tpu.memref_slice %arg4[%select_n3A_1094, %dma_wait3A_1146, %select_n3A_1118, %dma_wait3A_1147, %select_n3A_1134, %dma_wait3A_1148] : memref<16x20x14x16x14x16xi32, #tpu.memory_space<hbm>> -> memref<1x20x1x16x1x16xi32, #tpu.memory_space<hbm>>
        %dma_wait3A_1150 = tpu.memref_squeeze %dma_wait3A_1149 : memref<1x20x1x16x1x16xi32, #tpu.memory_space<hbm>> -> memref<20x16x16xi32, #tpu.memory_space<hbm>>
        %dma_wait3A_1151 = arith.constant 0 : i32
        %dma_wait3A_1152 = arith.constant 0 : i32
        %dma_wait3A_1153 = arith.constant 0 : i32
        %dma_wait3A_1154 = tpu.memref_slice %arg7[%dma_wait3A_1135, %dma_wait3A_1151, %dma_wait3A_1152, %dma_wait3A_1153] : memref<8x20x16x16xi32, #tpu.memory_space<vmem>> -> memref<1x20x16x16xi32, #tpu.memory_space<vmem>>
        %dma_wait3A_1155 = tpu.memref_squeeze %dma_wait3A_1154 : memref<1x20x16x16xi32, #tpu.memory_space<vmem>> -> memref<20x16x16xi32, #tpu.memory_space<vmem>>
        tpu.wait_dma2 semaphore(%arg10 : memref<!tpu.dma_semaphore, #tpu.memory_space<semaphore_mem>>) src(%dma_wait3A_1155 : memref<20x16x16xi32, #tpu.memory_space<vmem>>) dst(%dma_wait3A_1150 : memref<20x16x16xi32, #tpu.memory_space<hbm>>)
      } else {
      }
      %lt3A_941 = arith.constant 98 : i32
      %lt3A_942 = arith.cmpi slt, %add3A_932, %lt3A_941 : i32
      %convert_element_type3A_943 = arith.extui %lt3A_942 : i1 to i32
      %cond3A_944 = arith.constant 0 : i32
      %cond3A_945 = arith.cmpi ne, %convert_element_type3A_943, %cond3A_944 : i32
      scf.if %cond3A_945 {
        %add3A_1052 = arith.addi %mul3A_2, %add3A_932 : i32
        %jit3A_1053 = arith.constant 16 : i32
        %div3A_1054 = arith.divsi %add3A_1052, %jit3A_1053 : i32
        %sign3A_1055 = arith.constant 0 : i32
        %sign3A_1056 = arith.cmpi sgt, %add3A_1052, %sign3A_1055 : i32
        %sign3A_1057 = arith.extui %sign3A_1056 : i1 to i32
        %sign3A_1058 = arith.constant 0 : i32
        %sign3A_1059 = arith.cmpi slt, %add3A_1052, %sign3A_1058 : i32
        %sign3A_1060 = arith.extui %sign3A_1059 : i1 to i32
        %sign3A_1061 = arith.subi %sign3A_1057, %sign3A_1060 : i32
        %sign3A_1062 = arith.constant 0 : i32
        %sign3A_1063 = arith.cmpi sgt, %jit3A_1053, %sign3A_1062 : i32
        %sign3A_1064 = arith.extui %sign3A_1063 : i1 to i32
        %sign3A_1065 = arith.constant 0 : i32
        %sign3A_1066 = arith.cmpi slt, %jit3A_1053, %sign3A_1065 : i32
        %sign3A_1067 = arith.extui %sign3A_1066 : i1 to i32
        %sign3A_1068 = arith.subi %sign3A_1064, %sign3A_1067 : i32
        %ne3A_1069 = arith.cmpi ne, %sign3A_1061, %sign3A_1068 : i32
        %rem3A_1070 = arith.remsi %add3A_1052, %jit3A_1053 : i32
        %ne3A_1071 = arith.constant 0 : i32
        %ne3A_1072 = arith.cmpi ne, %rem3A_1070, %ne3A_1071 : i32
        %and3A_1073 = arith.andi %ne3A_1069, %ne3A_1072 : i1
        %sub3A_1074 = arith.constant 1 : i32
        %sub3A_1075 = arith.subi %div3A_1054, %sub3A_1074 : i32
        %select_n3A_1076 = arith.select %and3A_1073, %sub3A_1075, %div3A_1054 : i32
        %jit3A_1077 = arith.constant 16 : i32
        %eq3A_1078 = arith.constant 0 : i32
        %eq3A_1079 = arith.cmpi eq, %jit3A_1077, %eq3A_1078 : i32
        %jit3A_1080 = arith.constant 1 : i32
        %select_n3A_1081 = arith.select %eq3A_1079, %jit3A_1080, %jit3A_1077 : i32
        %rem3A_1082 = arith.remsi %add3A_1052, %select_n3A_1081 : i32
        %ne3A_1083 = arith.constant 0 : i32
        %ne3A_1084 = arith.cmpi ne, %rem3A_1082, %ne3A_1083 : i32
        %lt3A_1085 = arith.constant 0 : i32
        %lt3A_1086 = arith.cmpi slt, %rem3A_1082, %lt3A_1085 : i32
        %lt3A_1087 = arith.constant 0 : i32
        %lt3A_1088 = arith.cmpi slt, %select_n3A_1081, %lt3A_1087 : i32
        %ne3A_1089 = arith.xori %lt3A_1086, %lt3A_1088 : i1
        %and3A_1090 = arith.andi %ne3A_1089, %ne3A_1084 : i1
        %add3A_1091 = arith.addi %rem3A_1082, %select_n3A_1081 : i32
        %select_n3A_1092 = arith.select %and3A_1090, %add3A_1091, %rem3A_1082 : i32
        %sub3A_1093 = arith.subi %select_n3A_1076, %min3A_19 : i32
        %mul3A_1094 = arith.constant 500 : i32
        %mul3A_1095 = arith.muli %select_n3A_1076, %mul3A_1094 : i32
        %get3A = arith.index_cast %sub3A_1093 : i32 to index
        %get3A_1096 = arith.index_cast %select_n3A_1092 : i32 to index
        %get3A_1097 = arith.constant 0 : index
        %get3A_1098 = tpu.vector_load %arg5[%get3A, %get3A_1096, %get3A_1097] {strides = array<i32>} : memref<8x16x20xi32, #tpu.memory_space<vmem>>, vector<16xi32>,
        %add3A_1099 = vector.broadcast %mul3A_1095 : i32 to vector<16xi32>
        %add3A_1100 = arith.addi %get3A_1098, %add3A_1099 : vector<16xi32>
        %get3A_1101 = arith.index_cast %sub3A_1093 : i32 to index
        %get3A_1102 = arith.index_cast %select_n3A_1092 : i32 to index
        %get3A_1103 = arith.constant 4 : index
        %get3A_1104 = tpu.vector_load %arg5[%get3A_1101, %get3A_1102, %get3A_1103] {strides = array<i32>} : memref<8x16x20xi32, #tpu.memory_space<vmem>>, vector<16xi32>,
        %add3A_1105 = vector.broadcast %mul3A_1095 : i32 to vector<16xi32>
        %add3A_1106 = arith.addi %get3A_1104, %add3A_1105 : vector<16xi32>
        %swap3A = arith.constant 5 : i32
        %swap3A_1107 = arith.index_cast %swap3A : i32 to index
        %swap3A_1108 = arith.constant 0 : index
        %swap3A_1109 = tpu.vector_load %arg6[%swap3A_1107, %swap3A_1108] {strides = array<i32>} : memref<8x20xi32, #tpu.memory_space<vmem>>, vector<16xi32>,
        tpu.vector_store %arg6[%swap3A_1107, %swap3A_1108], %add3A_1100 {strides = array<i32>} : memref<8x20xi32, #tpu.memory_space<vmem>>, vector<16xi32>,
        %swap3A_1110 = arith.constant 5 : i32
        %swap3A_1111 = arith.index_cast %swap3A_1110 : i32 to index
        %swap3A_1112 = arith.constant 4 : index
        %swap3A_1113 = tpu.vector_load %arg6[%swap3A_1111, %swap3A_1112] {strides = array<i32>} : memref<8x20xi32, #tpu.memory_space<vmem>>, vector<16xi32>,
        tpu.vector_store %arg6[%swap3A_1111, %swap3A_1112], %add3A_1106 {strides = array<i32>} : memref<8x20xi32, #tpu.memory_space<vmem>>, vector<16xi32>,
        %dma_start3A = arith.constant 5 : i32
        %dma_start3A_1114 = arith.constant 5 : i32
        %dma_start3A_1115 = arith.constant 0 : i32
        %dma_start3A_1116 = arith.constant 0 : i32
        %dma_start3A_1117 = arith.constant 0 : i32
        %dma_start3A_1118 = tpu.memref_slice %arg7[%dma_start3A_1114, %dma_start3A_1115, %dma_start3A_1116, %dma_start3A_1117] : memref<8x20x16x16xi32, #tpu.memory_space<vmem>> -> memref<1x20x16x16xi32, #tpu.memory_space<vmem>>
        %dma_start3A_1119 = tpu.memref_squeeze %dma_start3A_1118 : memref<1x20x16x16xi32, #tpu.memory_space<vmem>> -> memref<20x16x16xi32, #tpu.memory_space<vmem>>
        %dma_start3A_1120 = arith.constant 0 : i32
        %dma_start3A_1121 = tpu.memref_slice %arg6[%dma_start3A, %dma_start3A_1120] : memref<8x20xi32, #tpu.memory_space<vmem>> -> memref<1x20xi32, #tpu.memory_space<vmem>>
        %dma_start3A_1122 = tpu.memref_squeeze %dma_start3A_1121 : memref<1x20xi32, #tpu.memory_space<vmem>> -> memref<20xi32, #tpu.memory_space<vmem>>
        %dma_start3A_1123 = arith.constant 0 : i32
        %dma_start3A_1124 = arith.constant 0 : i32
        %dma_start3A_1125 = arith.constant 0 : i32
        %dma_start3A_1126 = tpu.memref_slice %arg2[%dma_start3A_1123, %dma_start3A_1124, %dma_start3A_1125] : memref<98000x16x16xi32, #tpu.memory_space<hbm>> -> memref<98000x16x16xi32, #tpu.memory_space<hbm>>
        tpu.enqueue_indirect_dma source(%dma_start3A_1126 : memref<98000x16x16xi32, #tpu.memory_space<hbm>>) target(%dma_start3A_1119 : memref<20x16x16xi32, #tpu.memory_space<vmem>>) offsets(%dma_start3A_1122 : memref<20xi32, #tpu.memory_space<vmem>>) semaphore(%arg9 : memref<!tpu.dma_semaphore, #tpu.memory_space<semaphore_mem>>)
      } else {
      }
      %mul3A_946 = arith.constant 8 : i32
      %mul3A_947 = arith.muli %scan3A_846, %mul3A_946 : i32
      %add3A_948 = arith.constant 6 : i32
      %add3A_949 = arith.addi %mul3A_947, %add3A_948 : i32
      %lt3A_950 = arith.constant 98 : i32
      %lt3A_951 = arith.cmpi slt, %add3A_949, %lt3A_950 : i32
      %gt3A_952 = arith.constant 0 : i32
      %gt3A_953 = arith.cmpi sgt, %scan3A_846, %gt3A_952 : i32
      %and3A_954 = arith.andi %lt3A_951, %gt3A_953 : i1
      %convert_element_type3A_955 = arith.extui %and3A_954 : i1 to i32
      %cond3A_956 = arith.constant 0 : i32
      %cond3A_957 = arith.cmpi ne, %convert_element_type3A_955, %cond3A_956 : i32
      scf.if %cond3A_957 {
        %sub3A_1052 = arith.constant 8 : i32
        %sub3A_1053 = arith.subi %add3A_949, %sub3A_1052 : i32
        %add3A_1054 = arith.addi %mul3A_2, %sub3A_1053 : i32
        %jit3A_1055 = arith.constant 16 : i32
        %div3A_1056 = arith.divsi %add3A_1054, %jit3A_1055 : i32
        %sign3A_1057 = arith.constant 0 : i32
        %sign3A_1058 = arith.cmpi sgt, %add3A_1054, %sign3A_1057 : i32
        %sign3A_1059 = arith.extui %sign3A_1058 : i1 to i32
        %sign3A_1060 = arith.constant 0 : i32
        %sign3A_1061 = arith.cmpi slt, %add3A_1054, %sign3A_1060 : i32
        %sign3A_1062 = arith.extui %sign3A_1061 : i1 to i32
        %sign3A_1063 = arith.subi %sign3A_1059, %sign3A_1062 : i32
        %sign3A_1064 = arith.constant 0 : i32
        %sign3A_1065 = arith.cmpi sgt, %jit3A_1055, %sign3A_1064 : i32
        %sign3A_1066 = arith.extui %sign3A_1065 : i1 to i32
        %sign3A_1067 = arith.constant 0 : i32
        %sign3A_1068 = arith.cmpi slt, %jit3A_1055, %sign3A_1067 : i32
        %sign3A_1069 = arith.extui %sign3A_1068 : i1 to i32
        %sign3A_1070 = arith.subi %sign3A_1066, %sign3A_1069 : i32
        %ne3A_1071 = arith.cmpi ne, %sign3A_1063, %sign3A_1070 : i32
        %rem3A_1072 = arith.remsi %add3A_1054, %jit3A_1055 : i32
        %ne3A_1073 = arith.constant 0 : i32
        %ne3A_1074 = arith.cmpi ne, %rem3A_1072, %ne3A_1073 : i32
        %and3A_1075 = arith.andi %ne3A_1071, %ne3A_1074 : i1
        %sub3A_1076 = arith.constant 1 : i32
        %sub3A_1077 = arith.subi %div3A_1056, %sub3A_1076 : i32
        %select_n3A_1078 = arith.select %and3A_1075, %sub3A_1077, %div3A_1056 : i32
        %jit3A_1079 = arith.constant 16 : i32
        %eq3A_1080 = arith.constant 0 : i32
        %eq3A_1081 = arith.cmpi eq, %jit3A_1079, %eq3A_1080 : i32
        %jit3A_1082 = arith.constant 1 : i32
        %select_n3A_1083 = arith.select %eq3A_1081, %jit3A_1082, %jit3A_1079 : i32
        %rem3A_1084 = arith.remsi %add3A_1054, %select_n3A_1083 : i32
        %ne3A_1085 = arith.constant 0 : i32
        %ne3A_1086 = arith.cmpi ne, %rem3A_1084, %ne3A_1085 : i32
        %lt3A_1087 = arith.constant 0 : i32
        %lt3A_1088 = arith.cmpi slt, %rem3A_1084, %lt3A_1087 : i32
        %lt3A_1089 = arith.constant 0 : i32
        %lt3A_1090 = arith.cmpi slt, %select_n3A_1083, %lt3A_1089 : i32
        %ne3A_1091 = arith.xori %lt3A_1088, %lt3A_1090 : i1
        %and3A_1092 = arith.andi %ne3A_1091, %ne3A_1086 : i1
        %add3A_1093 = arith.addi %rem3A_1084, %select_n3A_1083 : i32
        %select_n3A_1094 = arith.select %and3A_1092, %add3A_1093, %rem3A_1084 : i32
        %jit3A_1095 = arith.constant 14 : i32
        %div3A_1096 = arith.divsi %select_n3A_1078, %jit3A_1095 : i32
        %sign3A_1097 = arith.constant 0 : i32
        %sign3A_1098 = arith.cmpi sgt, %select_n3A_1078, %sign3A_1097 : i32
        %sign3A_1099 = arith.extui %sign3A_1098 : i1 to i32
        %sign3A_1100 = arith.constant 0 : i32
        %sign3A_1101 = arith.cmpi slt, %select_n3A_1078, %sign3A_1100 : i32
        %sign3A_1102 = arith.extui %sign3A_1101 : i1 to i32
        %sign3A_1103 = arith.subi %sign3A_1099, %sign3A_1102 : i32
        %sign3A_1104 = arith.constant 0 : i32
        %sign3A_1105 = arith.cmpi sgt, %jit3A_1095, %sign3A_1104 : i32
        %sign3A_1106 = arith.extui %sign3A_1105 : i1 to i32
        %sign3A_1107 = arith.constant 0 : i32
        %sign3A_1108 = arith.cmpi slt, %jit3A_1095, %sign3A_1107 : i32
        %sign3A_1109 = arith.extui %sign3A_1108 : i1 to i32
        %sign3A_1110 = arith.subi %sign3A_1106, %sign3A_1109 : i32
        %ne3A_1111 = arith.cmpi ne, %sign3A_1103, %sign3A_1110 : i32
        %rem3A_1112 = arith.remsi %select_n3A_1078, %jit3A_1095 : i32
        %ne3A_1113 = arith.constant 0 : i32
        %ne3A_1114 = arith.cmpi ne, %rem3A_1112, %ne3A_1113 : i32
        %and3A_1115 = arith.andi %ne3A_1111, %ne3A_1114 : i1
        %sub3A_1116 = arith.constant 1 : i32
        %sub3A_1117 = arith.subi %div3A_1096, %sub3A_1116 : i32
        %select_n3A_1118 = arith.select %and3A_1115, %sub3A_1117, %div3A_1096 : i32
        %jit3A_1119 = arith.constant 14 : i32
        %eq3A_1120 = arith.constant 0 : i32
        %eq3A_1121 = arith.cmpi eq, %jit3A_1119, %eq3A_1120 : i32
        %jit3A_1122 = arith.constant 1 : i32
        %select_n3A_1123 = arith.select %eq3A_1121, %jit3A_1122, %jit3A_1119 : i32
        %rem3A_1124 = arith.remsi %select_n3A_1078, %select_n3A_1123 : i32
        %ne3A_1125 = arith.constant 0 : i32
        %ne3A_1126 = arith.cmpi ne, %rem3A_1124, %ne3A_1125 : i32
        %lt3A_1127 = arith.constant 0 : i32
        %lt3A_1128 = arith.cmpi slt, %rem3A_1124, %lt3A_1127 : i32
        %lt3A_1129 = arith.constant 0 : i32
        %lt3A_1130 = arith.cmpi slt, %select_n3A_1123, %lt3A_1129 : i32
        %ne3A_1131 = arith.xori %lt3A_1128, %lt3A_1130 : i1
        %and3A_1132 = arith.andi %ne3A_1131, %ne3A_1126 : i1
        %add3A_1133 = arith.addi %rem3A_1124, %select_n3A_1123 : i32
        %select_n3A_1134 = arith.select %and3A_1132, %add3A_1133, %rem3A_1124 : i32
        %dma_wait3A_1135 = arith.constant 6 : i32
        %dma_wait3A_1136 = arith.constant 0 : i32
        %dma_wait3A_1137 = arith.constant 0 : i32
        %dma_wait3A_1138 = arith.constant 0 : i32
        %dma_wait3A_1139 = tpu.memref_slice %arg7[%dma_wait3A_1135, %dma_wait3A_1136, %dma_wait3A_1137, %dma_wait3A_1138] : memref<8x20x16x16xi32, #tpu.memory_space<vmem>> -> memref<1x20x16x16xi32, #tpu.memory_space<vmem>>
        %dma_wait3A_1140 = tpu.memref_squeeze %dma_wait3A_1139 : memref<1x20x16x16xi32, #tpu.memory_space<vmem>> -> memref<20x16x16xi32, #tpu.memory_space<vmem>>
        %dma_wait3A_1141 = arith.constant 0 : i32
        %dma_wait3A_1142 = arith.constant 0 : i32
        %dma_wait3A_1143 = arith.constant 0 : i32
        %dma_wait3A_1144 = tpu.memref_slice %arg4[%select_n3A_1094, %dma_wait3A_1141, %select_n3A_1118, %dma_wait3A_1142, %select_n3A_1134, %dma_wait3A_1143] : memref<16x20x14x16x14x16xi32, #tpu.memory_space<hbm>> -> memref<1x20x1x16x1x16xi32, #tpu.memory_space<hbm>>
        %dma_wait3A_1145 = tpu.memref_squeeze %dma_wait3A_1144 : memref<1x20x1x16x1x16xi32, #tpu.memory_space<hbm>> -> memref<20x16x16xi32, #tpu.memory_space<hbm>>
        %dma_wait3A_1146 = arith.constant 0 : i32
        %dma_wait3A_1147 = arith.constant 0 : i32
        %dma_wait3A_1148 = arith.constant 0 : i32
        %dma_wait3A_1149 = tpu.memref_slice %arg4[%select_n3A_1094, %dma_wait3A_1146, %select_n3A_1118, %dma_wait3A_1147, %select_n3A_1134, %dma_wait3A_1148] : memref<16x20x14x16x14x16xi32, #tpu.memory_space<hbm>> -> memref<1x20x1x16x1x16xi32, #tpu.memory_space<hbm>>
        %dma_wait3A_1150 = tpu.memref_squeeze %dma_wait3A_1149 : memref<1x20x1x16x1x16xi32, #tpu.memory_space<hbm>> -> memref<20x16x16xi32, #tpu.memory_space<hbm>>
        %dma_wait3A_1151 = arith.constant 0 : i32
        %dma_wait3A_1152 = arith.constant 0 : i32
        %dma_wait3A_1153 = arith.constant 0 : i32
        %dma_wait3A_1154 = tpu.memref_slice %arg7[%dma_wait3A_1135, %dma_wait3A_1151, %dma_wait3A_1152, %dma_wait3A_1153] : memref<8x20x16x16xi32, #tpu.memory_space<vmem>> -> memref<1x20x16x16xi32, #tpu.memory_space<vmem>>
        %dma_wait3A_1155 = tpu.memref_squeeze %dma_wait3A_1154 : memref<1x20x16x16xi32, #tpu.memory_space<vmem>> -> memref<20x16x16xi32, #tpu.memory_space<vmem>>
        tpu.wait_dma2 semaphore(%arg10 : memref<!tpu.dma_semaphore, #tpu.memory_space<semaphore_mem>>) src(%dma_wait3A_1155 : memref<20x16x16xi32, #tpu.memory_space<vmem>>) dst(%dma_wait3A_1150 : memref<20x16x16xi32, #tpu.memory_space<hbm>>)
      } else {
      }
      %lt3A_958 = arith.constant 98 : i32
      %lt3A_959 = arith.cmpi slt, %add3A_949, %lt3A_958 : i32
      %convert_element_type3A_960 = arith.extui %lt3A_959 : i1 to i32
      %cond3A_961 = arith.constant 0 : i32
      %cond3A_962 = arith.cmpi ne, %convert_element_type3A_960, %cond3A_961 : i32
      scf.if %cond3A_962 {
        %add3A_1052 = arith.addi %mul3A_2, %add3A_949 : i32
        %jit3A_1053 = arith.constant 16 : i32
        %div3A_1054 = arith.divsi %add3A_1052, %jit3A_1053 : i32
        %sign3A_1055 = arith.constant 0 : i32
        %sign3A_1056 = arith.cmpi sgt, %add3A_1052, %sign3A_1055 : i32
        %sign3A_1057 = arith.extui %sign3A_1056 : i1 to i32
        %sign3A_1058 = arith.constant 0 : i32
        %sign3A_1059 = arith.cmpi slt, %add3A_1052, %sign3A_1058 : i32
        %sign3A_1060 = arith.extui %sign3A_1059 : i1 to i32
        %sign3A_1061 = arith.subi %sign3A_1057, %sign3A_1060 : i32
        %sign3A_1062 = arith.constant 0 : i32
        %sign3A_1063 = arith.cmpi sgt, %jit3A_1053, %sign3A_1062 : i32
        %sign3A_1064 = arith.extui %sign3A_1063 : i1 to i32
        %sign3A_1065 = arith.constant 0 : i32
        %sign3A_1066 = arith.cmpi slt, %jit3A_1053, %sign3A_1065 : i32
        %sign3A_1067 = arith.extui %sign3A_1066 : i1 to i32
        %sign3A_1068 = arith.subi %sign3A_1064, %sign3A_1067 : i32
        %ne3A_1069 = arith.cmpi ne, %sign3A_1061, %sign3A_1068 : i32
        %rem3A_1070 = arith.remsi %add3A_1052, %jit3A_1053 : i32
        %ne3A_1071 = arith.constant 0 : i32
        %ne3A_1072 = arith.cmpi ne, %rem3A_1070, %ne3A_1071 : i32
        %and3A_1073 = arith.andi %ne3A_1069, %ne3A_1072 : i1
        %sub3A_1074 = arith.constant 1 : i32
        %sub3A_1075 = arith.subi %div3A_1054, %sub3A_1074 : i32
        %select_n3A_1076 = arith.select %and3A_1073, %sub3A_1075, %div3A_1054 : i32
        %jit3A_1077 = arith.constant 16 : i32
        %eq3A_1078 = arith.constant 0 : i32
        %eq3A_1079 = arith.cmpi eq, %jit3A_1077, %eq3A_1078 : i32
        %jit3A_1080 = arith.constant 1 : i32
        %select_n3A_1081 = arith.select %eq3A_1079, %jit3A_1080, %jit3A_1077 : i32
        %rem3A_1082 = arith.remsi %add3A_1052, %select_n3A_1081 : i32
        %ne3A_1083 = arith.constant 0 : i32
        %ne3A_1084 = arith.cmpi ne, %rem3A_1082, %ne3A_1083 : i32
        %lt3A_1085 = arith.constant 0 : i32
        %lt3A_1086 = arith.cmpi slt, %rem3A_1082, %lt3A_1085 : i32
        %lt3A_1087 = arith.constant 0 : i32
        %lt3A_1088 = arith.cmpi slt, %select_n3A_1081, %lt3A_1087 : i32
        %ne3A_1089 = arith.xori %lt3A_1086, %lt3A_1088 : i1
        %and3A_1090 = arith.andi %ne3A_1089, %ne3A_1084 : i1
        %add3A_1091 = arith.addi %rem3A_1082, %select_n3A_1081 : i32
        %select_n3A_1092 = arith.select %and3A_1090, %add3A_1091, %rem3A_1082 : i32
        %sub3A_1093 = arith.subi %select_n3A_1076, %min3A_19 : i32
        %mul3A_1094 = arith.constant 500 : i32
        %mul3A_1095 = arith.muli %select_n3A_1076, %mul3A_1094 : i32
        %get3A = arith.index_cast %sub3A_1093 : i32 to index
        %get3A_1096 = arith.index_cast %select_n3A_1092 : i32 to index
        %get3A_1097 = arith.constant 0 : index
        %get3A_1098 = tpu.vector_load %arg5[%get3A, %get3A_1096, %get3A_1097] {strides = array<i32>} : memref<8x16x20xi32, #tpu.memory_space<vmem>>, vector<16xi32>,
        %add3A_1099 = vector.broadcast %mul3A_1095 : i32 to vector<16xi32>
        %add3A_1100 = arith.addi %get3A_1098, %add3A_1099 : vector<16xi32>
        %get3A_1101 = arith.index_cast %sub3A_1093 : i32 to index
        %get3A_1102 = arith.index_cast %select_n3A_1092 : i32 to index
        %get3A_1103 = arith.constant 4 : index
        %get3A_1104 = tpu.vector_load %arg5[%get3A_1101, %get3A_1102, %get3A_1103] {strides = array<i32>} : memref<8x16x20xi32, #tpu.memory_space<vmem>>, vector<16xi32>,
        %add3A_1105 = vector.broadcast %mul3A_1095 : i32 to vector<16xi32>
        %add3A_1106 = arith.addi %get3A_1104, %add3A_1105 : vector<16xi32>
        %swap3A = arith.constant 6 : i32
        %swap3A_1107 = arith.index_cast %swap3A : i32 to index
        %swap3A_1108 = arith.constant 0 : index
        %swap3A_1109 = tpu.vector_load %arg6[%swap3A_1107, %swap3A_1108] {strides = array<i32>} : memref<8x20xi32, #tpu.memory_space<vmem>>, vector<16xi32>,
        tpu.vector_store %arg6[%swap3A_1107, %swap3A_1108], %add3A_1100 {strides = array<i32>} : memref<8x20xi32, #tpu.memory_space<vmem>>, vector<16xi32>,
        %swap3A_1110 = arith.constant 6 : i32
        %swap3A_1111 = arith.index_cast %swap3A_1110 : i32 to index
        %swap3A_1112 = arith.constant 4 : index
        %swap3A_1113 = tpu.vector_load %arg6[%swap3A_1111, %swap3A_1112] {strides = array<i32>} : memref<8x20xi32, #tpu.memory_space<vmem>>, vector<16xi32>,
        tpu.vector_store %arg6[%swap3A_1111, %swap3A_1112], %add3A_1106 {strides = array<i32>} : memref<8x20xi32, #tpu.memory_space<vmem>>, vector<16xi32>,
        %dma_start3A = arith.constant 6 : i32
        %dma_start3A_1114 = arith.constant 6 : i32
        %dma_start3A_1115 = arith.constant 0 : i32
        %dma_start3A_1116 = arith.constant 0 : i32
        %dma_start3A_1117 = arith.constant 0 : i32
        %dma_start3A_1118 = tpu.memref_slice %arg7[%dma_start3A_1114, %dma_start3A_1115, %dma_start3A_1116, %dma_start3A_1117] : memref<8x20x16x16xi32, #tpu.memory_space<vmem>> -> memref<1x20x16x16xi32, #tpu.memory_space<vmem>>
        %dma_start3A_1119 = tpu.memref_squeeze %dma_start3A_1118 : memref<1x20x16x16xi32, #tpu.memory_space<vmem>> -> memref<20x16x16xi32, #tpu.memory_space<vmem>>
        %dma_start3A_1120 = arith.constant 0 : i32
        %dma_start3A_1121 = tpu.memref_slice %arg6[%dma_start3A, %dma_start3A_1120] : memref<8x20xi32, #tpu.memory_space<vmem>> -> memref<1x20xi32, #tpu.memory_space<vmem>>
        %dma_start3A_1122 = tpu.memref_squeeze %dma_start3A_1121 : memref<1x20xi32, #tpu.memory_space<vmem>> -> memref<20xi32, #tpu.memory_space<vmem>>
        %dma_start3A_1123 = arith.constant 0 : i32
        %dma_start3A_1124 = arith.constant 0 : i32
        %dma_start3A_1125 = arith.constant 0 : i32
        %dma_start3A_1126 = tpu.memref_slice %arg2[%dma_start3A_1123, %dma_start3A_1124, %dma_start3A_1125] : memref<98000x16x16xi32, #tpu.memory_space<hbm>> -> memref<98000x16x16xi32, #tpu.memory_space<hbm>>
        tpu.enqueue_indirect_dma source(%dma_start3A_1126 : memref<98000x16x16xi32, #tpu.memory_space<hbm>>) target(%dma_start3A_1119 : memref<20x16x16xi32, #tpu.memory_space<vmem>>) offsets(%dma_start3A_1122 : memref<20xi32, #tpu.memory_space<vmem>>) semaphore(%arg9 : memref<!tpu.dma_semaphore, #tpu.memory_space<semaphore_mem>>)
      } else {
      }
      %mul3A_963 = arith.constant 8 : i32
      %mul3A_964 = arith.muli %scan3A_846, %mul3A_963 : i32
      %add3A_965 = arith.constant 7 : i32
      %add3A_966 = arith.addi %mul3A_964, %add3A_965 : i32
      %lt3A_967 = arith.constant 98 : i32
      %lt3A_968 = arith.cmpi slt, %add3A_966, %lt3A_967 : i32
      %gt3A_969 = arith.constant 0 : i32
      %gt3A_970 = arith.cmpi sgt, %scan3A_846, %gt3A_969 : i32
      %and3A_971 = arith.andi %lt3A_968, %gt3A_970 : i1
      %convert_element_type3A_972 = arith.extui %and3A_971 : i1 to i32
      %cond3A_973 = arith.constant 0 : i32
      %cond3A_974 = arith.cmpi ne, %convert_element_type3A_972, %cond3A_973 : i32
      scf.if %cond3A_974 {
        %sub3A_1052 = arith.constant 8 : i32
        %sub3A_1053 = arith.subi %add3A_966, %sub3A_1052 : i32
        %add3A_1054 = arith.addi %mul3A_2, %sub3A_1053 : i32
        %jit3A_1055 = arith.constant 16 : i32
        %div3A_1056 = arith.divsi %add3A_1054, %jit3A_1055 : i32
        %sign3A_1057 = arith.constant 0 : i32
        %sign3A_1058 = arith.cmpi sgt, %add3A_1054, %sign3A_1057 : i32
        %sign3A_1059 = arith.extui %sign3A_1058 : i1 to i32
        %sign3A_1060 = arith.constant 0 : i32
        %sign3A_1061 = arith.cmpi slt, %add3A_1054, %sign3A_1060 : i32
        %sign3A_1062 = arith.extui %sign3A_1061 : i1 to i32
        %sign3A_1063 = arith.subi %sign3A_1059, %sign3A_1062 : i32
        %sign3A_1064 = arith.constant 0 : i32
        %sign3A_1065 = arith.cmpi sgt, %jit3A_1055, %sign3A_1064 : i32
        %sign3A_1066 = arith.extui %sign3A_1065 : i1 to i32
        %sign3A_1067 = arith.constant 0 : i32
        %sign3A_1068 = arith.cmpi slt, %jit3A_1055, %sign3A_1067 : i32
        %sign3A_1069 = arith.extui %sign3A_1068 : i1 to i32
        %sign3A_1070 = arith.subi %sign3A_1066, %sign3A_1069 : i32
        %ne3A_1071 = arith.cmpi ne, %sign3A_1063, %sign3A_1070 : i32
        %rem3A_1072 = arith.remsi %add3A_1054, %jit3A_1055 : i32
        %ne3A_1073 = arith.constant 0 : i32
        %ne3A_1074 = arith.cmpi ne, %rem3A_1072, %ne3A_1073 : i32
        %and3A_1075 = arith.andi %ne3A_1071, %ne3A_1074 : i1
        %sub3A_1076 = arith.constant 1 : i32
        %sub3A_1077 = arith.subi %div3A_1056, %sub3A_1076 : i32
        %select_n3A_1078 = arith.select %and3A_1075, %sub3A_1077, %div3A_1056 : i32
        %jit3A_1079 = arith.constant 16 : i32
        %eq3A_1080 = arith.constant 0 : i32
        %eq3A_1081 = arith.cmpi eq, %jit3A_1079, %eq3A_1080 : i32
        %jit3A_1082 = arith.constant 1 : i32
        %select_n3A_1083 = arith.select %eq3A_1081, %jit3A_1082, %jit3A_1079 : i32
        %rem3A_1084 = arith.remsi %add3A_1054, %select_n3A_1083 : i32
        %ne3A_1085 = arith.constant 0 : i32
        %ne3A_1086 = arith.cmpi ne, %rem3A_1084, %ne3A_1085 : i32
        %lt3A_1087 = arith.constant 0 : i32
        %lt3A_1088 = arith.cmpi slt, %rem3A_1084, %lt3A_1087 : i32
        %lt3A_1089 = arith.constant 0 : i32
        %lt3A_1090 = arith.cmpi slt, %select_n3A_1083, %lt3A_1089 : i32
        %ne3A_1091 = arith.xori %lt3A_1088, %lt3A_1090 : i1
        %and3A_1092 = arith.andi %ne3A_1091, %ne3A_1086 : i1
        %add3A_1093 = arith.addi %rem3A_1084, %select_n3A_1083 : i32
        %select_n3A_1094 = arith.select %and3A_1092, %add3A_1093, %rem3A_1084 : i32
        %jit3A_1095 = arith.constant 14 : i32
        %div3A_1096 = arith.divsi %select_n3A_1078, %jit3A_1095 : i32
        %sign3A_1097 = arith.constant 0 : i32
        %sign3A_1098 = arith.cmpi sgt, %select_n3A_1078, %sign3A_1097 : i32
        %sign3A_1099 = arith.extui %sign3A_1098 : i1 to i32
        %sign3A_1100 = arith.constant 0 : i32
        %sign3A_1101 = arith.cmpi slt, %select_n3A_1078, %sign3A_1100 : i32
        %sign3A_1102 = arith.extui %sign3A_1101 : i1 to i32
        %sign3A_1103 = arith.subi %sign3A_1099, %sign3A_1102 : i32
        %sign3A_1104 = arith.constant 0 : i32
        %sign3A_1105 = arith.cmpi sgt, %jit3A_1095, %sign3A_1104 : i32
        %sign3A_1106 = arith.extui %sign3A_1105 : i1 to i32
        %sign3A_1107 = arith.constant 0 : i32
        %sign3A_1108 = arith.cmpi slt, %jit3A_1095, %sign3A_1107 : i32
        %sign3A_1109 = arith.extui %sign3A_1108 : i1 to i32
        %sign3A_1110 = arith.subi %sign3A_1106, %sign3A_1109 : i32
        %ne3A_1111 = arith.cmpi ne, %sign3A_1103, %sign3A_1110 : i32
        %rem3A_1112 = arith.remsi %select_n3A_1078, %jit3A_1095 : i32
        %ne3A_1113 = arith.constant 0 : i32
        %ne3A_1114 = arith.cmpi ne, %rem3A_1112, %ne3A_1113 : i32
        %and3A_1115 = arith.andi %ne3A_1111, %ne3A_1114 : i1
        %sub3A_1116 = arith.constant 1 : i32
        %sub3A_1117 = arith.subi %div3A_1096, %sub3A_1116 : i32
        %select_n3A_1118 = arith.select %and3A_1115, %sub3A_1117, %div3A_1096 : i32
        %jit3A_1119 = arith.constant 14 : i32
        %eq3A_1120 = arith.constant 0 : i32
        %eq3A_1121 = arith.cmpi eq, %jit3A_1119, %eq3A_1120 : i32
        %jit3A_1122 = arith.constant 1 : i32
        %select_n3A_1123 = arith.select %eq3A_1121, %jit3A_1122, %jit3A_1119 : i32
        %rem3A_1124 = arith.remsi %select_n3A_1078, %select_n3A_1123 : i32
        %ne3A_1125 = arith.constant 0 : i32
        %ne3A_1126 = arith.cmpi ne, %rem3A_1124, %ne3A_1125 : i32
        %lt3A_1127 = arith.constant 0 : i32
        %lt3A_1128 = arith.cmpi slt, %rem3A_1124, %lt3A_1127 : i32
        %lt3A_1129 = arith.constant 0 : i32
        %lt3A_1130 = arith.cmpi slt, %select_n3A_1123, %lt3A_1129 : i32
        %ne3A_1131 = arith.xori %lt3A_1128, %lt3A_1130 : i1
        %and3A_1132 = arith.andi %ne3A_1131, %ne3A_1126 : i1
        %add3A_1133 = arith.addi %rem3A_1124, %select_n3A_1123 : i32
        %select_n3A_1134 = arith.select %and3A_1132, %add3A_1133, %rem3A_1124 : i32
        %dma_wait3A_1135 = arith.constant 7 : i32
        %dma_wait3A_1136 = arith.constant 0 : i32
        %dma_wait3A_1137 = arith.constant 0 : i32
        %dma_wait3A_1138 = arith.constant 0 : i32
        %dma_wait3A_1139 = tpu.memref_slice %arg7[%dma_wait3A_1135, %dma_wait3A_1136, %dma_wait3A_1137, %dma_wait3A_1138] : memref<8x20x16x16xi32, #tpu.memory_space<vmem>> -> memref<1x20x16x16xi32, #tpu.memory_space<vmem>>
        %dma_wait3A_1140 = tpu.memref_squeeze %dma_wait3A_1139 : memref<1x20x16x16xi32, #tpu.memory_space<vmem>> -> memref<20x16x16xi32, #tpu.memory_space<vmem>>
        %dma_wait3A_1141 = arith.constant 0 : i32
        %dma_wait3A_1142 = arith.constant 0 : i32
        %dma_wait3A_1143 = arith.constant 0 : i32
        %dma_wait3A_1144 = tpu.memref_slice %arg4[%select_n3A_1094, %dma_wait3A_1141, %select_n3A_1118, %dma_wait3A_1142, %select_n3A_1134, %dma_wait3A_1143] : memref<16x20x14x16x14x16xi32, #tpu.memory_space<hbm>> -> memref<1x20x1x16x1x16xi32, #tpu.memory_space<hbm>>
        %dma_wait3A_1145 = tpu.memref_squeeze %dma_wait3A_1144 : memref<1x20x1x16x1x16xi32, #tpu.memory_space<hbm>> -> memref<20x16x16xi32, #tpu.memory_space<hbm>>
        %dma_wait3A_1146 = arith.constant 0 : i32
        %dma_wait3A_1147 = arith.constant 0 : i32
        %dma_wait3A_1148 = arith.constant 0 : i32
        %dma_wait3A_1149 = tpu.memref_slice %arg4[%select_n3A_1094, %dma_wait3A_1146, %select_n3A_1118, %dma_wait3A_1147, %select_n3A_1134, %dma_wait3A_1148] : memref<16x20x14x16x14x16xi32, #tpu.memory_space<hbm>> -> memref<1x20x1x16x1x16xi32, #tpu.memory_space<hbm>>
        %dma_wait3A_1150 = tpu.memref_squeeze %dma_wait3A_1149 : memref<1x20x1x16x1x16xi32, #tpu.memory_space<hbm>> -> memref<20x16x16xi32, #tpu.memory_space<hbm>>
        %dma_wait3A_1151 = arith.constant 0 : i32
        %dma_wait3A_1152 = arith.constant 0 : i32
        %dma_wait3A_1153 = arith.constant 0 : i32
        %dma_wait3A_1154 = tpu.memref_slice %arg7[%dma_wait3A_1135, %dma_wait3A_1151, %dma_wait3A_1152, %dma_wait3A_1153] : memref<8x20x16x16xi32, #tpu.memory_space<vmem>> -> memref<1x20x16x16xi32, #tpu.memory_space<vmem>>
        %dma_wait3A_1155 = tpu.memref_squeeze %dma_wait3A_1154 : memref<1x20x16x16xi32, #tpu.memory_space<vmem>> -> memref<20x16x16xi32, #tpu.memory_space<vmem>>
        tpu.wait_dma2 semaphore(%arg10 : memref<!tpu.dma_semaphore, #tpu.memory_space<semaphore_mem>>) src(%dma_wait3A_1155 : memref<20x16x16xi32, #tpu.memory_space<vmem>>) dst(%dma_wait3A_1150 : memref<20x16x16xi32, #tpu.memory_space<hbm>>)
      } else {
      }
      %lt3A_975 = arith.constant 98 : i32
      %lt3A_976 = arith.cmpi slt, %add3A_966, %lt3A_975 : i32
      %convert_element_type3A_977 = arith.extui %lt3A_976 : i1 to i32
      %cond3A_978 = arith.constant 0 : i32
      %cond3A_979 = arith.cmpi ne, %convert_element_type3A_977, %cond3A_978 : i32
      scf.if %cond3A_979 {
        %add3A_1052 = arith.addi %mul3A_2, %add3A_966 : i32
        %jit3A_1053 = arith.constant 16 : i32
        %div3A_1054 = arith.divsi %add3A_1052, %jit3A_1053 : i32
        %sign3A_1055 = arith.constant 0 : i32
        %sign3A_1056 = arith.cmpi sgt, %add3A_1052, %sign3A_1055 : i32
        %sign3A_1057 = arith.extui %sign3A_1056 : i1 to i32
        %sign3A_1058 = arith.constant 0 : i32
        %sign3A_1059 = arith.cmpi slt, %add3A_1052, %sign3A_1058 : i32
        %sign3A_1060 = arith.extui %sign3A_1059 : i1 to i32
        %sign3A_1061 = arith.subi %sign3A_1057, %sign3A_1060 : i32
        %sign3A_1062 = arith.constant 0 : i32
        %sign3A_1063 = arith.cmpi sgt, %jit3A_1053, %sign3A_1062 : i32
        %sign3A_1064 = arith.extui %sign3A_1063 : i1 to i32
        %sign3A_1065 = arith.constant 0 : i32
        %sign3A_1066 = arith.cmpi slt, %jit3A_1053, %sign3A_1065 : i32
        %sign3A_1067 = arith.extui %sign3A_1066 : i1 to i32
        %sign3A_1068 = arith.subi %sign3A_1064, %sign3A_1067 : i32
        %ne3A_1069 = arith.cmpi ne, %sign3A_1061, %sign3A_1068 : i32
        %rem3A_1070 = arith.remsi %add3A_1052, %jit3A_1053 : i32
        %ne3A_1071 = arith.constant 0 : i32
        %ne3A_1072 = arith.cmpi ne, %rem3A_1070, %ne3A_1071 : i32
        %and3A_1073 = arith.andi %ne3A_1069, %ne3A_1072 : i1
        %sub3A_1074 = arith.constant 1 : i32
        %sub3A_1075 = arith.subi %div3A_1054, %sub3A_1074 : i32
        %select_n3A_1076 = arith.select %and3A_1073, %sub3A_1075, %div3A_1054 : i32
        %jit3A_1077 = arith.constant 16 : i32
        %eq3A_1078 = arith.constant 0 : i32
        %eq3A_1079 = arith.cmpi eq, %jit3A_1077, %eq3A_1078 : i32
        %jit3A_1080 = arith.constant 1 : i32
        %select_n3A_1081 = arith.select %eq3A_1079, %jit3A_1080, %jit3A_1077 : i32
        %rem3A_1082 = arith.remsi %add3A_1052, %select_n3A_1081 : i32
        %ne3A_1083 = arith.constant 0 : i32
        %ne3A_1084 = arith.cmpi ne, %rem3A_1082, %ne3A_1083 : i32
        %lt3A_1085 = arith.constant 0 : i32
        %lt3A_1086 = arith.cmpi slt, %rem3A_1082, %lt3A_1085 : i32
        %lt3A_1087 = arith.constant 0 : i32
        %lt3A_1088 = arith.cmpi slt, %select_n3A_1081, %lt3A_1087 : i32
        %ne3A_1089 = arith.xori %lt3A_1086, %lt3A_1088 : i1
        %and3A_1090 = arith.andi %ne3A_1089, %ne3A_1084 : i1
        %add3A_1091 = arith.addi %rem3A_1082, %select_n3A_1081 : i32
        %select_n3A_1092 = arith.select %and3A_1090, %add3A_1091, %rem3A_1082 : i32
        %sub3A_1093 = arith.subi %select_n3A_1076, %min3A_19 : i32
        %mul3A_1094 = arith.constant 500 : i32
        %mul3A_1095 = arith.muli %select_n3A_1076, %mul3A_1094 : i32
        %get3A = arith.index_cast %sub3A_1093 : i32 to index
        %get3A_1096 = arith.index_cast %select_n3A_1092 : i32 to index
        %get3A_1097 = arith.constant 0 : index
        %get3A_1098 = tpu.vector_load %arg5[%get3A, %get3A_1096, %get3A_1097] {strides = array<i32>} : memref<8x16x20xi32, #tpu.memory_space<vmem>>, vector<16xi32>,
        %add3A_1099 = vector.broadcast %mul3A_1095 : i32 to vector<16xi32>
        %add3A_1100 = arith.addi %get3A_1098, %add3A_1099 : vector<16xi32>
        %get3A_1101 = arith.index_cast %sub3A_1093 : i32 to index
        %get3A_1102 = arith.index_cast %select_n3A_1092 : i32 to index
        %get3A_1103 = arith.constant 4 : index
        %get3A_1104 = tpu.vector_load %arg5[%get3A_1101, %get3A_1102, %get3A_1103] {strides = array<i32>} : memref<8x16x20xi32, #tpu.memory_space<vmem>>, vector<16xi32>,
        %add3A_1105 = vector.broadcast %mul3A_1095 : i32 to vector<16xi32>
        %add3A_1106 = arith.addi %get3A_1104, %add3A_1105 : vector<16xi32>
        %swap3A = arith.constant 7 : i32
        %swap3A_1107 = arith.index_cast %swap3A : i32 to index
        %swap3A_1108 = arith.constant 0 : index
        %swap3A_1109 = tpu.vector_load %arg6[%swap3A_1107, %swap3A_1108] {strides = array<i32>} : memref<8x20xi32, #tpu.memory_space<vmem>>, vector<16xi32>,
        tpu.vector_store %arg6[%swap3A_1107, %swap3A_1108], %add3A_1100 {strides = array<i32>} : memref<8x20xi32, #tpu.memory_space<vmem>>, vector<16xi32>,
        %swap3A_1110 = arith.constant 7 : i32
        %swap3A_1111 = arith.index_cast %swap3A_1110 : i32 to index
        %swap3A_1112 = arith.constant 4 : index
        %swap3A_1113 = tpu.vector_load %arg6[%swap3A_1111, %swap3A_1112] {strides = array<i32>} : memref<8x20xi32, #tpu.memory_space<vmem>>, vector<16xi32>,
        tpu.vector_store %arg6[%swap3A_1111, %swap3A_1112], %add3A_1106 {strides = array<i32>} : memref<8x20xi32, #tpu.memory_space<vmem>>, vector<16xi32>,
        %dma_start3A = arith.constant 7 : i32
        %dma_start3A_1114 = arith.constant 7 : i32
        %dma_start3A_1115 = arith.constant 0 : i32
        %dma_start3A_1116 = arith.constant 0 : i32
        %dma_start3A_1117 = arith.constant 0 : i32
        %dma_start3A_1118 = tpu.memref_slice %arg7[%dma_start3A_1114, %dma_start3A_1115, %dma_start3A_1116, %dma_start3A_1117] : memref<8x20x16x16xi32, #tpu.memory_space<vmem>> -> memref<1x20x16x16xi32, #tpu.memory_space<vmem>>
        %dma_start3A_1119 = tpu.memref_squeeze %dma_start3A_1118 : memref<1x20x16x16xi32, #tpu.memory_space<vmem>> -> memref<20x16x16xi32, #tpu.memory_space<vmem>>
        %dma_start3A_1120 = arith.constant 0 : i32
        %dma_start3A_1121 = tpu.memref_slice %arg6[%dma_start3A, %dma_start3A_1120] : memref<8x20xi32, #tpu.memory_space<vmem>> -> memref<1x20xi32, #tpu.memory_space<vmem>>
        %dma_start3A_1122 = tpu.memref_squeeze %dma_start3A_1121 : memref<1x20xi32, #tpu.memory_space<vmem>> -> memref<20xi32, #tpu.memory_space<vmem>>
        %dma_start3A_1123 = arith.constant 0 : i32
        %dma_start3A_1124 = arith.constant 0 : i32
        %dma_start3A_1125 = arith.constant 0 : i32
        %dma_start3A_1126 = tpu.memref_slice %arg2[%dma_start3A_1123, %dma_start3A_1124, %dma_start3A_1125] : memref<98000x16x16xi32, #tpu.memory_space<hbm>> -> memref<98000x16x16xi32, #tpu.memory_space<hbm>>
        tpu.enqueue_indirect_dma source(%dma_start3A_1126 : memref<98000x16x16xi32, #tpu.memory_space<hbm>>) target(%dma_start3A_1119 : memref<20x16x16xi32, #tpu.memory_space<vmem>>) offsets(%dma_start3A_1122 : memref<20xi32, #tpu.memory_space<vmem>>) semaphore(%arg9 : memref<!tpu.dma_semaphore, #tpu.memory_space<semaphore_mem>>)
      } else {
      }
      %mul3A_980 = arith.constant 8 : i32
      %mul3A_981 = arith.muli %scan3A_846, %mul3A_980 : i32
      %add3A_982 = arith.constant 0 : i32
      %add3A_983 = arith.addi %mul3A_981, %add3A_982 : i32
      %lt3A_984 = arith.constant 98 : i32
      %lt3A_985 = arith.cmpi slt, %add3A_983, %lt3A_984 : i32
      %convert_element_type3A_986 = arith.extui %lt3A_985 : i1 to i32
      %cond3A_987 = arith.constant 0 : i32
      %cond3A_988 = arith.cmpi ne, %convert_element_type3A_986, %cond3A_987 : i32
      scf.if %cond3A_988 {
        %dma_wait3A_1052 = arith.constant 0 : i32
        %dma_wait3A_1053 = arith.constant 0 : i32
        %dma_wait3A_1054 = arith.constant 0 : i32
        %dma_wait3A_1055 = arith.constant 0 : i32
        %dma_wait3A_1056 = arith.constant 0 : i32
        %dma_wait3A_1057 = tpu.memref_slice %arg7[%dma_wait3A_1053, %dma_wait3A_1054, %dma_wait3A_1055, %dma_wait3A_1056] : memref<8x20x16x16xi32, #tpu.memory_space<vmem>> -> memref<1x20x16x16xi32, #tpu.memory_space<vmem>>
        %dma_wait3A_1058 = tpu.memref_squeeze %dma_wait3A_1057 : memref<1x20x16x16xi32, #tpu.memory_space<vmem>> -> memref<20x16x16xi32, #tpu.memory_space<vmem>>
        %dma_wait3A_1059 = arith.constant 0 : i32
        %dma_wait3A_1060 = tpu.memref_slice %arg6[%dma_wait3A_1052, %dma_wait3A_1059] : memref<8x20xi32, #tpu.memory_space<vmem>> -> memref<1x20xi32, #tpu.memory_space<vmem>>
        %dma_wait3A_1061 = tpu.memref_squeeze %dma_wait3A_1060 : memref<1x20xi32, #tpu.memory_space<vmem>> -> memref<20xi32, #tpu.memory_space<vmem>>
        %dma_wait3A_1062 = arith.constant 0 : i32
        %dma_wait3A_1063 = arith.constant 0 : i32
        %dma_wait3A_1064 = arith.constant 0 : i32
        %dma_wait3A_1065 = tpu.memref_slice %arg2[%dma_wait3A_1062, %dma_wait3A_1063, %dma_wait3A_1064] : memref<98000x16x16xi32, #tpu.memory_space<hbm>> -> memref<98000x16x16xi32, #tpu.memory_space<hbm>>
        tpu.wait_indirect_dma semaphore(%arg9 : memref<!tpu.dma_semaphore, #tpu.memory_space<semaphore_mem>>) src(%dma_wait3A_1065 : memref<98000x16x16xi32, #tpu.memory_space<hbm>>) dst(%dma_wait3A_1058 : memref<20x16x16xi32, #tpu.memory_space<vmem>>)
        %add3A_1066 = arith.addi %mul3A_2, %add3A_983 : i32
        %jit3A_1067 = arith.constant 16 : i32
        %div3A_1068 = arith.divsi %add3A_1066, %jit3A_1067 : i32
        %sign3A_1069 = arith.constant 0 : i32
        %sign3A_1070 = arith.cmpi sgt, %add3A_1066, %sign3A_1069 : i32
        %sign3A_1071 = arith.extui %sign3A_1070 : i1 to i32
        %sign3A_1072 = arith.constant 0 : i32
        %sign3A_1073 = arith.cmpi slt, %add3A_1066, %sign3A_1072 : i32
        %sign3A_1074 = arith.extui %sign3A_1073 : i1 to i32
        %sign3A_1075 = arith.subi %sign3A_1071, %sign3A_1074 : i32
        %sign3A_1076 = arith.constant 0 : i32
        %sign3A_1077 = arith.cmpi sgt, %jit3A_1067, %sign3A_1076 : i32
        %sign3A_1078 = arith.extui %sign3A_1077 : i1 to i32
        %sign3A_1079 = arith.constant 0 : i32
        %sign3A_1080 = arith.cmpi slt, %jit3A_1067, %sign3A_1079 : i32
        %sign3A_1081 = arith.extui %sign3A_1080 : i1 to i32
        %sign3A_1082 = arith.subi %sign3A_1078, %sign3A_1081 : i32
        %ne3A_1083 = arith.cmpi ne, %sign3A_1075, %sign3A_1082 : i32
        %rem3A_1084 = arith.remsi %add3A_1066, %jit3A_1067 : i32
        %ne3A_1085 = arith.constant 0 : i32
        %ne3A_1086 = arith.cmpi ne, %rem3A_1084, %ne3A_1085 : i32
        %and3A_1087 = arith.andi %ne3A_1083, %ne3A_1086 : i1
        %sub3A_1088 = arith.constant 1 : i32
        %sub3A_1089 = arith.subi %div3A_1068, %sub3A_1088 : i32
        %select_n3A_1090 = arith.select %and3A_1087, %sub3A_1089, %div3A_1068 : i32
        %jit3A_1091 = arith.constant 16 : i32
        %eq3A_1092 = arith.constant 0 : i32
        %eq3A_1093 = arith.cmpi eq, %jit3A_1091, %eq3A_1092 : i32
        %jit3A_1094 = arith.constant 1 : i32
        %select_n3A_1095 = arith.select %eq3A_1093, %jit3A_1094, %jit3A_1091 : i32
        %rem3A_1096 = arith.remsi %add3A_1066, %select_n3A_1095 : i32
        %ne3A_1097 = arith.constant 0 : i32
        %ne3A_1098 = arith.cmpi ne, %rem3A_1096, %ne3A_1097 : i32
        %lt3A_1099 = arith.constant 0 : i32
        %lt3A_1100 = arith.cmpi slt, %rem3A_1096, %lt3A_1099 : i32
        %lt3A_1101 = arith.constant 0 : i32
        %lt3A_1102 = arith.cmpi slt, %select_n3A_1095, %lt3A_1101 : i32
        %ne3A_1103 = arith.xori %lt3A_1100, %lt3A_1102 : i1
        %and3A_1104 = arith.andi %ne3A_1103, %ne3A_1098 : i1
        %add3A_1105 = arith.addi %rem3A_1096, %select_n3A_1095 : i32
        %select_n3A_1106 = arith.select %and3A_1104, %add3A_1105, %rem3A_1096 : i32
        %jit3A_1107 = arith.constant 14 : i32
        %div3A_1108 = arith.divsi %select_n3A_1090, %jit3A_1107 : i32
        %sign3A_1109 = arith.constant 0 : i32
        %sign3A_1110 = arith.cmpi sgt, %select_n3A_1090, %sign3A_1109 : i32
        %sign3A_1111 = arith.extui %sign3A_1110 : i1 to i32
        %sign3A_1112 = arith.constant 0 : i32
        %sign3A_1113 = arith.cmpi slt, %select_n3A_1090, %sign3A_1112 : i32
        %sign3A_1114 = arith.extui %sign3A_1113 : i1 to i32
        %sign3A_1115 = arith.subi %sign3A_1111, %sign3A_1114 : i32
        %sign3A_1116 = arith.constant 0 : i32
        %sign3A_1117 = arith.cmpi sgt, %jit3A_1107, %sign3A_1116 : i32
        %sign3A_1118 = arith.extui %sign3A_1117 : i1 to i32
        %sign3A_1119 = arith.constant 0 : i32
        %sign3A_1120 = arith.cmpi slt, %jit3A_1107, %sign3A_1119 : i32
        %sign3A_1121 = arith.extui %sign3A_1120 : i1 to i32
        %sign3A_1122 = arith.subi %sign3A_1118, %sign3A_1121 : i32
        %ne3A_1123 = arith.cmpi ne, %sign3A_1115, %sign3A_1122 : i32
        %rem3A_1124 = arith.remsi %select_n3A_1090, %jit3A_1107 : i32
        %ne3A_1125 = arith.constant 0 : i32
        %ne3A_1126 = arith.cmpi ne, %rem3A_1124, %ne3A_1125 : i32
        %and3A_1127 = arith.andi %ne3A_1123, %ne3A_1126 : i1
        %sub3A_1128 = arith.constant 1 : i32
        %sub3A_1129 = arith.subi %div3A_1108, %sub3A_1128 : i32
        %select_n3A_1130 = arith.select %and3A_1127, %sub3A_1129, %div3A_1108 : i32
        %jit3A_1131 = arith.constant 14 : i32
        %eq3A_1132 = arith.constant 0 : i32
        %eq3A_1133 = arith.cmpi eq, %jit3A_1131, %eq3A_1132 : i32
        %jit3A_1134 = arith.constant 1 : i32
        %select_n3A_1135 = arith.select %eq3A_1133, %jit3A_1134, %jit3A_1131 : i32
        %rem3A_1136 = arith.remsi %select_n3A_1090, %select_n3A_1135 : i32
        %ne3A_1137 = arith.constant 0 : i32
        %ne3A_1138 = arith.cmpi ne, %rem3A_1136, %ne3A_1137 : i32
        %lt3A_1139 = arith.constant 0 : i32
        %lt3A_1140 = arith.cmpi slt, %rem3A_1136, %lt3A_1139 : i32
        %lt3A_1141 = arith.constant 0 : i32
        %lt3A_1142 = arith.cmpi slt, %select_n3A_1135, %lt3A_1141 : i32
        %ne3A_1143 = arith.xori %lt3A_1140, %lt3A_1142 : i1
        %and3A_1144 = arith.andi %ne3A_1143, %ne3A_1138 : i1
        %add3A_1145 = arith.addi %rem3A_1136, %select_n3A_1135 : i32
        %select_n3A_1146 = arith.select %and3A_1144, %add3A_1145, %rem3A_1136 : i32
        %dma_start3A = arith.constant 0 : i32
        %dma_start3A_1147 = arith.constant 0 : i32
        %dma_start3A_1148 = arith.constant 0 : i32
        %dma_start3A_1149 = arith.constant 0 : i32
        %dma_start3A_1150 = tpu.memref_slice %arg7[%dma_start3A, %dma_start3A_1147, %dma_start3A_1148, %dma_start3A_1149] : memref<8x20x16x16xi32, #tpu.memory_space<vmem>> -> memref<1x20x16x16xi32, #tpu.memory_space<vmem>>
        %dma_start3A_1151 = tpu.memref_squeeze %dma_start3A_1150 : memref<1x20x16x16xi32, #tpu.memory_space<vmem>> -> memref<20x16x16xi32, #tpu.memory_space<vmem>>
        %dma_start3A_1152 = arith.constant 0 : i32
        %dma_start3A_1153 = arith.constant 0 : i32
        %dma_start3A_1154 = arith.constant 0 : i32
        %dma_start3A_1155 = tpu.memref_slice %arg4[%select_n3A_1106, %dma_start3A_1152, %select_n3A_1130, %dma_start3A_1153, %select_n3A_1146, %dma_start3A_1154] : memref<16x20x14x16x14x16xi32, #tpu.memory_space<hbm>> -> memref<1x20x1x16x1x16xi32, #tpu.memory_space<hbm>>
        %dma_start3A_1156 = tpu.memref_squeeze %dma_start3A_1155 : memref<1x20x1x16x1x16xi32, #tpu.memory_space<hbm>> -> memref<20x16x16xi32, #tpu.memory_space<hbm>>
        %dma_start3A_1157 = arith.constant 0 : i32
        %dma_start3A_1158 = arith.constant 0 : i32
        %dma_start3A_1159 = arith.constant 0 : i32
        %dma_start3A_1160 = tpu.memref_slice %arg4[%select_n3A_1106, %dma_start3A_1157, %select_n3A_1130, %dma_start3A_1158, %select_n3A_1146, %dma_start3A_1159] : memref<16x20x14x16x14x16xi32, #tpu.memory_space<hbm>> -> memref<1x20x1x16x1x16xi32, #tpu.memory_space<hbm>>
        %dma_start3A_1161 = tpu.memref_squeeze %dma_start3A_1160 : memref<1x20x1x16x1x16xi32, #tpu.memory_space<hbm>> -> memref<20x16x16xi32, #tpu.memory_space<hbm>>
        %dma_start3A_1162 = arith.constant 0 : i32
        %dma_start3A_1163 = arith.constant 0 : i32
        %dma_start3A_1164 = arith.constant 0 : i32
        %dma_start3A_1165 = tpu.memref_slice %arg7[%dma_start3A, %dma_start3A_1162, %dma_start3A_1163, %dma_start3A_1164] : memref<8x20x16x16xi32, #tpu.memory_space<vmem>> -> memref<1x20x16x16xi32, #tpu.memory_space<vmem>>
        %dma_start3A_1166 = tpu.memref_squeeze %dma_start3A_1165 : memref<1x20x16x16xi32, #tpu.memory_space<vmem>> -> memref<20x16x16xi32, #tpu.memory_space<vmem>>
        tpu.enqueue_dma source(%dma_start3A_1166 : memref<20x16x16xi32, #tpu.memory_space<vmem>>) target(%dma_start3A_1161 : memref<20x16x16xi32, #tpu.memory_space<hbm>>) target_semaphore(%arg10 : memref<!tpu.dma_semaphore, #tpu.memory_space<semaphore_mem>>)
      } else {
      }
      %mul3A_989 = arith.constant 8 : i32
      %mul3A_990 = arith.muli %scan3A_846, %mul3A_989 : i32
      %add3A_991 = arith.constant 1 : i32
      %add3A_992 = arith.addi %mul3A_990, %add3A_991 : i32
      %lt3A_993 = arith.constant 98 : i32
      %lt3A_994 = arith.cmpi slt, %add3A_992, %lt3A_993 : i32
      %convert_element_type3A_995 = arith.extui %lt3A_994 : i1 to i32
      %cond3A_996 = arith.constant 0 : i32
      %cond3A_997 = arith.cmpi ne, %convert_element_type3A_995, %cond3A_996 : i32
      scf.if %cond3A_997 {
        %dma_wait3A_1052 = arith.constant 1 : i32
        %dma_wait3A_1053 = arith.constant 1 : i32
        %dma_wait3A_1054 = arith.constant 0 : i32
        %dma_wait3A_1055 = arith.constant 0 : i32
        %dma_wait3A_1056 = arith.constant 0 : i32
        %dma_wait3A_1057 = tpu.memref_slice %arg7[%dma_wait3A_1053, %dma_wait3A_1054, %dma_wait3A_1055, %dma_wait3A_1056] : memref<8x20x16x16xi32, #tpu.memory_space<vmem>> -> memref<1x20x16x16xi32, #tpu.memory_space<vmem>>
        %dma_wait3A_1058 = tpu.memref_squeeze %dma_wait3A_1057 : memref<1x20x16x16xi32, #tpu.memory_space<vmem>> -> memref<20x16x16xi32, #tpu.memory_space<vmem>>
        %dma_wait3A_1059 = arith.constant 0 : i32
        %dma_wait3A_1060 = tpu.memref_slice %arg6[%dma_wait3A_1052, %dma_wait3A_1059] : memref<8x20xi32, #tpu.memory_space<vmem>> -> memref<1x20xi32, #tpu.memory_space<vmem>>
        %dma_wait3A_1061 = tpu.memref_squeeze %dma_wait3A_1060 : memref<1x20xi32, #tpu.memory_space<vmem>> -> memref<20xi32, #tpu.memory_space<vmem>>
        %dma_wait3A_1062 = arith.constant 0 : i32
        %dma_wait3A_1063 = arith.constant 0 : i32
        %dma_wait3A_1064 = arith.constant 0 : i32
        %dma_wait3A_1065 = tpu.memref_slice %arg2[%dma_wait3A_1062, %dma_wait3A_1063, %dma_wait3A_1064] : memref<98000x16x16xi32, #tpu.memory_space<hbm>> -> memref<98000x16x16xi32, #tpu.memory_space<hbm>>
        tpu.wait_indirect_dma semaphore(%arg9 : memref<!tpu.dma_semaphore, #tpu.memory_space<semaphore_mem>>) src(%dma_wait3A_1065 : memref<98000x16x16xi32, #tpu.memory_space<hbm>>) dst(%dma_wait3A_1058 : memref<20x16x16xi32, #tpu.memory_space<vmem>>)
        %add3A_1066 = arith.addi %mul3A_2, %add3A_992 : i32
        %jit3A_1067 = arith.constant 16 : i32
        %div3A_1068 = arith.divsi %add3A_1066, %jit3A_1067 : i32
        %sign3A_1069 = arith.constant 0 : i32
        %sign3A_1070 = arith.cmpi sgt, %add3A_1066, %sign3A_1069 : i32
        %sign3A_1071 = arith.extui %sign3A_1070 : i1 to i32
        %sign3A_1072 = arith.constant 0 : i32
        %sign3A_1073 = arith.cmpi slt, %add3A_1066, %sign3A_1072 : i32
        %sign3A_1074 = arith.extui %sign3A_1073 : i1 to i32
        %sign3A_1075 = arith.subi %sign3A_1071, %sign3A_1074 : i32
        %sign3A_1076 = arith.constant 0 : i32
        %sign3A_1077 = arith.cmpi sgt, %jit3A_1067, %sign3A_1076 : i32
        %sign3A_1078 = arith.extui %sign3A_1077 : i1 to i32
        %sign3A_1079 = arith.constant 0 : i32
        %sign3A_1080 = arith.cmpi slt, %jit3A_1067, %sign3A_1079 : i32
        %sign3A_1081 = arith.extui %sign3A_1080 : i1 to i32
        %sign3A_1082 = arith.subi %sign3A_1078, %sign3A_1081 : i32
        %ne3A_1083 = arith.cmpi ne, %sign3A_1075, %sign3A_1082 : i32
        %rem3A_1084 = arith.remsi %add3A_1066, %jit3A_1067 : i32
        %ne3A_1085 = arith.constant 0 : i32
        %ne3A_1086 = arith.cmpi ne, %rem3A_1084, %ne3A_1085 : i32
        %and3A_1087 = arith.andi %ne3A_1083, %ne3A_1086 : i1
        %sub3A_1088 = arith.constant 1 : i32
        %sub3A_1089 = arith.subi %div3A_1068, %sub3A_1088 : i32
        %select_n3A_1090 = arith.select %and3A_1087, %sub3A_1089, %div3A_1068 : i32
        %jit3A_1091 = arith.constant 16 : i32
        %eq3A_1092 = arith.constant 0 : i32
        %eq3A_1093 = arith.cmpi eq, %jit3A_1091, %eq3A_1092 : i32
        %jit3A_1094 = arith.constant 1 : i32
        %select_n3A_1095 = arith.select %eq3A_1093, %jit3A_1094, %jit3A_1091 : i32
        %rem3A_1096 = arith.remsi %add3A_1066, %select_n3A_1095 : i32
        %ne3A_1097 = arith.constant 0 : i32
        %ne3A_1098 = arith.cmpi ne, %rem3A_1096, %ne3A_1097 : i32
        %lt3A_1099 = arith.constant 0 : i32
        %lt3A_1100 = arith.cmpi slt, %rem3A_1096, %lt3A_1099 : i32
        %lt3A_1101 = arith.constant 0 : i32
        %lt3A_1102 = arith.cmpi slt, %select_n3A_1095, %lt3A_1101 : i32
        %ne3A_1103 = arith.xori %lt3A_1100, %lt3A_1102 : i1
        %and3A_1104 = arith.andi %ne3A_1103, %ne3A_1098 : i1
        %add3A_1105 = arith.addi %rem3A_1096, %select_n3A_1095 : i32
        %select_n3A_1106 = arith.select %and3A_1104, %add3A_1105, %rem3A_1096 : i32
        %jit3A_1107 = arith.constant 14 : i32
        %div3A_1108 = arith.divsi %select_n3A_1090, %jit3A_1107 : i32
        %sign3A_1109 = arith.constant 0 : i32
        %sign3A_1110 = arith.cmpi sgt, %select_n3A_1090, %sign3A_1109 : i32
        %sign3A_1111 = arith.extui %sign3A_1110 : i1 to i32
        %sign3A_1112 = arith.constant 0 : i32
        %sign3A_1113 = arith.cmpi slt, %select_n3A_1090, %sign3A_1112 : i32
        %sign3A_1114 = arith.extui %sign3A_1113 : i1 to i32
        %sign3A_1115 = arith.subi %sign3A_1111, %sign3A_1114 : i32
        %sign3A_1116 = arith.constant 0 : i32
        %sign3A_1117 = arith.cmpi sgt, %jit3A_1107, %sign3A_1116 : i32
        %sign3A_1118 = arith.extui %sign3A_1117 : i1 to i32
        %sign3A_1119 = arith.constant 0 : i32
        %sign3A_1120 = arith.cmpi slt, %jit3A_1107, %sign3A_1119 : i32
        %sign3A_1121 = arith.extui %sign3A_1120 : i1 to i32
        %sign3A_1122 = arith.subi %sign3A_1118, %sign3A_1121 : i32
        %ne3A_1123 = arith.cmpi ne, %sign3A_1115, %sign3A_1122 : i32
        %rem3A_1124 = arith.remsi %select_n3A_1090, %jit3A_1107 : i32
        %ne3A_1125 = arith.constant 0 : i32
        %ne3A_1126 = arith.cmpi ne, %rem3A_1124, %ne3A_1125 : i32
        %and3A_1127 = arith.andi %ne3A_1123, %ne3A_1126 : i1
        %sub3A_1128 = arith.constant 1 : i32
        %sub3A_1129 = arith.subi %div3A_1108, %sub3A_1128 : i32
        %select_n3A_1130 = arith.select %and3A_1127, %sub3A_1129, %div3A_1108 : i32
        %jit3A_1131 = arith.constant 14 : i32
        %eq3A_1132 = arith.constant 0 : i32
        %eq3A_1133 = arith.cmpi eq, %jit3A_1131, %eq3A_1132 : i32
        %jit3A_1134 = arith.constant 1 : i32
        %select_n3A_1135 = arith.select %eq3A_1133, %jit3A_1134, %jit3A_1131 : i32
        %rem3A_1136 = arith.remsi %select_n3A_1090, %select_n3A_1135 : i32
        %ne3A_1137 = arith.constant 0 : i32
        %ne3A_1138 = arith.cmpi ne, %rem3A_1136, %ne3A_1137 : i32
        %lt3A_1139 = arith.constant 0 : i32
        %lt3A_1140 = arith.cmpi slt, %rem3A_1136, %lt3A_1139 : i32
        %lt3A_1141 = arith.constant 0 : i32
        %lt3A_1142 = arith.cmpi slt, %select_n3A_1135, %lt3A_1141 : i32
        %ne3A_1143 = arith.xori %lt3A_1140, %lt3A_1142 : i1
        %and3A_1144 = arith.andi %ne3A_1143, %ne3A_1138 : i1
        %add3A_1145 = arith.addi %rem3A_1136, %select_n3A_1135 : i32
        %select_n3A_1146 = arith.select %and3A_1144, %add3A_1145, %rem3A_1136 : i32
        %dma_start3A = arith.constant 1 : i32
        %dma_start3A_1147 = arith.constant 0 : i32
        %dma_start3A_1148 = arith.constant 0 : i32
        %dma_start3A_1149 = arith.constant 0 : i32
        %dma_start3A_1150 = tpu.memref_slice %arg7[%dma_start3A, %dma_start3A_1147, %dma_start3A_1148, %dma_start3A_1149] : memref<8x20x16x16xi32, #tpu.memory_space<vmem>> -> memref<1x20x16x16xi32, #tpu.memory_space<vmem>>
        %dma_start3A_1151 = tpu.memref_squeeze %dma_start3A_1150 : memref<1x20x16x16xi32, #tpu.memory_space<vmem>> -> memref<20x16x16xi32, #tpu.memory_space<vmem>>
        %dma_start3A_1152 = arith.constant 0 : i32
        %dma_start3A_1153 = arith.constant 0 : i32
        %dma_start3A_1154 = arith.constant 0 : i32
        %dma_start3A_1155 = tpu.memref_slice %arg4[%select_n3A_1106, %dma_start3A_1152, %select_n3A_1130, %dma_start3A_1153, %select_n3A_1146, %dma_start3A_1154] : memref<16x20x14x16x14x16xi32, #tpu.memory_space<hbm>> -> memref<1x20x1x16x1x16xi32, #tpu.memory_space<hbm>>
        %dma_start3A_1156 = tpu.memref_squeeze %dma_start3A_1155 : memref<1x20x1x16x1x16xi32, #tpu.memory_space<hbm>> -> memref<20x16x16xi32, #tpu.memory_space<hbm>>
        %dma_start3A_1157 = arith.constant 0 : i32
        %dma_start3A_1158 = arith.constant 0 : i32
        %dma_start3A_1159 = arith.constant 0 : i32
        %dma_start3A_1160 = tpu.memref_slice %arg4[%select_n3A_1106, %dma_start3A_1157, %select_n3A_1130, %dma_start3A_1158, %select_n3A_1146, %dma_start3A_1159] : memref<16x20x14x16x14x16xi32, #tpu.memory_space<hbm>> -> memref<1x20x1x16x1x16xi32, #tpu.memory_space<hbm>>
        %dma_start3A_1161 = tpu.memref_squeeze %dma_start3A_1160 : memref<1x20x1x16x1x16xi32, #tpu.memory_space<hbm>> -> memref<20x16x16xi32, #tpu.memory_space<hbm>>
        %dma_start3A_1162 = arith.constant 0 : i32
        %dma_start3A_1163 = arith.constant 0 : i32
        %dma_start3A_1164 = arith.constant 0 : i32
        %dma_start3A_1165 = tpu.memref_slice %arg7[%dma_start3A, %dma_start3A_1162, %dma_start3A_1163, %dma_start3A_1164] : memref<8x20x16x16xi32, #tpu.memory_space<vmem>> -> memref<1x20x16x16xi32, #tpu.memory_space<vmem>>
        %dma_start3A_1166 = tpu.memref_squeeze %dma_start3A_1165 : memref<1x20x16x16xi32, #tpu.memory_space<vmem>> -> memref<20x16x16xi32, #tpu.memory_space<vmem>>
        tpu.enqueue_dma source(%dma_start3A_1166 : memref<20x16x16xi32, #tpu.memory_space<vmem>>) target(%dma_start3A_1161 : memref<20x16x16xi32, #tpu.memory_space<hbm>>) target_semaphore(%arg10 : memref<!tpu.dma_semaphore, #tpu.memory_space<semaphore_mem>>)
      } else {
      }
      %mul3A_998 = arith.constant 8 : i32
      %mul3A_999 = arith.muli %scan3A_846, %mul3A_998 : i32
      %add3A_1000 = arith.constant 2 : i32
      %add3A_1001 = arith.addi %mul3A_999, %add3A_1000 : i32
      %lt3A_1002 = arith.constant 98 : i32
      %lt3A_1003 = arith.cmpi slt, %add3A_1001, %lt3A_1002 : i32
      %convert_element_type3A_1004 = arith.extui %lt3A_1003 : i1 to i32
      %cond3A_1005 = arith.constant 0 : i32
      %cond3A_1006 = arith.cmpi ne, %convert_element_type3A_1004, %cond3A_1005 : i32
      scf.if %cond3A_1006 {
        %dma_wait3A_1052 = arith.constant 2 : i32
        %dma_wait3A_1053 = arith.constant 2 : i32
        %dma_wait3A_1054 = arith.constant 0 : i32
        %dma_wait3A_1055 = arith.constant 0 : i32
        %dma_wait3A_1056 = arith.constant 0 : i32
        %dma_wait3A_1057 = tpu.memref_slice %arg7[%dma_wait3A_1053, %dma_wait3A_1054, %dma_wait3A_1055, %dma_wait3A_1056] : memref<8x20x16x16xi32, #tpu.memory_space<vmem>> -> memref<1x20x16x16xi32, #tpu.memory_space<vmem>>
        %dma_wait3A_1058 = tpu.memref_squeeze %dma_wait3A_1057 : memref<1x20x16x16xi32, #tpu.memory_space<vmem>> -> memref<20x16x16xi32, #tpu.memory_space<vmem>>
        %dma_wait3A_1059 = arith.constant 0 : i32
        %dma_wait3A_1060 = tpu.memref_slice %arg6[%dma_wait3A_1052, %dma_wait3A_1059] : memref<8x20xi32, #tpu.memory_space<vmem>> -> memref<1x20xi32, #tpu.memory_space<vmem>>
        %dma_wait3A_1061 = tpu.memref_squeeze %dma_wait3A_1060 : memref<1x20xi32, #tpu.memory_space<vmem>> -> memref<20xi32, #tpu.memory_space<vmem>>
        %dma_wait3A_1062 = arith.constant 0 : i32
        %dma_wait3A_1063 = arith.constant 0 : i32
        %dma_wait3A_1064 = arith.constant 0 : i32
        %dma_wait3A_1065 = tpu.memref_slice %arg2[%dma_wait3A_1062, %dma_wait3A_1063, %dma_wait3A_1064] : memref<98000x16x16xi32, #tpu.memory_space<hbm>> -> memref<98000x16x16xi32, #tpu.memory_space<hbm>>
        tpu.wait_indirect_dma semaphore(%arg9 : memref<!tpu.dma_semaphore, #tpu.memory_space<semaphore_mem>>) src(%dma_wait3A_1065 : memref<98000x16x16xi32, #tpu.memory_space<hbm>>) dst(%dma_wait3A_1058 : memref<20x16x16xi32, #tpu.memory_space<vmem>>)
        %add3A_1066 = arith.addi %mul3A_2, %add3A_1001 : i32
        %jit3A_1067 = arith.constant 16 : i32
        %div3A_1068 = arith.divsi %add3A_1066, %jit3A_1067 : i32
        %sign3A_1069 = arith.constant 0 : i32
        %sign3A_1070 = arith.cmpi sgt, %add3A_1066, %sign3A_1069 : i32
        %sign3A_1071 = arith.extui %sign3A_1070 : i1 to i32
        %sign3A_1072 = arith.constant 0 : i32
        %sign3A_1073 = arith.cmpi slt, %add3A_1066, %sign3A_1072 : i32
        %sign3A_1074 = arith.extui %sign3A_1073 : i1 to i32
        %sign3A_1075 = arith.subi %sign3A_1071, %sign3A_1074 : i32
        %sign3A_1076 = arith.constant 0 : i32
        %sign3A_1077 = arith.cmpi sgt, %jit3A_1067, %sign3A_1076 : i32
        %sign3A_1078 = arith.extui %sign3A_1077 : i1 to i32
        %sign3A_1079 = arith.constant 0 : i32
        %sign3A_1080 = arith.cmpi slt, %jit3A_1067, %sign3A_1079 : i32
        %sign3A_1081 = arith.extui %sign3A_1080 : i1 to i32
        %sign3A_1082 = arith.subi %sign3A_1078, %sign3A_1081 : i32
        %ne3A_1083 = arith.cmpi ne, %sign3A_1075, %sign3A_1082 : i32
        %rem3A_1084 = arith.remsi %add3A_1066, %jit3A_1067 : i32
        %ne3A_1085 = arith.constant 0 : i32
        %ne3A_1086 = arith.cmpi ne, %rem3A_1084, %ne3A_1085 : i32
        %and3A_1087 = arith.andi %ne3A_1083, %ne3A_1086 : i1
        %sub3A_1088 = arith.constant 1 : i32
        %sub3A_1089 = arith.subi %div3A_1068, %sub3A_1088 : i32
        %select_n3A_1090 = arith.select %and3A_1087, %sub3A_1089, %div3A_1068 : i32
        %jit3A_1091 = arith.constant 16 : i32
        %eq3A_1092 = arith.constant 0 : i32
        %eq3A_1093 = arith.cmpi eq, %jit3A_1091, %eq3A_1092 : i32
        %jit3A_1094 = arith.constant 1 : i32
        %select_n3A_1095 = arith.select %eq3A_1093, %jit3A_1094, %jit3A_1091 : i32
        %rem3A_1096 = arith.remsi %add3A_1066, %select_n3A_1095 : i32
        %ne3A_1097 = arith.constant 0 : i32
        %ne3A_1098 = arith.cmpi ne, %rem3A_1096, %ne3A_1097 : i32
        %lt3A_1099 = arith.constant 0 : i32
        %lt3A_1100 = arith.cmpi slt, %rem3A_1096, %lt3A_1099 : i32
        %lt3A_1101 = arith.constant 0 : i32
        %lt3A_1102 = arith.cmpi slt, %select_n3A_1095, %lt3A_1101 : i32
        %ne3A_1103 = arith.xori %lt3A_1100, %lt3A_1102 : i1
        %and3A_1104 = arith.andi %ne3A_1103, %ne3A_1098 : i1
        %add3A_1105 = arith.addi %rem3A_1096, %select_n3A_1095 : i32
        %select_n3A_1106 = arith.select %and3A_1104, %add3A_1105, %rem3A_1096 : i32
        %jit3A_1107 = arith.constant 14 : i32
        %div3A_1108 = arith.divsi %select_n3A_1090, %jit3A_1107 : i32
        %sign3A_1109 = arith.constant 0 : i32
        %sign3A_1110 = arith.cmpi sgt, %select_n3A_1090, %sign3A_1109 : i32
        %sign3A_1111 = arith.extui %sign3A_1110 : i1 to i32
        %sign3A_1112 = arith.constant 0 : i32
        %sign3A_1113 = arith.cmpi slt, %select_n3A_1090, %sign3A_1112 : i32
        %sign3A_1114 = arith.extui %sign3A_1113 : i1 to i32
        %sign3A_1115 = arith.subi %sign3A_1111, %sign3A_1114 : i32
        %sign3A_1116 = arith.constant 0 : i32
        %sign3A_1117 = arith.cmpi sgt, %jit3A_1107, %sign3A_1116 : i32
        %sign3A_1118 = arith.extui %sign3A_1117 : i1 to i32
        %sign3A_1119 = arith.constant 0 : i32
        %sign3A_1120 = arith.cmpi slt, %jit3A_1107, %sign3A_1119 : i32
        %sign3A_1121 = arith.extui %sign3A_1120 : i1 to i32
        %sign3A_1122 = arith.subi %sign3A_1118, %sign3A_1121 : i32
        %ne3A_1123 = arith.cmpi ne, %sign3A_1115, %sign3A_1122 : i32
        %rem3A_1124 = arith.remsi %select_n3A_1090, %jit3A_1107 : i32
        %ne3A_1125 = arith.constant 0 : i32
        %ne3A_1126 = arith.cmpi ne, %rem3A_1124, %ne3A_1125 : i32
        %and3A_1127 = arith.andi %ne3A_1123, %ne3A_1126 : i1
        %sub3A_1128 = arith.constant 1 : i32
        %sub3A_1129 = arith.subi %div3A_1108, %sub3A_1128 : i32
        %select_n3A_1130 = arith.select %and3A_1127, %sub3A_1129, %div3A_1108 : i32
        %jit3A_1131 = arith.constant 14 : i32
        %eq3A_1132 = arith.constant 0 : i32
        %eq3A_1133 = arith.cmpi eq, %jit3A_1131, %eq3A_1132 : i32
        %jit3A_1134 = arith.constant 1 : i32
        %select_n3A_1135 = arith.select %eq3A_1133, %jit3A_1134, %jit3A_1131 : i32
        %rem3A_1136 = arith.remsi %select_n3A_1090, %select_n3A_1135 : i32
        %ne3A_1137 = arith.constant 0 : i32
        %ne3A_1138 = arith.cmpi ne, %rem3A_1136, %ne3A_1137 : i32
        %lt3A_1139 = arith.constant 0 : i32
        %lt3A_1140 = arith.cmpi slt, %rem3A_1136, %lt3A_1139 : i32
        %lt3A_1141 = arith.constant 0 : i32
        %lt3A_1142 = arith.cmpi slt, %select_n3A_1135, %lt3A_1141 : i32
        %ne3A_1143 = arith.xori %lt3A_1140, %lt3A_1142 : i1
        %and3A_1144 = arith.andi %ne3A_1143, %ne3A_1138 : i1
        %add3A_1145 = arith.addi %rem3A_1136, %select_n3A_1135 : i32
        %select_n3A_1146 = arith.select %and3A_1144, %add3A_1145, %rem3A_1136 : i32
        %dma_start3A = arith.constant 2 : i32
        %dma_start3A_1147 = arith.constant 0 : i32
        %dma_start3A_1148 = arith.constant 0 : i32
        %dma_start3A_1149 = arith.constant 0 : i32
        %dma_start3A_1150 = tpu.memref_slice %arg7[%dma_start3A, %dma_start3A_1147, %dma_start3A_1148, %dma_start3A_1149] : memref<8x20x16x16xi32, #tpu.memory_space<vmem>> -> memref<1x20x16x16xi32, #tpu.memory_space<vmem>>
        %dma_start3A_1151 = tpu.memref_squeeze %dma_start3A_1150 : memref<1x20x16x16xi32, #tpu.memory_space<vmem>> -> memref<20x16x16xi32, #tpu.memory_space<vmem>>
        %dma_start3A_1152 = arith.constant 0 : i32
        %dma_start3A_1153 = arith.constant 0 : i32
        %dma_start3A_1154 = arith.constant 0 : i32
        %dma_start3A_1155 = tpu.memref_slice %arg4[%select_n3A_1106, %dma_start3A_1152, %select_n3A_1130, %dma_start3A_1153, %select_n3A_1146, %dma_start3A_1154] : memref<16x20x14x16x14x16xi32, #tpu.memory_space<hbm>> -> memref<1x20x1x16x1x16xi32, #tpu.memory_space<hbm>>
        %dma_start3A_1156 = tpu.memref_squeeze %dma_start3A_1155 : memref<1x20x1x16x1x16xi32, #tpu.memory_space<hbm>> -> memref<20x16x16xi32, #tpu.memory_space<hbm>>
        %dma_start3A_1157 = arith.constant 0 : i32
        %dma_start3A_1158 = arith.constant 0 : i32
        %dma_start3A_1159 = arith.constant 0 : i32
        %dma_start3A_1160 = tpu.memref_slice %arg4[%select_n3A_1106, %dma_start3A_1157, %select_n3A_1130, %dma_start3A_1158, %select_n3A_1146, %dma_start3A_1159] : memref<16x20x14x16x14x16xi32, #tpu.memory_space<hbm>> -> memref<1x20x1x16x1x16xi32, #tpu.memory_space<hbm>>
        %dma_start3A_1161 = tpu.memref_squeeze %dma_start3A_1160 : memref<1x20x1x16x1x16xi32, #tpu.memory_space<hbm>> -> memref<20x16x16xi32, #tpu.memory_space<hbm>>
        %dma_start3A_1162 = arith.constant 0 : i32
        %dma_start3A_1163 = arith.constant 0 : i32
        %dma_start3A_1164 = arith.constant 0 : i32
        %dma_start3A_1165 = tpu.memref_slice %arg7[%dma_start3A, %dma_start3A_1162, %dma_start3A_1163, %dma_start3A_1164] : memref<8x20x16x16xi32, #tpu.memory_space<vmem>> -> memref<1x20x16x16xi32, #tpu.memory_space<vmem>>
        %dma_start3A_1166 = tpu.memref_squeeze %dma_start3A_1165 : memref<1x20x16x16xi32, #tpu.memory_space<vmem>> -> memref<20x16x16xi32, #tpu.memory_space<vmem>>
        tpu.enqueue_dma source(%dma_start3A_1166 : memref<20x16x16xi32, #tpu.memory_space<vmem>>) target(%dma_start3A_1161 : memref<20x16x16xi32, #tpu.memory_space<hbm>>) target_semaphore(%arg10 : memref<!tpu.dma_semaphore, #tpu.memory_space<semaphore_mem>>)
      } else {
      }
      %mul3A_1007 = arith.constant 8 : i32
      %mul3A_1008 = arith.muli %scan3A_846, %mul3A_1007 : i32
      %add3A_1009 = arith.constant 3 : i32
      %add3A_1010 = arith.addi %mul3A_1008, %add3A_1009 : i32
      %lt3A_1011 = arith.constant 98 : i32
      %lt3A_1012 = arith.cmpi slt, %add3A_1010, %lt3A_1011 : i32
      %convert_element_type3A_1013 = arith.extui %lt3A_1012 : i1 to i32
      %cond3A_1014 = arith.constant 0 : i32
      %cond3A_1015 = arith.cmpi ne, %convert_element_type3A_1013, %cond3A_1014 : i32
      scf.if %cond3A_1015 {
        %dma_wait3A_1052 = arith.constant 3 : i32
        %dma_wait3A_1053 = arith.constant 3 : i32
        %dma_wait3A_1054 = arith.constant 0 : i32
        %dma_wait3A_1055 = arith.constant 0 : i32
        %dma_wait3A_1056 = arith.constant 0 : i32
        %dma_wait3A_1057 = tpu.memref_slice %arg7[%dma_wait3A_1053, %dma_wait3A_1054, %dma_wait3A_1055, %dma_wait3A_1056] : memref<8x20x16x16xi32, #tpu.memory_space<vmem>> -> memref<1x20x16x16xi32, #tpu.memory_space<vmem>>
        %dma_wait3A_1058 = tpu.memref_squeeze %dma_wait3A_1057 : memref<1x20x16x16xi32, #tpu.memory_space<vmem>> -> memref<20x16x16xi32, #tpu.memory_space<vmem>>
        %dma_wait3A_1059 = arith.constant 0 : i32
        %dma_wait3A_1060 = tpu.memref_slice %arg6[%dma_wait3A_1052, %dma_wait3A_1059] : memref<8x20xi32, #tpu.memory_space<vmem>> -> memref<1x20xi32, #tpu.memory_space<vmem>>
        %dma_wait3A_1061 = tpu.memref_squeeze %dma_wait3A_1060 : memref<1x20xi32, #tpu.memory_space<vmem>> -> memref<20xi32, #tpu.memory_space<vmem>>
        %dma_wait3A_1062 = arith.constant 0 : i32
        %dma_wait3A_1063 = arith.constant 0 : i32
        %dma_wait3A_1064 = arith.constant 0 : i32
        %dma_wait3A_1065 = tpu.memref_slice %arg2[%dma_wait3A_1062, %dma_wait3A_1063, %dma_wait3A_1064] : memref<98000x16x16xi32, #tpu.memory_space<hbm>> -> memref<98000x16x16xi32, #tpu.memory_space<hbm>>
        tpu.wait_indirect_dma semaphore(%arg9 : memref<!tpu.dma_semaphore, #tpu.memory_space<semaphore_mem>>) src(%dma_wait3A_1065 : memref<98000x16x16xi32, #tpu.memory_space<hbm>>) dst(%dma_wait3A_1058 : memref<20x16x16xi32, #tpu.memory_space<vmem>>)
        %add3A_1066 = arith.addi %mul3A_2, %add3A_1010 : i32
        %jit3A_1067 = arith.constant 16 : i32
        %div3A_1068 = arith.divsi %add3A_1066, %jit3A_1067 : i32
        %sign3A_1069 = arith.constant 0 : i32
        %sign3A_1070 = arith.cmpi sgt, %add3A_1066, %sign3A_1069 : i32
        %sign3A_1071 = arith.extui %sign3A_1070 : i1 to i32
        %sign3A_1072 = arith.constant 0 : i32
        %sign3A_1073 = arith.cmpi slt, %add3A_1066, %sign3A_1072 : i32
        %sign3A_1074 = arith.extui %sign3A_1073 : i1 to i32
        %sign3A_1075 = arith.subi %sign3A_1071, %sign3A_1074 : i32
        %sign3A_1076 = arith.constant 0 : i32
        %sign3A_1077 = arith.cmpi sgt, %jit3A_1067, %sign3A_1076 : i32
        %sign3A_1078 = arith.extui %sign3A_1077 : i1 to i32
        %sign3A_1079 = arith.constant 0 : i32
        %sign3A_1080 = arith.cmpi slt, %jit3A_1067, %sign3A_1079 : i32
        %sign3A_1081 = arith.extui %sign3A_1080 : i1 to i32
        %sign3A_1082 = arith.subi %sign3A_1078, %sign3A_1081 : i32
        %ne3A_1083 = arith.cmpi ne, %sign3A_1075, %sign3A_1082 : i32
        %rem3A_1084 = arith.remsi %add3A_1066, %jit3A_1067 : i32
        %ne3A_1085 = arith.constant 0 : i32
        %ne3A_1086 = arith.cmpi ne, %rem3A_1084, %ne3A_1085 : i32
        %and3A_1087 = arith.andi %ne3A_1083, %ne3A_1086 : i1
        %sub3A_1088 = arith.constant 1 : i32
        %sub3A_1089 = arith.subi %div3A_1068, %sub3A_1088 : i32
        %select_n3A_1090 = arith.select %and3A_1087, %sub3A_1089, %div3A_1068 : i32
        %jit3A_1091 = arith.constant 16 : i32
        %eq3A_1092 = arith.constant 0 : i32
        %eq3A_1093 = arith.cmpi eq, %jit3A_1091, %eq3A_1092 : i32
        %jit3A_1094 = arith.constant 1 : i32
        %select_n3A_1095 = arith.select %eq3A_1093, %jit3A_1094, %jit3A_1091 : i32
        %rem3A_1096 = arith.remsi %add3A_1066, %select_n3A_1095 : i32
        %ne3A_1097 = arith.constant 0 : i32
        %ne3A_1098 = arith.cmpi ne, %rem3A_1096, %ne3A_1097 : i32
        %lt3A_1099 = arith.constant 0 : i32
        %lt3A_1100 = arith.cmpi slt, %rem3A_1096, %lt3A_1099 : i32
        %lt3A_1101 = arith.constant 0 : i32
        %lt3A_1102 = arith.cmpi slt, %select_n3A_1095, %lt3A_1101 : i32
        %ne3A_1103 = arith.xori %lt3A_1100, %lt3A_1102 : i1
        %and3A_1104 = arith.andi %ne3A_1103, %ne3A_1098 : i1
        %add3A_1105 = arith.addi %rem3A_1096, %select_n3A_1095 : i32
        %select_n3A_1106 = arith.select %and3A_1104, %add3A_1105, %rem3A_1096 : i32
        %jit3A_1107 = arith.constant 14 : i32
        %div3A_1108 = arith.divsi %select_n3A_1090, %jit3A_1107 : i32
        %sign3A_1109 = arith.constant 0 : i32
        %sign3A_1110 = arith.cmpi sgt, %select_n3A_1090, %sign3A_1109 : i32
        %sign3A_1111 = arith.extui %sign3A_1110 : i1 to i32
        %sign3A_1112 = arith.constant 0 : i32
        %sign3A_1113 = arith.cmpi slt, %select_n3A_1090, %sign3A_1112 : i32
        %sign3A_1114 = arith.extui %sign3A_1113 : i1 to i32
        %sign3A_1115 = arith.subi %sign3A_1111, %sign3A_1114 : i32
        %sign3A_1116 = arith.constant 0 : i32
        %sign3A_1117 = arith.cmpi sgt, %jit3A_1107, %sign3A_1116 : i32
        %sign3A_1118 = arith.extui %sign3A_1117 : i1 to i32
        %sign3A_1119 = arith.constant 0 : i32
        %sign3A_1120 = arith.cmpi slt, %jit3A_1107, %sign3A_1119 : i32
        %sign3A_1121 = arith.extui %sign3A_1120 : i1 to i32
        %sign3A_1122 = arith.subi %sign3A_1118, %sign3A_1121 : i32
        %ne3A_1123 = arith.cmpi ne, %sign3A_1115, %sign3A_1122 : i32
        %rem3A_1124 = arith.remsi %select_n3A_1090, %jit3A_1107 : i32
        %ne3A_1125 = arith.constant 0 : i32
        %ne3A_1126 = arith.cmpi ne, %rem3A_1124, %ne3A_1125 : i32
        %and3A_1127 = arith.andi %ne3A_1123, %ne3A_1126 : i1
        %sub3A_1128 = arith.constant 1 : i32
        %sub3A_1129 = arith.subi %div3A_1108, %sub3A_1128 : i32
        %select_n3A_1130 = arith.select %and3A_1127, %sub3A_1129, %div3A_1108 : i32
        %jit3A_1131 = arith.constant 14 : i32
        %eq3A_1132 = arith.constant 0 : i32
        %eq3A_1133 = arith.cmpi eq, %jit3A_1131, %eq3A_1132 : i32
        %jit3A_1134 = arith.constant 1 : i32
        %select_n3A_1135 = arith.select %eq3A_1133, %jit3A_1134, %jit3A_1131 : i32
        %rem3A_1136 = arith.remsi %select_n3A_1090, %select_n3A_1135 : i32
        %ne3A_1137 = arith.constant 0 : i32
        %ne3A_1138 = arith.cmpi ne, %rem3A_1136, %ne3A_1137 : i32
        %lt3A_1139 = arith.constant 0 : i32
        %lt3A_1140 = arith.cmpi slt, %rem3A_1136, %lt3A_1139 : i32
        %lt3A_1141 = arith.constant 0 : i32
        %lt3A_1142 = arith.cmpi slt, %select_n3A_1135, %lt3A_1141 : i32
        %ne3A_1143 = arith.xori %lt3A_1140, %lt3A_1142 : i1
        %and3A_1144 = arith.andi %ne3A_1143, %ne3A_1138 : i1
        %add3A_1145 = arith.addi %rem3A_1136, %select_n3A_1135 : i32
        %select_n3A_1146 = arith.select %and3A_1144, %add3A_1145, %rem3A_1136 : i32
        %dma_start3A = arith.constant 3 : i32
        %dma_start3A_1147 = arith.constant 0 : i32
        %dma_start3A_1148 = arith.constant 0 : i32
        %dma_start3A_1149 = arith.constant 0 : i32
        %dma_start3A_1150 = tpu.memref_slice %arg7[%dma_start3A, %dma_start3A_1147, %dma_start3A_1148, %dma_start3A_1149] : memref<8x20x16x16xi32, #tpu.memory_space<vmem>> -> memref<1x20x16x16xi32, #tpu.memory_space<vmem>>
        %dma_start3A_1151 = tpu.memref_squeeze %dma_start3A_1150 : memref<1x20x16x16xi32, #tpu.memory_space<vmem>> -> memref<20x16x16xi32, #tpu.memory_space<vmem>>
        %dma_start3A_1152 = arith.constant 0 : i32
        %dma_start3A_1153 = arith.constant 0 : i32
        %dma_start3A_1154 = arith.constant 0 : i32
        %dma_start3A_1155 = tpu.memref_slice %arg4[%select_n3A_1106, %dma_start3A_1152, %select_n3A_1130, %dma_start3A_1153, %select_n3A_1146, %dma_start3A_1154] : memref<16x20x14x16x14x16xi32, #tpu.memory_space<hbm>> -> memref<1x20x1x16x1x16xi32, #tpu.memory_space<hbm>>
        %dma_start3A_1156 = tpu.memref_squeeze %dma_start3A_1155 : memref<1x20x1x16x1x16xi32, #tpu.memory_space<hbm>> -> memref<20x16x16xi32, #tpu.memory_space<hbm>>
        %dma_start3A_1157 = arith.constant 0 : i32
        %dma_start3A_1158 = arith.constant 0 : i32
        %dma_start3A_1159 = arith.constant 0 : i32
        %dma_start3A_1160 = tpu.memref_slice %arg4[%select_n3A_1106, %dma_start3A_1157, %select_n3A_1130, %dma_start3A_1158, %select_n3A_1146, %dma_start3A_1159] : memref<16x20x14x16x14x16xi32, #tpu.memory_space<hbm>> -> memref<1x20x1x16x1x16xi32, #tpu.memory_space<hbm>>
        %dma_start3A_1161 = tpu.memref_squeeze %dma_start3A_1160 : memref<1x20x1x16x1x16xi32, #tpu.memory_space<hbm>> -> memref<20x16x16xi32, #tpu.memory_space<hbm>>
        %dma_start3A_1162 = arith.constant 0 : i32
        %dma_start3A_1163 = arith.constant 0 : i32
        %dma_start3A_1164 = arith.constant 0 : i32
        %dma_start3A_1165 = tpu.memref_slice %arg7[%dma_start3A, %dma_start3A_1162, %dma_start3A_1163, %dma_start3A_1164] : memref<8x20x16x16xi32, #tpu.memory_space<vmem>> -> memref<1x20x16x16xi32, #tpu.memory_space<vmem>>
        %dma_start3A_1166 = tpu.memref_squeeze %dma_start3A_1165 : memref<1x20x16x16xi32, #tpu.memory_space<vmem>> -> memref<20x16x16xi32, #tpu.memory_space<vmem>>
        tpu.enqueue_dma source(%dma_start3A_1166 : memref<20x16x16xi32, #tpu.memory_space<vmem>>) target(%dma_start3A_1161 : memref<20x16x16xi32, #tpu.memory_space<hbm>>) target_semaphore(%arg10 : memref<!tpu.dma_semaphore, #tpu.memory_space<semaphore_mem>>)
      } else {
      }
      %mul3A_1016 = arith.constant 8 : i32
      %mul3A_1017 = arith.muli %scan3A_846, %mul3A_1016 : i32
      %add3A_1018 = arith.constant 4 : i32
      %add3A_1019 = arith.addi %mul3A_1017, %add3A_1018 : i32
      %lt3A_1020 = arith.constant 98 : i32
      %lt3A_1021 = arith.cmpi slt, %add3A_1019, %lt3A_1020 : i32
      %convert_element_type3A_1022 = arith.extui %lt3A_1021 : i1 to i32
      %cond3A_1023 = arith.constant 0 : i32
      %cond3A_1024 = arith.cmpi ne, %convert_element_type3A_1022, %cond3A_1023 : i32
      scf.if %cond3A_1024 {
        %dma_wait3A_1052 = arith.constant 4 : i32
        %dma_wait3A_1053 = arith.constant 4 : i32
        %dma_wait3A_1054 = arith.constant 0 : i32
        %dma_wait3A_1055 = arith.constant 0 : i32
        %dma_wait3A_1056 = arith.constant 0 : i32
        %dma_wait3A_1057 = tpu.memref_slice %arg7[%dma_wait3A_1053, %dma_wait3A_1054, %dma_wait3A_1055, %dma_wait3A_1056] : memref<8x20x16x16xi32, #tpu.memory_space<vmem>> -> memref<1x20x16x16xi32, #tpu.memory_space<vmem>>
        %dma_wait3A_1058 = tpu.memref_squeeze %dma_wait3A_1057 : memref<1x20x16x16xi32, #tpu.memory_space<vmem>> -> memref<20x16x16xi32, #tpu.memory_space<vmem>>
        %dma_wait3A_1059 = arith.constant 0 : i32
        %dma_wait3A_1060 = tpu.memref_slice %arg6[%dma_wait3A_1052, %dma_wait3A_1059] : memref<8x20xi32, #tpu.memory_space<vmem>> -> memref<1x20xi32, #tpu.memory_space<vmem>>
        %dma_wait3A_1061 = tpu.memref_squeeze %dma_wait3A_1060 : memref<1x20xi32, #tpu.memory_space<vmem>> -> memref<20xi32, #tpu.memory_space<vmem>>
        %dma_wait3A_1062 = arith.constant 0 : i32
        %dma_wait3A_1063 = arith.constant 0 : i32
        %dma_wait3A_1064 = arith.constant 0 : i32
        %dma_wait3A_1065 = tpu.memref_slice %arg2[%dma_wait3A_1062, %dma_wait3A_1063, %dma_wait3A_1064] : memref<98000x16x16xi32, #tpu.memory_space<hbm>> -> memref<98000x16x16xi32, #tpu.memory_space<hbm>>
        tpu.wait_indirect_dma semaphore(%arg9 : memref<!tpu.dma_semaphore, #tpu.memory_space<semaphore_mem>>) src(%dma_wait3A_1065 : memref<98000x16x16xi32, #tpu.memory_space<hbm>>) dst(%dma_wait3A_1058 : memref<20x16x16xi32, #tpu.memory_space<vmem>>)
        %add3A_1066 = arith.addi %mul3A_2, %add3A_1019 : i32
        %jit3A_1067 = arith.constant 16 : i32
        %div3A_1068 = arith.divsi %add3A_1066, %jit3A_1067 : i32
        %sign3A_1069 = arith.constant 0 : i32
        %sign3A_1070 = arith.cmpi sgt, %add3A_1066, %sign3A_1069 : i32
        %sign3A_1071 = arith.extui %sign3A_1070 : i1 to i32
        %sign3A_1072 = arith.constant 0 : i32
        %sign3A_1073 = arith.cmpi slt, %add3A_1066, %sign3A_1072 : i32
        %sign3A_1074 = arith.extui %sign3A_1073 : i1 to i32
        %sign3A_1075 = arith.subi %sign3A_1071, %sign3A_1074 : i32
        %sign3A_1076 = arith.constant 0 : i32
        %sign3A_1077 = arith.cmpi sgt, %jit3A_1067, %sign3A_1076 : i32
        %sign3A_1078 = arith.extui %sign3A_1077 : i1 to i32
        %sign3A_1079 = arith.constant 0 : i32
        %sign3A_1080 = arith.cmpi slt, %jit3A_1067, %sign3A_1079 : i32
        %sign3A_1081 = arith.extui %sign3A_1080 : i1 to i32
        %sign3A_1082 = arith.subi %sign3A_1078, %sign3A_1081 : i32
        %ne3A_1083 = arith.cmpi ne, %sign3A_1075, %sign3A_1082 : i32
        %rem3A_1084 = arith.remsi %add3A_1066, %jit3A_1067 : i32
        %ne3A_1085 = arith.constant 0 : i32
        %ne3A_1086 = arith.cmpi ne, %rem3A_1084, %ne3A_1085 : i32
        %and3A_1087 = arith.andi %ne3A_1083, %ne3A_1086 : i1
        %sub3A_1088 = arith.constant 1 : i32
        %sub3A_1089 = arith.subi %div3A_1068, %sub3A_1088 : i32
        %select_n3A_1090 = arith.select %and3A_1087, %sub3A_1089, %div3A_1068 : i32
        %jit3A_1091 = arith.constant 16 : i32
        %eq3A_1092 = arith.constant 0 : i32
        %eq3A_1093 = arith.cmpi eq, %jit3A_1091, %eq3A_1092 : i32
        %jit3A_1094 = arith.constant 1 : i32
        %select_n3A_1095 = arith.select %eq3A_1093, %jit3A_1094, %jit3A_1091 : i32
        %rem3A_1096 = arith.remsi %add3A_1066, %select_n3A_1095 : i32
        %ne3A_1097 = arith.constant 0 : i32
        %ne3A_1098 = arith.cmpi ne, %rem3A_1096, %ne3A_1097 : i32
        %lt3A_1099 = arith.constant 0 : i32
        %lt3A_1100 = arith.cmpi slt, %rem3A_1096, %lt3A_1099 : i32
        %lt3A_1101 = arith.constant 0 : i32
        %lt3A_1102 = arith.cmpi slt, %select_n3A_1095, %lt3A_1101 : i32
        %ne3A_1103 = arith.xori %lt3A_1100, %lt3A_1102 : i1
        %and3A_1104 = arith.andi %ne3A_1103, %ne3A_1098 : i1
        %add3A_1105 = arith.addi %rem3A_1096, %select_n3A_1095 : i32
        %select_n3A_1106 = arith.select %and3A_1104, %add3A_1105, %rem3A_1096 : i32
        %jit3A_1107 = arith.constant 14 : i32
        %div3A_1108 = arith.divsi %select_n3A_1090, %jit3A_1107 : i32
        %sign3A_1109 = arith.constant 0 : i32
        %sign3A_1110 = arith.cmpi sgt, %select_n3A_1090, %sign3A_1109 : i32
        %sign3A_1111 = arith.extui %sign3A_1110 : i1 to i32
        %sign3A_1112 = arith.constant 0 : i32
        %sign3A_1113 = arith.cmpi slt, %select_n3A_1090, %sign3A_1112 : i32
        %sign3A_1114 = arith.extui %sign3A_1113 : i1 to i32
        %sign3A_1115 = arith.subi %sign3A_1111, %sign3A_1114 : i32
        %sign3A_1116 = arith.constant 0 : i32
        %sign3A_1117 = arith.cmpi sgt, %jit3A_1107, %sign3A_1116 : i32
        %sign3A_1118 = arith.extui %sign3A_1117 : i1 to i32
        %sign3A_1119 = arith.constant 0 : i32
        %sign3A_1120 = arith.cmpi slt, %jit3A_1107, %sign3A_1119 : i32
        %sign3A_1121 = arith.extui %sign3A_1120 : i1 to i32
        %sign3A_1122 = arith.subi %sign3A_1118, %sign3A_1121 : i32
        %ne3A_1123 = arith.cmpi ne, %sign3A_1115, %sign3A_1122 : i32
        %rem3A_1124 = arith.remsi %select_n3A_1090, %jit3A_1107 : i32
        %ne3A_1125 = arith.constant 0 : i32
        %ne3A_1126 = arith.cmpi ne, %rem3A_1124, %ne3A_1125 : i32
        %and3A_1127 = arith.andi %ne3A_1123, %ne3A_1126 : i1
        %sub3A_1128 = arith.constant 1 : i32
        %sub3A_1129 = arith.subi %div3A_1108, %sub3A_1128 : i32
        %select_n3A_1130 = arith.select %and3A_1127, %sub3A_1129, %div3A_1108 : i32
        %jit3A_1131 = arith.constant 14 : i32
        %eq3A_1132 = arith.constant 0 : i32
        %eq3A_1133 = arith.cmpi eq, %jit3A_1131, %eq3A_1132 : i32
        %jit3A_1134 = arith.constant 1 : i32
        %select_n3A_1135 = arith.select %eq3A_1133, %jit3A_1134, %jit3A_1131 : i32
        %rem3A_1136 = arith.remsi %select_n3A_1090, %select_n3A_1135 : i32
        %ne3A_1137 = arith.constant 0 : i32
        %ne3A_1138 = arith.cmpi ne, %rem3A_1136, %ne3A_1137 : i32
        %lt3A_1139 = arith.constant 0 : i32
        %lt3A_1140 = arith.cmpi slt, %rem3A_1136, %lt3A_1139 : i32
        %lt3A_1141 = arith.constant 0 : i32
        %lt3A_1142 = arith.cmpi slt, %select_n3A_1135, %lt3A_1141 : i32
        %ne3A_1143 = arith.xori %lt3A_1140, %lt3A_1142 : i1
        %and3A_1144 = arith.andi %ne3A_1143, %ne3A_1138 : i1
        %add3A_1145 = arith.addi %rem3A_1136, %select_n3A_1135 : i32
        %select_n3A_1146 = arith.select %and3A_1144, %add3A_1145, %rem3A_1136 : i32
        %dma_start3A = arith.constant 4 : i32
        %dma_start3A_1147 = arith.constant 0 : i32
        %dma_start3A_1148 = arith.constant 0 : i32
        %dma_start3A_1149 = arith.constant 0 : i32
        %dma_start3A_1150 = tpu.memref_slice %arg7[%dma_start3A, %dma_start3A_1147, %dma_start3A_1148, %dma_start3A_1149] : memref<8x20x16x16xi32, #tpu.memory_space<vmem>> -> memref<1x20x16x16xi32, #tpu.memory_space<vmem>>
        %dma_start3A_1151 = tpu.memref_squeeze %dma_start3A_1150 : memref<1x20x16x16xi32, #tpu.memory_space<vmem>> -> memref<20x16x16xi32, #tpu.memory_space<vmem>>
        %dma_start3A_1152 = arith.constant 0 : i32
        %dma_start3A_1153 = arith.constant 0 : i32
        %dma_start3A_1154 = arith.constant 0 : i32
        %dma_start3A_1155 = tpu.memref_slice %arg4[%select_n3A_1106, %dma_start3A_1152, %select_n3A_1130, %dma_start3A_1153, %select_n3A_1146, %dma_start3A_1154] : memref<16x20x14x16x14x16xi32, #tpu.memory_space<hbm>> -> memref<1x20x1x16x1x16xi32, #tpu.memory_space<hbm>>
        %dma_start3A_1156 = tpu.memref_squeeze %dma_start3A_1155 : memref<1x20x1x16x1x16xi32, #tpu.memory_space<hbm>> -> memref<20x16x16xi32, #tpu.memory_space<hbm>>
        %dma_start3A_1157 = arith.constant 0 : i32
        %dma_start3A_1158 = arith.constant 0 : i32
        %dma_start3A_1159 = arith.constant 0 : i32
        %dma_start3A_1160 = tpu.memref_slice %arg4[%select_n3A_1106, %dma_start3A_1157, %select_n3A_1130, %dma_start3A_1158, %select_n3A_1146, %dma_start3A_1159] : memref<16x20x14x16x14x16xi32, #tpu.memory_space<hbm>> -> memref<1x20x1x16x1x16xi32, #tpu.memory_space<hbm>>
        %dma_start3A_1161 = tpu.memref_squeeze %dma_start3A_1160 : memref<1x20x1x16x1x16xi32, #tpu.memory_space<hbm>> -> memref<20x16x16xi32, #tpu.memory_space<hbm>>
        %dma_start3A_1162 = arith.constant 0 : i32
        %dma_start3A_1163 = arith.constant 0 : i32
        %dma_start3A_1164 = arith.constant 0 : i32
        %dma_start3A_1165 = tpu.memref_slice %arg7[%dma_start3A, %dma_start3A_1162, %dma_start3A_1163, %dma_start3A_1164] : memref<8x20x16x16xi32, #tpu.memory_space<vmem>> -> memref<1x20x16x16xi32, #tpu.memory_space<vmem>>
        %dma_start3A_1166 = tpu.memref_squeeze %dma_start3A_1165 : memref<1x20x16x16xi32, #tpu.memory_space<vmem>> -> memref<20x16x16xi32, #tpu.memory_space<vmem>>
        tpu.enqueue_dma source(%dma_start3A_1166 : memref<20x16x16xi32, #tpu.memory_space<vmem>>) target(%dma_start3A_1161 : memref<20x16x16xi32, #tpu.memory_space<hbm>>) target_semaphore(%arg10 : memref<!tpu.dma_semaphore, #tpu.memory_space<semaphore_mem>>)
      } else {
      }
      %mul3A_1025 = arith.constant 8 : i32
      %mul3A_1026 = arith.muli %scan3A_846, %mul3A_1025 : i32
      %add3A_1027 = arith.constant 5 : i32
      %add3A_1028 = arith.addi %mul3A_1026, %add3A_1027 : i32
      %lt3A_1029 = arith.constant 98 : i32
      %lt3A_1030 = arith.cmpi slt, %add3A_1028, %lt3A_1029 : i32
      %convert_element_type3A_1031 = arith.extui %lt3A_1030 : i1 to i32
      %cond3A_1032 = arith.constant 0 : i32
      %cond3A_1033 = arith.cmpi ne, %convert_element_type3A_1031, %cond3A_1032 : i32
      scf.if %cond3A_1033 {
        %dma_wait3A_1052 = arith.constant 5 : i32
        %dma_wait3A_1053 = arith.constant 5 : i32
        %dma_wait3A_1054 = arith.constant 0 : i32
        %dma_wait3A_1055 = arith.constant 0 : i32
        %dma_wait3A_1056 = arith.constant 0 : i32
        %dma_wait3A_1057 = tpu.memref_slice %arg7[%dma_wait3A_1053, %dma_wait3A_1054, %dma_wait3A_1055, %dma_wait3A_1056] : memref<8x20x16x16xi32, #tpu.memory_space<vmem>> -> memref<1x20x16x16xi32, #tpu.memory_space<vmem>>
        %dma_wait3A_1058 = tpu.memref_squeeze %dma_wait3A_1057 : memref<1x20x16x16xi32, #tpu.memory_space<vmem>> -> memref<20x16x16xi32, #tpu.memory_space<vmem>>
        %dma_wait3A_1059 = arith.constant 0 : i32
        %dma_wait3A_1060 = tpu.memref_slice %arg6[%dma_wait3A_1052, %dma_wait3A_1059] : memref<8x20xi32, #tpu.memory_space<vmem>> -> memref<1x20xi32, #tpu.memory_space<vmem>>
        %dma_wait3A_1061 = tpu.memref_squeeze %dma_wait3A_1060 : memref<1x20xi32, #tpu.memory_space<vmem>> -> memref<20xi32, #tpu.memory_space<vmem>>
        %dma_wait3A_1062 = arith.constant 0 : i32
        %dma_wait3A_1063 = arith.constant 0 : i32
        %dma_wait3A_1064 = arith.constant 0 : i32
        %dma_wait3A_1065 = tpu.memref_slice %arg2[%dma_wait3A_1062, %dma_wait3A_1063, %dma_wait3A_1064] : memref<98000x16x16xi32, #tpu.memory_space<hbm>> -> memref<98000x16x16xi32, #tpu.memory_space<hbm>>
        tpu.wait_indirect_dma semaphore(%arg9 : memref<!tpu.dma_semaphore, #tpu.memory_space<semaphore_mem>>) src(%dma_wait3A_1065 : memref<98000x16x16xi32, #tpu.memory_space<hbm>>) dst(%dma_wait3A_1058 : memref<20x16x16xi32, #tpu.memory_space<vmem>>)
        %add3A_1066 = arith.addi %mul3A_2, %add3A_1028 : i32
        %jit3A_1067 = arith.constant 16 : i32
        %div3A_1068 = arith.divsi %add3A_1066, %jit3A_1067 : i32
        %sign3A_1069 = arith.constant 0 : i32
        %sign3A_1070 = arith.cmpi sgt, %add3A_1066, %sign3A_1069 : i32
        %sign3A_1071 = arith.extui %sign3A_1070 : i1 to i32
        %sign3A_1072 = arith.constant 0 : i32
        %sign3A_1073 = arith.cmpi slt, %add3A_1066, %sign3A_1072 : i32
        %sign3A_1074 = arith.extui %sign3A_1073 : i1 to i32
        %sign3A_1075 = arith.subi %sign3A_1071, %sign3A_1074 : i32
        %sign3A_1076 = arith.constant 0 : i32
        %sign3A_1077 = arith.cmpi sgt, %jit3A_1067, %sign3A_1076 : i32
        %sign3A_1078 = arith.extui %sign3A_1077 : i1 to i32
        %sign3A_1079 = arith.constant 0 : i32
        %sign3A_1080 = arith.cmpi slt, %jit3A_1067, %sign3A_1079 : i32
        %sign3A_1081 = arith.extui %sign3A_1080 : i1 to i32
        %sign3A_1082 = arith.subi %sign3A_1078, %sign3A_1081 : i32
        %ne3A_1083 = arith.cmpi ne, %sign3A_1075, %sign3A_1082 : i32
        %rem3A_1084 = arith.remsi %add3A_1066, %jit3A_1067 : i32
        %ne3A_1085 = arith.constant 0 : i32
        %ne3A_1086 = arith.cmpi ne, %rem3A_1084, %ne3A_1085 : i32
        %and3A_1087 = arith.andi %ne3A_1083, %ne3A_1086 : i1
        %sub3A_1088 = arith.constant 1 : i32
        %sub3A_1089 = arith.subi %div3A_1068, %sub3A_1088 : i32
        %select_n3A_1090 = arith.select %and3A_1087, %sub3A_1089, %div3A_1068 : i32
        %jit3A_1091 = arith.constant 16 : i32
        %eq3A_1092 = arith.constant 0 : i32
        %eq3A_1093 = arith.cmpi eq, %jit3A_1091, %eq3A_1092 : i32
        %jit3A_1094 = arith.constant 1 : i32
        %select_n3A_1095 = arith.select %eq3A_1093, %jit3A_1094, %jit3A_1091 : i32
        %rem3A_1096 = arith.remsi %add3A_1066, %select_n3A_1095 : i32
        %ne3A_1097 = arith.constant 0 : i32
        %ne3A_1098 = arith.cmpi ne, %rem3A_1096, %ne3A_1097 : i32
        %lt3A_1099 = arith.constant 0 : i32
        %lt3A_1100 = arith.cmpi slt, %rem3A_1096, %lt3A_1099 : i32
        %lt3A_1101 = arith.constant 0 : i32
        %lt3A_1102 = arith.cmpi slt, %select_n3A_1095, %lt3A_1101 : i32
        %ne3A_1103 = arith.xori %lt3A_1100, %lt3A_1102 : i1
        %and3A_1104 = arith.andi %ne3A_1103, %ne3A_1098 : i1
        %add3A_1105 = arith.addi %rem3A_1096, %select_n3A_1095 : i32
        %select_n3A_1106 = arith.select %and3A_1104, %add3A_1105, %rem3A_1096 : i32
        %jit3A_1107 = arith.constant 14 : i32
        %div3A_1108 = arith.divsi %select_n3A_1090, %jit3A_1107 : i32
        %sign3A_1109 = arith.constant 0 : i32
        %sign3A_1110 = arith.cmpi sgt, %select_n3A_1090, %sign3A_1109 : i32
        %sign3A_1111 = arith.extui %sign3A_1110 : i1 to i32
        %sign3A_1112 = arith.constant 0 : i32
        %sign3A_1113 = arith.cmpi slt, %select_n3A_1090, %sign3A_1112 : i32
        %sign3A_1114 = arith.extui %sign3A_1113 : i1 to i32
        %sign3A_1115 = arith.subi %sign3A_1111, %sign3A_1114 : i32
        %sign3A_1116 = arith.constant 0 : i32
        %sign3A_1117 = arith.cmpi sgt, %jit3A_1107, %sign3A_1116 : i32
        %sign3A_1118 = arith.extui %sign3A_1117 : i1 to i32
        %sign3A_1119 = arith.constant 0 : i32
        %sign3A_1120 = arith.cmpi slt, %jit3A_1107, %sign3A_1119 : i32
        %sign3A_1121 = arith.extui %sign3A_1120 : i1 to i32
        %sign3A_1122 = arith.subi %sign3A_1118, %sign3A_1121 : i32
        %ne3A_1123 = arith.cmpi ne, %sign3A_1115, %sign3A_1122 : i32
        %rem3A_1124 = arith.remsi %select_n3A_1090, %jit3A_1107 : i32
        %ne3A_1125 = arith.constant 0 : i32
        %ne3A_1126 = arith.cmpi ne, %rem3A_1124, %ne3A_1125 : i32
        %and3A_1127 = arith.andi %ne3A_1123, %ne3A_1126 : i1
        %sub3A_1128 = arith.constant 1 : i32
        %sub3A_1129 = arith.subi %div3A_1108, %sub3A_1128 : i32
        %select_n3A_1130 = arith.select %and3A_1127, %sub3A_1129, %div3A_1108 : i32
        %jit3A_1131 = arith.constant 14 : i32
        %eq3A_1132 = arith.constant 0 : i32
        %eq3A_1133 = arith.cmpi eq, %jit3A_1131, %eq3A_1132 : i32
        %jit3A_1134 = arith.constant 1 : i32
        %select_n3A_1135 = arith.select %eq3A_1133, %jit3A_1134, %jit3A_1131 : i32
        %rem3A_1136 = arith.remsi %select_n3A_1090, %select_n3A_1135 : i32
        %ne3A_1137 = arith.constant 0 : i32
        %ne3A_1138 = arith.cmpi ne, %rem3A_1136, %ne3A_1137 : i32
        %lt3A_1139 = arith.constant 0 : i32
        %lt3A_1140 = arith.cmpi slt, %rem3A_1136, %lt3A_1139 : i32
        %lt3A_1141 = arith.constant 0 : i32
        %lt3A_1142 = arith.cmpi slt, %select_n3A_1135, %lt3A_1141 : i32
        %ne3A_1143 = arith.xori %lt3A_1140, %lt3A_1142 : i1
        %and3A_1144 = arith.andi %ne3A_1143, %ne3A_1138 : i1
        %add3A_1145 = arith.addi %rem3A_1136, %select_n3A_1135 : i32
        %select_n3A_1146 = arith.select %and3A_1144, %add3A_1145, %rem3A_1136 : i32
        %dma_start3A = arith.constant 5 : i32
        %dma_start3A_1147 = arith.constant 0 : i32
        %dma_start3A_1148 = arith.constant 0 : i32
        %dma_start3A_1149 = arith.constant 0 : i32
        %dma_start3A_1150 = tpu.memref_slice %arg7[%dma_start3A, %dma_start3A_1147, %dma_start3A_1148, %dma_start3A_1149] : memref<8x20x16x16xi32, #tpu.memory_space<vmem>> -> memref<1x20x16x16xi32, #tpu.memory_space<vmem>>
        %dma_start3A_1151 = tpu.memref_squeeze %dma_start3A_1150 : memref<1x20x16x16xi32, #tpu.memory_space<vmem>> -> memref<20x16x16xi32, #tpu.memory_space<vmem>>
        %dma_start3A_1152 = arith.constant 0 : i32
        %dma_start3A_1153 = arith.constant 0 : i32
        %dma_start3A_1154 = arith.constant 0 : i32
        %dma_start3A_1155 = tpu.memref_slice %arg4[%select_n3A_1106, %dma_start3A_1152, %select_n3A_1130, %dma_start3A_1153, %select_n3A_1146, %dma_start3A_1154] : memref<16x20x14x16x14x16xi32, #tpu.memory_space<hbm>> -> memref<1x20x1x16x1x16xi32, #tpu.memory_space<hbm>>
        %dma_start3A_1156 = tpu.memref_squeeze %dma_start3A_1155 : memref<1x20x1x16x1x16xi32, #tpu.memory_space<hbm>> -> memref<20x16x16xi32, #tpu.memory_space<hbm>>
        %dma_start3A_1157 = arith.constant 0 : i32
        %dma_start3A_1158 = arith.constant 0 : i32
        %dma_start3A_1159 = arith.constant 0 : i32
        %dma_start3A_1160 = tpu.memref_slice %arg4[%select_n3A_1106, %dma_start3A_1157, %select_n3A_1130, %dma_start3A_1158, %select_n3A_1146, %dma_start3A_1159] : memref<16x20x14x16x14x16xi32, #tpu.memory_space<hbm>> -> memref<1x20x1x16x1x16xi32, #tpu.memory_space<hbm>>
        %dma_start3A_1161 = tpu.memref_squeeze %dma_start3A_1160 : memref<1x20x1x16x1x16xi32, #tpu.memory_space<hbm>> -> memref<20x16x16xi32, #tpu.memory_space<hbm>>
        %dma_start3A_1162 = arith.constant 0 : i32
        %dma_start3A_1163 = arith.constant 0 : i32
        %dma_start3A_1164 = arith.constant 0 : i32
        %dma_start3A_1165 = tpu.memref_slice %arg7[%dma_start3A, %dma_start3A_1162, %dma_start3A_1163, %dma_start3A_1164] : memref<8x20x16x16xi32, #tpu.memory_space<vmem>> -> memref<1x20x16x16xi32, #tpu.memory_space<vmem>>
        %dma_start3A_1166 = tpu.memref_squeeze %dma_start3A_1165 : memref<1x20x16x16xi32, #tpu.memory_space<vmem>> -> memref<20x16x16xi32, #tpu.memory_space<vmem>>
        tpu.enqueue_dma source(%dma_start3A_1166 : memref<20x16x16xi32, #tpu.memory_space<vmem>>) target(%dma_start3A_1161 : memref<20x16x16xi32, #tpu.memory_space<hbm>>) target_semaphore(%arg10 : memref<!tpu.dma_semaphore, #tpu.memory_space<semaphore_mem>>)
      } else {
      }
      %mul3A_1034 = arith.constant 8 : i32
      %mul3A_1035 = arith.muli %scan3A_846, %mul3A_1034 : i32
      %add3A_1036 = arith.constant 6 : i32
      %add3A_1037 = arith.addi %mul3A_1035, %add3A_1036 : i32
      %lt3A_1038 = arith.constant 98 : i32
      %lt3A_1039 = arith.cmpi slt, %add3A_1037, %lt3A_1038 : i32
      %convert_element_type3A_1040 = arith.extui %lt3A_1039 : i1 to i32
      %cond3A_1041 = arith.constant 0 : i32
      %cond3A_1042 = arith.cmpi ne, %convert_element_type3A_1040, %cond3A_1041 : i32
      scf.if %cond3A_1042 {
        %dma_wait3A_1052 = arith.constant 6 : i32
        %dma_wait3A_1053 = arith.constant 6 : i32
        %dma_wait3A_1054 = arith.constant 0 : i32
        %dma_wait3A_1055 = arith.constant 0 : i32
        %dma_wait3A_1056 = arith.constant 0 : i32
        %dma_wait3A_1057 = tpu.memref_slice %arg7[%dma_wait3A_1053, %dma_wait3A_1054, %dma_wait3A_1055, %dma_wait3A_1056] : memref<8x20x16x16xi32, #tpu.memory_space<vmem>> -> memref<1x20x16x16xi32, #tpu.memory_space<vmem>>
        %dma_wait3A_1058 = tpu.memref_squeeze %dma_wait3A_1057 : memref<1x20x16x16xi32, #tpu.memory_space<vmem>> -> memref<20x16x16xi32, #tpu.memory_space<vmem>>
        %dma_wait3A_1059 = arith.constant 0 : i32
        %dma_wait3A_1060 = tpu.memref_slice %arg6[%dma_wait3A_1052, %dma_wait3A_1059] : memref<8x20xi32, #tpu.memory_space<vmem>> -> memref<1x20xi32, #tpu.memory_space<vmem>>
        %dma_wait3A_1061 = tpu.memref_squeeze %dma_wait3A_1060 : memref<1x20xi32, #tpu.memory_space<vmem>> -> memref<20xi32, #tpu.memory_space<vmem>>
        %dma_wait3A_1062 = arith.constant 0 : i32
        %dma_wait3A_1063 = arith.constant 0 : i32
        %dma_wait3A_1064 = arith.constant 0 : i32
        %dma_wait3A_1065 = tpu.memref_slice %arg2[%dma_wait3A_1062, %dma_wait3A_1063, %dma_wait3A_1064] : memref<98000x16x16xi32, #tpu.memory_space<hbm>> -> memref<98000x16x16xi32, #tpu.memory_space<hbm>>
        tpu.wait_indirect_dma semaphore(%arg9 : memref<!tpu.dma_semaphore, #tpu.memory_space<semaphore_mem>>) src(%dma_wait3A_1065 : memref<98000x16x16xi32, #tpu.memory_space<hbm>>) dst(%dma_wait3A_1058 : memref<20x16x16xi32, #tpu.memory_space<vmem>>)
        %add3A_1066 = arith.addi %mul3A_2, %add3A_1037 : i32
        %jit3A_1067 = arith.constant 16 : i32
        %div3A_1068 = arith.divsi %add3A_1066, %jit3A_1067 : i32
        %sign3A_1069 = arith.constant 0 : i32
        %sign3A_1070 = arith.cmpi sgt, %add3A_1066, %sign3A_1069 : i32
        %sign3A_1071 = arith.extui %sign3A_1070 : i1 to i32
        %sign3A_1072 = arith.constant 0 : i32
        %sign3A_1073 = arith.cmpi slt, %add3A_1066, %sign3A_1072 : i32
        %sign3A_1074 = arith.extui %sign3A_1073 : i1 to i32
        %sign3A_1075 = arith.subi %sign3A_1071, %sign3A_1074 : i32
        %sign3A_1076 = arith.constant 0 : i32
        %sign3A_1077 = arith.cmpi sgt, %jit3A_1067, %sign3A_1076 : i32
        %sign3A_1078 = arith.extui %sign3A_1077 : i1 to i32
        %sign3A_1079 = arith.constant 0 : i32
        %sign3A_1080 = arith.cmpi slt, %jit3A_1067, %sign3A_1079 : i32
        %sign3A_1081 = arith.extui %sign3A_1080 : i1 to i32
        %sign3A_1082 = arith.subi %sign3A_1078, %sign3A_1081 : i32
        %ne3A_1083 = arith.cmpi ne, %sign3A_1075, %sign3A_1082 : i32
        %rem3A_1084 = arith.remsi %add3A_1066, %jit3A_1067 : i32
        %ne3A_1085 = arith.constant 0 : i32
        %ne3A_1086 = arith.cmpi ne, %rem3A_1084, %ne3A_1085 : i32
        %and3A_1087 = arith.andi %ne3A_1083, %ne3A_1086 : i1
        %sub3A_1088 = arith.constant 1 : i32
        %sub3A_1089 = arith.subi %div3A_1068, %sub3A_1088 : i32
        %select_n3A_1090 = arith.select %and3A_1087, %sub3A_1089, %div3A_1068 : i32
        %jit3A_1091 = arith.constant 16 : i32
        %eq3A_1092 = arith.constant 0 : i32
        %eq3A_1093 = arith.cmpi eq, %jit3A_1091, %eq3A_1092 : i32
        %jit3A_1094 = arith.constant 1 : i32
        %select_n3A_1095 = arith.select %eq3A_1093, %jit3A_1094, %jit3A_1091 : i32
        %rem3A_1096 = arith.remsi %add3A_1066, %select_n3A_1095 : i32
        %ne3A_1097 = arith.constant 0 : i32
        %ne3A_1098 = arith.cmpi ne, %rem3A_1096, %ne3A_1097 : i32
        %lt3A_1099 = arith.constant 0 : i32
        %lt3A_1100 = arith.cmpi slt, %rem3A_1096, %lt3A_1099 : i32
        %lt3A_1101 = arith.constant 0 : i32
        %lt3A_1102 = arith.cmpi slt, %select_n3A_1095, %lt3A_1101 : i32
        %ne3A_1103 = arith.xori %lt3A_1100, %lt3A_1102 : i1
        %and3A_1104 = arith.andi %ne3A_1103, %ne3A_1098 : i1
        %add3A_1105 = arith.addi %rem3A_1096, %select_n3A_1095 : i32
        %select_n3A_1106 = arith.select %and3A_1104, %add3A_1105, %rem3A_1096 : i32
        %jit3A_1107 = arith.constant 14 : i32
        %div3A_1108 = arith.divsi %select_n3A_1090, %jit3A_1107 : i32
        %sign3A_1109 = arith.constant 0 : i32
        %sign3A_1110 = arith.cmpi sgt, %select_n3A_1090, %sign3A_1109 : i32
        %sign3A_1111 = arith.extui %sign3A_1110 : i1 to i32
        %sign3A_1112 = arith.constant 0 : i32
        %sign3A_1113 = arith.cmpi slt, %select_n3A_1090, %sign3A_1112 : i32
        %sign3A_1114 = arith.extui %sign3A_1113 : i1 to i32
        %sign3A_1115 = arith.subi %sign3A_1111, %sign3A_1114 : i32
        %sign3A_1116 = arith.constant 0 : i32
        %sign3A_1117 = arith.cmpi sgt, %jit3A_1107, %sign3A_1116 : i32
        %sign3A_1118 = arith.extui %sign3A_1117 : i1 to i32
        %sign3A_1119 = arith.constant 0 : i32
        %sign3A_1120 = arith.cmpi slt, %jit3A_1107, %sign3A_1119 : i32
        %sign3A_1121 = arith.extui %sign3A_1120 : i1 to i32
        %sign3A_1122 = arith.subi %sign3A_1118, %sign3A_1121 : i32
        %ne3A_1123 = arith.cmpi ne, %sign3A_1115, %sign3A_1122 : i32
        %rem3A_1124 = arith.remsi %select_n3A_1090, %jit3A_1107 : i32
        %ne3A_1125 = arith.constant 0 : i32
        %ne3A_1126 = arith.cmpi ne, %rem3A_1124, %ne3A_1125 : i32
        %and3A_1127 = arith.andi %ne3A_1123, %ne3A_1126 : i1
        %sub3A_1128 = arith.constant 1 : i32
        %sub3A_1129 = arith.subi %div3A_1108, %sub3A_1128 : i32
        %select_n3A_1130 = arith.select %and3A_1127, %sub3A_1129, %div3A_1108 : i32
        %jit3A_1131 = arith.constant 14 : i32
        %eq3A_1132 = arith.constant 0 : i32
        %eq3A_1133 = arith.cmpi eq, %jit3A_1131, %eq3A_1132 : i32
        %jit3A_1134 = arith.constant 1 : i32
        %select_n3A_1135 = arith.select %eq3A_1133, %jit3A_1134, %jit3A_1131 : i32
        %rem3A_1136 = arith.remsi %select_n3A_1090, %select_n3A_1135 : i32
        %ne3A_1137 = arith.constant 0 : i32
        %ne3A_1138 = arith.cmpi ne, %rem3A_1136, %ne3A_1137 : i32
        %lt3A_1139 = arith.constant 0 : i32
        %lt3A_1140 = arith.cmpi slt, %rem3A_1136, %lt3A_1139 : i32
        %lt3A_1141 = arith.constant 0 : i32
        %lt3A_1142 = arith.cmpi slt, %select_n3A_1135, %lt3A_1141 : i32
        %ne3A_1143 = arith.xori %lt3A_1140, %lt3A_1142 : i1
        %and3A_1144 = arith.andi %ne3A_1143, %ne3A_1138 : i1
        %add3A_1145 = arith.addi %rem3A_1136, %select_n3A_1135 : i32
        %select_n3A_1146 = arith.select %and3A_1144, %add3A_1145, %rem3A_1136 : i32
        %dma_start3A = arith.constant 6 : i32
        %dma_start3A_1147 = arith.constant 0 : i32
        %dma_start3A_1148 = arith.constant 0 : i32
        %dma_start3A_1149 = arith.constant 0 : i32
        %dma_start3A_1150 = tpu.memref_slice %arg7[%dma_start3A, %dma_start3A_1147, %dma_start3A_1148, %dma_start3A_1149] : memref<8x20x16x16xi32, #tpu.memory_space<vmem>> -> memref<1x20x16x16xi32, #tpu.memory_space<vmem>>
        %dma_start3A_1151 = tpu.memref_squeeze %dma_start3A_1150 : memref<1x20x16x16xi32, #tpu.memory_space<vmem>> -> memref<20x16x16xi32, #tpu.memory_space<vmem>>
        %dma_start3A_1152 = arith.constant 0 : i32
        %dma_start3A_1153 = arith.constant 0 : i32
        %dma_start3A_1154 = arith.constant 0 : i32
        %dma_start3A_1155 = tpu.memref_slice %arg4[%select_n3A_1106, %dma_start3A_1152, %select_n3A_1130, %dma_start3A_1153, %select_n3A_1146, %dma_start3A_1154] : memref<16x20x14x16x14x16xi32, #tpu.memory_space<hbm>> -> memref<1x20x1x16x1x16xi32, #tpu.memory_space<hbm>>
        %dma_start3A_1156 = tpu.memref_squeeze %dma_start3A_1155 : memref<1x20x1x16x1x16xi32, #tpu.memory_space<hbm>> -> memref<20x16x16xi32, #tpu.memory_space<hbm>>
        %dma_start3A_1157 = arith.constant 0 : i32
        %dma_start3A_1158 = arith.constant 0 : i32
        %dma_start3A_1159 = arith.constant 0 : i32
        %dma_start3A_1160 = tpu.memref_slice %arg4[%select_n3A_1106, %dma_start3A_1157, %select_n3A_1130, %dma_start3A_1158, %select_n3A_1146, %dma_start3A_1159] : memref<16x20x14x16x14x16xi32, #tpu.memory_space<hbm>> -> memref<1x20x1x16x1x16xi32, #tpu.memory_space<hbm>>
        %dma_start3A_1161 = tpu.memref_squeeze %dma_start3A_1160 : memref<1x20x1x16x1x16xi32, #tpu.memory_space<hbm>> -> memref<20x16x16xi32, #tpu.memory_space<hbm>>
        %dma_start3A_1162 = arith.constant 0 : i32
        %dma_start3A_1163 = arith.constant 0 : i32
        %dma_start3A_1164 = arith.constant 0 : i32
        %dma_start3A_1165 = tpu.memref_slice %arg7[%dma_start3A, %dma_start3A_1162, %dma_start3A_1163, %dma_start3A_1164] : memref<8x20x16x16xi32, #tpu.memory_space<vmem>> -> memref<1x20x16x16xi32, #tpu.memory_space<vmem>>
        %dma_start3A_1166 = tpu.memref_squeeze %dma_start3A_1165 : memref<1x20x16x16xi32, #tpu.memory_space<vmem>> -> memref<20x16x16xi32, #tpu.memory_space<vmem>>
        tpu.enqueue_dma source(%dma_start3A_1166 : memref<20x16x16xi32, #tpu.memory_space<vmem>>) target(%dma_start3A_1161 : memref<20x16x16xi32, #tpu.memory_space<hbm>>) target_semaphore(%arg10 : memref<!tpu.dma_semaphore, #tpu.memory_space<semaphore_mem>>)
      } else {
      }
      %mul3A_1043 = arith.constant 8 : i32
      %mul3A_1044 = arith.muli %scan3A_846, %mul3A_1043 : i32
      %add3A_1045 = arith.constant 7 : i32
      %add3A_1046 = arith.addi %mul3A_1044, %add3A_1045 : i32
      %lt3A_1047 = arith.constant 98 : i32
      %lt3A_1048 = arith.cmpi slt, %add3A_1046, %lt3A_1047 : i32
      %convert_element_type3A_1049 = arith.extui %lt3A_1048 : i1 to i32
      %cond3A_1050 = arith.constant 0 : i32
      %cond3A_1051 = arith.cmpi ne, %convert_element_type3A_1049, %cond3A_1050 : i32
      scf.if %cond3A_1051 {
        %dma_wait3A_1052 = arith.constant 7 : i32
        %dma_wait3A_1053 = arith.constant 7 : i32
        %dma_wait3A_1054 = arith.constant 0 : i32
        %dma_wait3A_1055 = arith.constant 0 : i32
        %dma_wait3A_1056 = arith.constant 0 : i32
        %dma_wait3A_1057 = tpu.memref_slice %arg7[%dma_wait3A_1053, %dma_wait3A_1054, %dma_wait3A_1055, %dma_wait3A_1056] : memref<8x20x16x16xi32, #tpu.memory_space<vmem>> -> memref<1x20x16x16xi32, #tpu.memory_space<vmem>>
        %dma_wait3A_1058 = tpu.memref_squeeze %dma_wait3A_1057 : memref<1x20x16x16xi32, #tpu.memory_space<vmem>> -> memref<20x16x16xi32, #tpu.memory_space<vmem>>
        %dma_wait3A_1059 = arith.constant 0 : i32
        %dma_wait3A_1060 = tpu.memref_slice %arg6[%dma_wait3A_1052, %dma_wait3A_1059] : memref<8x20xi32, #tpu.memory_space<vmem>> -> memref<1x20xi32, #tpu.memory_space<vmem>>
        %dma_wait3A_1061 = tpu.memref_squeeze %dma_wait3A_1060 : memref<1x20xi32, #tpu.memory_space<vmem>> -> memref<20xi32, #tpu.memory_space<vmem>>
        %dma_wait3A_1062 = arith.constant 0 : i32
        %dma_wait3A_1063 = arith.constant 0 : i32
        %dma_wait3A_1064 = arith.constant 0 : i32
        %dma_wait3A_1065 = tpu.memref_slice %arg2[%dma_wait3A_1062, %dma_wait3A_1063, %dma_wait3A_1064] : memref<98000x16x16xi32, #tpu.memory_space<hbm>> -> memref<98000x16x16xi32, #tpu.memory_space<hbm>>
        tpu.wait_indirect_dma semaphore(%arg9 : memref<!tpu.dma_semaphore, #tpu.memory_space<semaphore_mem>>) src(%dma_wait3A_1065 : memref<98000x16x16xi32, #tpu.memory_space<hbm>>) dst(%dma_wait3A_1058 : memref<20x16x16xi32, #tpu.memory_space<vmem>>)
        %add3A_1066 = arith.addi %mul3A_2, %add3A_1046 : i32
        %jit3A_1067 = arith.constant 16 : i32
        %div3A_1068 = arith.divsi %add3A_1066, %jit3A_1067 : i32
        %sign3A_1069 = arith.constant 0 : i32
        %sign3A_1070 = arith.cmpi sgt, %add3A_1066, %sign3A_1069 : i32
        %sign3A_1071 = arith.extui %sign3A_1070 : i1 to i32
        %sign3A_1072 = arith.constant 0 : i32
        %sign3A_1073 = arith.cmpi slt, %add3A_1066, %sign3A_1072 : i32
        %sign3A_1074 = arith.extui %sign3A_1073 : i1 to i32
        %sign3A_1075 = arith.subi %sign3A_1071, %sign3A_1074 : i32
        %sign3A_1076 = arith.constant 0 : i32
        %sign3A_1077 = arith.cmpi sgt, %jit3A_1067, %sign3A_1076 : i32
        %sign3A_1078 = arith.extui %sign3A_1077 : i1 to i32
        %sign3A_1079 = arith.constant 0 : i32
        %sign3A_1080 = arith.cmpi slt, %jit3A_1067, %sign3A_1079 : i32
        %sign3A_1081 = arith.extui %sign3A_1080 : i1 to i32
        %sign3A_1082 = arith.subi %sign3A_1078, %sign3A_1081 : i32
        %ne3A_1083 = arith.cmpi ne, %sign3A_1075, %sign3A_1082 : i32
        %rem3A_1084 = arith.remsi %add3A_1066, %jit3A_1067 : i32
        %ne3A_1085 = arith.constant 0 : i32
        %ne3A_1086 = arith.cmpi ne, %rem3A_1084, %ne3A_1085 : i32
        %and3A_1087 = arith.andi %ne3A_1083, %ne3A_1086 : i1
        %sub3A_1088 = arith.constant 1 : i32
        %sub3A_1089 = arith.subi %div3A_1068, %sub3A_1088 : i32
        %select_n3A_1090 = arith.select %and3A_1087, %sub3A_1089, %div3A_1068 : i32
        %jit3A_1091 = arith.constant 16 : i32
        %eq3A_1092 = arith.constant 0 : i32
        %eq3A_1093 = arith.cmpi eq, %jit3A_1091, %eq3A_1092 : i32
        %jit3A_1094 = arith.constant 1 : i32
        %select_n3A_1095 = arith.select %eq3A_1093, %jit3A_1094, %jit3A_1091 : i32
        %rem3A_1096 = arith.remsi %add3A_1066, %select_n3A_1095 : i32
        %ne3A_1097 = arith.constant 0 : i32
        %ne3A_1098 = arith.cmpi ne, %rem3A_1096, %ne3A_1097 : i32
        %lt3A_1099 = arith.constant 0 : i32
        %lt3A_1100 = arith.cmpi slt, %rem3A_1096, %lt3A_1099 : i32
        %lt3A_1101 = arith.constant 0 : i32
        %lt3A_1102 = arith.cmpi slt, %select_n3A_1095, %lt3A_1101 : i32
        %ne3A_1103 = arith.xori %lt3A_1100, %lt3A_1102 : i1
        %and3A_1104 = arith.andi %ne3A_1103, %ne3A_1098 : i1
        %add3A_1105 = arith.addi %rem3A_1096, %select_n3A_1095 : i32
        %select_n3A_1106 = arith.select %and3A_1104, %add3A_1105, %rem3A_1096 : i32
        %jit3A_1107 = arith.constant 14 : i32
        %div3A_1108 = arith.divsi %select_n3A_1090, %jit3A_1107 : i32
        %sign3A_1109 = arith.constant 0 : i32
        %sign3A_1110 = arith.cmpi sgt, %select_n3A_1090, %sign3A_1109 : i32
        %sign3A_1111 = arith.extui %sign3A_1110 : i1 to i32
        %sign3A_1112 = arith.constant 0 : i32
        %sign3A_1113 = arith.cmpi slt, %select_n3A_1090, %sign3A_1112 : i32
        %sign3A_1114 = arith.extui %sign3A_1113 : i1 to i32
        %sign3A_1115 = arith.subi %sign3A_1111, %sign3A_1114 : i32
        %sign3A_1116 = arith.constant 0 : i32
        %sign3A_1117 = arith.cmpi sgt, %jit3A_1107, %sign3A_1116 : i32
        %sign3A_1118 = arith.extui %sign3A_1117 : i1 to i32
        %sign3A_1119 = arith.constant 0 : i32
        %sign3A_1120 = arith.cmpi slt, %jit3A_1107, %sign3A_1119 : i32
        %sign3A_1121 = arith.extui %sign3A_1120 : i1 to i32
        %sign3A_1122 = arith.subi %sign3A_1118, %sign3A_1121 : i32
        %ne3A_1123 = arith.cmpi ne, %sign3A_1115, %sign3A_1122 : i32
        %rem3A_1124 = arith.remsi %select_n3A_1090, %jit3A_1107 : i32
        %ne3A_1125 = arith.constant 0 : i32
        %ne3A_1126 = arith.cmpi ne, %rem3A_1124, %ne3A_1125 : i32
        %and3A_1127 = arith.andi %ne3A_1123, %ne3A_1126 : i1
        %sub3A_1128 = arith.constant 1 : i32
        %sub3A_1129 = arith.subi %div3A_1108, %sub3A_1128 : i32
        %select_n3A_1130 = arith.select %and3A_1127, %sub3A_1129, %div3A_1108 : i32
        %jit3A_1131 = arith.constant 14 : i32
        %eq3A_1132 = arith.constant 0 : i32
        %eq3A_1133 = arith.cmpi eq, %jit3A_1131, %eq3A_1132 : i32
        %jit3A_1134 = arith.constant 1 : i32
        %select_n3A_1135 = arith.select %eq3A_1133, %jit3A_1134, %jit3A_1131 : i32
        %rem3A_1136 = arith.remsi %select_n3A_1090, %select_n3A_1135 : i32
        %ne3A_1137 = arith.constant 0 : i32
        %ne3A_1138 = arith.cmpi ne, %rem3A_1136, %ne3A_1137 : i32
        %lt3A_1139 = arith.constant 0 : i32
        %lt3A_1140 = arith.cmpi slt, %rem3A_1136, %lt3A_1139 : i32
        %lt3A_1141 = arith.constant 0 : i32
        %lt3A_1142 = arith.cmpi slt, %select_n3A_1135, %lt3A_1141 : i32
        %ne3A_1143 = arith.xori %lt3A_1140, %lt3A_1142 : i1
        %and3A_1144 = arith.andi %ne3A_1143, %ne3A_1138 : i1
        %add3A_1145 = arith.addi %rem3A_1136, %select_n3A_1135 : i32
        %select_n3A_1146 = arith.select %and3A_1144, %add3A_1145, %rem3A_1136 : i32
        %dma_start3A = arith.constant 7 : i32
        %dma_start3A_1147 = arith.constant 0 : i32
        %dma_start3A_1148 = arith.constant 0 : i32
        %dma_start3A_1149 = arith.constant 0 : i32
        %dma_start3A_1150 = tpu.memref_slice %arg7[%dma_start3A, %dma_start3A_1147, %dma_start3A_1148, %dma_start3A_1149] : memref<8x20x16x16xi32, #tpu.memory_space<vmem>> -> memref<1x20x16x16xi32, #tpu.memory_space<vmem>>
        %dma_start3A_1151 = tpu.memref_squeeze %dma_start3A_1150 : memref<1x20x16x16xi32, #tpu.memory_space<vmem>> -> memref<20x16x16xi32, #tpu.memory_space<vmem>>
        %dma_start3A_1152 = arith.constant 0 : i32
        %dma_start3A_1153 = arith.constant 0 : i32
        %dma_start3A_1154 = arith.constant 0 : i32
        %dma_start3A_1155 = tpu.memref_slice %arg4[%select_n3A_1106, %dma_start3A_1152, %select_n3A_1130, %dma_start3A_1153, %select_n3A_1146, %dma_start3A_1154] : memref<16x20x14x16x14x16xi32, #tpu.memory_space<hbm>> -> memref<1x20x1x16x1x16xi32, #tpu.memory_space<hbm>>
        %dma_start3A_1156 = tpu.memref_squeeze %dma_start3A_1155 : memref<1x20x1x16x1x16xi32, #tpu.memory_space<hbm>> -> memref<20x16x16xi32, #tpu.memory_space<hbm>>
        %dma_start3A_1157 = arith.constant 0 : i32
        %dma_start3A_1158 = arith.constant 0 : i32
        %dma_start3A_1159 = arith.constant 0 : i32
        %dma_start3A_1160 = tpu.memref_slice %arg4[%select_n3A_1106, %dma_start3A_1157, %select_n3A_1130, %dma_start3A_1158, %select_n3A_1146, %dma_start3A_1159] : memref<16x20x14x16x14x16xi32, #tpu.memory_space<hbm>> -> memref<1x20x1x16x1x16xi32, #tpu.memory_space<hbm>>
        %dma_start3A_1161 = tpu.memref_squeeze %dma_start3A_1160 : memref<1x20x1x16x1x16xi32, #tpu.memory_space<hbm>> -> memref<20x16x16xi32, #tpu.memory_space<hbm>>
        %dma_start3A_1162 = arith.constant 0 : i32
        %dma_start3A_1163 = arith.constant 0 : i32
        %dma_start3A_1164 = arith.constant 0 : i32
        %dma_start3A_1165 = tpu.memref_slice %arg7[%dma_start3A, %dma_start3A_1162, %dma_start3A_1163, %dma_start3A_1164] : memref<8x20x16x16xi32, #tpu.memory_space<vmem>> -> memref<1x20x16x16xi32, #tpu.memory_space<vmem>>
        %dma_start3A_1166 = tpu.memref_squeeze %dma_start3A_1165 : memref<1x20x16x16xi32, #tpu.memory_space<vmem>> -> memref<20x16x16xi32, #tpu.memory_space<vmem>>
        tpu.enqueue_dma source(%dma_start3A_1166 : memref<20x16x16xi32, #tpu.memory_space<vmem>>) target(%dma_start3A_1161 : memref<20x16x16xi32, #tpu.memory_space<hbm>>) target_semaphore(%arg10 : memref<!tpu.dma_semaphore, #tpu.memory_space<semaphore_mem>>)
      } else {
      }
    }
    %scan3A_24 = arith.constant 13 : i32
    %add3A_25 = arith.constant 90 : i32
    %add3A_26 = arith.addi %mul3A_2, %add3A_25 : i32
    %jit3A_27 = arith.constant 16 : i32
    %div3A_28 = arith.divsi %add3A_26, %jit3A_27 : i32
    %sign3A_29 = arith.constant 0 : i32
    %sign3A_30 = arith.cmpi sgt, %add3A_26, %sign3A_29 : i32
    %sign3A_31 = arith.extui %sign3A_30 : i1 to i32
    %sign3A_32 = arith.constant 0 : i32
    %sign3A_33 = arith.cmpi slt, %add3A_26, %sign3A_32 : i32
    %sign3A_34 = arith.extui %sign3A_33 : i1 to i32
    %sign3A_35 = arith.subi %sign3A_31, %sign3A_34 : i32
    %sign3A_36 = arith.constant 0 : i32
    %sign3A_37 = arith.cmpi sgt, %jit3A_27, %sign3A_36 : i32
    %sign3A_38 = arith.extui %sign3A_37 : i1 to i32
    %sign3A_39 = arith.constant 0 : i32
    %sign3A_40 = arith.cmpi slt, %jit3A_27, %sign3A_39 : i32
    %sign3A_41 = arith.extui %sign3A_40 : i1 to i32
    %sign3A_42 = arith.subi %sign3A_38, %sign3A_41 : i32
    %ne3A_43 = arith.cmpi ne, %sign3A_35, %sign3A_42 : i32
    %rem3A_44 = arith.remsi %add3A_26, %jit3A_27 : i32
    %ne3A_45 = arith.constant 0 : i32
    %ne3A_46 = arith.cmpi ne, %rem3A_44, %ne3A_45 : i32
    %and3A_47 = arith.andi %ne3A_43, %ne3A_46 : i1
    %sub3A_48 = arith.constant 1 : i32
    %sub3A_49 = arith.subi %div3A_28, %sub3A_48 : i32
    %select_n3A_50 = arith.select %and3A_47, %sub3A_49, %div3A_28 : i32
    %jit3A_51 = arith.constant 16 : i32
    %eq3A = arith.constant 0 : i32
    %eq3A_52 = arith.cmpi eq, %jit3A_51, %eq3A : i32
    %jit3A_53 = arith.constant 1 : i32
    %select_n3A_54 = arith.select %eq3A_52, %jit3A_53, %jit3A_51 : i32
    %rem3A_55 = arith.remsi %add3A_26, %select_n3A_54 : i32
    %ne3A_56 = arith.constant 0 : i32
    %ne3A_57 = arith.cmpi ne, %rem3A_55, %ne3A_56 : i32
    %lt3A = arith.constant 0 : i32
    %lt3A_58 = arith.cmpi slt, %rem3A_55, %lt3A : i32
    %lt3A_59 = arith.constant 0 : i32
    %lt3A_60 = arith.cmpi slt, %select_n3A_54, %lt3A_59 : i32
    %ne3A_61 = arith.xori %lt3A_58, %lt3A_60 : i1
    %and3A_62 = arith.andi %ne3A_61, %ne3A_57 : i1
    %add3A_63 = arith.addi %rem3A_55, %select_n3A_54 : i32
    %select_n3A_64 = arith.select %and3A_62, %add3A_63, %rem3A_55 : i32
    %jit3A_65 = arith.constant 14 : i32
    %div3A_66 = arith.divsi %select_n3A_50, %jit3A_65 : i32
    %sign3A_67 = arith.constant 0 : i32
    %sign3A_68 = arith.cmpi sgt, %select_n3A_50, %sign3A_67 : i32
    %sign3A_69 = arith.extui %sign3A_68 : i1 to i32
    %sign3A_70 = arith.constant 0 : i32
    %sign3A_71 = arith.cmpi slt, %select_n3A_50, %sign3A_70 : i32
    %sign3A_72 = arith.extui %sign3A_71 : i1 to i32
    %sign3A_73 = arith.subi %sign3A_69, %sign3A_72 : i32
    %sign3A_74 = arith.constant 0 : i32
    %sign3A_75 = arith.cmpi sgt, %jit3A_65, %sign3A_74 : i32
    %sign3A_76 = arith.extui %sign3A_75 : i1 to i32
    %sign3A_77 = arith.constant 0 : i32
    %sign3A_78 = arith.cmpi slt, %jit3A_65, %sign3A_77 : i32
    %sign3A_79 = arith.extui %sign3A_78 : i1 to i32
    %sign3A_80 = arith.subi %sign3A_76, %sign3A_79 : i32
    %ne3A_81 = arith.cmpi ne, %sign3A_73, %sign3A_80 : i32
    %rem3A_82 = arith.remsi %select_n3A_50, %jit3A_65 : i32
    %ne3A_83 = arith.constant 0 : i32
    %ne3A_84 = arith.cmpi ne, %rem3A_82, %ne3A_83 : i32
    %and3A_85 = arith.andi %ne3A_81, %ne3A_84 : i1
    %sub3A_86 = arith.constant 1 : i32
    %sub3A_87 = arith.subi %div3A_66, %sub3A_86 : i32
    %select_n3A_88 = arith.select %and3A_85, %sub3A_87, %div3A_66 : i32
    %jit3A_89 = arith.constant 14 : i32
    %eq3A_90 = arith.constant 0 : i32
    %eq3A_91 = arith.cmpi eq, %jit3A_89, %eq3A_90 : i32
    %jit3A_92 = arith.constant 1 : i32
    %select_n3A_93 = arith.select %eq3A_91, %jit3A_92, %jit3A_89 : i32
    %rem3A_94 = arith.remsi %select_n3A_50, %select_n3A_93 : i32
    %ne3A_95 = arith.constant 0 : i32
    %ne3A_96 = arith.cmpi ne, %rem3A_94, %ne3A_95 : i32
    %lt3A_97 = arith.constant 0 : i32
    %lt3A_98 = arith.cmpi slt, %rem3A_94, %lt3A_97 : i32
    %lt3A_99 = arith.constant 0 : i32
    %lt3A_100 = arith.cmpi slt, %select_n3A_93, %lt3A_99 : i32
    %ne3A_101 = arith.xori %lt3A_98, %lt3A_100 : i1
    %and3A_102 = arith.andi %ne3A_101, %ne3A_96 : i1
    %add3A_103 = arith.addi %rem3A_94, %select_n3A_93 : i32
    %select_n3A_104 = arith.select %and3A_102, %add3A_103, %rem3A_94 : i32
    %dma_wait3A = arith.constant 2 : i32
    %dma_wait3A_105 = arith.constant 0 : i32
    %dma_wait3A_106 = arith.constant 0 : i32
    %dma_wait3A_107 = arith.constant 0 : i32
    %dma_wait3A_108 = tpu.memref_slice %arg7[%dma_wait3A, %dma_wait3A_105, %dma_wait3A_106, %dma_wait3A_107] : memref<8x20x16x16xi32, #tpu.memory_space<vmem>> -> memref<1x20x16x16xi32, #tpu.memory_space<vmem>>
    %dma_wait3A_109 = tpu.memref_squeeze %dma_wait3A_108 : memref<1x20x16x16xi32, #tpu.memory_space<vmem>> -> memref<20x16x16xi32, #tpu.memory_space<vmem>>
    %dma_wait3A_110 = arith.constant 0 : i32
    %dma_wait3A_111 = arith.constant 0 : i32
    %dma_wait3A_112 = arith.constant 0 : i32
    %dma_wait3A_113 = tpu.memref_slice %arg4[%select_n3A_64, %dma_wait3A_110, %select_n3A_88, %dma_wait3A_111, %select_n3A_104, %dma_wait3A_112] : memref<16x20x14x16x14x16xi32, #tpu.memory_space<hbm>> -> memref<1x20x1x16x1x16xi32, #tpu.memory_space<hbm>>
    %dma_wait3A_114 = tpu.memref_squeeze %dma_wait3A_113 : memref<1x20x1x16x1x16xi32, #tpu.memory_space<hbm>> -> memref<20x16x16xi32, #tpu.memory_space<hbm>>
    %dma_wait3A_115 = arith.constant 0 : i32
    %dma_wait3A_116 = arith.constant 0 : i32
    %dma_wait3A_117 = arith.constant 0 : i32
    %dma_wait3A_118 = tpu.memref_slice %arg4[%select_n3A_64, %dma_wait3A_115, %select_n3A_88, %dma_wait3A_116, %select_n3A_104, %dma_wait3A_117] : memref<16x20x14x16x14x16xi32, #tpu.memory_space<hbm>> -> memref<1x20x1x16x1x16xi32, #tpu.memory_space<hbm>>
    %dma_wait3A_119 = tpu.memref_squeeze %dma_wait3A_118 : memref<1x20x1x16x1x16xi32, #tpu.memory_space<hbm>> -> memref<20x16x16xi32, #tpu.memory_space<hbm>>
    %dma_wait3A_120 = arith.constant 0 : i32
    %dma_wait3A_121 = arith.constant 0 : i32
    %dma_wait3A_122 = arith.constant 0 : i32
    %dma_wait3A_123 = tpu.memref_slice %arg7[%dma_wait3A, %dma_wait3A_120, %dma_wait3A_121, %dma_wait3A_122] : memref<8x20x16x16xi32, #tpu.memory_space<vmem>> -> memref<1x20x16x16xi32, #tpu.memory_space<vmem>>
    %dma_wait3A_124 = tpu.memref_squeeze %dma_wait3A_123 : memref<1x20x16x16xi32, #tpu.memory_space<vmem>> -> memref<20x16x16xi32, #tpu.memory_space<vmem>>
    tpu.wait_dma2 semaphore(%arg10 : memref<!tpu.dma_semaphore, #tpu.memory_space<semaphore_mem>>) src(%dma_wait3A_124 : memref<20x16x16xi32, #tpu.memory_space<vmem>>) dst(%dma_wait3A_119 : memref<20x16x16xi32, #tpu.memory_space<hbm>>)
    %add3A_125 = arith.constant 91 : i32
    %add3A_126 = arith.addi %mul3A_2, %add3A_125 : i32
    %jit3A_127 = arith.constant 16 : i32
    %div3A_128 = arith.divsi %add3A_126, %jit3A_127 : i32
    %sign3A_129 = arith.constant 0 : i32
    %sign3A_130 = arith.cmpi sgt, %add3A_126, %sign3A_129 : i32
    %sign3A_131 = arith.extui %sign3A_130 : i1 to i32
    %sign3A_132 = arith.constant 0 : i32
    %sign3A_133 = arith.cmpi slt, %add3A_126, %sign3A_132 : i32
    %sign3A_134 = arith.extui %sign3A_133 : i1 to i32
    %sign3A_135 = arith.subi %sign3A_131, %sign3A_134 : i32
    %sign3A_136 = arith.constant 0 : i32
    %sign3A_137 = arith.cmpi sgt, %jit3A_127, %sign3A_136 : i32
    %sign3A_138 = arith.extui %sign3A_137 : i1 to i32
    %sign3A_139 = arith.constant 0 : i32
    %sign3A_140 = arith.cmpi slt, %jit3A_127, %sign3A_139 : i32
    %sign3A_141 = arith.extui %sign3A_140 : i1 to i32
    %sign3A_142 = arith.subi %sign3A_138, %sign3A_141 : i32
    %ne3A_143 = arith.cmpi ne, %sign3A_135, %sign3A_142 : i32
    %rem3A_144 = arith.remsi %add3A_126, %jit3A_127 : i32
    %ne3A_145 = arith.constant 0 : i32
    %ne3A_146 = arith.cmpi ne, %rem3A_144, %ne3A_145 : i32
    %and3A_147 = arith.andi %ne3A_143, %ne3A_146 : i1
    %sub3A_148 = arith.constant 1 : i32
    %sub3A_149 = arith.subi %div3A_128, %sub3A_148 : i32
    %select_n3A_150 = arith.select %and3A_147, %sub3A_149, %div3A_128 : i32
    %jit3A_151 = arith.constant 16 : i32
    %eq3A_152 = arith.constant 0 : i32
    %eq3A_153 = arith.cmpi eq, %jit3A_151, %eq3A_152 : i32
    %jit3A_154 = arith.constant 1 : i32
    %select_n3A_155 = arith.select %eq3A_153, %jit3A_154, %jit3A_151 : i32
    %rem3A_156 = arith.remsi %add3A_126, %select_n3A_155 : i32
    %ne3A_157 = arith.constant 0 : i32
    %ne3A_158 = arith.cmpi ne, %rem3A_156, %ne3A_157 : i32
    %lt3A_159 = arith.constant 0 : i32
    %lt3A_160 = arith.cmpi slt, %rem3A_156, %lt3A_159 : i32
    %lt3A_161 = arith.constant 0 : i32
    %lt3A_162 = arith.cmpi slt, %select_n3A_155, %lt3A_161 : i32
    %ne3A_163 = arith.xori %lt3A_160, %lt3A_162 : i1
    %and3A_164 = arith.andi %ne3A_163, %ne3A_158 : i1
    %add3A_165 = arith.addi %rem3A_156, %select_n3A_155 : i32
    %select_n3A_166 = arith.select %and3A_164, %add3A_165, %rem3A_156 : i32
    %jit3A_167 = arith.constant 14 : i32
    %div3A_168 = arith.divsi %select_n3A_150, %jit3A_167 : i32
    %sign3A_169 = arith.constant 0 : i32
    %sign3A_170 = arith.cmpi sgt, %select_n3A_150, %sign3A_169 : i32
    %sign3A_171 = arith.extui %sign3A_170 : i1 to i32
    %sign3A_172 = arith.constant 0 : i32
    %sign3A_173 = arith.cmpi slt, %select_n3A_150, %sign3A_172 : i32
    %sign3A_174 = arith.extui %sign3A_173 : i1 to i32
    %sign3A_175 = arith.subi %sign3A_171, %sign3A_174 : i32
    %sign3A_176 = arith.constant 0 : i32
    %sign3A_177 = arith.cmpi sgt, %jit3A_167, %sign3A_176 : i32
    %sign3A_178 = arith.extui %sign3A_177 : i1 to i32
    %sign3A_179 = arith.constant 0 : i32
    %sign3A_180 = arith.cmpi slt, %jit3A_167, %sign3A_179 : i32
    %sign3A_181 = arith.extui %sign3A_180 : i1 to i32
    %sign3A_182 = arith.subi %sign3A_178, %sign3A_181 : i32
    %ne3A_183 = arith.cmpi ne, %sign3A_175, %sign3A_182 : i32
    %rem3A_184 = arith.remsi %select_n3A_150, %jit3A_167 : i32
    %ne3A_185 = arith.constant 0 : i32
    %ne3A_186 = arith.cmpi ne, %rem3A_184, %ne3A_185 : i32
    %and3A_187 = arith.andi %ne3A_183, %ne3A_186 : i1
    %sub3A_188 = arith.constant 1 : i32
    %sub3A_189 = arith.subi %div3A_168, %sub3A_188 : i32
    %select_n3A_190 = arith.select %and3A_187, %sub3A_189, %div3A_168 : i32
    %jit3A_191 = arith.constant 14 : i32
    %eq3A_192 = arith.constant 0 : i32
    %eq3A_193 = arith.cmpi eq, %jit3A_191, %eq3A_192 : i32
    %jit3A_194 = arith.constant 1 : i32
    %select_n3A_195 = arith.select %eq3A_193, %jit3A_194, %jit3A_191 : i32
    %rem3A_196 = arith.remsi %select_n3A_150, %select_n3A_195 : i32
    %ne3A_197 = arith.constant 0 : i32
    %ne3A_198 = arith.cmpi ne, %rem3A_196, %ne3A_197 : i32
    %lt3A_199 = arith.constant 0 : i32
    %lt3A_200 = arith.cmpi slt, %rem3A_196, %lt3A_199 : i32
    %lt3A_201 = arith.constant 0 : i32
    %lt3A_202 = arith.cmpi slt, %select_n3A_195, %lt3A_201 : i32
    %ne3A_203 = arith.xori %lt3A_200, %lt3A_202 : i1
    %and3A_204 = arith.andi %ne3A_203, %ne3A_198 : i1
    %add3A_205 = arith.addi %rem3A_196, %select_n3A_195 : i32
    %select_n3A_206 = arith.select %and3A_204, %add3A_205, %rem3A_196 : i32
    %dma_wait3A_207 = arith.constant 3 : i32
    %dma_wait3A_208 = arith.constant 0 : i32
    %dma_wait3A_209 = arith.constant 0 : i32
    %dma_wait3A_210 = arith.constant 0 : i32
    %dma_wait3A_211 = tpu.memref_slice %arg7[%dma_wait3A_207, %dma_wait3A_208, %dma_wait3A_209, %dma_wait3A_210] : memref<8x20x16x16xi32, #tpu.memory_space<vmem>> -> memref<1x20x16x16xi32, #tpu.memory_space<vmem>>
    %dma_wait3A_212 = tpu.memref_squeeze %dma_wait3A_211 : memref<1x20x16x16xi32, #tpu.memory_space<vmem>> -> memref<20x16x16xi32, #tpu.memory_space<vmem>>
    %dma_wait3A_213 = arith.constant 0 : i32
    %dma_wait3A_214 = arith.constant 0 : i32
    %dma_wait3A_215 = arith.constant 0 : i32
    %dma_wait3A_216 = tpu.memref_slice %arg4[%select_n3A_166, %dma_wait3A_213, %select_n3A_190, %dma_wait3A_214, %select_n3A_206, %dma_wait3A_215] : memref<16x20x14x16x14x16xi32, #tpu.memory_space<hbm>> -> memref<1x20x1x16x1x16xi32, #tpu.memory_space<hbm>>
    %dma_wait3A_217 = tpu.memref_squeeze %dma_wait3A_216 : memref<1x20x1x16x1x16xi32, #tpu.memory_space<hbm>> -> memref<20x16x16xi32, #tpu.memory_space<hbm>>
    %dma_wait3A_218 = arith.constant 0 : i32
    %dma_wait3A_219 = arith.constant 0 : i32
    %dma_wait3A_220 = arith.constant 0 : i32
    %dma_wait3A_221 = tpu.memref_slice %arg4[%select_n3A_166, %dma_wait3A_218, %select_n3A_190, %dma_wait3A_219, %select_n3A_206, %dma_wait3A_220] : memref<16x20x14x16x14x16xi32, #tpu.memory_space<hbm>> -> memref<1x20x1x16x1x16xi32, #tpu.memory_space<hbm>>
    %dma_wait3A_222 = tpu.memref_squeeze %dma_wait3A_221 : memref<1x20x1x16x1x16xi32, #tpu.memory_space<hbm>> -> memref<20x16x16xi32, #tpu.memory_space<hbm>>
    %dma_wait3A_223 = arith.constant 0 : i32
    %dma_wait3A_224 = arith.constant 0 : i32
    %dma_wait3A_225 = arith.constant 0 : i32
    %dma_wait3A_226 = tpu.memref_slice %arg7[%dma_wait3A_207, %dma_wait3A_223, %dma_wait3A_224, %dma_wait3A_225] : memref<8x20x16x16xi32, #tpu.memory_space<vmem>> -> memref<1x20x16x16xi32, #tpu.memory_space<vmem>>
    %dma_wait3A_227 = tpu.memref_squeeze %dma_wait3A_226 : memref<1x20x16x16xi32, #tpu.memory_space<vmem>> -> memref<20x16x16xi32, #tpu.memory_space<vmem>>
    tpu.wait_dma2 semaphore(%arg10 : memref<!tpu.dma_semaphore, #tpu.memory_space<semaphore_mem>>) src(%dma_wait3A_227 : memref<20x16x16xi32, #tpu.memory_space<vmem>>) dst(%dma_wait3A_222 : memref<20x16x16xi32, #tpu.memory_space<hbm>>)
    %add3A_228 = arith.constant 92 : i32
    %add3A_229 = arith.addi %mul3A_2, %add3A_228 : i32
    %jit3A_230 = arith.constant 16 : i32
    %div3A_231 = arith.divsi %add3A_229, %jit3A_230 : i32
    %sign3A_232 = arith.constant 0 : i32
    %sign3A_233 = arith.cmpi sgt, %add3A_229, %sign3A_232 : i32
    %sign3A_234 = arith.extui %sign3A_233 : i1 to i32
    %sign3A_235 = arith.constant 0 : i32
    %sign3A_236 = arith.cmpi slt, %add3A_229, %sign3A_235 : i32
    %sign3A_237 = arith.extui %sign3A_236 : i1 to i32
    %sign3A_238 = arith.subi %sign3A_234, %sign3A_237 : i32
    %sign3A_239 = arith.constant 0 : i32
    %sign3A_240 = arith.cmpi sgt, %jit3A_230, %sign3A_239 : i32
    %sign3A_241 = arith.extui %sign3A_240 : i1 to i32
    %sign3A_242 = arith.constant 0 : i32
    %sign3A_243 = arith.cmpi slt, %jit3A_230, %sign3A_242 : i32
    %sign3A_244 = arith.extui %sign3A_243 : i1 to i32
    %sign3A_245 = arith.subi %sign3A_241, %sign3A_244 : i32
    %ne3A_246 = arith.cmpi ne, %sign3A_238, %sign3A_245 : i32
    %rem3A_247 = arith.remsi %add3A_229, %jit3A_230 : i32
    %ne3A_248 = arith.constant 0 : i32
    %ne3A_249 = arith.cmpi ne, %rem3A_247, %ne3A_248 : i32
    %and3A_250 = arith.andi %ne3A_246, %ne3A_249 : i1
    %sub3A_251 = arith.constant 1 : i32
    %sub3A_252 = arith.subi %div3A_231, %sub3A_251 : i32
    %select_n3A_253 = arith.select %and3A_250, %sub3A_252, %div3A_231 : i32
    %jit3A_254 = arith.constant 16 : i32
    %eq3A_255 = arith.constant 0 : i32
    %eq3A_256 = arith.cmpi eq, %jit3A_254, %eq3A_255 : i32
    %jit3A_257 = arith.constant 1 : i32
    %select_n3A_258 = arith.select %eq3A_256, %jit3A_257, %jit3A_254 : i32
    %rem3A_259 = arith.remsi %add3A_229, %select_n3A_258 : i32
    %ne3A_260 = arith.constant 0 : i32
    %ne3A_261 = arith.cmpi ne, %rem3A_259, %ne3A_260 : i32
    %lt3A_262 = arith.constant 0 : i32
    %lt3A_263 = arith.cmpi slt, %rem3A_259, %lt3A_262 : i32
    %lt3A_264 = arith.constant 0 : i32
    %lt3A_265 = arith.cmpi slt, %select_n3A_258, %lt3A_264 : i32
    %ne3A_266 = arith.xori %lt3A_263, %lt3A_265 : i1
    %and3A_267 = arith.andi %ne3A_266, %ne3A_261 : i1
    %add3A_268 = arith.addi %rem3A_259, %select_n3A_258 : i32
    %select_n3A_269 = arith.select %and3A_267, %add3A_268, %rem3A_259 : i32
    %jit3A_270 = arith.constant 14 : i32
    %div3A_271 = arith.divsi %select_n3A_253, %jit3A_270 : i32
    %sign3A_272 = arith.constant 0 : i32
    %sign3A_273 = arith.cmpi sgt, %select_n3A_253, %sign3A_272 : i32
    %sign3A_274 = arith.extui %sign3A_273 : i1 to i32
    %sign3A_275 = arith.constant 0 : i32
    %sign3A_276 = arith.cmpi slt, %select_n3A_253, %sign3A_275 : i32
    %sign3A_277 = arith.extui %sign3A_276 : i1 to i32
    %sign3A_278 = arith.subi %sign3A_274, %sign3A_277 : i32
    %sign3A_279 = arith.constant 0 : i32
    %sign3A_280 = arith.cmpi sgt, %jit3A_270, %sign3A_279 : i32
    %sign3A_281 = arith.extui %sign3A_280 : i1 to i32
    %sign3A_282 = arith.constant 0 : i32
    %sign3A_283 = arith.cmpi slt, %jit3A_270, %sign3A_282 : i32
    %sign3A_284 = arith.extui %sign3A_283 : i1 to i32
    %sign3A_285 = arith.subi %sign3A_281, %sign3A_284 : i32
    %ne3A_286 = arith.cmpi ne, %sign3A_278, %sign3A_285 : i32
    %rem3A_287 = arith.remsi %select_n3A_253, %jit3A_270 : i32
    %ne3A_288 = arith.constant 0 : i32
    %ne3A_289 = arith.cmpi ne, %rem3A_287, %ne3A_288 : i32
    %and3A_290 = arith.andi %ne3A_286, %ne3A_289 : i1
    %sub3A_291 = arith.constant 1 : i32
    %sub3A_292 = arith.subi %div3A_271, %sub3A_291 : i32
    %select_n3A_293 = arith.select %and3A_290, %sub3A_292, %div3A_271 : i32
    %jit3A_294 = arith.constant 14 : i32
    %eq3A_295 = arith.constant 0 : i32
    %eq3A_296 = arith.cmpi eq, %jit3A_294, %eq3A_295 : i32
    %jit3A_297 = arith.constant 1 : i32
    %select_n3A_298 = arith.select %eq3A_296, %jit3A_297, %jit3A_294 : i32
    %rem3A_299 = arith.remsi %select_n3A_253, %select_n3A_298 : i32
    %ne3A_300 = arith.constant 0 : i32
    %ne3A_301 = arith.cmpi ne, %rem3A_299, %ne3A_300 : i32
    %lt3A_302 = arith.constant 0 : i32
    %lt3A_303 = arith.cmpi slt, %rem3A_299, %lt3A_302 : i32
    %lt3A_304 = arith.constant 0 : i32
    %lt3A_305 = arith.cmpi slt, %select_n3A_298, %lt3A_304 : i32
    %ne3A_306 = arith.xori %lt3A_303, %lt3A_305 : i1
    %and3A_307 = arith.andi %ne3A_306, %ne3A_301 : i1
    %add3A_308 = arith.addi %rem3A_299, %select_n3A_298 : i32
    %select_n3A_309 = arith.select %and3A_307, %add3A_308, %rem3A_299 : i32
    %dma_wait3A_310 = arith.constant 4 : i32
    %dma_wait3A_311 = arith.constant 0 : i32
    %dma_wait3A_312 = arith.constant 0 : i32
    %dma_wait3A_313 = arith.constant 0 : i32
    %dma_wait3A_314 = tpu.memref_slice %arg7[%dma_wait3A_310, %dma_wait3A_311, %dma_wait3A_312, %dma_wait3A_313] : memref<8x20x16x16xi32, #tpu.memory_space<vmem>> -> memref<1x20x16x16xi32, #tpu.memory_space<vmem>>
    %dma_wait3A_315 = tpu.memref_squeeze %dma_wait3A_314 : memref<1x20x16x16xi32, #tpu.memory_space<vmem>> -> memref<20x16x16xi32, #tpu.memory_space<vmem>>
    %dma_wait3A_316 = arith.constant 0 : i32
    %dma_wait3A_317 = arith.constant 0 : i32
    %dma_wait3A_318 = arith.constant 0 : i32
    %dma_wait3A_319 = tpu.memref_slice %arg4[%select_n3A_269, %dma_wait3A_316, %select_n3A_293, %dma_wait3A_317, %select_n3A_309, %dma_wait3A_318] : memref<16x20x14x16x14x16xi32, #tpu.memory_space<hbm>> -> memref<1x20x1x16x1x16xi32, #tpu.memory_space<hbm>>
    %dma_wait3A_320 = tpu.memref_squeeze %dma_wait3A_319 : memref<1x20x1x16x1x16xi32, #tpu.memory_space<hbm>> -> memref<20x16x16xi32, #tpu.memory_space<hbm>>
    %dma_wait3A_321 = arith.constant 0 : i32
    %dma_wait3A_322 = arith.constant 0 : i32
    %dma_wait3A_323 = arith.constant 0 : i32
    %dma_wait3A_324 = tpu.memref_slice %arg4[%select_n3A_269, %dma_wait3A_321, %select_n3A_293, %dma_wait3A_322, %select_n3A_309, %dma_wait3A_323] : memref<16x20x14x16x14x16xi32, #tpu.memory_space<hbm>> -> memref<1x20x1x16x1x16xi32, #tpu.memory_space<hbm>>
    %dma_wait3A_325 = tpu.memref_squeeze %dma_wait3A_324 : memref<1x20x1x16x1x16xi32, #tpu.memory_space<hbm>> -> memref<20x16x16xi32, #tpu.memory_space<hbm>>
    %dma_wait3A_326 = arith.constant 0 : i32
    %dma_wait3A_327 = arith.constant 0 : i32
    %dma_wait3A_328 = arith.constant 0 : i32
    %dma_wait3A_329 = tpu.memref_slice %arg7[%dma_wait3A_310, %dma_wait3A_326, %dma_wait3A_327, %dma_wait3A_328] : memref<8x20x16x16xi32, #tpu.memory_space<vmem>> -> memref<1x20x16x16xi32, #tpu.memory_space<vmem>>
    %dma_wait3A_330 = tpu.memref_squeeze %dma_wait3A_329 : memref<1x20x16x16xi32, #tpu.memory_space<vmem>> -> memref<20x16x16xi32, #tpu.memory_space<vmem>>
    tpu.wait_dma2 semaphore(%arg10 : memref<!tpu.dma_semaphore, #tpu.memory_space<semaphore_mem>>) src(%dma_wait3A_330 : memref<20x16x16xi32, #tpu.memory_space<vmem>>) dst(%dma_wait3A_325 : memref<20x16x16xi32, #tpu.memory_space<hbm>>)
    %add3A_331 = arith.constant 93 : i32
    %add3A_332 = arith.addi %mul3A_2, %add3A_331 : i32
    %jit3A_333 = arith.constant 16 : i32
    %div3A_334 = arith.divsi %add3A_332, %jit3A_333 : i32
    %sign3A_335 = arith.constant 0 : i32
    %sign3A_336 = arith.cmpi sgt, %add3A_332, %sign3A_335 : i32
    %sign3A_337 = arith.extui %sign3A_336 : i1 to i32
    %sign3A_338 = arith.constant 0 : i32
    %sign3A_339 = arith.cmpi slt, %add3A_332, %sign3A_338 : i32
    %sign3A_340 = arith.extui %sign3A_339 : i1 to i32
    %sign3A_341 = arith.subi %sign3A_337, %sign3A_340 : i32
    %sign3A_342 = arith.constant 0 : i32
    %sign3A_343 = arith.cmpi sgt, %jit3A_333, %sign3A_342 : i32
    %sign3A_344 = arith.extui %sign3A_343 : i1 to i32
    %sign3A_345 = arith.constant 0 : i32
    %sign3A_346 = arith.cmpi slt, %jit3A_333, %sign3A_345 : i32
    %sign3A_347 = arith.extui %sign3A_346 : i1 to i32
    %sign3A_348 = arith.subi %sign3A_344, %sign3A_347 : i32
    %ne3A_349 = arith.cmpi ne, %sign3A_341, %sign3A_348 : i32
    %rem3A_350 = arith.remsi %add3A_332, %jit3A_333 : i32
    %ne3A_351 = arith.constant 0 : i32
    %ne3A_352 = arith.cmpi ne, %rem3A_350, %ne3A_351 : i32
    %and3A_353 = arith.andi %ne3A_349, %ne3A_352 : i1
    %sub3A_354 = arith.constant 1 : i32
    %sub3A_355 = arith.subi %div3A_334, %sub3A_354 : i32
    %select_n3A_356 = arith.select %and3A_353, %sub3A_355, %div3A_334 : i32
    %jit3A_357 = arith.constant 16 : i32
    %eq3A_358 = arith.constant 0 : i32
    %eq3A_359 = arith.cmpi eq, %jit3A_357, %eq3A_358 : i32
    %jit3A_360 = arith.constant 1 : i32
    %select_n3A_361 = arith.select %eq3A_359, %jit3A_360, %jit3A_357 : i32
    %rem3A_362 = arith.remsi %add3A_332, %select_n3A_361 : i32
    %ne3A_363 = arith.constant 0 : i32
    %ne3A_364 = arith.cmpi ne, %rem3A_362, %ne3A_363 : i32
    %lt3A_365 = arith.constant 0 : i32
    %lt3A_366 = arith.cmpi slt, %rem3A_362, %lt3A_365 : i32
    %lt3A_367 = arith.constant 0 : i32
    %lt3A_368 = arith.cmpi slt, %select_n3A_361, %lt3A_367 : i32
    %ne3A_369 = arith.xori %lt3A_366, %lt3A_368 : i1
    %and3A_370 = arith.andi %ne3A_369, %ne3A_364 : i1
    %add3A_371 = arith.addi %rem3A_362, %select_n3A_361 : i32
    %select_n3A_372 = arith.select %and3A_370, %add3A_371, %rem3A_362 : i32
    %jit3A_373 = arith.constant 14 : i32
    %div3A_374 = arith.divsi %select_n3A_356, %jit3A_373 : i32
    %sign3A_375 = arith.constant 0 : i32
    %sign3A_376 = arith.cmpi sgt, %select_n3A_356, %sign3A_375 : i32
    %sign3A_377 = arith.extui %sign3A_376 : i1 to i32
    %sign3A_378 = arith.constant 0 : i32
    %sign3A_379 = arith.cmpi slt, %select_n3A_356, %sign3A_378 : i32
    %sign3A_380 = arith.extui %sign3A_379 : i1 to i32
    %sign3A_381 = arith.subi %sign3A_377, %sign3A_380 : i32
    %sign3A_382 = arith.constant 0 : i32
    %sign3A_383 = arith.cmpi sgt, %jit3A_373, %sign3A_382 : i32
    %sign3A_384 = arith.extui %sign3A_383 : i1 to i32
    %sign3A_385 = arith.constant 0 : i32
    %sign3A_386 = arith.cmpi slt, %jit3A_373, %sign3A_385 : i32
    %sign3A_387 = arith.extui %sign3A_386 : i1 to i32
    %sign3A_388 = arith.subi %sign3A_384, %sign3A_387 : i32
    %ne3A_389 = arith.cmpi ne, %sign3A_381, %sign3A_388 : i32
    %rem3A_390 = arith.remsi %select_n3A_356, %jit3A_373 : i32
    %ne3A_391 = arith.constant 0 : i32
    %ne3A_392 = arith.cmpi ne, %rem3A_390, %ne3A_391 : i32
    %and3A_393 = arith.andi %ne3A_389, %ne3A_392 : i1
    %sub3A_394 = arith.constant 1 : i32
    %sub3A_395 = arith.subi %div3A_374, %sub3A_394 : i32
    %select_n3A_396 = arith.select %and3A_393, %sub3A_395, %div3A_374 : i32
    %jit3A_397 = arith.constant 14 : i32
    %eq3A_398 = arith.constant 0 : i32
    %eq3A_399 = arith.cmpi eq, %jit3A_397, %eq3A_398 : i32
    %jit3A_400 = arith.constant 1 : i32
    %select_n3A_401 = arith.select %eq3A_399, %jit3A_400, %jit3A_397 : i32
    %rem3A_402 = arith.remsi %select_n3A_356, %select_n3A_401 : i32
    %ne3A_403 = arith.constant 0 : i32
    %ne3A_404 = arith.cmpi ne, %rem3A_402, %ne3A_403 : i32
    %lt3A_405 = arith.constant 0 : i32
    %lt3A_406 = arith.cmpi slt, %rem3A_402, %lt3A_405 : i32
    %lt3A_407 = arith.constant 0 : i32
    %lt3A_408 = arith.cmpi slt, %select_n3A_401, %lt3A_407 : i32
    %ne3A_409 = arith.xori %lt3A_406, %lt3A_408 : i1
    %and3A_410 = arith.andi %ne3A_409, %ne3A_404 : i1
    %add3A_411 = arith.addi %rem3A_402, %select_n3A_401 : i32
    %select_n3A_412 = arith.select %and3A_410, %add3A_411, %rem3A_402 : i32
    %dma_wait3A_413 = arith.constant 5 : i32
    %dma_wait3A_414 = arith.constant 0 : i32
    %dma_wait3A_415 = arith.constant 0 : i32
    %dma_wait3A_416 = arith.constant 0 : i32
    %dma_wait3A_417 = tpu.memref_slice %arg7[%dma_wait3A_413, %dma_wait3A_414, %dma_wait3A_415, %dma_wait3A_416] : memref<8x20x16x16xi32, #tpu.memory_space<vmem>> -> memref<1x20x16x16xi32, #tpu.memory_space<vmem>>
    %dma_wait3A_418 = tpu.memref_squeeze %dma_wait3A_417 : memref<1x20x16x16xi32, #tpu.memory_space<vmem>> -> memref<20x16x16xi32, #tpu.memory_space<vmem>>
    %dma_wait3A_419 = arith.constant 0 : i32
    %dma_wait3A_420 = arith.constant 0 : i32
    %dma_wait3A_421 = arith.constant 0 : i32
    %dma_wait3A_422 = tpu.memref_slice %arg4[%select_n3A_372, %dma_wait3A_419, %select_n3A_396, %dma_wait3A_420, %select_n3A_412, %dma_wait3A_421] : memref<16x20x14x16x14x16xi32, #tpu.memory_space<hbm>> -> memref<1x20x1x16x1x16xi32, #tpu.memory_space<hbm>>
    %dma_wait3A_423 = tpu.memref_squeeze %dma_wait3A_422 : memref<1x20x1x16x1x16xi32, #tpu.memory_space<hbm>> -> memref<20x16x16xi32, #tpu.memory_space<hbm>>
    %dma_wait3A_424 = arith.constant 0 : i32
    %dma_wait3A_425 = arith.constant 0 : i32
    %dma_wait3A_426 = arith.constant 0 : i32
    %dma_wait3A_427 = tpu.memref_slice %arg4[%select_n3A_372, %dma_wait3A_424, %select_n3A_396, %dma_wait3A_425, %select_n3A_412, %dma_wait3A_426] : memref<16x20x14x16x14x16xi32, #tpu.memory_space<hbm>> -> memref<1x20x1x16x1x16xi32, #tpu.memory_space<hbm>>
    %dma_wait3A_428 = tpu.memref_squeeze %dma_wait3A_427 : memref<1x20x1x16x1x16xi32, #tpu.memory_space<hbm>> -> memref<20x16x16xi32, #tpu.memory_space<hbm>>
    %dma_wait3A_429 = arith.constant 0 : i32
    %dma_wait3A_430 = arith.constant 0 : i32
    %dma_wait3A_431 = arith.constant 0 : i32
    %dma_wait3A_432 = tpu.memref_slice %arg7[%dma_wait3A_413, %dma_wait3A_429, %dma_wait3A_430, %dma_wait3A_431] : memref<8x20x16x16xi32, #tpu.memory_space<vmem>> -> memref<1x20x16x16xi32, #tpu.memory_space<vmem>>
    %dma_wait3A_433 = tpu.memref_squeeze %dma_wait3A_432 : memref<1x20x16x16xi32, #tpu.memory_space<vmem>> -> memref<20x16x16xi32, #tpu.memory_space<vmem>>
    tpu.wait_dma2 semaphore(%arg10 : memref<!tpu.dma_semaphore, #tpu.memory_space<semaphore_mem>>) src(%dma_wait3A_433 : memref<20x16x16xi32, #tpu.memory_space<vmem>>) dst(%dma_wait3A_428 : memref<20x16x16xi32, #tpu.memory_space<hbm>>)
    %add3A_434 = arith.constant 94 : i32
    %add3A_435 = arith.addi %mul3A_2, %add3A_434 : i32
    %jit3A_436 = arith.constant 16 : i32
    %div3A_437 = arith.divsi %add3A_435, %jit3A_436 : i32
    %sign3A_438 = arith.constant 0 : i32
    %sign3A_439 = arith.cmpi sgt, %add3A_435, %sign3A_438 : i32
    %sign3A_440 = arith.extui %sign3A_439 : i1 to i32
    %sign3A_441 = arith.constant 0 : i32
    %sign3A_442 = arith.cmpi slt, %add3A_435, %sign3A_441 : i32
    %sign3A_443 = arith.extui %sign3A_442 : i1 to i32
    %sign3A_444 = arith.subi %sign3A_440, %sign3A_443 : i32
    %sign3A_445 = arith.constant 0 : i32
    %sign3A_446 = arith.cmpi sgt, %jit3A_436, %sign3A_445 : i32
    %sign3A_447 = arith.extui %sign3A_446 : i1 to i32
    %sign3A_448 = arith.constant 0 : i32
    %sign3A_449 = arith.cmpi slt, %jit3A_436, %sign3A_448 : i32
    %sign3A_450 = arith.extui %sign3A_449 : i1 to i32
    %sign3A_451 = arith.subi %sign3A_447, %sign3A_450 : i32
    %ne3A_452 = arith.cmpi ne, %sign3A_444, %sign3A_451 : i32
    %rem3A_453 = arith.remsi %add3A_435, %jit3A_436 : i32
    %ne3A_454 = arith.constant 0 : i32
    %ne3A_455 = arith.cmpi ne, %rem3A_453, %ne3A_454 : i32
    %and3A_456 = arith.andi %ne3A_452, %ne3A_455 : i1
    %sub3A_457 = arith.constant 1 : i32
    %sub3A_458 = arith.subi %div3A_437, %sub3A_457 : i32
    %select_n3A_459 = arith.select %and3A_456, %sub3A_458, %div3A_437 : i32
    %jit3A_460 = arith.constant 16 : i32
    %eq3A_461 = arith.constant 0 : i32
    %eq3A_462 = arith.cmpi eq, %jit3A_460, %eq3A_461 : i32
    %jit3A_463 = arith.constant 1 : i32
    %select_n3A_464 = arith.select %eq3A_462, %jit3A_463, %jit3A_460 : i32
    %rem3A_465 = arith.remsi %add3A_435, %select_n3A_464 : i32
    %ne3A_466 = arith.constant 0 : i32
    %ne3A_467 = arith.cmpi ne, %rem3A_465, %ne3A_466 : i32
    %lt3A_468 = arith.constant 0 : i32
    %lt3A_469 = arith.cmpi slt, %rem3A_465, %lt3A_468 : i32
    %lt3A_470 = arith.constant 0 : i32
    %lt3A_471 = arith.cmpi slt, %select_n3A_464, %lt3A_470 : i32
    %ne3A_472 = arith.xori %lt3A_469, %lt3A_471 : i1
    %and3A_473 = arith.andi %ne3A_472, %ne3A_467 : i1
    %add3A_474 = arith.addi %rem3A_465, %select_n3A_464 : i32
    %select_n3A_475 = arith.select %and3A_473, %add3A_474, %rem3A_465 : i32
    %jit3A_476 = arith.constant 14 : i32
    %div3A_477 = arith.divsi %select_n3A_459, %jit3A_476 : i32
    %sign3A_478 = arith.constant 0 : i32
    %sign3A_479 = arith.cmpi sgt, %select_n3A_459, %sign3A_478 : i32
    %sign3A_480 = arith.extui %sign3A_479 : i1 to i32
    %sign3A_481 = arith.constant 0 : i32
    %sign3A_482 = arith.cmpi slt, %select_n3A_459, %sign3A_481 : i32
    %sign3A_483 = arith.extui %sign3A_482 : i1 to i32
    %sign3A_484 = arith.subi %sign3A_480, %sign3A_483 : i32
    %sign3A_485 = arith.constant 0 : i32
    %sign3A_486 = arith.cmpi sgt, %jit3A_476, %sign3A_485 : i32
    %sign3A_487 = arith.extui %sign3A_486 : i1 to i32
    %sign3A_488 = arith.constant 0 : i32
    %sign3A_489 = arith.cmpi slt, %jit3A_476, %sign3A_488 : i32
    %sign3A_490 = arith.extui %sign3A_489 : i1 to i32
    %sign3A_491 = arith.subi %sign3A_487, %sign3A_490 : i32
    %ne3A_492 = arith.cmpi ne, %sign3A_484, %sign3A_491 : i32
    %rem3A_493 = arith.remsi %select_n3A_459, %jit3A_476 : i32
    %ne3A_494 = arith.constant 0 : i32
    %ne3A_495 = arith.cmpi ne, %rem3A_493, %ne3A_494 : i32
    %and3A_496 = arith.andi %ne3A_492, %ne3A_495 : i1
    %sub3A_497 = arith.constant 1 : i32
    %sub3A_498 = arith.subi %div3A_477, %sub3A_497 : i32
    %select_n3A_499 = arith.select %and3A_496, %sub3A_498, %div3A_477 : i32
    %jit3A_500 = arith.constant 14 : i32
    %eq3A_501 = arith.constant 0 : i32
    %eq3A_502 = arith.cmpi eq, %jit3A_500, %eq3A_501 : i32
    %jit3A_503 = arith.constant 1 : i32
    %select_n3A_504 = arith.select %eq3A_502, %jit3A_503, %jit3A_500 : i32
    %rem3A_505 = arith.remsi %select_n3A_459, %select_n3A_504 : i32
    %ne3A_506 = arith.constant 0 : i32
    %ne3A_507 = arith.cmpi ne, %rem3A_505, %ne3A_506 : i32
    %lt3A_508 = arith.constant 0 : i32
    %lt3A_509 = arith.cmpi slt, %rem3A_505, %lt3A_508 : i32
    %lt3A_510 = arith.constant 0 : i32
    %lt3A_511 = arith.cmpi slt, %select_n3A_504, %lt3A_510 : i32
    %ne3A_512 = arith.xori %lt3A_509, %lt3A_511 : i1
    %and3A_513 = arith.andi %ne3A_512, %ne3A_507 : i1
    %add3A_514 = arith.addi %rem3A_505, %select_n3A_504 : i32
    %select_n3A_515 = arith.select %and3A_513, %add3A_514, %rem3A_505 : i32
    %dma_wait3A_516 = arith.constant 6 : i32
    %dma_wait3A_517 = arith.constant 0 : i32
    %dma_wait3A_518 = arith.constant 0 : i32
    %dma_wait3A_519 = arith.constant 0 : i32
    %dma_wait3A_520 = tpu.memref_slice %arg7[%dma_wait3A_516, %dma_wait3A_517, %dma_wait3A_518, %dma_wait3A_519] : memref<8x20x16x16xi32, #tpu.memory_space<vmem>> -> memref<1x20x16x16xi32, #tpu.memory_space<vmem>>
    %dma_wait3A_521 = tpu.memref_squeeze %dma_wait3A_520 : memref<1x20x16x16xi32, #tpu.memory_space<vmem>> -> memref<20x16x16xi32, #tpu.memory_space<vmem>>
    %dma_wait3A_522 = arith.constant 0 : i32
    %dma_wait3A_523 = arith.constant 0 : i32
    %dma_wait3A_524 = arith.constant 0 : i32
    %dma_wait3A_525 = tpu.memref_slice %arg4[%select_n3A_475, %dma_wait3A_522, %select_n3A_499, %dma_wait3A_523, %select_n3A_515, %dma_wait3A_524] : memref<16x20x14x16x14x16xi32, #tpu.memory_space<hbm>> -> memref<1x20x1x16x1x16xi32, #tpu.memory_space<hbm>>
    %dma_wait3A_526 = tpu.memref_squeeze %dma_wait3A_525 : memref<1x20x1x16x1x16xi32, #tpu.memory_space<hbm>> -> memref<20x16x16xi32, #tpu.memory_space<hbm>>
    %dma_wait3A_527 = arith.constant 0 : i32
    %dma_wait3A_528 = arith.constant 0 : i32
    %dma_wait3A_529 = arith.constant 0 : i32
    %dma_wait3A_530 = tpu.memref_slice %arg4[%select_n3A_475, %dma_wait3A_527, %select_n3A_499, %dma_wait3A_528, %select_n3A_515, %dma_wait3A_529] : memref<16x20x14x16x14x16xi32, #tpu.memory_space<hbm>> -> memref<1x20x1x16x1x16xi32, #tpu.memory_space<hbm>>
    %dma_wait3A_531 = tpu.memref_squeeze %dma_wait3A_530 : memref<1x20x1x16x1x16xi32, #tpu.memory_space<hbm>> -> memref<20x16x16xi32, #tpu.memory_space<hbm>>
    %dma_wait3A_532 = arith.constant 0 : i32
    %dma_wait3A_533 = arith.constant 0 : i32
    %dma_wait3A_534 = arith.constant 0 : i32
    %dma_wait3A_535 = tpu.memref_slice %arg7[%dma_wait3A_516, %dma_wait3A_532, %dma_wait3A_533, %dma_wait3A_534] : memref<8x20x16x16xi32, #tpu.memory_space<vmem>> -> memref<1x20x16x16xi32, #tpu.memory_space<vmem>>
    %dma_wait3A_536 = tpu.memref_squeeze %dma_wait3A_535 : memref<1x20x16x16xi32, #tpu.memory_space<vmem>> -> memref<20x16x16xi32, #tpu.memory_space<vmem>>
    tpu.wait_dma2 semaphore(%arg10 : memref<!tpu.dma_semaphore, #tpu.memory_space<semaphore_mem>>) src(%dma_wait3A_536 : memref<20x16x16xi32, #tpu.memory_space<vmem>>) dst(%dma_wait3A_531 : memref<20x16x16xi32, #tpu.memory_space<hbm>>)
    %add3A_537 = arith.constant 95 : i32
    %add3A_538 = arith.addi %mul3A_2, %add3A_537 : i32
    %jit3A_539 = arith.constant 16 : i32
    %div3A_540 = arith.divsi %add3A_538, %jit3A_539 : i32
    %sign3A_541 = arith.constant 0 : i32
    %sign3A_542 = arith.cmpi sgt, %add3A_538, %sign3A_541 : i32
    %sign3A_543 = arith.extui %sign3A_542 : i1 to i32
    %sign3A_544 = arith.constant 0 : i32
    %sign3A_545 = arith.cmpi slt, %add3A_538, %sign3A_544 : i32
    %sign3A_546 = arith.extui %sign3A_545 : i1 to i32
    %sign3A_547 = arith.subi %sign3A_543, %sign3A_546 : i32
    %sign3A_548 = arith.constant 0 : i32
    %sign3A_549 = arith.cmpi sgt, %jit3A_539, %sign3A_548 : i32
    %sign3A_550 = arith.extui %sign3A_549 : i1 to i32
    %sign3A_551 = arith.constant 0 : i32
    %sign3A_552 = arith.cmpi slt, %jit3A_539, %sign3A_551 : i32
    %sign3A_553 = arith.extui %sign3A_552 : i1 to i32
    %sign3A_554 = arith.subi %sign3A_550, %sign3A_553 : i32
    %ne3A_555 = arith.cmpi ne, %sign3A_547, %sign3A_554 : i32
    %rem3A_556 = arith.remsi %add3A_538, %jit3A_539 : i32
    %ne3A_557 = arith.constant 0 : i32
    %ne3A_558 = arith.cmpi ne, %rem3A_556, %ne3A_557 : i32
    %and3A_559 = arith.andi %ne3A_555, %ne3A_558 : i1
    %sub3A_560 = arith.constant 1 : i32
    %sub3A_561 = arith.subi %div3A_540, %sub3A_560 : i32
    %select_n3A_562 = arith.select %and3A_559, %sub3A_561, %div3A_540 : i32
    %jit3A_563 = arith.constant 16 : i32
    %eq3A_564 = arith.constant 0 : i32
    %eq3A_565 = arith.cmpi eq, %jit3A_563, %eq3A_564 : i32
    %jit3A_566 = arith.constant 1 : i32
    %select_n3A_567 = arith.select %eq3A_565, %jit3A_566, %jit3A_563 : i32
    %rem3A_568 = arith.remsi %add3A_538, %select_n3A_567 : i32
    %ne3A_569 = arith.constant 0 : i32
    %ne3A_570 = arith.cmpi ne, %rem3A_568, %ne3A_569 : i32
    %lt3A_571 = arith.constant 0 : i32
    %lt3A_572 = arith.cmpi slt, %rem3A_568, %lt3A_571 : i32
    %lt3A_573 = arith.constant 0 : i32
    %lt3A_574 = arith.cmpi slt, %select_n3A_567, %lt3A_573 : i32
    %ne3A_575 = arith.xori %lt3A_572, %lt3A_574 : i1
    %and3A_576 = arith.andi %ne3A_575, %ne3A_570 : i1
    %add3A_577 = arith.addi %rem3A_568, %select_n3A_567 : i32
    %select_n3A_578 = arith.select %and3A_576, %add3A_577, %rem3A_568 : i32
    %jit3A_579 = arith.constant 14 : i32
    %div3A_580 = arith.divsi %select_n3A_562, %jit3A_579 : i32
    %sign3A_581 = arith.constant 0 : i32
    %sign3A_582 = arith.cmpi sgt, %select_n3A_562, %sign3A_581 : i32
    %sign3A_583 = arith.extui %sign3A_582 : i1 to i32
    %sign3A_584 = arith.constant 0 : i32
    %sign3A_585 = arith.cmpi slt, %select_n3A_562, %sign3A_584 : i32
    %sign3A_586 = arith.extui %sign3A_585 : i1 to i32
    %sign3A_587 = arith.subi %sign3A_583, %sign3A_586 : i32
    %sign3A_588 = arith.constant 0 : i32
    %sign3A_589 = arith.cmpi sgt, %jit3A_579, %sign3A_588 : i32
    %sign3A_590 = arith.extui %sign3A_589 : i1 to i32
    %sign3A_591 = arith.constant 0 : i32
    %sign3A_592 = arith.cmpi slt, %jit3A_579, %sign3A_591 : i32
    %sign3A_593 = arith.extui %sign3A_592 : i1 to i32
    %sign3A_594 = arith.subi %sign3A_590, %sign3A_593 : i32
    %ne3A_595 = arith.cmpi ne, %sign3A_587, %sign3A_594 : i32
    %rem3A_596 = arith.remsi %select_n3A_562, %jit3A_579 : i32
    %ne3A_597 = arith.constant 0 : i32
    %ne3A_598 = arith.cmpi ne, %rem3A_596, %ne3A_597 : i32
    %and3A_599 = arith.andi %ne3A_595, %ne3A_598 : i1
    %sub3A_600 = arith.constant 1 : i32
    %sub3A_601 = arith.subi %div3A_580, %sub3A_600 : i32
    %select_n3A_602 = arith.select %and3A_599, %sub3A_601, %div3A_580 : i32
    %jit3A_603 = arith.constant 14 : i32
    %eq3A_604 = arith.constant 0 : i32
    %eq3A_605 = arith.cmpi eq, %jit3A_603, %eq3A_604 : i32
    %jit3A_606 = arith.constant 1 : i32
    %select_n3A_607 = arith.select %eq3A_605, %jit3A_606, %jit3A_603 : i32
    %rem3A_608 = arith.remsi %select_n3A_562, %select_n3A_607 : i32
    %ne3A_609 = arith.constant 0 : i32
    %ne3A_610 = arith.cmpi ne, %rem3A_608, %ne3A_609 : i32
    %lt3A_611 = arith.constant 0 : i32
    %lt3A_612 = arith.cmpi slt, %rem3A_608, %lt3A_611 : i32
    %lt3A_613 = arith.constant 0 : i32
    %lt3A_614 = arith.cmpi slt, %select_n3A_607, %lt3A_613 : i32
    %ne3A_615 = arith.xori %lt3A_612, %lt3A_614 : i1
    %and3A_616 = arith.andi %ne3A_615, %ne3A_610 : i1
    %add3A_617 = arith.addi %rem3A_608, %select_n3A_607 : i32
    %select_n3A_618 = arith.select %and3A_616, %add3A_617, %rem3A_608 : i32
    %dma_wait3A_619 = arith.constant 7 : i32
    %dma_wait3A_620 = arith.constant 0 : i32
    %dma_wait3A_621 = arith.constant 0 : i32
    %dma_wait3A_622 = arith.constant 0 : i32
    %dma_wait3A_623 = tpu.memref_slice %arg7[%dma_wait3A_619, %dma_wait3A_620, %dma_wait3A_621, %dma_wait3A_622] : memref<8x20x16x16xi32, #tpu.memory_space<vmem>> -> memref<1x20x16x16xi32, #tpu.memory_space<vmem>>
    %dma_wait3A_624 = tpu.memref_squeeze %dma_wait3A_623 : memref<1x20x16x16xi32, #tpu.memory_space<vmem>> -> memref<20x16x16xi32, #tpu.memory_space<vmem>>
    %dma_wait3A_625 = arith.constant 0 : i32
    %dma_wait3A_626 = arith.constant 0 : i32
    %dma_wait3A_627 = arith.constant 0 : i32
    %dma_wait3A_628 = tpu.memref_slice %arg4[%select_n3A_578, %dma_wait3A_625, %select_n3A_602, %dma_wait3A_626, %select_n3A_618, %dma_wait3A_627] : memref<16x20x14x16x14x16xi32, #tpu.memory_space<hbm>> -> memref<1x20x1x16x1x16xi32, #tpu.memory_space<hbm>>
    %dma_wait3A_629 = tpu.memref_squeeze %dma_wait3A_628 : memref<1x20x1x16x1x16xi32, #tpu.memory_space<hbm>> -> memref<20x16x16xi32, #tpu.memory_space<hbm>>
    %dma_wait3A_630 = arith.constant 0 : i32
    %dma_wait3A_631 = arith.constant 0 : i32
    %dma_wait3A_632 = arith.constant 0 : i32
    %dma_wait3A_633 = tpu.memref_slice %arg4[%select_n3A_578, %dma_wait3A_630, %select_n3A_602, %dma_wait3A_631, %select_n3A_618, %dma_wait3A_632] : memref<16x20x14x16x14x16xi32, #tpu.memory_space<hbm>> -> memref<1x20x1x16x1x16xi32, #tpu.memory_space<hbm>>
    %dma_wait3A_634 = tpu.memref_squeeze %dma_wait3A_633 : memref<1x20x1x16x1x16xi32, #tpu.memory_space<hbm>> -> memref<20x16x16xi32, #tpu.memory_space<hbm>>
    %dma_wait3A_635 = arith.constant 0 : i32
    %dma_wait3A_636 = arith.constant 0 : i32
    %dma_wait3A_637 = arith.constant 0 : i32
    %dma_wait3A_638 = tpu.memref_slice %arg7[%dma_wait3A_619, %dma_wait3A_635, %dma_wait3A_636, %dma_wait3A_637] : memref<8x20x16x16xi32, #tpu.memory_space<vmem>> -> memref<1x20x16x16xi32, #tpu.memory_space<vmem>>
    %dma_wait3A_639 = tpu.memref_squeeze %dma_wait3A_638 : memref<1x20x16x16xi32, #tpu.memory_space<vmem>> -> memref<20x16x16xi32, #tpu.memory_space<vmem>>
    tpu.wait_dma2 semaphore(%arg10 : memref<!tpu.dma_semaphore, #tpu.memory_space<semaphore_mem>>) src(%dma_wait3A_639 : memref<20x16x16xi32, #tpu.memory_space<vmem>>) dst(%dma_wait3A_634 : memref<20x16x16xi32, #tpu.memory_space<hbm>>)
    %add3A_640 = arith.constant 96 : i32
    %add3A_641 = arith.addi %mul3A_2, %add3A_640 : i32
    %jit3A_642 = arith.constant 16 : i32
    %div3A_643 = arith.divsi %add3A_641, %jit3A_642 : i32
    %sign3A_644 = arith.constant 0 : i32
    %sign3A_645 = arith.cmpi sgt, %add3A_641, %sign3A_644 : i32
    %sign3A_646 = arith.extui %sign3A_645 : i1 to i32
    %sign3A_647 = arith.constant 0 : i32
    %sign3A_648 = arith.cmpi slt, %add3A_641, %sign3A_647 : i32
    %sign3A_649 = arith.extui %sign3A_648 : i1 to i32
    %sign3A_650 = arith.subi %sign3A_646, %sign3A_649 : i32
    %sign3A_651 = arith.constant 0 : i32
    %sign3A_652 = arith.cmpi sgt, %jit3A_642, %sign3A_651 : i32
    %sign3A_653 = arith.extui %sign3A_652 : i1 to i32
    %sign3A_654 = arith.constant 0 : i32
    %sign3A_655 = arith.cmpi slt, %jit3A_642, %sign3A_654 : i32
    %sign3A_656 = arith.extui %sign3A_655 : i1 to i32
    %sign3A_657 = arith.subi %sign3A_653, %sign3A_656 : i32
    %ne3A_658 = arith.cmpi ne, %sign3A_650, %sign3A_657 : i32
    %rem3A_659 = arith.remsi %add3A_641, %jit3A_642 : i32
    %ne3A_660 = arith.constant 0 : i32
    %ne3A_661 = arith.cmpi ne, %rem3A_659, %ne3A_660 : i32
    %and3A_662 = arith.andi %ne3A_658, %ne3A_661 : i1
    %sub3A_663 = arith.constant 1 : i32
    %sub3A_664 = arith.subi %div3A_643, %sub3A_663 : i32
    %select_n3A_665 = arith.select %and3A_662, %sub3A_664, %div3A_643 : i32
    %jit3A_666 = arith.constant 16 : i32
    %eq3A_667 = arith.constant 0 : i32
    %eq3A_668 = arith.cmpi eq, %jit3A_666, %eq3A_667 : i32
    %jit3A_669 = arith.constant 1 : i32
    %select_n3A_670 = arith.select %eq3A_668, %jit3A_669, %jit3A_666 : i32
    %rem3A_671 = arith.remsi %add3A_641, %select_n3A_670 : i32
    %ne3A_672 = arith.constant 0 : i32
    %ne3A_673 = arith.cmpi ne, %rem3A_671, %ne3A_672 : i32
    %lt3A_674 = arith.constant 0 : i32
    %lt3A_675 = arith.cmpi slt, %rem3A_671, %lt3A_674 : i32
    %lt3A_676 = arith.constant 0 : i32
    %lt3A_677 = arith.cmpi slt, %select_n3A_670, %lt3A_676 : i32
    %ne3A_678 = arith.xori %lt3A_675, %lt3A_677 : i1
    %and3A_679 = arith.andi %ne3A_678, %ne3A_673 : i1
    %add3A_680 = arith.addi %rem3A_671, %select_n3A_670 : i32
    %select_n3A_681 = arith.select %and3A_679, %add3A_680, %rem3A_671 : i32
    %jit3A_682 = arith.constant 14 : i32
    %div3A_683 = arith.divsi %select_n3A_665, %jit3A_682 : i32
    %sign3A_684 = arith.constant 0 : i32
    %sign3A_685 = arith.cmpi sgt, %select_n3A_665, %sign3A_684 : i32
    %sign3A_686 = arith.extui %sign3A_685 : i1 to i32
    %sign3A_687 = arith.constant 0 : i32
    %sign3A_688 = arith.cmpi slt, %select_n3A_665, %sign3A_687 : i32
    %sign3A_689 = arith.extui %sign3A_688 : i1 to i32
    %sign3A_690 = arith.subi %sign3A_686, %sign3A_689 : i32
    %sign3A_691 = arith.constant 0 : i32
    %sign3A_692 = arith.cmpi sgt, %jit3A_682, %sign3A_691 : i32
    %sign3A_693 = arith.extui %sign3A_692 : i1 to i32
    %sign3A_694 = arith.constant 0 : i32
    %sign3A_695 = arith.cmpi slt, %jit3A_682, %sign3A_694 : i32
    %sign3A_696 = arith.extui %sign3A_695 : i1 to i32
    %sign3A_697 = arith.subi %sign3A_693, %sign3A_696 : i32
    %ne3A_698 = arith.cmpi ne, %sign3A_690, %sign3A_697 : i32
    %rem3A_699 = arith.remsi %select_n3A_665, %jit3A_682 : i32
    %ne3A_700 = arith.constant 0 : i32
    %ne3A_701 = arith.cmpi ne, %rem3A_699, %ne3A_700 : i32
    %and3A_702 = arith.andi %ne3A_698, %ne3A_701 : i1
    %sub3A_703 = arith.constant 1 : i32
    %sub3A_704 = arith.subi %div3A_683, %sub3A_703 : i32
    %select_n3A_705 = arith.select %and3A_702, %sub3A_704, %div3A_683 : i32
    %jit3A_706 = arith.constant 14 : i32
    %eq3A_707 = arith.constant 0 : i32
    %eq3A_708 = arith.cmpi eq, %jit3A_706, %eq3A_707 : i32
    %jit3A_709 = arith.constant 1 : i32
    %select_n3A_710 = arith.select %eq3A_708, %jit3A_709, %jit3A_706 : i32
    %rem3A_711 = arith.remsi %select_n3A_665, %select_n3A_710 : i32
    %ne3A_712 = arith.constant 0 : i32
    %ne3A_713 = arith.cmpi ne, %rem3A_711, %ne3A_712 : i32
    %lt3A_714 = arith.constant 0 : i32
    %lt3A_715 = arith.cmpi slt, %rem3A_711, %lt3A_714 : i32
    %lt3A_716 = arith.constant 0 : i32
    %lt3A_717 = arith.cmpi slt, %select_n3A_710, %lt3A_716 : i32
    %ne3A_718 = arith.xori %lt3A_715, %lt3A_717 : i1
    %and3A_719 = arith.andi %ne3A_718, %ne3A_713 : i1
    %add3A_720 = arith.addi %rem3A_711, %select_n3A_710 : i32
    %select_n3A_721 = arith.select %and3A_719, %add3A_720, %rem3A_711 : i32
    %dma_wait3A_722 = arith.constant 0 : i32
    %dma_wait3A_723 = arith.constant 0 : i32
    %dma_wait3A_724 = arith.constant 0 : i32
    %dma_wait3A_725 = arith.constant 0 : i32
    %dma_wait3A_726 = tpu.memref_slice %arg7[%dma_wait3A_722, %dma_wait3A_723, %dma_wait3A_724, %dma_wait3A_725] : memref<8x20x16x16xi32, #tpu.memory_space<vmem>> -> memref<1x20x16x16xi32, #tpu.memory_space<vmem>>
    %dma_wait3A_727 = tpu.memref_squeeze %dma_wait3A_726 : memref<1x20x16x16xi32, #tpu.memory_space<vmem>> -> memref<20x16x16xi32, #tpu.memory_space<vmem>>
    %dma_wait3A_728 = arith.constant 0 : i32
    %dma_wait3A_729 = arith.constant 0 : i32
    %dma_wait3A_730 = arith.constant 0 : i32
    %dma_wait3A_731 = tpu.memref_slice %arg4[%select_n3A_681, %dma_wait3A_728, %select_n3A_705, %dma_wait3A_729, %select_n3A_721, %dma_wait3A_730] : memref<16x20x14x16x14x16xi32, #tpu.memory_space<hbm>> -> memref<1x20x1x16x1x16xi32, #tpu.memory_space<hbm>>
    %dma_wait3A_732 = tpu.memref_squeeze %dma_wait3A_731 : memref<1x20x1x16x1x16xi32, #tpu.memory_space<hbm>> -> memref<20x16x16xi32, #tpu.memory_space<hbm>>
    %dma_wait3A_733 = arith.constant 0 : i32
    %dma_wait3A_734 = arith.constant 0 : i32
    %dma_wait3A_735 = arith.constant 0 : i32
    %dma_wait3A_736 = tpu.memref_slice %arg4[%select_n3A_681, %dma_wait3A_733, %select_n3A_705, %dma_wait3A_734, %select_n3A_721, %dma_wait3A_735] : memref<16x20x14x16x14x16xi32, #tpu.memory_space<hbm>> -> memref<1x20x1x16x1x16xi32, #tpu.memory_space<hbm>>
    %dma_wait3A_737 = tpu.memref_squeeze %dma_wait3A_736 : memref<1x20x1x16x1x16xi32, #tpu.memory_space<hbm>> -> memref<20x16x16xi32, #tpu.memory_space<hbm>>
    %dma_wait3A_738 = arith.constant 0 : i32
    %dma_wait3A_739 = arith.constant 0 : i32
    %dma_wait3A_740 = arith.constant 0 : i32
    %dma_wait3A_741 = tpu.memref_slice %arg7[%dma_wait3A_722, %dma_wait3A_738, %dma_wait3A_739, %dma_wait3A_740] : memref<8x20x16x16xi32, #tpu.memory_space<vmem>> -> memref<1x20x16x16xi32, #tpu.memory_space<vmem>>
    %dma_wait3A_742 = tpu.memref_squeeze %dma_wait3A_741 : memref<1x20x16x16xi32, #tpu.memory_space<vmem>> -> memref<20x16x16xi32, #tpu.memory_space<vmem>>
    tpu.wait_dma2 semaphore(%arg10 : memref<!tpu.dma_semaphore, #tpu.memory_space<semaphore_mem>>) src(%dma_wait3A_742 : memref<20x16x16xi32, #tpu.memory_space<vmem>>) dst(%dma_wait3A_737 : memref<20x16x16xi32, #tpu.memory_space<hbm>>)
    %add3A_743 = arith.constant 97 : i32
    %add3A_744 = arith.addi %mul3A_2, %add3A_743 : i32
    %jit3A_745 = arith.constant 16 : i32
    %div3A_746 = arith.divsi %add3A_744, %jit3A_745 : i32
    %sign3A_747 = arith.constant 0 : i32
    %sign3A_748 = arith.cmpi sgt, %add3A_744, %sign3A_747 : i32
    %sign3A_749 = arith.extui %sign3A_748 : i1 to i32
    %sign3A_750 = arith.constant 0 : i32
    %sign3A_751 = arith.cmpi slt, %add3A_744, %sign3A_750 : i32
    %sign3A_752 = arith.extui %sign3A_751 : i1 to i32
    %sign3A_753 = arith.subi %sign3A_749, %sign3A_752 : i32
    %sign3A_754 = arith.constant 0 : i32
    %sign3A_755 = arith.cmpi sgt, %jit3A_745, %sign3A_754 : i32
    %sign3A_756 = arith.extui %sign3A_755 : i1 to i32
    %sign3A_757 = arith.constant 0 : i32
    %sign3A_758 = arith.cmpi slt, %jit3A_745, %sign3A_757 : i32
    %sign3A_759 = arith.extui %sign3A_758 : i1 to i32
    %sign3A_760 = arith.subi %sign3A_756, %sign3A_759 : i32
    %ne3A_761 = arith.cmpi ne, %sign3A_753, %sign3A_760 : i32
    %rem3A_762 = arith.remsi %add3A_744, %jit3A_745 : i32
    %ne3A_763 = arith.constant 0 : i32
    %ne3A_764 = arith.cmpi ne, %rem3A_762, %ne3A_763 : i32
    %and3A_765 = arith.andi %ne3A_761, %ne3A_764 : i1
    %sub3A_766 = arith.constant 1 : i32
    %sub3A_767 = arith.subi %div3A_746, %sub3A_766 : i32
    %select_n3A_768 = arith.select %and3A_765, %sub3A_767, %div3A_746 : i32
    %jit3A_769 = arith.constant 16 : i32
    %eq3A_770 = arith.constant 0 : i32
    %eq3A_771 = arith.cmpi eq, %jit3A_769, %eq3A_770 : i32
    %jit3A_772 = arith.constant 1 : i32
    %select_n3A_773 = arith.select %eq3A_771, %jit3A_772, %jit3A_769 : i32
    %rem3A_774 = arith.remsi %add3A_744, %select_n3A_773 : i32
    %ne3A_775 = arith.constant 0 : i32
    %ne3A_776 = arith.cmpi ne, %rem3A_774, %ne3A_775 : i32
    %lt3A_777 = arith.constant 0 : i32
    %lt3A_778 = arith.cmpi slt, %rem3A_774, %lt3A_777 : i32
    %lt3A_779 = arith.constant 0 : i32
    %lt3A_780 = arith.cmpi slt, %select_n3A_773, %lt3A_779 : i32
    %ne3A_781 = arith.xori %lt3A_778, %lt3A_780 : i1
    %and3A_782 = arith.andi %ne3A_781, %ne3A_776 : i1
    %add3A_783 = arith.addi %rem3A_774, %select_n3A_773 : i32
    %select_n3A_784 = arith.select %and3A_782, %add3A_783, %rem3A_774 : i32
    %jit3A_785 = arith.constant 14 : i32
    %div3A_786 = arith.divsi %select_n3A_768, %jit3A_785 : i32
    %sign3A_787 = arith.constant 0 : i32
    %sign3A_788 = arith.cmpi sgt, %select_n3A_768, %sign3A_787 : i32
    %sign3A_789 = arith.extui %sign3A_788 : i1 to i32
    %sign3A_790 = arith.constant 0 : i32
    %sign3A_791 = arith.cmpi slt, %select_n3A_768, %sign3A_790 : i32
    %sign3A_792 = arith.extui %sign3A_791 : i1 to i32
    %sign3A_793 = arith.subi %sign3A_789, %sign3A_792 : i32
    %sign3A_794 = arith.constant 0 : i32
    %sign3A_795 = arith.cmpi sgt, %jit3A_785, %sign3A_794 : i32
    %sign3A_796 = arith.extui %sign3A_795 : i1 to i32
    %sign3A_797 = arith.constant 0 : i32
    %sign3A_798 = arith.cmpi slt, %jit3A_785, %sign3A_797 : i32
    %sign3A_799 = arith.extui %sign3A_798 : i1 to i32
    %sign3A_800 = arith.subi %sign3A_796, %sign3A_799 : i32
    %ne3A_801 = arith.cmpi ne, %sign3A_793, %sign3A_800 : i32
    %rem3A_802 = arith.remsi %select_n3A_768, %jit3A_785 : i32
    %ne3A_803 = arith.constant 0 : i32
    %ne3A_804 = arith.cmpi ne, %rem3A_802, %ne3A_803 : i32
    %and3A_805 = arith.andi %ne3A_801, %ne3A_804 : i1
    %sub3A_806 = arith.constant 1 : i32
    %sub3A_807 = arith.subi %div3A_786, %sub3A_806 : i32
    %select_n3A_808 = arith.select %and3A_805, %sub3A_807, %div3A_786 : i32
    %jit3A_809 = arith.constant 14 : i32
    %eq3A_810 = arith.constant 0 : i32
    %eq3A_811 = arith.cmpi eq, %jit3A_809, %eq3A_810 : i32
    %jit3A_812 = arith.constant 1 : i32
    %select_n3A_813 = arith.select %eq3A_811, %jit3A_812, %jit3A_809 : i32
    %rem3A_814 = arith.remsi %select_n3A_768, %select_n3A_813 : i32
    %ne3A_815 = arith.constant 0 : i32
    %ne3A_816 = arith.cmpi ne, %rem3A_814, %ne3A_815 : i32
    %lt3A_817 = arith.constant 0 : i32
    %lt3A_818 = arith.cmpi slt, %rem3A_814, %lt3A_817 : i32
    %lt3A_819 = arith.constant 0 : i32
    %lt3A_820 = arith.cmpi slt, %select_n3A_813, %lt3A_819 : i32
    %ne3A_821 = arith.xori %lt3A_818, %lt3A_820 : i1
    %and3A_822 = arith.andi %ne3A_821, %ne3A_816 : i1
    %add3A_823 = arith.addi %rem3A_814, %select_n3A_813 : i32
    %select_n3A_824 = arith.select %and3A_822, %add3A_823, %rem3A_814 : i32
    %dma_wait3A_825 = arith.constant 1 : i32
    %dma_wait3A_826 = arith.constant 0 : i32
    %dma_wait3A_827 = arith.constant 0 : i32
    %dma_wait3A_828 = arith.constant 0 : i32
    %dma_wait3A_829 = tpu.memref_slice %arg7[%dma_wait3A_825, %dma_wait3A_826, %dma_wait3A_827, %dma_wait3A_828] : memref<8x20x16x16xi32, #tpu.memory_space<vmem>> -> memref<1x20x16x16xi32, #tpu.memory_space<vmem>>
    %dma_wait3A_830 = tpu.memref_squeeze %dma_wait3A_829 : memref<1x20x16x16xi32, #tpu.memory_space<vmem>> -> memref<20x16x16xi32, #tpu.memory_space<vmem>>
    %dma_wait3A_831 = arith.constant 0 : i32
    %dma_wait3A_832 = arith.constant 0 : i32
    %dma_wait3A_833 = arith.constant 0 : i32
    %dma_wait3A_834 = tpu.memref_slice %arg4[%select_n3A_784, %dma_wait3A_831, %select_n3A_808, %dma_wait3A_832, %select_n3A_824, %dma_wait3A_833] : memref<16x20x14x16x14x16xi32, #tpu.memory_space<hbm>> -> memref<1x20x1x16x1x16xi32, #tpu.memory_space<hbm>>
    %dma_wait3A_835 = tpu.memref_squeeze %dma_wait3A_834 : memref<1x20x1x16x1x16xi32, #tpu.memory_space<hbm>> -> memref<20x16x16xi32, #tpu.memory_space<hbm>>
    %dma_wait3A_836 = arith.constant 0 : i32
    %dma_wait3A_837 = arith.constant 0 : i32
    %dma_wait3A_838 = arith.constant 0 : i32
    %dma_wait3A_839 = tpu.memref_slice %arg4[%select_n3A_784, %dma_wait3A_836, %select_n3A_808, %dma_wait3A_837, %select_n3A_824, %dma_wait3A_838] : memref<16x20x14x16x14x16xi32, #tpu.memory_space<hbm>> -> memref<1x20x1x16x1x16xi32, #tpu.memory_space<hbm>>
    %dma_wait3A_840 = tpu.memref_squeeze %dma_wait3A_839 : memref<1x20x1x16x1x16xi32, #tpu.memory_space<hbm>> -> memref<20x16x16xi32, #tpu.memory_space<hbm>>
    %dma_wait3A_841 = arith.constant 0 : i32
    %dma_wait3A_842 = arith.constant 0 : i32
    %dma_wait3A_843 = arith.constant 0 : i32
    %dma_wait3A_844 = tpu.memref_slice %arg7[%dma_wait3A_825, %dma_wait3A_841, %dma_wait3A_842, %dma_wait3A_843] : memref<8x20x16x16xi32, #tpu.memory_space<vmem>> -> memref<1x20x16x16xi32, #tpu.memory_space<vmem>>
    %dma_wait3A_845 = tpu.memref_squeeze %dma_wait3A_844 : memref<1x20x16x16xi32, #tpu.memory_space<vmem>> -> memref<20x16x16xi32, #tpu.memory_space<vmem>>
    tpu.wait_dma2 semaphore(%arg10 : memref<!tpu.dma_semaphore, #tpu.memory_space<semaphore_mem>>) src(%dma_wait3A_845 : memref<20x16x16xi32, #tpu.memory_space<vmem>>) dst(%dma_wait3A_840 : memref<20x16x16xi32, #tpu.memory_space<hbm>>)
    return
  }
}

module attributes {stable_mosaic.version = 14 : i64} {
  func.func @_topk_body(%arg0: i32, %arg1: memref<8x16x384xf32, #tpu.memory_space<vmem>>, %arg2: memref<8x500x384xf32, #tpu.memory_space<vmem>>, %arg3: memref<1x128x20xi32, #tpu.memory_space<vmem>>, %arg4: memref<1x128x20xf32, #tpu.memory_space<vmem>>) attributes {dimension_semantics = [#tpu.dimension_semantics<arbitrary>], iteration_bounds = array<i64: 25>, scalar_prefetch = 0 : i64, scratch_operands = 0 : i64, tpu.core_type = #tpu.core_type<tc>, window_params = [{transform_indices = @transform_0, window_bounds = array<i64: 8, 16, 384>}, {transform_indices = @transform_1, window_bounds = array<i64: 8, 500, 384>}, {transform_indices = @transform_2, window_bounds = array<i64: 1, 128, 20>}, {transform_indices = @transform_3, window_bounds = array<i64: 1, 128, 20>}]} {
    %get3A = arith.constant 0 : index
    %get3A_0 = arith.constant 0 : index
    %get3A_1 = arith.constant 0 : index
    %get3A_2 = vector.load %arg1[%get3A, %get3A_0, %get3A_1] : memref<8x16x384xf32, #tpu.memory_space<vmem>>, vector<1x16x384xf32>
    %get3A_3 = vector.shape_cast %get3A_2 : vector<1x16x384xf32> to vector<16x384xf32>
    %get3A_4 = arith.constant 0 : index
    %get3A_5 = arith.constant 0 : index
    %get3A_6 = arith.constant 0 : index
    %get3A_7 = vector.load %arg2[%get3A_4, %get3A_5, %get3A_6] : memref<8x500x384xf32, #tpu.memory_space<vmem>>, vector<1x500x384xf32>
    %get3A_8 = vector.shape_cast %get3A_7 : vector<1x500x384xf32> to vector<500x384xf32>
    %dot_general3A = arith.constant dense<0.000000e+00> : vector<16x500xf32>
    %dot_general3A_9 = tpu.matmul %get3A_3, %get3A_8, %dot_general3A {dimension_numbers = #tpu.dot_dimension_numbers<[1], [1], [0], [0], [0, 0, 1, 0], [], []>, transpose_lhs_hint = false} : vector<16x384xf32>, vector<500x384xf32>, vector<16x500xf32> -> vector<16x500xf32>
    %get3A_10 = arith.constant 1 : index
    %get3A_11 = arith.constant 0 : index
    %get3A_12 = arith.constant 0 : index
    %get3A_13 = vector.load %arg1[%get3A_10, %get3A_11, %get3A_12] : memref<8x16x384xf32, #tpu.memory_space<vmem>>, vector<1x16x384xf32>
    %get3A_14 = vector.shape_cast %get3A_13 : vector<1x16x384xf32> to vector<16x384xf32>
    %get3A_15 = arith.constant 1 : index
    %get3A_16 = arith.constant 0 : index
    %get3A_17 = arith.constant 0 : index
    %get3A_18 = vector.load %arg2[%get3A_15, %get3A_16, %get3A_17] : memref<8x500x384xf32, #tpu.memory_space<vmem>>, vector<1x500x384xf32>
    %get3A_19 = vector.shape_cast %get3A_18 : vector<1x500x384xf32> to vector<500x384xf32>
    %dot_general3A_20 = arith.constant dense<0.000000e+00> : vector<16x500xf32>
    %dot_general3A_21 = tpu.matmul %get3A_14, %get3A_19, %dot_general3A_20 {dimension_numbers = #tpu.dot_dimension_numbers<[1], [1], [0], [0], [0, 0, 1, 0], [], []>, transpose_lhs_hint = false} : vector<16x384xf32>, vector<500x384xf32>, vector<16x500xf32> -> vector<16x500xf32>
    %get3A_22 = arith.constant 2 : index
    %get3A_23 = arith.constant 0 : index
    %get3A_24 = arith.constant 0 : index
    %get3A_25 = vector.load %arg1[%get3A_22, %get3A_23, %get3A_24] : memref<8x16x384xf32, #tpu.memory_space<vmem>>, vector<1x16x384xf32>
    %get3A_26 = vector.shape_cast %get3A_25 : vector<1x16x384xf32> to vector<16x384xf32>
    %get3A_27 = arith.constant 2 : index
    %get3A_28 = arith.constant 0 : index
    %get3A_29 = arith.constant 0 : index
    %get3A_30 = vector.load %arg2[%get3A_27, %get3A_28, %get3A_29] : memref<8x500x384xf32, #tpu.memory_space<vmem>>, vector<1x500x384xf32>
    %get3A_31 = vector.shape_cast %get3A_30 : vector<1x500x384xf32> to vector<500x384xf32>
    %dot_general3A_32 = arith.constant dense<0.000000e+00> : vector<16x500xf32>
    %dot_general3A_33 = tpu.matmul %get3A_26, %get3A_31, %dot_general3A_32 {dimension_numbers = #tpu.dot_dimension_numbers<[1], [1], [0], [0], [0, 0, 1, 0], [], []>, transpose_lhs_hint = false} : vector<16x384xf32>, vector<500x384xf32>, vector<16x500xf32> -> vector<16x500xf32>
    %get3A_34 = arith.constant 3 : index
    %get3A_35 = arith.constant 0 : index
    %get3A_36 = arith.constant 0 : index
    %get3A_37 = vector.load %arg1[%get3A_34, %get3A_35, %get3A_36] : memref<8x16x384xf32, #tpu.memory_space<vmem>>, vector<1x16x384xf32>
    %get3A_38 = vector.shape_cast %get3A_37 : vector<1x16x384xf32> to vector<16x384xf32>
    %get3A_39 = arith.constant 3 : index
    %get3A_40 = arith.constant 0 : index
    %get3A_41 = arith.constant 0 : index
    %get3A_42 = vector.load %arg2[%get3A_39, %get3A_40, %get3A_41] : memref<8x500x384xf32, #tpu.memory_space<vmem>>, vector<1x500x384xf32>
    %get3A_43 = vector.shape_cast %get3A_42 : vector<1x500x384xf32> to vector<500x384xf32>
    %dot_general3A_44 = arith.constant dense<0.000000e+00> : vector<16x500xf32>
    %dot_general3A_45 = tpu.matmul %get3A_38, %get3A_43, %dot_general3A_44 {dimension_numbers = #tpu.dot_dimension_numbers<[1], [1], [0], [0], [0, 0, 1, 0], [], []>, transpose_lhs_hint = false} : vector<16x384xf32>, vector<500x384xf32>, vector<16x500xf32> -> vector<16x500xf32>
    %get3A_46 = arith.constant 4 : index
    %get3A_47 = arith.constant 0 : index
    %get3A_48 = arith.constant 0 : index
    %get3A_49 = vector.load %arg1[%get3A_46, %get3A_47, %get3A_48] : memref<8x16x384xf32, #tpu.memory_space<vmem>>, vector<1x16x384xf32>
    %get3A_50 = vector.shape_cast %get3A_49 : vector<1x16x384xf32> to vector<16x384xf32>
    %get3A_51 = arith.constant 4 : index
    %get3A_52 = arith.constant 0 : index
    %get3A_53 = arith.constant 0 : index
    %get3A_54 = vector.load %arg2[%get3A_51, %get3A_52, %get3A_53] : memref<8x500x384xf32, #tpu.memory_space<vmem>>, vector<1x500x384xf32>
    %get3A_55 = vector.shape_cast %get3A_54 : vector<1x500x384xf32> to vector<500x384xf32>
    %dot_general3A_56 = arith.constant dense<0.000000e+00> : vector<16x500xf32>
    %dot_general3A_57 = tpu.matmul %get3A_50, %get3A_55, %dot_general3A_56 {dimension_numbers = #tpu.dot_dimension_numbers<[1], [1], [0], [0], [0, 0, 1, 0], [], []>, transpose_lhs_hint = false} : vector<16x384xf32>, vector<500x384xf32>, vector<16x500xf32> -> vector<16x500xf32>
    %get3A_58 = arith.constant 5 : index
    %get3A_59 = arith.constant 0 : index
    %get3A_60 = arith.constant 0 : index
    %get3A_61 = vector.load %arg1[%get3A_58, %get3A_59, %get3A_60] : memref<8x16x384xf32, #tpu.memory_space<vmem>>, vector<1x16x384xf32>
    %get3A_62 = vector.shape_cast %get3A_61 : vector<1x16x384xf32> to vector<16x384xf32>
    %get3A_63 = arith.constant 5 : index
    %get3A_64 = arith.constant 0 : index
    %get3A_65 = arith.constant 0 : index
    %get3A_66 = vector.load %arg2[%get3A_63, %get3A_64, %get3A_65] : memref<8x500x384xf32, #tpu.memory_space<vmem>>, vector<1x500x384xf32>
    %get3A_67 = vector.shape_cast %get3A_66 : vector<1x500x384xf32> to vector<500x384xf32>
    %dot_general3A_68 = arith.constant dense<0.000000e+00> : vector<16x500xf32>
    %dot_general3A_69 = tpu.matmul %get3A_62, %get3A_67, %dot_general3A_68 {dimension_numbers = #tpu.dot_dimension_numbers<[1], [1], [0], [0], [0, 0, 1, 0], [], []>, transpose_lhs_hint = false} : vector<16x384xf32>, vector<500x384xf32>, vector<16x500xf32> -> vector<16x500xf32>
    %get3A_70 = arith.constant 6 : index
    %get3A_71 = arith.constant 0 : index
    %get3A_72 = arith.constant 0 : index
    %get3A_73 = vector.load %arg1[%get3A_70, %get3A_71, %get3A_72] : memref<8x16x384xf32, #tpu.memory_space<vmem>>, vector<1x16x384xf32>
    %get3A_74 = vector.shape_cast %get3A_73 : vector<1x16x384xf32> to vector<16x384xf32>
    %get3A_75 = arith.constant 6 : index
    %get3A_76 = arith.constant 0 : index
    %get3A_77 = arith.constant 0 : index
    %get3A_78 = vector.load %arg2[%get3A_75, %get3A_76, %get3A_77] : memref<8x500x384xf32, #tpu.memory_space<vmem>>, vector<1x500x384xf32>
    %get3A_79 = vector.shape_cast %get3A_78 : vector<1x500x384xf32> to vector<500x384xf32>
    %dot_general3A_80 = arith.constant dense<0.000000e+00> : vector<16x500xf32>
    %dot_general3A_81 = tpu.matmul %get3A_74, %get3A_79, %dot_general3A_80 {dimension_numbers = #tpu.dot_dimension_numbers<[1], [1], [0], [0], [0, 0, 1, 0], [], []>, transpose_lhs_hint = false} : vector<16x384xf32>, vector<500x384xf32>, vector<16x500xf32> -> vector<16x500xf32>
    %get3A_82 = arith.constant 7 : index
    %get3A_83 = arith.constant 0 : index
    %get3A_84 = arith.constant 0 : index
    %get3A_85 = vector.load %arg1[%get3A_82, %get3A_83, %get3A_84] : memref<8x16x384xf32, #tpu.memory_space<vmem>>, vector<1x16x384xf32>
    %get3A_86 = vector.shape_cast %get3A_85 : vector<1x16x384xf32> to vector<16x384xf32>
    %get3A_87 = arith.constant 7 : index
    %get3A_88 = arith.constant 0 : index
    %get3A_89 = arith.constant 0 : index
    %get3A_90 = vector.load %arg2[%get3A_87, %get3A_88, %get3A_89] : memref<8x500x384xf32, #tpu.memory_space<vmem>>, vector<1x500x384xf32>
    %get3A_91 = vector.shape_cast %get3A_90 : vector<1x500x384xf32> to vector<500x384xf32>
    %dot_general3A_92 = arith.constant dense<0.000000e+00> : vector<16x500xf32>
    %dot_general3A_93 = tpu.matmul %get3A_86, %get3A_91, %dot_general3A_92 {dimension_numbers = #tpu.dot_dimension_numbers<[1], [1], [0], [0], [0, 0, 1, 0], [], []>, transpose_lhs_hint = false} : vector<16x384xf32>, vector<500x384xf32>, vector<16x500xf32> -> vector<16x500xf32>
    %concatenate3A = tpu.concatenate %dot_general3A_9, %dot_general3A_21, %dot_general3A_33, %dot_general3A_45, %dot_general3A_57, %dot_general3A_69, %dot_general3A_81, %dot_general3A_93 in 0 : vector<16x500xf32>, vector<16x500xf32>, vector<16x500xf32>, vector<16x500xf32>, vector<16x500xf32>, vector<16x500xf32>, vector<16x500xf32>, vector<16x500xf32> -> vector<128x500xf32>
    %iota3A = tpu.iota {dimensions = array<i32: 1>} : vector<128x500xi32>
    %reduce_max3A = arith.constant dense<0xFF800000> : vector<128xf32>
    %reduce_max3A_94 = vector.multi_reduction <maximumf>, %concatenate3A, %reduce_max3A [1] : vector<128x500xf32> to vector<128xf32>
    %broadcast_in_dim3A = vector.shape_cast %reduce_max3A_94 : vector<128xf32> to vector<128x1xf32>
    %eq3A = vector.broadcast %broadcast_in_dim3A : vector<128x1xf32> to vector<128x500xf32>
    %eq3A_95 = arith.cmpf oeq, %concatenate3A, %eq3A : vector<128x500xf32>
    %jit3A = arith.constant 500 : i32
    %broadcast_in_dim3A_96 = vector.broadcast %jit3A : i32 to vector<128x500xi32>
    %select_n3A = arith.select %eq3A_95, %iota3A, %broadcast_in_dim3A_96 : vector<128x500xi1>, vector<128x500xi32>
    %reduce_min3A = arith.constant dense<2147483647> : vector<128xi32>
    %reduce_min3A_97 = vector.multi_reduction <minsi>, %select_n3A, %reduce_min3A [1] : vector<128x500xi32> to vector<128xi32>
    %broadcast_in_dim3A_98 = vector.shape_cast %reduce_min3A_97 : vector<128xi32> to vector<128x1xi32>
    %eq3A_99 = vector.broadcast %broadcast_in_dim3A_98 : vector<128x1xi32> to vector<128x500xi32>
    %eq3A_100 = arith.cmpi eq, %iota3A, %eq3A_99 : vector<128x500xi32>
    %jit3A_101 = arith.constant 0xFF800000 : f32
    %broadcast_in_dim3A_102 = vector.broadcast %jit3A_101 : f32 to vector<128x500xf32>
    %select_n3A_103 = arith.select %eq3A_100, %broadcast_in_dim3A_102, %concatenate3A : vector<128x500xi1>, vector<128x500xf32>
    %reduce_max3A_104 = arith.constant dense<0xFF800000> : vector<128xf32>
    %reduce_max3A_105 = vector.multi_reduction <maximumf>, %select_n3A_103, %reduce_max3A_104 [1] : vector<128x500xf32> to vector<128xf32>
    %broadcast_in_dim3A_106 = vector.shape_cast %reduce_max3A_105 : vector<128xf32> to vector<128x1xf32>
    %eq3A_107 = vector.broadcast %broadcast_in_dim3A_106 : vector<128x1xf32> to vector<128x500xf32>
    %eq3A_108 = arith.cmpf oeq, %select_n3A_103, %eq3A_107 : vector<128x500xf32>
    %jit3A_109 = arith.constant 500 : i32
    %broadcast_in_dim3A_110 = vector.broadcast %jit3A_109 : i32 to vector<128x500xi32>
    %select_n3A_111 = arith.select %eq3A_108, %iota3A, %broadcast_in_dim3A_110 : vector<128x500xi1>, vector<128x500xi32>
    %reduce_min3A_112 = arith.constant dense<2147483647> : vector<128xi32>
    %reduce_min3A_113 = vector.multi_reduction <minsi>, %select_n3A_111, %reduce_min3A_112 [1] : vector<128x500xi32> to vector<128xi32>
    %broadcast_in_dim3A_114 = vector.shape_cast %reduce_min3A_113 : vector<128xi32> to vector<128x1xi32>
    %eq3A_115 = vector.broadcast %broadcast_in_dim3A_114 : vector<128x1xi32> to vector<128x500xi32>
    %eq3A_116 = arith.cmpi eq, %iota3A, %eq3A_115 : vector<128x500xi32>
    %jit3A_117 = arith.constant 0xFF800000 : f32
    %broadcast_in_dim3A_118 = vector.broadcast %jit3A_117 : f32 to vector<128x500xf32>
    %select_n3A_119 = arith.select %eq3A_116, %broadcast_in_dim3A_118, %select_n3A_103 : vector<128x500xi1>, vector<128x500xf32>
    %reduce_max3A_120 = arith.constant dense<0xFF800000> : vector<128xf32>
    %reduce_max3A_121 = vector.multi_reduction <maximumf>, %select_n3A_119, %reduce_max3A_120 [1] : vector<128x500xf32> to vector<128xf32>
    %broadcast_in_dim3A_122 = vector.shape_cast %reduce_max3A_121 : vector<128xf32> to vector<128x1xf32>
    %eq3A_123 = vector.broadcast %broadcast_in_dim3A_122 : vector<128x1xf32> to vector<128x500xf32>
    %eq3A_124 = arith.cmpf oeq, %select_n3A_119, %eq3A_123 : vector<128x500xf32>
    %jit3A_125 = arith.constant 500 : i32
    %broadcast_in_dim3A_126 = vector.broadcast %jit3A_125 : i32 to vector<128x500xi32>
    %select_n3A_127 = arith.select %eq3A_124, %iota3A, %broadcast_in_dim3A_126 : vector<128x500xi1>, vector<128x500xi32>
    %reduce_min3A_128 = arith.constant dense<2147483647> : vector<128xi32>
    %reduce_min3A_129 = vector.multi_reduction <minsi>, %select_n3A_127, %reduce_min3A_128 [1] : vector<128x500xi32> to vector<128xi32>
    %broadcast_in_dim3A_130 = vector.shape_cast %reduce_min3A_129 : vector<128xi32> to vector<128x1xi32>
    %eq3A_131 = vector.broadcast %broadcast_in_dim3A_130 : vector<128x1xi32> to vector<128x500xi32>
    %eq3A_132 = arith.cmpi eq, %iota3A, %eq3A_131 : vector<128x500xi32>
    %jit3A_133 = arith.constant 0xFF800000 : f32
    %broadcast_in_dim3A_134 = vector.broadcast %jit3A_133 : f32 to vector<128x500xf32>
    %select_n3A_135 = arith.select %eq3A_132, %broadcast_in_dim3A_134, %select_n3A_119 : vector<128x500xi1>, vector<128x500xf32>
    %reduce_max3A_136 = arith.constant dense<0xFF800000> : vector<128xf32>
    %reduce_max3A_137 = vector.multi_reduction <maximumf>, %select_n3A_135, %reduce_max3A_136 [1] : vector<128x500xf32> to vector<128xf32>
    %broadcast_in_dim3A_138 = vector.shape_cast %reduce_max3A_137 : vector<128xf32> to vector<128x1xf32>
    %eq3A_139 = vector.broadcast %broadcast_in_dim3A_138 : vector<128x1xf32> to vector<128x500xf32>
    %eq3A_140 = arith.cmpf oeq, %select_n3A_135, %eq3A_139 : vector<128x500xf32>
    %jit3A_141 = arith.constant 500 : i32
    %broadcast_in_dim3A_142 = vector.broadcast %jit3A_141 : i32 to vector<128x500xi32>
    %select_n3A_143 = arith.select %eq3A_140, %iota3A, %broadcast_in_dim3A_142 : vector<128x500xi1>, vector<128x500xi32>
    %reduce_min3A_144 = arith.constant dense<2147483647> : vector<128xi32>
    %reduce_min3A_145 = vector.multi_reduction <minsi>, %select_n3A_143, %reduce_min3A_144 [1] : vector<128x500xi32> to vector<128xi32>
    %broadcast_in_dim3A_146 = vector.shape_cast %reduce_min3A_145 : vector<128xi32> to vector<128x1xi32>
    %eq3A_147 = vector.broadcast %broadcast_in_dim3A_146 : vector<128x1xi32> to vector<128x500xi32>
    %eq3A_148 = arith.cmpi eq, %iota3A, %eq3A_147 : vector<128x500xi32>
    %jit3A_149 = arith.constant 0xFF800000 : f32
    %broadcast_in_dim3A_150 = vector.broadcast %jit3A_149 : f32 to vector<128x500xf32>
    %select_n3A_151 = arith.select %eq3A_148, %broadcast_in_dim3A_150, %select_n3A_135 : vector<128x500xi1>, vector<128x500xf32>
    %reduce_max3A_152 = arith.constant dense<0xFF800000> : vector<128xf32>
    %reduce_max3A_153 = vector.multi_reduction <maximumf>, %select_n3A_151, %reduce_max3A_152 [1] : vector<128x500xf32> to vector<128xf32>
    %broadcast_in_dim3A_154 = vector.shape_cast %reduce_max3A_153 : vector<128xf32> to vector<128x1xf32>
    %eq3A_155 = vector.broadcast %broadcast_in_dim3A_154 : vector<128x1xf32> to vector<128x500xf32>
    %eq3A_156 = arith.cmpf oeq, %select_n3A_151, %eq3A_155 : vector<128x500xf32>
    %jit3A_157 = arith.constant 500 : i32
    %broadcast_in_dim3A_158 = vector.broadcast %jit3A_157 : i32 to vector<128x500xi32>
    %select_n3A_159 = arith.select %eq3A_156, %iota3A, %broadcast_in_dim3A_158 : vector<128x500xi1>, vector<128x500xi32>
    %reduce_min3A_160 = arith.constant dense<2147483647> : vector<128xi32>
    %reduce_min3A_161 = vector.multi_reduction <minsi>, %select_n3A_159, %reduce_min3A_160 [1] : vector<128x500xi32> to vector<128xi32>
    %broadcast_in_dim3A_162 = vector.shape_cast %reduce_min3A_161 : vector<128xi32> to vector<128x1xi32>
    %eq3A_163 = vector.broadcast %broadcast_in_dim3A_162 : vector<128x1xi32> to vector<128x500xi32>
    %eq3A_164 = arith.cmpi eq, %iota3A, %eq3A_163 : vector<128x500xi32>
    %jit3A_165 = arith.constant 0xFF800000 : f32
    %broadcast_in_dim3A_166 = vector.broadcast %jit3A_165 : f32 to vector<128x500xf32>
    %select_n3A_167 = arith.select %eq3A_164, %broadcast_in_dim3A_166, %select_n3A_151 : vector<128x500xi1>, vector<128x500xf32>
    %reduce_max3A_168 = arith.constant dense<0xFF800000> : vector<128xf32>
    %reduce_max3A_169 = vector.multi_reduction <maximumf>, %select_n3A_167, %reduce_max3A_168 [1] : vector<128x500xf32> to vector<128xf32>
    %broadcast_in_dim3A_170 = vector.shape_cast %reduce_max3A_169 : vector<128xf32> to vector<128x1xf32>
    %eq3A_171 = vector.broadcast %broadcast_in_dim3A_170 : vector<128x1xf32> to vector<128x500xf32>
    %eq3A_172 = arith.cmpf oeq, %select_n3A_167, %eq3A_171 : vector<128x500xf32>
    %jit3A_173 = arith.constant 500 : i32
    %broadcast_in_dim3A_174 = vector.broadcast %jit3A_173 : i32 to vector<128x500xi32>
    %select_n3A_175 = arith.select %eq3A_172, %iota3A, %broadcast_in_dim3A_174 : vector<128x500xi1>, vector<128x500xi32>
    %reduce_min3A_176 = arith.constant dense<2147483647> : vector<128xi32>
    %reduce_min3A_177 = vector.multi_reduction <minsi>, %select_n3A_175, %reduce_min3A_176 [1] : vector<128x500xi32> to vector<128xi32>
    %broadcast_in_dim3A_178 = vector.shape_cast %reduce_min3A_177 : vector<128xi32> to vector<128x1xi32>
    %eq3A_179 = vector.broadcast %broadcast_in_dim3A_178 : vector<128x1xi32> to vector<128x500xi32>
    %eq3A_180 = arith.cmpi eq, %iota3A, %eq3A_179 : vector<128x500xi32>
    %jit3A_181 = arith.constant 0xFF800000 : f32
    %broadcast_in_dim3A_182 = vector.broadcast %jit3A_181 : f32 to vector<128x500xf32>
    %select_n3A_183 = arith.select %eq3A_180, %broadcast_in_dim3A_182, %select_n3A_167 : vector<128x500xi1>, vector<128x500xf32>
    %reduce_max3A_184 = arith.constant dense<0xFF800000> : vector<128xf32>
    %reduce_max3A_185 = vector.multi_reduction <maximumf>, %select_n3A_183, %reduce_max3A_184 [1] : vector<128x500xf32> to vector<128xf32>
    %broadcast_in_dim3A_186 = vector.shape_cast %reduce_max3A_185 : vector<128xf32> to vector<128x1xf32>
    %eq3A_187 = vector.broadcast %broadcast_in_dim3A_186 : vector<128x1xf32> to vector<128x500xf32>
    %eq3A_188 = arith.cmpf oeq, %select_n3A_183, %eq3A_187 : vector<128x500xf32>
    %jit3A_189 = arith.constant 500 : i32
    %broadcast_in_dim3A_190 = vector.broadcast %jit3A_189 : i32 to vector<128x500xi32>
    %select_n3A_191 = arith.select %eq3A_188, %iota3A, %broadcast_in_dim3A_190 : vector<128x500xi1>, vector<128x500xi32>
    %reduce_min3A_192 = arith.constant dense<2147483647> : vector<128xi32>
    %reduce_min3A_193 = vector.multi_reduction <minsi>, %select_n3A_191, %reduce_min3A_192 [1] : vector<128x500xi32> to vector<128xi32>
    %broadcast_in_dim3A_194 = vector.shape_cast %reduce_min3A_193 : vector<128xi32> to vector<128x1xi32>
    %eq3A_195 = vector.broadcast %broadcast_in_dim3A_194 : vector<128x1xi32> to vector<128x500xi32>
    %eq3A_196 = arith.cmpi eq, %iota3A, %eq3A_195 : vector<128x500xi32>
    %jit3A_197 = arith.constant 0xFF800000 : f32
    %broadcast_in_dim3A_198 = vector.broadcast %jit3A_197 : f32 to vector<128x500xf32>
    %select_n3A_199 = arith.select %eq3A_196, %broadcast_in_dim3A_198, %select_n3A_183 : vector<128x500xi1>, vector<128x500xf32>
    %reduce_max3A_200 = arith.constant dense<0xFF800000> : vector<128xf32>
    %reduce_max3A_201 = vector.multi_reduction <maximumf>, %select_n3A_199, %reduce_max3A_200 [1] : vector<128x500xf32> to vector<128xf32>
    %broadcast_in_dim3A_202 = vector.shape_cast %reduce_max3A_201 : vector<128xf32> to vector<128x1xf32>
    %eq3A_203 = vector.broadcast %broadcast_in_dim3A_202 : vector<128x1xf32> to vector<128x500xf32>
    %eq3A_204 = arith.cmpf oeq, %select_n3A_199, %eq3A_203 : vector<128x500xf32>
    %jit3A_205 = arith.constant 500 : i32
    %broadcast_in_dim3A_206 = vector.broadcast %jit3A_205 : i32 to vector<128x500xi32>
    %select_n3A_207 = arith.select %eq3A_204, %iota3A, %broadcast_in_dim3A_206 : vector<128x500xi1>, vector<128x500xi32>
    %reduce_min3A_208 = arith.constant dense<2147483647> : vector<128xi32>
    %reduce_min3A_209 = vector.multi_reduction <minsi>, %select_n3A_207, %reduce_min3A_208 [1] : vector<128x500xi32> to vector<128xi32>
    %broadcast_in_dim3A_210 = vector.shape_cast %reduce_min3A_209 : vector<128xi32> to vector<128x1xi32>
    %eq3A_211 = vector.broadcast %broadcast_in_dim3A_210 : vector<128x1xi32> to vector<128x500xi32>
    %eq3A_212 = arith.cmpi eq, %iota3A, %eq3A_211 : vector<128x500xi32>
    %jit3A_213 = arith.constant 0xFF800000 : f32
    %broadcast_in_dim3A_214 = vector.broadcast %jit3A_213 : f32 to vector<128x500xf32>
    %select_n3A_215 = arith.select %eq3A_212, %broadcast_in_dim3A_214, %select_n3A_199 : vector<128x500xi1>, vector<128x500xf32>
    %reduce_max3A_216 = arith.constant dense<0xFF800000> : vector<128xf32>
    %reduce_max3A_217 = vector.multi_reduction <maximumf>, %select_n3A_215, %reduce_max3A_216 [1] : vector<128x500xf32> to vector<128xf32>
    %broadcast_in_dim3A_218 = vector.shape_cast %reduce_max3A_217 : vector<128xf32> to vector<128x1xf32>
    %eq3A_219 = vector.broadcast %broadcast_in_dim3A_218 : vector<128x1xf32> to vector<128x500xf32>
    %eq3A_220 = arith.cmpf oeq, %select_n3A_215, %eq3A_219 : vector<128x500xf32>
    %jit3A_221 = arith.constant 500 : i32
    %broadcast_in_dim3A_222 = vector.broadcast %jit3A_221 : i32 to vector<128x500xi32>
    %select_n3A_223 = arith.select %eq3A_220, %iota3A, %broadcast_in_dim3A_222 : vector<128x500xi1>, vector<128x500xi32>
    %reduce_min3A_224 = arith.constant dense<2147483647> : vector<128xi32>
    %reduce_min3A_225 = vector.multi_reduction <minsi>, %select_n3A_223, %reduce_min3A_224 [1] : vector<128x500xi32> to vector<128xi32>
    %broadcast_in_dim3A_226 = vector.shape_cast %reduce_min3A_225 : vector<128xi32> to vector<128x1xi32>
    %eq3A_227 = vector.broadcast %broadcast_in_dim3A_226 : vector<128x1xi32> to vector<128x500xi32>
    %eq3A_228 = arith.cmpi eq, %iota3A, %eq3A_227 : vector<128x500xi32>
    %jit3A_229 = arith.constant 0xFF800000 : f32
    %broadcast_in_dim3A_230 = vector.broadcast %jit3A_229 : f32 to vector<128x500xf32>
    %select_n3A_231 = arith.select %eq3A_228, %broadcast_in_dim3A_230, %select_n3A_215 : vector<128x500xi1>, vector<128x500xf32>
    %reduce_max3A_232 = arith.constant dense<0xFF800000> : vector<128xf32>
    %reduce_max3A_233 = vector.multi_reduction <maximumf>, %select_n3A_231, %reduce_max3A_232 [1] : vector<128x500xf32> to vector<128xf32>
    %broadcast_in_dim3A_234 = vector.shape_cast %reduce_max3A_233 : vector<128xf32> to vector<128x1xf32>
    %eq3A_235 = vector.broadcast %broadcast_in_dim3A_234 : vector<128x1xf32> to vector<128x500xf32>
    %eq3A_236 = arith.cmpf oeq, %select_n3A_231, %eq3A_235 : vector<128x500xf32>
    %jit3A_237 = arith.constant 500 : i32
    %broadcast_in_dim3A_238 = vector.broadcast %jit3A_237 : i32 to vector<128x500xi32>
    %select_n3A_239 = arith.select %eq3A_236, %iota3A, %broadcast_in_dim3A_238 : vector<128x500xi1>, vector<128x500xi32>
    %reduce_min3A_240 = arith.constant dense<2147483647> : vector<128xi32>
    %reduce_min3A_241 = vector.multi_reduction <minsi>, %select_n3A_239, %reduce_min3A_240 [1] : vector<128x500xi32> to vector<128xi32>
    %broadcast_in_dim3A_242 = vector.shape_cast %reduce_min3A_241 : vector<128xi32> to vector<128x1xi32>
    %eq3A_243 = vector.broadcast %broadcast_in_dim3A_242 : vector<128x1xi32> to vector<128x500xi32>
    %eq3A_244 = arith.cmpi eq, %iota3A, %eq3A_243 : vector<128x500xi32>
    %jit3A_245 = arith.constant 0xFF800000 : f32
    %broadcast_in_dim3A_246 = vector.broadcast %jit3A_245 : f32 to vector<128x500xf32>
    %select_n3A_247 = arith.select %eq3A_244, %broadcast_in_dim3A_246, %select_n3A_231 : vector<128x500xi1>, vector<128x500xf32>
    %reduce_max3A_248 = arith.constant dense<0xFF800000> : vector<128xf32>
    %reduce_max3A_249 = vector.multi_reduction <maximumf>, %select_n3A_247, %reduce_max3A_248 [1] : vector<128x500xf32> to vector<128xf32>
    %broadcast_in_dim3A_250 = vector.shape_cast %reduce_max3A_249 : vector<128xf32> to vector<128x1xf32>
    %eq3A_251 = vector.broadcast %broadcast_in_dim3A_250 : vector<128x1xf32> to vector<128x500xf32>
    %eq3A_252 = arith.cmpf oeq, %select_n3A_247, %eq3A_251 : vector<128x500xf32>
    %jit3A_253 = arith.constant 500 : i32
    %broadcast_in_dim3A_254 = vector.broadcast %jit3A_253 : i32 to vector<128x500xi32>
    %select_n3A_255 = arith.select %eq3A_252, %iota3A, %broadcast_in_dim3A_254 : vector<128x500xi1>, vector<128x500xi32>
    %reduce_min3A_256 = arith.constant dense<2147483647> : vector<128xi32>
    %reduce_min3A_257 = vector.multi_reduction <minsi>, %select_n3A_255, %reduce_min3A_256 [1] : vector<128x500xi32> to vector<128xi32>
    %broadcast_in_dim3A_258 = vector.shape_cast %reduce_min3A_257 : vector<128xi32> to vector<128x1xi32>
    %eq3A_259 = vector.broadcast %broadcast_in_dim3A_258 : vector<128x1xi32> to vector<128x500xi32>
    %eq3A_260 = arith.cmpi eq, %iota3A, %eq3A_259 : vector<128x500xi32>
    %jit3A_261 = arith.constant 0xFF800000 : f32
    %broadcast_in_dim3A_262 = vector.broadcast %jit3A_261 : f32 to vector<128x500xf32>
    %select_n3A_263 = arith.select %eq3A_260, %broadcast_in_dim3A_262, %select_n3A_247 : vector<128x500xi1>, vector<128x500xf32>
    %reduce_max3A_264 = arith.constant dense<0xFF800000> : vector<128xf32>
    %reduce_max3A_265 = vector.multi_reduction <maximumf>, %select_n3A_263, %reduce_max3A_264 [1] : vector<128x500xf32> to vector<128xf32>
    %broadcast_in_dim3A_266 = vector.shape_cast %reduce_max3A_265 : vector<128xf32> to vector<128x1xf32>
    %eq3A_267 = vector.broadcast %broadcast_in_dim3A_266 : vector<128x1xf32> to vector<128x500xf32>
    %eq3A_268 = arith.cmpf oeq, %select_n3A_263, %eq3A_267 : vector<128x500xf32>
    %jit3A_269 = arith.constant 500 : i32
    %broadcast_in_dim3A_270 = vector.broadcast %jit3A_269 : i32 to vector<128x500xi32>
    %select_n3A_271 = arith.select %eq3A_268, %iota3A, %broadcast_in_dim3A_270 : vector<128x500xi1>, vector<128x500xi32>
    %reduce_min3A_272 = arith.constant dense<2147483647> : vector<128xi32>
    %reduce_min3A_273 = vector.multi_reduction <minsi>, %select_n3A_271, %reduce_min3A_272 [1] : vector<128x500xi32> to vector<128xi32>
    %broadcast_in_dim3A_274 = vector.shape_cast %reduce_min3A_273 : vector<128xi32> to vector<128x1xi32>
    %eq3A_275 = vector.broadcast %broadcast_in_dim3A_274 : vector<128x1xi32> to vector<128x500xi32>
    %eq3A_276 = arith.cmpi eq, %iota3A, %eq3A_275 : vector<128x500xi32>
    %jit3A_277 = arith.constant 0xFF800000 : f32
    %broadcast_in_dim3A_278 = vector.broadcast %jit3A_277 : f32 to vector<128x500xf32>
    %select_n3A_279 = arith.select %eq3A_276, %broadcast_in_dim3A_278, %select_n3A_263 : vector<128x500xi1>, vector<128x500xf32>
    %reduce_max3A_280 = arith.constant dense<0xFF800000> : vector<128xf32>
    %reduce_max3A_281 = vector.multi_reduction <maximumf>, %select_n3A_279, %reduce_max3A_280 [1] : vector<128x500xf32> to vector<128xf32>
    %broadcast_in_dim3A_282 = vector.shape_cast %reduce_max3A_281 : vector<128xf32> to vector<128x1xf32>
    %eq3A_283 = vector.broadcast %broadcast_in_dim3A_282 : vector<128x1xf32> to vector<128x500xf32>
    %eq3A_284 = arith.cmpf oeq, %select_n3A_279, %eq3A_283 : vector<128x500xf32>
    %jit3A_285 = arith.constant 500 : i32
    %broadcast_in_dim3A_286 = vector.broadcast %jit3A_285 : i32 to vector<128x500xi32>
    %select_n3A_287 = arith.select %eq3A_284, %iota3A, %broadcast_in_dim3A_286 : vector<128x500xi1>, vector<128x500xi32>
    %reduce_min3A_288 = arith.constant dense<2147483647> : vector<128xi32>
    %reduce_min3A_289 = vector.multi_reduction <minsi>, %select_n3A_287, %reduce_min3A_288 [1] : vector<128x500xi32> to vector<128xi32>
    %broadcast_in_dim3A_290 = vector.shape_cast %reduce_min3A_289 : vector<128xi32> to vector<128x1xi32>
    %eq3A_291 = vector.broadcast %broadcast_in_dim3A_290 : vector<128x1xi32> to vector<128x500xi32>
    %eq3A_292 = arith.cmpi eq, %iota3A, %eq3A_291 : vector<128x500xi32>
    %jit3A_293 = arith.constant 0xFF800000 : f32
    %broadcast_in_dim3A_294 = vector.broadcast %jit3A_293 : f32 to vector<128x500xf32>
    %select_n3A_295 = arith.select %eq3A_292, %broadcast_in_dim3A_294, %select_n3A_279 : vector<128x500xi1>, vector<128x500xf32>
    %reduce_max3A_296 = arith.constant dense<0xFF800000> : vector<128xf32>
    %reduce_max3A_297 = vector.multi_reduction <maximumf>, %select_n3A_295, %reduce_max3A_296 [1] : vector<128x500xf32> to vector<128xf32>
    %broadcast_in_dim3A_298 = vector.shape_cast %reduce_max3A_297 : vector<128xf32> to vector<128x1xf32>
    %eq3A_299 = vector.broadcast %broadcast_in_dim3A_298 : vector<128x1xf32> to vector<128x500xf32>
    %eq3A_300 = arith.cmpf oeq, %select_n3A_295, %eq3A_299 : vector<128x500xf32>
    %jit3A_301 = arith.constant 500 : i32
    %broadcast_in_dim3A_302 = vector.broadcast %jit3A_301 : i32 to vector<128x500xi32>
    %select_n3A_303 = arith.select %eq3A_300, %iota3A, %broadcast_in_dim3A_302 : vector<128x500xi1>, vector<128x500xi32>
    %reduce_min3A_304 = arith.constant dense<2147483647> : vector<128xi32>
    %reduce_min3A_305 = vector.multi_reduction <minsi>, %select_n3A_303, %reduce_min3A_304 [1] : vector<128x500xi32> to vector<128xi32>
    %broadcast_in_dim3A_306 = vector.shape_cast %reduce_min3A_305 : vector<128xi32> to vector<128x1xi32>
    %eq3A_307 = vector.broadcast %broadcast_in_dim3A_306 : vector<128x1xi32> to vector<128x500xi32>
    %eq3A_308 = arith.cmpi eq, %iota3A, %eq3A_307 : vector<128x500xi32>
    %jit3A_309 = arith.constant 0xFF800000 : f32
    %broadcast_in_dim3A_310 = vector.broadcast %jit3A_309 : f32 to vector<128x500xf32>
    %select_n3A_311 = arith.select %eq3A_308, %broadcast_in_dim3A_310, %select_n3A_295 : vector<128x500xi1>, vector<128x500xf32>
    %reduce_max3A_312 = arith.constant dense<0xFF800000> : vector<128xf32>
    %reduce_max3A_313 = vector.multi_reduction <maximumf>, %select_n3A_311, %reduce_max3A_312 [1] : vector<128x500xf32> to vector<128xf32>
    %broadcast_in_dim3A_314 = vector.shape_cast %reduce_max3A_313 : vector<128xf32> to vector<128x1xf32>
    %eq3A_315 = vector.broadcast %broadcast_in_dim3A_314 : vector<128x1xf32> to vector<128x500xf32>
    %eq3A_316 = arith.cmpf oeq, %select_n3A_311, %eq3A_315 : vector<128x500xf32>
    %jit3A_317 = arith.constant 500 : i32
    %broadcast_in_dim3A_318 = vector.broadcast %jit3A_317 : i32 to vector<128x500xi32>
    %select_n3A_319 = arith.select %eq3A_316, %iota3A, %broadcast_in_dim3A_318 : vector<128x500xi1>, vector<128x500xi32>
    %reduce_min3A_320 = arith.constant dense<2147483647> : vector<128xi32>
    %reduce_min3A_321 = vector.multi_reduction <minsi>, %select_n3A_319, %reduce_min3A_320 [1] : vector<128x500xi32> to vector<128xi32>
    %broadcast_in_dim3A_322 = vector.shape_cast %reduce_min3A_321 : vector<128xi32> to vector<128x1xi32>
    %eq3A_323 = vector.broadcast %broadcast_in_dim3A_322 : vector<128x1xi32> to vector<128x500xi32>
    %eq3A_324 = arith.cmpi eq, %iota3A, %eq3A_323 : vector<128x500xi32>
    %jit3A_325 = arith.constant 0xFF800000 : f32
    %broadcast_in_dim3A_326 = vector.broadcast %jit3A_325 : f32 to vector<128x500xf32>
    %select_n3A_327 = arith.select %eq3A_324, %broadcast_in_dim3A_326, %select_n3A_311 : vector<128x500xi1>, vector<128x500xf32>
    %reduce_max3A_328 = arith.constant dense<0xFF800000> : vector<128xf32>
    %reduce_max3A_329 = vector.multi_reduction <maximumf>, %select_n3A_327, %reduce_max3A_328 [1] : vector<128x500xf32> to vector<128xf32>
    %broadcast_in_dim3A_330 = vector.shape_cast %reduce_max3A_329 : vector<128xf32> to vector<128x1xf32>
    %eq3A_331 = vector.broadcast %broadcast_in_dim3A_330 : vector<128x1xf32> to vector<128x500xf32>
    %eq3A_332 = arith.cmpf oeq, %select_n3A_327, %eq3A_331 : vector<128x500xf32>
    %jit3A_333 = arith.constant 500 : i32
    %broadcast_in_dim3A_334 = vector.broadcast %jit3A_333 : i32 to vector<128x500xi32>
    %select_n3A_335 = arith.select %eq3A_332, %iota3A, %broadcast_in_dim3A_334 : vector<128x500xi1>, vector<128x500xi32>
    %reduce_min3A_336 = arith.constant dense<2147483647> : vector<128xi32>
    %reduce_min3A_337 = vector.multi_reduction <minsi>, %select_n3A_335, %reduce_min3A_336 [1] : vector<128x500xi32> to vector<128xi32>
    %broadcast_in_dim3A_338 = vector.shape_cast %reduce_min3A_337 : vector<128xi32> to vector<128x1xi32>
    %eq3A_339 = vector.broadcast %broadcast_in_dim3A_338 : vector<128x1xi32> to vector<128x500xi32>
    %eq3A_340 = arith.cmpi eq, %iota3A, %eq3A_339 : vector<128x500xi32>
    %jit3A_341 = arith.constant 0xFF800000 : f32
    %broadcast_in_dim3A_342 = vector.broadcast %jit3A_341 : f32 to vector<128x500xf32>
    %select_n3A_343 = arith.select %eq3A_340, %broadcast_in_dim3A_342, %select_n3A_327 : vector<128x500xi1>, vector<128x500xf32>
    %reduce_max3A_344 = arith.constant dense<0xFF800000> : vector<128xf32>
    %reduce_max3A_345 = vector.multi_reduction <maximumf>, %select_n3A_343, %reduce_max3A_344 [1] : vector<128x500xf32> to vector<128xf32>
    %broadcast_in_dim3A_346 = vector.shape_cast %reduce_max3A_345 : vector<128xf32> to vector<128x1xf32>
    %eq3A_347 = vector.broadcast %broadcast_in_dim3A_346 : vector<128x1xf32> to vector<128x500xf32>
    %eq3A_348 = arith.cmpf oeq, %select_n3A_343, %eq3A_347 : vector<128x500xf32>
    %jit3A_349 = arith.constant 500 : i32
    %broadcast_in_dim3A_350 = vector.broadcast %jit3A_349 : i32 to vector<128x500xi32>
    %select_n3A_351 = arith.select %eq3A_348, %iota3A, %broadcast_in_dim3A_350 : vector<128x500xi1>, vector<128x500xi32>
    %reduce_min3A_352 = arith.constant dense<2147483647> : vector<128xi32>
    %reduce_min3A_353 = vector.multi_reduction <minsi>, %select_n3A_351, %reduce_min3A_352 [1] : vector<128x500xi32> to vector<128xi32>
    %broadcast_in_dim3A_354 = vector.shape_cast %reduce_min3A_353 : vector<128xi32> to vector<128x1xi32>
    %eq3A_355 = vector.broadcast %broadcast_in_dim3A_354 : vector<128x1xi32> to vector<128x500xi32>
    %eq3A_356 = arith.cmpi eq, %iota3A, %eq3A_355 : vector<128x500xi32>
    %jit3A_357 = arith.constant 0xFF800000 : f32
    %broadcast_in_dim3A_358 = vector.broadcast %jit3A_357 : f32 to vector<128x500xf32>
    %select_n3A_359 = arith.select %eq3A_356, %broadcast_in_dim3A_358, %select_n3A_343 : vector<128x500xi1>, vector<128x500xf32>
    %reduce_max3A_360 = arith.constant dense<0xFF800000> : vector<128xf32>
    %reduce_max3A_361 = vector.multi_reduction <maximumf>, %select_n3A_359, %reduce_max3A_360 [1] : vector<128x500xf32> to vector<128xf32>
    %broadcast_in_dim3A_362 = vector.shape_cast %reduce_max3A_361 : vector<128xf32> to vector<128x1xf32>
    %eq3A_363 = vector.broadcast %broadcast_in_dim3A_362 : vector<128x1xf32> to vector<128x500xf32>
    %eq3A_364 = arith.cmpf oeq, %select_n3A_359, %eq3A_363 : vector<128x500xf32>
    %jit3A_365 = arith.constant 500 : i32
    %broadcast_in_dim3A_366 = vector.broadcast %jit3A_365 : i32 to vector<128x500xi32>
    %select_n3A_367 = arith.select %eq3A_364, %iota3A, %broadcast_in_dim3A_366 : vector<128x500xi1>, vector<128x500xi32>
    %reduce_min3A_368 = arith.constant dense<2147483647> : vector<128xi32>
    %reduce_min3A_369 = vector.multi_reduction <minsi>, %select_n3A_367, %reduce_min3A_368 [1] : vector<128x500xi32> to vector<128xi32>
    %broadcast_in_dim3A_370 = vector.shape_cast %reduce_min3A_369 : vector<128xi32> to vector<128x1xi32>
    %eq3A_371 = vector.broadcast %broadcast_in_dim3A_370 : vector<128x1xi32> to vector<128x500xi32>
    %eq3A_372 = arith.cmpi eq, %iota3A, %eq3A_371 : vector<128x500xi32>
    %jit3A_373 = arith.constant 0xFF800000 : f32
    %broadcast_in_dim3A_374 = vector.broadcast %jit3A_373 : f32 to vector<128x500xf32>
    %select_n3A_375 = arith.select %eq3A_372, %broadcast_in_dim3A_374, %select_n3A_359 : vector<128x500xi1>, vector<128x500xf32>
    %reduce_max3A_376 = arith.constant dense<0xFF800000> : vector<128xf32>
    %reduce_max3A_377 = vector.multi_reduction <maximumf>, %select_n3A_375, %reduce_max3A_376 [1] : vector<128x500xf32> to vector<128xf32>
    %broadcast_in_dim3A_378 = vector.shape_cast %reduce_max3A_377 : vector<128xf32> to vector<128x1xf32>
    %eq3A_379 = vector.broadcast %broadcast_in_dim3A_378 : vector<128x1xf32> to vector<128x500xf32>
    %eq3A_380 = arith.cmpf oeq, %select_n3A_375, %eq3A_379 : vector<128x500xf32>
    %jit3A_381 = arith.constant 500 : i32
    %broadcast_in_dim3A_382 = vector.broadcast %jit3A_381 : i32 to vector<128x500xi32>
    %select_n3A_383 = arith.select %eq3A_380, %iota3A, %broadcast_in_dim3A_382 : vector<128x500xi1>, vector<128x500xi32>
    %reduce_min3A_384 = arith.constant dense<2147483647> : vector<128xi32>
    %reduce_min3A_385 = vector.multi_reduction <minsi>, %select_n3A_383, %reduce_min3A_384 [1] : vector<128x500xi32> to vector<128xi32>
    %broadcast_in_dim3A_386 = vector.shape_cast %reduce_min3A_385 : vector<128xi32> to vector<128x1xi32>
    %eq3A_387 = vector.broadcast %broadcast_in_dim3A_386 : vector<128x1xi32> to vector<128x500xi32>
    %eq3A_388 = arith.cmpi eq, %iota3A, %eq3A_387 : vector<128x500xi32>
    %jit3A_389 = arith.constant 0xFF800000 : f32
    %broadcast_in_dim3A_390 = vector.broadcast %jit3A_389 : f32 to vector<128x500xf32>
    %select_n3A_391 = arith.select %eq3A_388, %broadcast_in_dim3A_390, %select_n3A_375 : vector<128x500xi1>, vector<128x500xf32>
    %reduce_max3A_392 = arith.constant dense<0xFF800000> : vector<128xf32>
    %reduce_max3A_393 = vector.multi_reduction <maximumf>, %select_n3A_391, %reduce_max3A_392 [1] : vector<128x500xf32> to vector<128xf32>
    %broadcast_in_dim3A_394 = vector.shape_cast %reduce_max3A_393 : vector<128xf32> to vector<128x1xf32>
    %eq3A_395 = vector.broadcast %broadcast_in_dim3A_394 : vector<128x1xf32> to vector<128x500xf32>
    %eq3A_396 = arith.cmpf oeq, %select_n3A_391, %eq3A_395 : vector<128x500xf32>
    %jit3A_397 = arith.constant 500 : i32
    %broadcast_in_dim3A_398 = vector.broadcast %jit3A_397 : i32 to vector<128x500xi32>
    %select_n3A_399 = arith.select %eq3A_396, %iota3A, %broadcast_in_dim3A_398 : vector<128x500xi1>, vector<128x500xi32>
    %reduce_min3A_400 = arith.constant dense<2147483647> : vector<128xi32>
    %reduce_min3A_401 = vector.multi_reduction <minsi>, %select_n3A_399, %reduce_min3A_400 [1] : vector<128x500xi32> to vector<128xi32>
    %broadcast_in_dim3A_402 = vector.shape_cast %reduce_min3A_401 : vector<128xi32> to vector<128x1xi32>
    %concatenate3A_403 = tpu.concatenate %broadcast_in_dim3A, %broadcast_in_dim3A_106, %broadcast_in_dim3A_122, %broadcast_in_dim3A_138, %broadcast_in_dim3A_154, %broadcast_in_dim3A_170, %broadcast_in_dim3A_186, %broadcast_in_dim3A_202, %broadcast_in_dim3A_218, %broadcast_in_dim3A_234, %broadcast_in_dim3A_250, %broadcast_in_dim3A_266, %broadcast_in_dim3A_282, %broadcast_in_dim3A_298, %broadcast_in_dim3A_314, %broadcast_in_dim3A_330, %broadcast_in_dim3A_346, %broadcast_in_dim3A_362, %broadcast_in_dim3A_378, %broadcast_in_dim3A_394 in 1 : vector<128x1xf32>, vector<128x1xf32>, vector<128x1xf32>, vector<128x1xf32>, vector<128x1xf32>, vector<128x1xf32>, vector<128x1xf32>, vector<128x1xf32>, vector<128x1xf32>, vector<128x1xf32>, vector<128x1xf32>, vector<128x1xf32>, vector<128x1xf32>, vector<128x1xf32>, vector<128x1xf32>, vector<128x1xf32>, vector<128x1xf32>, vector<128x1xf32>, vector<128x1xf32>, vector<128x1xf32> -> vector<128x20xf32>
    %swap3A = arith.constant 0 : index
    %swap3A_404 = arith.constant 0 : index
    %swap3A_405 = arith.constant 0 : index
    %swap3A_406 = vector.load %arg4[%swap3A, %swap3A_404, %swap3A_405] : memref<1x128x20xf32, #tpu.memory_space<vmem>>, vector<1x128x20xf32>
    %swap3A_407 = vector.shape_cast %swap3A_406 : vector<1x128x20xf32> to vector<128x20xf32>
    %swap3A_408 = vector.shape_cast %concatenate3A_403 : vector<128x20xf32> to vector<1x128x20xf32>
    tpu.vector_store %arg4[%swap3A, %swap3A_404, %swap3A_405], %swap3A_408 {strides = array<i32>} : memref<1x128x20xf32, #tpu.memory_space<vmem>>, vector<1x128x20xf32>,
    %concatenate3A_409 = tpu.concatenate %broadcast_in_dim3A_98, %broadcast_in_dim3A_114, %broadcast_in_dim3A_130, %broadcast_in_dim3A_146, %broadcast_in_dim3A_162, %broadcast_in_dim3A_178, %broadcast_in_dim3A_194, %broadcast_in_dim3A_210, %broadcast_in_dim3A_226, %broadcast_in_dim3A_242, %broadcast_in_dim3A_258, %broadcast_in_dim3A_274, %broadcast_in_dim3A_290, %broadcast_in_dim3A_306, %broadcast_in_dim3A_322, %broadcast_in_dim3A_338, %broadcast_in_dim3A_354, %broadcast_in_dim3A_370, %broadcast_in_dim3A_386, %broadcast_in_dim3A_402 in 1 : vector<128x1xi32>, vector<128x1xi32>, vector<128x1xi32>, vector<128x1xi32>, vector<128x1xi32>, vector<128x1xi32>, vector<128x1xi32>, vector<128x1xi32>, vector<128x1xi32>, vector<128x1xi32>, vector<128x1xi32>, vector<128x1xi32>, vector<128x1xi32>, vector<128x1xi32>, vector<128x1xi32>, vector<128x1xi32>, vector<128x1xi32>, vector<128x1xi32>, vector<128x1xi32>, vector<128x1xi32> -> vector<128x20xi32>
    %swap3A_410 = arith.constant 0 : index
    %swap3A_411 = arith.constant 0 : index
    %swap3A_412 = arith.constant 0 : index
    %swap3A_413 = vector.load %arg3[%swap3A_410, %swap3A_411, %swap3A_412] : memref<1x128x20xi32, #tpu.memory_space<vmem>>, vector<1x128x20xi32>
    %swap3A_414 = vector.shape_cast %swap3A_413 : vector<1x128x20xi32> to vector<128x20xi32>
    %swap3A_415 = vector.shape_cast %concatenate3A_409 : vector<128x20xi32> to vector<1x128x20xi32>
    tpu.vector_store %arg3[%swap3A_410, %swap3A_411, %swap3A_412], %swap3A_415 {strides = array<i32>} : memref<1x128x20xi32, #tpu.memory_space<vmem>>, vector<1x128x20xi32>,
    return
  }
  func.func @transform_0(%arg0: i32) -> (i32, i32, i32) {
    %c0_i32 = arith.constant 0 : i32
    %c0_i32_0 = arith.constant 0 : i32
    %c0_i32_1 = arith.constant 0 : i32
    return %arg0, %c0_i32, %c0_i32_0 : i32, i32, i32
  }
  func.func @transform_1(%arg0: i32) -> (i32, i32, i32) {
    %c0_i32 = arith.constant 0 : i32
    %c0_i32_0 = arith.constant 0 : i32
    %c0_i32_1 = arith.constant 0 : i32
    return %arg0, %c0_i32, %c0_i32_0 : i32, i32, i32
  }
  func.func @transform_2(%arg0: i32) -> (i32, i32, i32) {
    %c0_i32 = arith.constant 0 : i32
    %c0_i32_0 = arith.constant 0 : i32
    %c0_i32_1 = arith.constant 0 : i32
    return %arg0, %c0_i32, %c0_i32_0 : i32, i32, i32
  }
  func.func @transform_3(%arg0: i32) -> (i32, i32, i32) {
    %c0_i32 = arith.constant 0 : i32
    %c0_i32_0 = arith.constant 0 : i32
    %c0_i32_1 = arith.constant 0 : i32
    return %arg0, %c0_i32, %c0_i32_0 : i32, i32, i32
  }
}

</mosaic_0001>

<sc_bundles>
// kernel: kernel.4.cloned.1.call-start
scs
__scs_entry_jumppad:
0x0: {  	(pc) =	sbr.rel $0x88, $3  }
0x1: {  	(tag) =	ssettag $0x0;
	lr =	simm.s32 $0x1  }
0x2: {  	[smem:$0x3F9E] =	sst lr;
	_ =	strace $0xD0000000  }
0x3: {  	_ = 	snop  }
0x4: {  	_ = 	snop  }
0x5: {  	_ = 	snop  }
0x6: {  	_ = 	snop  }
0x7: {  	_ = 	snop  }
__scs_overlays_trampoline_lowered:
0x8: {  	[smem:$0x3FAD] =	sst s0  }
0x9: {  	[smem:$0x3FAE] =	sst s1  }
0xa: {  	[smem:$0x3FAF] =	sst s2  }
0xb: {  	[smem:$0x3FB0] =	sst s3  }
0xc: {  	[smem:$0x3FB1] =	sst s4  }
0xd: {  	[smem:$0x3FB2] =	sst s5  }
0xe: {  	[smem:$0x3FB3] =	sst s6  }
0xf: {  	[smem:$0x3FB4] =	sst s7  }
0x10: {  	[smem:$0x3FB5] =	sst s8  }
0x11: {  	[smem:$0x3FB6] =	sst s9;
	s0 =	simm.s32 @!p0 $0x0  }
0x12: {  	s1 =	sld [smem:$0x3F9C];
	s0 =	simm.s32 @p0 $0x1  }
0x13: {  	[smem:$0x3FB7] =	sst s0;
	s0 =	simm.s32 @!p1 $0x0  }
0x14: {  	s2 =	sld [smem:$0x3F9B];
	s0 =	simm.s32 @p1 $0x1  }
0x15: {  	[smem:$0x3FB8] =	sst s0;
	s0 =	simm.s32 @!p2 $0x0  }
0x16: {  	s3 =	sld [smem:$0x3FDB];
	s0 =	simm.s32 @p2 $0x1  }
0x17: {  	s4 =	simm.s32 $0x1BF5;
	[smem:$0x3FBA] =	sst s0  }
0x18: {  	s0 =	sld [smem:$0x3F9D];
	_ =	swait.ge [sflag:s4], $0x0  }
0x19: {  	s7 =	sld [smem:$0x3F9E]  }
0x1a: {  	s8 =	sadd.s32 $0xFFFFE003, lr  }
0x1b: {  	s9 =	sadd.s32 $0xFFFFFEF7, lr;
	s5 =	simm.s32 $0xFFFFFFFF;
	p2 =	slt.u32 s8, $0xFFFFF086  }
0x1c: {  	p1 =	slt.u32 s9, $0xF7A;
	s5 =	simm.s32 @!p2 $0x0  }
0x1d: {  	s5 =	simm.s32 @p1 $0x1;
	p0 =	seq.s32 s7, s2  }
0x1e: {  	s7 =	smul.u32 @!p0 $0xF7A, s2;
	p2 =	seq.s32 @!p0 s5, $0x0  }
0x1f: {  	s9 =	smul.u32 $0xF7A, s1;
	s8 =	simm.s32 @!p0 $0x1BF5;
	p2 =	por !p2, p0  }
0x20: {  	[sflag:s8] =	ssyncset.s32 @!p0 $0xFFFFF086;
	s6 =	sadd.s32 @!p0 s3, s7;
	s7 =	simm.s32 @!p0 $0x108  }
0x21: {  	s3 =	sadd.s32 s3, s9;
	s6 =	sadd.s32 @!p0 $0x88, s6;
	s7 =	simm.s32 @p2 $0x1082  }
0x22: {  	[simem:s7], [sflag:s8] =	dma.local @!p0 [hbm:s6], $0xF7A  }
0x23: {  	s9 =	sor.u32 $0xD0000000, s2;
	s6 =	simm.s32 $0x108;
	_ =	swait.ge @!p0 [sflag:s8], $0x0  }
0x24: {  	s3 =	sadd.s32 $0x88, s3;
	s6 =	simm.s32 @!p1 $0x1082;
	[sflag:s4] =	ssyncset.s32 $0xFFFFF086  }
0x25: {  	[simem:s6], [sflag:s4] =	dma.local [hbm:s3], $0xF7A  }
0x26: {  	[smem:$0x3F9E] =	sst s1;
	(tag) =	ssettag s2;
	_ =	strace s9  }
0x27: {  	s1 =	sld [smem:$0x3FAE]  }
0x28: {  	s2 =	sld [smem:$0x3FAF]  }
0x29: {  	s4 =	sld [smem:$0x3FB1]  }
0x2a: {  	p0 =	seq.s32 s5, $0x0;
	s5 =	sld [smem:$0x3FB2]  }
0x2b: {  	s6 =	sld [smem:$0x3FB3]  }
0x2c: {  	s7 =	sld [smem:$0x3FB4]  }
0x2d: {  	s3 =	simm.s32 $0x108;
	s8 =	sld [smem:$0x3FB5]  }
0x2e: {  	s3 =	simm.s32 @!p0 $0x1082;
	s9 =	sld [smem:$0x3FB6]  }
0x2f: {  	lr =	sadd.s32 s0, s3;
	s0 =	sld [smem:$0x3FAD]  }
0x30: {  	s3 =	sld [smem:$0x3FB0]  }
0x31: {  	[smem:$0x3FB9] =	sst s10  }
0x32: {  	s10 =	sld [smem:$0x3FB7];
	_ =	sdelay $0x3  }
0x33: {  	p0 =	seq.s32 s10, $0x1;
	s10 =	sld [smem:$0x3FB9];
	_ =	sdelay $0x3  }
0x34: {  	[smem:$0x3FB9] =	sst s10  }
0x35: {  	s10 =	sld [smem:$0x3FB8];
	_ =	sdelay $0x3  }
0x36: {  	p1 =	seq.s32 s10, $0x1;
	s10 =	sld [smem:$0x3FB9];
	_ =	sdelay $0x3  }
0x37: {  	[smem:$0x3FB9] =	sst s10  }
0x38: {  	s10 =	sld [smem:$0x3FBA]  }
0x39: {  	_ = 	snop;
	(pc) =	sbr.ind lr, $3  }
0x3a: {  	_ = 	snop  }
0x3b: {  	_ = 	snop  }
0x3c: {  	p2 =	seq.s32 s10, $0x1;
	s10 =	sld [smem:$0x3FB9]  }
0x3d: {  	_ =	shalt  }
0x3e: {  	_ =	shalt  }
0x3f: {  	_ =	shalt  }
0x40: {  	_ =	shalt  }
0x41: {  	_ =	shalt  }
0x42: {  	_ =	shalt  }
0x43: {  	_ =	shalt  }
0x44: {  	_ =	shalt  }
0x45: {  	_ =	shalt  }
0x46: {  	_ =	shalt  }
0x47: {  	_ =	shalt  }
0x48: {  	_ =	shalt  }
0x49: {  	_ =	shalt  }
0x4a: {  	_ =	shalt  }
0x4b: {  	_ =	shalt  }
0x4c: {  	_ =	shalt  }
0x4d: {  	_ =	shalt  }
0x4e: {  	_ =	shalt  }
0x4f: {  	_ =	shalt  }
0x50: {  	_ =	shalt  }
0x51: {  	_ =	shalt  }
0x52: {  	_ =	shalt  }
0x53: {  	_ =	shalt  }
0x54: {  	_ =	shalt  }
0x55: {  	_ =	shalt  }
0x56: {  	_ =	shalt  }
0x57: {  	_ =	shalt  }
0x58: {  	_ =	shalt  }
0x59: {  	_ =	shalt  }
0x5a: {  	_ =	shalt  }
0x5b: {  	_ =	shalt  }
0x5c: {  	_ =	shalt  }
0x5d: {  	_ =	shalt  }
0x5e: {  	_ =	shalt  }
0x5f: {  	_ =	shalt  }
0x60: {  	_ =	shalt  }
0x61: {  	_ =	shalt  }
0x62: {  	_ =	shalt  }
0x63: {  	_ =	shalt  }
0x64: {  	_ =	shalt  }
0x65: {  	_ =	shalt  }
0x66: {  	_ =	shalt  }
0x67: {  	_ =	shalt  }
0x68: {  	_ =	shalt  }
0x69: {  	_ =	shalt  }
0x6a: {  	_ =	shalt  }
0x6b: {  	_ =	shalt  }
0x6c: {  	_ =	shalt  }
0x6d: {  	_ =	shalt  }
0x6e: {  	_ =	shalt  }
0x6f: {  	_ =	shalt  }
0x70: {  	_ =	shalt  }
0x71: {  	_ =	shalt  }
0x72: {  	_ =	shalt  }
0x73: {  	_ =	shalt  }
0x74: {  	_ =	shalt  }
0x75: {  	_ =	shalt  }
0x76: {  	_ =	shalt  }
0x77: {  	_ =	shalt  }
0x78: {  	_ =	shalt  }
0x79: {  	_ =	shalt  }
0x7a: {  	_ =	shalt  }
0x7b: {  	_ =	shalt  }
0x7c: {  	_ =	shalt  }
0x7d: {  	_ =	shalt  }
0x7e: {  	_ =	shalt  }
0x7f: {  	_ =	shalt  }
0x80: {  	_ =	shalt  }
0x81: {  	_ =	shalt  }
0x82: {  	_ =	shalt  }
0x83: {  	_ =	shalt  }
0x84: {  	_ =	shalt  }
0x85: {  	_ =	shalt  }
0x86: {  	_ =	shalt  }
0x87: {  	_ =	shalt  }
.Lfunc_end0:
.L_simem_size_0:
called_computation_lowered:
.L_overlay_start_0:
0x88: {  	s2 =	sld [smem:$0x3FD9]  }
0x89: {  	s3 =	sld [smem:$0x3FFE];
	_ =	sdelay $0x1  }
0x8a: {  	s1 =	srdreg.scid  }
0x8b: {  	s0 =	sand.u32 $0x1, s1  }
0x8c: {  	s16 =	sshll.u32 s0, $0xA;
	s2 =	sadd.s32 s3, s2  }
0x8d: {  	s2 =	sadd.s32 s2, s16  }
0x8e: {  	[smem:$0x3FC5] =	sst s2  }
0x8f: {  	_ = 	snop  }
0x90: {  	(tm) =	ssettm $0x1  }
0x91: {  	s17 =	sld [smem:$0x3FFB];
	_ =	sdelay $0x3  }
0x92: {  	_ =	strace s17  }
0x93: {  	s2 =	sld [smem:$0x3FFC];
	_ =	sdelay $0x3  }
0x94: {  	_ =	strace s2  }
0x95: {  	s2 =	sld [smem:$0x3FFD];
	_ =	sdelay $0x3  }
0x96: {  	_ =	strace s2  }
0x97: {  	_ =	strace $0x8FFFFFFF  }
0x98: {  	s18 =	sld [smem:$0x3FDB];
	_ =	sdelay $0x1  }
0x99: {  	s19 =	simm.s32 $_scs_section_size  }
0x9a: {  	s4 =	simm.s32 $_size__tile_overlayer_lowered;
	s5 =	simm.s32 $_tile_overlayer_lowered  }
0x9b: {  	s22 =	simm.s32 $0x1BFF;
	s21 =	sshll.u32 s5, $0x1;
	s2 =	sadd.s32 s19, s18  }
0x9c: {  	s6 =	simm.s32 $0x0;
	s20 =	sshll.u32 s4, $0x1;
	s4 =	sadd.s32 s21, s2  }
0x9d: {  	[timem:s6], [sflag:s22] =	dma.local [hbm:s4], s20  }
0x9e: {  	_ =	swait.ge [sflag:s22], s20  }
0x9f: {  	s3 =	ssub.s32 $0x0, s20;
	[sflag:s22] =	ssyncset.done $0x0  }
0xa0: {  	[sflag:s22] =	ssyncadd.s32 s3;
	_ =	sdelay $0x1  }
0xa1: {  	s23 =	simm.s32 $0x1B8B  }
0xa2: {  	_ =	swait.ge [sflag:s23], $0x1  }
0xa3: {  	[sflag:s23] =	ssyncset.done $0x0  }
0xa4: {  	s25 =	simm.s32 $0x1B8E;
	s24 =	sld [smem:$0x3FFE];
	[sflag:s23] =	ssyncadd.s32 $0xFFFFFFFF  }
0xa5: {  	s26 =	simm.s32 $execute0_lowered;
	[smem:$0x3FD2] =	sst s25  }
0xa6: {  	s4 =	sshll.u32 s26, $0x1;
	_ =	strace $0x80000046;
	[dreg:$0x1] =	wrdreg $0xFFFFFFFF  }
0xa7: {  	s28 =	simm.s32 $_size_execute0_lowered;
	s2 =	sadd.s32 s2, s4;
	[dreg:$0x0] =	wrdreg $0x0  }
0xa8: {  	s4 =	sshll.u32 s28, $0x1;
	[dreg:$0x2] =	wrdreg s2  }
0xa9: {  	[dreg:$0x3] =	wrdreg s4  }
0xaa: {  	[dreg:$0x4] =	wrdreg $0xC0  }
0xab: {  	_ =	task [dreg:s6], $0x5FFFF  }
0xac: {  	[dreg:$0x1] =	wrdreg $0xFFFFFFFF  }
0xad: {  	[dreg:$0x0] =	wrdreg $0x60  }
0xae: {  	[dreg:$0x2] =	wrdreg s24  }
0xaf: {  	[dreg:$0x3] =	wrdreg $0x9  }
0xb0: {  	_ =	task.clear_ibuf [dreg:s6], $0x4FFFF;
	_ =	strace $0x90000046  }
0xb1: {  	s29 =	simm.s32 $0x9;
	_ =	strace $0x80000048  }
0xb2: {  	_ =	swait.ge [sflag:s29], $0x1  }
0xb3: {  	[sflag:s29] =	ssyncadd.s32 $0xFFFFFFFF  }
0xb4: {  	_ =	strace $0x90000048  }
0xb5: {  	_ =	sfence  }
0xb6: {  	s30 =	sld [smem:$0x0];
	_ =	sdelay $0x2  }
0xb7: {  	s31 =	sshll.u32 s1, $0xD;
	s1 =	sshrl.u32 s1, $0x2  }
0xb8: {  	s3 =	sand.u32 $0x4000, s31;
	s1 =	sadd.s32 s1, s30  }
0xb9: {  	s0 =	sor.u32 s3, s0;
	s1 =	sshll.u32 s1, $0x11  }
0xba: {  	s0 =	sor.u32 s1, s0  }
0xbb: {  	s0 =	sadd.s32 $0x8F2B, s0  }
0xbc: {  	[sflag:s0] =	ssyncadd.remote.s32 $0x1  }
0xbd: {  	_ =	sfence.sel $0xFFFF  }
0xbe: {  	[dreg:$0x0] =	wrdreg $0xFFFFFFFF;
	(pc) =	sbr.abs _section_cstart, $3  }
0xbf: {  	[dreg:$0x1] =	wrdreg $0xFFFFFFFF  }
0xc0: {  	_ =	task.clear_ibuf [dreg:s6], $0x2FFFF;
	_ =	strace $0x9FFFFFFF  }
0xc1: {  	(tm) =	ssettm $0x7FFFFFFF  }
tec
execute0_lowered:
.L_overlay_start_1:
0x0: {  	(tag) =	ssettag $0x1  }
0x1: {  	s0 =	srdreg.scid;
	s1 =	stileid.u32  }
0x2: {  	s0 =	sand.u32 $0x1, s0;
	s1 =	sshll.u32 s1, $0x1  }
0x3: {  	s1 =	sor.u32 s0, s1  }
0x4: {  	s25 =	rddreg [dreg:$0x0];
	s5 =	simm.s32 $0x0;
	s2 =	smul.u32 $0x62, s1  }
0x5: {  	s10 =	simm.s32 $0x14;
	s11 =	simm.s32 $0xC00;
	s12 =	simm.s32 $0xCC0  }
0x6: {  	s13 =	simm.s32 $0xC18;
	s14 =	simm.s32 $0x20C0;
	s3 =	sshrl.u32 s2, $0x4  }
0x7: {  	s15 =	simm.s32 $0x2;
	s28 =	simm.s32 $0x98C0;
	s4 =	smin.u32 s3, $0xBC  }
0x8: {  	s29 =	simm.s32 $0x1;
	s0 =	ssub.s32 $0x2, s0;
	s3 =	smul.u32 $0x30, s4  }
.Ltmp0:
0x9: {  	s30 =	simm.s32 $0x10;
	s7 =	sshrl.u32 s0, $0x1;
	(pc) =	sbr.rel .LBB2_1-.Ltmp0, $4  }
0xa: {  	s31 =	simm.s32 $0xE0;
	[smem:$0x7FF] =	sst s5;
	s0 =	ssub.s32 s0, s7  }
0xb: {  	s5 =	sadd.s32 $0x3200, s25;
	s0 =	smax.u32 s0, $0x1;
	s3 =	sadd.s32 s3, s25  }
0xc: {  	_ =	strace $0x80000047;
	[dreg:$0x3] =	wrdreg s0;
	s26 =	sadd.s32 $0xC00, s3  }
0xd: {  	s6 =	sadd.s32 $0x300C00, s25;
	s1 =	simm.s32 $0x0;
	[dreg:$0x2] =	wrdreg s26  }
.LBB2_26:
0xe: {  	_ =	swait.ge [sflag:s15], $0x1400  }
0xf: {  	[sflag:s15] =	ssyncset.done $0x0  }
0x10: {  	[sflag:s15] =	ssyncadd.s32 $0xFFFFEC00  }
0x11: {  	_ =	swait.ge [sflag:s15], $0x1400  }
0x12: {  	[sflag:s15] =	ssyncset.done $0x0  }
0x13: {  	[sflag:s15] =	ssyncadd.s32 $0xFFFFEC00  }
0x14: {  	_ =	swait.ge [sflag:s15], $0x1400  }
0x15: {  	[sflag:s15] =	ssyncset.done $0x0  }
0x16: {  	[sflag:s15] =	ssyncadd.s32 $0xFFFFEC00  }
0x17: {  	_ =	swait.ge [sflag:s15], $0x1400  }
0x18: {  	[sflag:s15] =	ssyncset.done $0x0  }
0x19: {  	[sflag:s15] =	ssyncadd.s32 $0xFFFFEC00  }
0x1a: {  	_ =	swait.ge [sflag:s15], $0x1400  }
0x1b: {  	[sflag:s15] =	ssyncset.done $0x0  }
0x1c: {  	[sflag:s15] =	ssyncadd.s32 $0xFFFFEC00  }
0x1d: {  	_ =	swait.ge [sflag:s15], $0x1400  }
0x1e: {  	[sflag:s15] =	ssyncset.done $0x0  }
0x1f: {  	[sflag:s15] =	ssyncadd.s32 $0xFFFFEC00  }
0x20: {  	_ =	swait.ge [sflag:s15], $0x1400  }
0x21: {  	[sflag:s15] =	ssyncset.done $0x0  }
0x22: {  	[sflag:s15] =	ssyncadd.s32 $0xFFFFEC00  }
0x23: {  	_ =	swait.ge [sflag:s15], $0x1400  }
0x24: {  	s1 =	rddreg [dreg:$0x4]  }
0x25: {  	s0 =	rddreg [dreg:$0x3];
	s1 =	sadd.s32 $0x1, s1  }
0x26: {  	p0 =	sne.s32 s1, s0  }
.Ltmp1:
0x27: {  	_ = 	snop;
	(pc) =	sbr.rel @!p0 .LBB2_27-.Ltmp1, $3  }
0x28: {  	_ =	sdelay $0x1  }
0x29: {  	[sflag:s15] =	ssyncset.done $0x0  }
0x2a: {  	[sflag:s15] =	ssyncadd.s32 $0xFFFFEC00  }
.LBB2_1:
0x2b: {  	[dreg:$0x4] =	wrdreg s1;
	s0 =	simm.s32 $0x0  }
.Ltmp2:
0x2c: {  	s25 =	rddreg [dreg:$0x2];
	s26 =	simm.s32 $0x3;
	(pc) =	sbr.rel .LBB2_2-.Ltmp2, $4  }
0x2d: {  	[tilespmem:s0], [sflag:$0x3] =	stream.linear.gather [hbm4b:s25+s0], $0xC00, $0x38;
	[tilespmem:$0xACC0] =	vst v63  }
0x2e: {  	_ =	swait.ge [sflag:s26], $0xC00  }
0x2f: {  	[sflag:s26] =	ssyncset.done $0x0  }
0x30: {  	s0 =	simm.s32 $0x0;
	[sflag:s26] =	ssyncadd.s32 $0xFFFFF400  }
.LBB2_25:
0x31: {  	s0 =	sadd.s32 $0x1, s0  }
0x32: {  	p0 =	sne.s32 s0, $0xD  }
.Ltmp3:
0x33: {  	_ = 	snop;
	(pc) =	sbr.rel @!p0 .LBB2_26-.Ltmp3, $1  }
0x34: {  	_ =	sdelay $0x3  }
.LBB2_2:
0x35: {  	s3 =	sshll.u32 s0, $0x3  }
0x36: {  	s21 =	sadd.s32 s2, s3  }
0x37: {  	s20 =	sshrl.u32 s21, $0x4;
	s22 =	sand.u32 $0xE, s21  }
0x38: {  	p0 =	seq.s32 s0, $0x0;
	s1 =	ssub.s32 s20, s4;
	s8 =	smul.u32 $0x60, s22  }
0x39: {  	s7 =	simm.s32 @!p0 $0x2;
	s1 =	smul.u32 $0x600, s1  }
0x3a: {  	_ =	swait.ge @!p0 [sflag:s7], $0x1400  }
0x3b: {  	[sflag:s7] =	ssyncset.done @!p0 $0x0;
	s8 =	sshrl.u32 s8, $0x2;
	s1 =	sshra.s32 s1, $0x2  }
0x3c: {  	[sflag:s7] =	ssyncadd.s32 @!p0 $0xFFFFEC00;
	s1 =	sadd.s32 s8, s1  }
0x3d: {  	v0 =	vld [tilespmem:s1+$0x0]  }
0x3e: {  	v1 =	vld [tilespmem:s1+$0x4]  }
0x3f: {  	s23 =	sor.u32 $0x1, s3  }
0x40: {  	s18 =	sadd.s32 s2, s23;
	s19 =	smul.u32 $0x1F4, s20  }
0x41: {  	s17 =	sshrl.u32 s18, $0x4  }
0x42: {  	s24 =	ssub.s32 s17, s4;
	v0 =	vadd.s32 s19, v0  }
0x43: {  	s1 =	smul.u32 $0x600, s24;
	v1 =	vadd.s32 s19, v1;
	s19 =	sand.u32 $0xF, s18;
	[tilespmem:$0xC00] =	vst v0  }
0x44: {  	s25 =	smul.u32 $0x60, s19;
	[tilespmem:$0xC04] =	vst v1  }
0x45: {  	[tilespmem:s12], [sflag:$0x1] =	stream.indirect.gather [hbm4b:s5+s10], $0x100, s11, s10, $0xb8;
	[tilespmem:$0xACC0] =	vst v63  }
0x46: {  	_ =	swait.ge @!p0 [sflag:s7], $0x1400  }
0x47: {  	s1 =	sshra.s32 s1, $0x2;
	s8 =	sshrl.u32 s25, $0x2;
	[sflag:s7] =	ssyncset.done @!p0 $0x0  }
0x48: {  	s1 =	sadd.s32 s8, s1;
	[sflag:s7] =	ssyncadd.s32 @!p0 $0xFFFFEC00  }
0x49: {  	v62 =	vld [tilespmem:s1+$0x0]  }
0x4a: {  	s16 =	sor.u32 $0x2, s3;
	v63 =	vld [tilespmem:s1+$0x4]  }
0x4b: {  	p1 =	sgt.u32 @!p0 s16, $0x61  }
0x4c: {  	p1 =	por p0, p1;
	s26 =	smul.u32 $0x1F4, s17  }
.Ltmp4:
0x4d: {  	_ = 	snop;
	(pc) =	sbr.rel @p1 .LBB2_5-.Ltmp4, $4  }
0x4e: {  	v0 =	vadd.s32 s26, v62  }
0x4f: {  	v1 =	vadd.s32 s26, v63;
	[tilespmem:$0xC18] =	vst v0  }
0x50: {  	[tilespmem:$0xC1C] =	vst v1  }
0x51: {  	[tilespmem:s14], [sflag:$0x1] =	stream.indirect.gather [hbm4b:s5+s10], $0x100, s13, s10, $0xb8;
	[tilespmem:$0xACC0] =	vst v63  }
0x52: {  	_ =	swait.ge [sflag:s15], $0x1400  }
0x53: {  	[sflag:s15] =	ssyncset.done $0x0  }
0x54: {  	[sflag:s15] =	ssyncadd.s32 $0xFFFFEC00  }
.LBB2_4:
0x55: {  	s1 =	sadd.s32 s2, s16  }
0x56: {  	s7 =	sshrl.u32 s1, $0x4;
	s1 =	sand.u32 $0xE, s1  }
0x57: {  	s8 =	ssub.s32 s7, s4;
	s1 =	smul.u32 $0x60, s1  }
0x58: {  	s8 =	smul.u32 $0x600, s8;
	_ =	sdelay $0x1  }
0x59: {  	s1 =	sshrl.u32 s1, $0x2;
	s8 =	sshra.s32 s8, $0x2  }
0x5a: {  	s1 =	sadd.s32 s1, s8  }
0x5b: {  	v0 =	vld [tilespmem:s1+$0x0]  }
0x5c: {  	v1 =	vld [tilespmem:s1+$0x4];
	_ =	sdelay $0x1  }
0x5d: {  	s9 =	smul.u32 $0x1F4, s7  }
0x5e: {  	s1 =	sor.u32 $0x3, s3  }
0x5f: {  	s25 =	sadd.s32 s2, s1;
	v0 =	vadd.s32 s9, v0  }
0x60: {  	s23 =	simm.s32 $0xC30;
	s26 =	sshrl.u32 s25, $0x4;
	s7 =	sand.u32 $0xF, s25;
	v1 =	vadd.s32 s9, v1;
	[tilespmem:$0xC30] =	vst v0  }
0x61: {  	s24 =	simm.s32 $0x34C0;
	s7 =	smul.u32 $0x60, s7;
	s9 =	ssub.s32 s26, s4;
	[tilespmem:$0xC34] =	vst v1  }
0x62: {  	[tilespmem:s24], [sflag:$0x1] =	stream.indirect.gather [hbm4b:s5+s10], $0x100, s23, s10, $0xb8;
	[tilespmem:$0xACC0] =	vst v63  }
0x63: {  	s9 =	smul.u32 $0x600, s9;
	s23 =	simm.s32 @!p0 $0x2  }
0x64: {  	_ =	swait.ge @!p0 [sflag:s23], $0x1400  }
0x65: {  	s7 =	sshrl.u32 s7, $0x2;
	s9 =	sshra.s32 s9, $0x2;
	[sflag:s23] =	ssyncset.done @!p0 $0x0  }
0x66: {  	s7 =	sadd.s32 s7, s9;
	[sflag:s23] =	ssyncadd.s32 @!p0 $0xFFFFEC00  }
0x67: {  	v54 =	vld [tilespmem:s7+$0x0]  }
0x68: {  	v55 =	vld [tilespmem:s7+$0x4];
	_ =	sdelay $0x1  }
0x69: {  	s8 =	smul.u32 $0x1F4, s26;
	_ =	sdelay $0x1  }
0x6a: {  	v0 =	vadd.s32 s8, v54  }
0x6b: {  	v1 =	vadd.s32 s8, v55;
	[tilespmem:$0xC48] =	vst v0  }
0x6c: {  	s24 =	simm.s32 $0x48C0;
	s9 =	simm.s32 $0xC48;
	[tilespmem:$0xC4C] =	vst v1  }
0x6d: {  	[tilespmem:s24], [sflag:$0x1] =	stream.indirect.gather [hbm4b:s5+s10], $0x100, s9, s10, $0xb8;
	[tilespmem:$0xACC0] =	vst v63  }
0x6e: {  	s9 =	sor.u32 $0x4, s3  }
0x6f: {  	s25 =	sadd.s32 s2, s9  }
0x70: {  	s26 =	sshrl.u32 s25, $0x4;
	s7 =	sand.u32 $0xE, s25  }
0x71: {  	s24 =	ssub.s32 s26, s4;
	s7 =	smul.u32 $0x60, s7  }
0x72: {  	s24 =	smul.u32 $0x600, s24  }
0x73: {  	_ =	swait.ge @!p0 [sflag:s23], $0x1400  }
0x74: {  	[sflag:s23] =	ssyncset.done @!p0 $0x0;
	s7 =	sshrl.u32 s7, $0x2;
	s24 =	sshra.s32 s24, $0x2  }
0x75: {  	[sflag:s23] =	ssyncadd.s32 @!p0 $0xFFFFEC00;
	s7 =	sadd.s32 s7, s24  }
0x76: {  	v56 =	vld [tilespmem:s7+$0x0]  }
0x77: {  	v57 =	vld [tilespmem:s7+$0x4];
	_ =	sdelay $0x1  }
0x78: {  	s24 =	smul.u32 $0x1F4, s26;
	_ =	sdelay $0x1  }
0x79: {  	v0 =	vadd.s32 s24, v56  }
0x7a: {  	s8 =	sor.u32 $0x5, s3;
	v1 =	vadd.s32 s24, v57;
	[tilespmem:$0xC60] =	vst v0  }
0x7b: {  	s25 =	simm.s32 $0xC60;
	s26 =	simm.s32 $0x5CC0;
	s24 =	sadd.s32 s2, s8;
	[tilespmem:$0xC64] =	vst v1  }
0x7c: {  	[tilespmem:s26], [sflag:$0x1] =	stream.indirect.gather [hbm4b:s5+s10], $0x100, s25, s10, $0xb8;
	[tilespmem:$0xACC0] =	vst v63  }
0x7d: {  	s7 =	sand.u32 $0xF, s24;
	s26 =	sshrl.u32 s24, $0x4  }
0x7e: {  	s7 =	smul.u32 $0x60, s7;
	s25 =	ssub.s32 s26, s4  }
0x7f: {  	s25 =	smul.u32 $0x600, s25  }
0x80: {  	_ =	swait.ge @!p0 [sflag:s23], $0x1400  }
0x81: {  	s7 =	sshrl.u32 s7, $0x2;
	[sflag:s23] =	ssyncset.done @!p0 $0x0;
	s25 =	sshra.s32 s25, $0x2  }
0x82: {  	[sflag:s23] =	ssyncadd.s32 @!p0 $0xFFFFEC00;
	s7 =	sadd.s32 s7, s25  }
0x83: {  	v58 =	vld [tilespmem:s7+$0x0]  }
0x84: {  	v59 =	vld [tilespmem:s7+$0x4];
	_ =	sdelay $0x1  }
0x85: {  	s26 =	smul.u32 $0x1F4, s26;
	_ =	sdelay $0x1  }
0x86: {  	v0 =	vadd.s32 s26, v58  }
0x87: {  	v1 =	vadd.s32 s26, v59;
	[tilespmem:$0xC78] =	vst v0  }
0x88: {  	s24 =	simm.s32 $0xC78;
	s25 =	simm.s32 $0x70C0;
	s7 =	sor.u32 $0x6, s3;
	[tilespmem:$0xC7C] =	vst v1  }
0x89: {  	[tilespmem:s25], [sflag:$0x1] =	stream.indirect.gather [hbm4b:s5+s10], $0x100, s24, s10, $0xb8;
	[tilespmem:$0xACC0] =	vst v63  }
0x8a: {  	s24 =	sadd.s32 s2, s7  }
0x8b: {  	s25 =	sshrl.u32 s24, $0x4;
	s24 =	sand.u32 $0xE, s24  }
0x8c: {  	s26 =	ssub.s32 s25, s4;
	s24 =	smul.u32 $0x60, s24  }
0x8d: {  	s26 =	smul.u32 $0x600, s26  }
0x8e: {  	_ =	swait.ge @!p0 [sflag:s23], $0x1400  }
0x8f: {  	[sflag:s23] =	ssyncset.done @!p0 $0x0;
	s24 =	sshrl.u32 s24, $0x2;
	s26 =	sshra.s32 s26, $0x2  }
0x90: {  	[sflag:s23] =	ssyncadd.s32 @!p0 $0xFFFFEC00;
	s24 =	sadd.s32 s24, s26  }
0x91: {  	v60 =	vld [tilespmem:s24+$0x0]  }
0x92: {  	v61 =	vld [tilespmem:s24+$0x4];
	_ =	sdelay $0x1  }
0x93: {  	s26 =	smul.u32 $0x1F4, s25;
	_ =	sdelay $0x1  }
0x94: {  	v0 =	vadd.s32 s26, v60  }
0x95: {  	s3 =	sor.u32 $0x7, s3;
	v1 =	vadd.s32 s26, v61;
	[tilespmem:$0xC90] =	vst v0  }
0x96: {  	s25 =	simm.s32 $0xC90;
	s24 =	sadd.s32 s2, s3;
	s26 =	simm.s32 $0x84C0;
	[tilespmem:$0xC94] =	vst v1  }
0x97: {  	[tilespmem:s26], [sflag:$0x1] =	stream.indirect.gather [hbm4b:s5+s10], $0x100, s25, s10, $0xb8;
	[tilespmem:$0xACC0] =	vst v63  }
0x98: {  	s25 =	sshrl.u32 s24, $0x4;
	s24 =	sand.u32 $0xF, s24  }
0x99: {  	s26 =	ssub.s32 s25, s4;
	s24 =	smul.u32 $0x60, s24  }
0x9a: {  	s26 =	smul.u32 $0x600, s26  }
0x9b: {  	_ =	swait.ge @!p0 [sflag:s23], $0x1400  }
0x9c: {  	[sflag:s23] =	ssyncset.done @!p0 $0x0;
	s24 =	sshrl.u32 s24, $0x2;
	s26 =	sshra.s32 s26, $0x2  }
0x9d: {  	[sflag:s23] =	ssyncadd.s32 @!p0 $0xFFFFEC00;
	s24 =	sadd.s32 s24, s26  }
0x9e: {  	v62 =	vld [tilespmem:s24+$0x0]  }
0x9f: {  	v63 =	vld [tilespmem:s24+$0x4];
	_ =	sdelay $0x1  }
0xa0: {  	s25 =	smul.u32 $0x1F4, s25;
	_ =	sdelay $0x1  }
0xa1: {  	v0 =	vadd.s32 s25, v62  }
0xa2: {  	v1 =	vadd.s32 s25, v63;
	[tilespmem:$0xCA8] =	vst v0  }
0xa3: {  	p0 =	por $0x1, $0x1;
	s26 =	simm.s32 $0xCA8;
	[tilespmem:$0xCAC] =	vst v1  }
0xa4: {  	[tilespmem:s28], [sflag:$0x1] =	stream.indirect.gather [hbm4b:s5+s10], $0x100, s26, s10, $0xb8;
	[tilespmem:$0xACC0] =	vst v63  }
.LBB2_7:
0xa5: {  	s21 =	smulhi.u32 $0x92492493, s21  }
0xa6: {  	s23 =	smulhi.u32 $0x12492493, s20  }
0xa7: {  	s22 =	smul.u32 $0xF5000, s22  }
0xa8: {  	s21 =	sshrl.u32 s21, $0x7;
	s23 =	smul.u32 $0xE, s23  }
0xa9: {  	s21 =	smul.u32 $0xE00, s21  }
0xaa: {  	s25 =	ssub.s32 s20, s23  }
0xab: {  	s21 =	sadd.s32 s21, s22;
	s20 =	sshll.u32 s25, $0x4  }
0xac: {  	_ =	swait.ge [sflag:s29], $0x1400;
	s20 =	sor.u32 s20, s21  }
0xad: {  	s26 =	simm.s32 $0xCC0;
	[sflag:s29] =	ssyncset.done $0x0;
	s20 =	sshrl.u32 s20, $0x3  }
0xae: {  	[sflag:s29] =	ssyncadd.s32 $0xFFFFEC00;
	s21 =	simm.s32 $0x400;
	s20 =	sadd.s32 s6, s20  }
0xaf: {  	[hbm4b:s20+s30] =	stream.strided.scatter [tilespmem:s26], [sflag:$0x2], $0x100, s31, s30, $0x38;
	[tilespmem:$0xACC0] =	vst v63  }
.LBB2_8:
0xb0: {  	p1 =	sne.s32 s21, $0x4C00  }
.Ltmp5:
0xb1: {  	_ = 	snop;
	(pc) =	sbr.rel @p1 .LBB2_8-.Ltmp5, $4  }
0xb2: {  	_ = 	snop  }
0xb3: {  	s22 =	sshra.s32 s21, $0x2;
	s21 =	sadd.s32 $0x400, s21  }
0xb4: {  	s20 =	sadd.s32 $0x1880, s20;
	s22 =	sadd.s32 $0xCC0, s22  }
0xb5: {  	[hbm4b:s20+s30] =	stream.strided.scatter [tilespmem:s22], [sflag:$0x2], $0x100, s31, s30, $0x38;
	[tilespmem:$0xACC0] =	vst v63  }
0xb6: {  	s18 =	smulhi.u32 $0x92492493, s18  }
0xb7: {  	s20 =	smulhi.u32 $0x12492493, s17  }
0xb8: {  	s19 =	smul.u32 $0xF5000, s19  }
0xb9: {  	s18 =	sshrl.u32 s18, $0x7;
	s20 =	smul.u32 $0xE, s20  }
0xba: {  	s18 =	smul.u32 $0xE00, s18  }
0xbb: {  	s25 =	ssub.s32 s17, s20  }
0xbc: {  	s18 =	sadd.s32 s18, s19;
	s17 =	sshll.u32 s25, $0x4  }
0xbd: {  	_ =	swait.ge [sflag:s29], $0x1400;
	s17 =	sor.u32 s17, s18  }
0xbe: {  	s26 =	simm.s32 $0x20C0;
	[sflag:s29] =	ssyncset.done $0x0;
	s17 =	sshrl.u32 s17, $0x3  }
0xbf: {  	[sflag:s29] =	ssyncadd.s32 $0xFFFFEC00;
	s18 =	simm.s32 $0x400;
	s17 =	sadd.s32 s6, s17  }
0xc0: {  	[hbm4b:s17+s30] =	stream.strided.scatter [tilespmem:s26], [sflag:$0x2], $0x100, s31, s30, $0x38;
	[tilespmem:$0xACC0] =	vst v63  }
.LBB2_10:
0xc1: {  	p1 =	sne.s32 s18, $0x4C00  }
.Ltmp6:
0xc2: {  	_ = 	snop;
	(pc) =	sbr.rel @p1 .LBB2_10-.Ltmp6, $4  }
0xc3: {  	_ = 	snop  }
0xc4: {  	s19 =	sshra.s32 s18, $0x2;
	s18 =	sadd.s32 $0x400, s18  }
0xc5: {  	s17 =	sadd.s32 $0x1880, s17;
	s19 =	sadd.s32 $0x20C0, s19  }
0xc6: {  	[hbm4b:s17+s30] =	stream.strided.scatter [tilespmem:s19], [sflag:$0x2], $0x100, s31, s30, $0x38;
	[tilespmem:$0xACC0] =	vst v63  }
0xc7: {  	p1 =	sgt.u32 s16, $0x61  }
.Ltmp7:
0xc8: {  	_ = 	snop;
	(pc) =	sbr.rel @p1 .LBB2_14-.Ltmp7, $1  }
0xc9: {  	_ =	sdelay $0x3  }
0xca: {  	s16 =	sadd.s32 s2, s16  }
0xcb: {  	s17 =	smulhi.u32 $0x92492493, s16;
	s18 =	sshrl.u32 s16, $0x4  }
0xcc: {  	s16 =	sand.u32 $0xE, s16;
	s19 =	smulhi.u32 $0x12492493, s18  }
0xcd: {  	s16 =	smul.u32 $0xF5000, s16  }
0xce: {  	s17 =	sshrl.u32 s17, $0x7;
	s19 =	smul.u32 $0xE, s19  }
0xcf: {  	s17 =	smul.u32 $0xE00, s17  }
0xd0: {  	s18 =	ssub.s32 s18, s19  }
0xd1: {  	s16 =	sadd.s32 s17, s16;
	s25 =	sshll.u32 s18, $0x4  }
0xd2: {  	_ =	swait.ge [sflag:s29], $0x1400;
	s16 =	sor.u32 s25, s16  }
0xd3: {  	s26 =	simm.s32 $0x34C0;
	[sflag:s29] =	ssyncset.done $0x0;
	s16 =	sshrl.u32 s16, $0x3  }
0xd4: {  	[sflag:s29] =	ssyncadd.s32 $0xFFFFEC00;
	s17 =	simm.s32 $0x400;
	s16 =	sadd.s32 s6, s16  }
0xd5: {  	[hbm4b:s16+s30] =	stream.strided.scatter [tilespmem:s26], [sflag:$0x2], $0x100, s31, s30, $0x38;
	[tilespmem:$0xACC0] =	vst v63  }
.LBB2_13:
0xd6: {  	p1 =	sne.s32 s17, $0x4C00  }
.Ltmp8:
0xd7: {  	_ = 	snop;
	(pc) =	sbr.rel @p1 .LBB2_13-.Ltmp8, $4  }
0xd8: {  	_ = 	snop  }
0xd9: {  	s18 =	sshra.s32 s17, $0x2;
	s17 =	sadd.s32 $0x400, s17  }
0xda: {  	s16 =	sadd.s32 $0x1880, s16;
	s18 =	sadd.s32 $0x34C0, s18  }
0xdb: {  	[hbm4b:s16+s30] =	stream.strided.scatter [tilespmem:s18], [sflag:$0x2], $0x100, s31, s30, $0x38;
	[tilespmem:$0xACC0] =	vst v63  }
.LBB2_14:
.Ltmp9:
0xdc: {  	(pc) =	sbr.rel @!p0 .LBB2_25-.Ltmp9, $1  }
0xdd: {  	_ =	sdelay $0x3  }
0xde: {  	s1 =	sadd.s32 s2, s1  }
0xdf: {  	s16 =	smulhi.u32 $0x92492493, s1;
	s17 =	sshrl.u32 s1, $0x4  }
0xe0: {  	s1 =	sand.u32 $0xF, s1;
	s18 =	smulhi.u32 $0x12492493, s17  }
0xe1: {  	s1 =	smul.u32 $0xF5000, s1  }
0xe2: {  	s16 =	sshrl.u32 s16, $0x7;
	s18 =	smul.u32 $0xE, s18  }
0xe3: {  	s16 =	smul.u32 $0xE00, s16  }
0xe4: {  	s17 =	ssub.s32 s17, s18  }
0xe5: {  	s1 =	sadd.s32 s16, s1;
	s25 =	sshll.u32 s17, $0x4  }
0xe6: {  	_ =	swait.ge [sflag:s29], $0x1400;
	s1 =	sor.u32 s25, s1  }
0xe7: {  	s26 =	simm.s32 $0x48C0;
	[sflag:s29] =	ssyncset.done $0x0;
	s1 =	sshrl.u32 s1, $0x3  }
0xe8: {  	[sflag:s29] =	ssyncadd.s32 $0xFFFFEC00;
	s16 =	simm.s32 $0x400;
	s1 =	sadd.s32 s6, s1  }
0xe9: {  	[hbm4b:s1+s30] =	stream.strided.scatter [tilespmem:s26], [sflag:$0x2], $0x100, s31, s30, $0x38;
	[tilespmem:$0xACC0] =	vst v63  }
.LBB2_16:
0xea: {  	p0 =	sne.s32 s16, $0x4C00  }
.Ltmp10:
0xeb: {  	_ = 	snop;
	(pc) =	sbr.rel @p0 .LBB2_16-.Ltmp10, $4  }
0xec: {  	_ = 	snop  }
0xed: {  	s17 =	sshra.s32 s16, $0x2;
	s16 =	sadd.s32 $0x400, s16  }
0xee: {  	s1 =	sadd.s32 $0x1880, s1;
	s17 =	sadd.s32 $0x48C0, s17  }
0xef: {  	[hbm4b:s1+s30] =	stream.strided.scatter [tilespmem:s17], [sflag:$0x2], $0x100, s31, s30, $0x38;
	[tilespmem:$0xACC0] =	vst v63  }
0xf0: {  	s1 =	sadd.s32 s2, s9  }
0xf1: {  	s9 =	smulhi.u32 $0x92492493, s1;
	s16 =	sshrl.u32 s1, $0x4  }
0xf2: {  	s1 =	sand.u32 $0xE, s1;
	s17 =	smulhi.u32 $0x12492493, s16  }
0xf3: {  	s1 =	smul.u32 $0xF5000, s1  }
0xf4: {  	s9 =	sshrl.u32 s9, $0x7;
	s17 =	smul.u32 $0xE, s17  }
0xf5: {  	s9 =	smul.u32 $0xE00, s9  }
0xf6: {  	s16 =	ssub.s32 s16, s17  }
0xf7: {  	s1 =	sadd.s32 s9, s1;
	s25 =	sshll.u32 s16, $0x4  }
0xf8: {  	_ =	swait.ge [sflag:s29], $0x1400;
	s1 =	sor.u32 s25, s1  }
0xf9: {  	s26 =	simm.s32 $0x5CC0;
	[sflag:s29] =	ssyncset.done $0x0;
	s1 =	sshrl.u32 s1, $0x3  }
0xfa: {  	[sflag:s29] =	ssyncadd.s32 $0xFFFFEC00;
	s9 =	simm.s32 $0x400;
	s1 =	sadd.s32 s6, s1  }
0xfb: {  	[hbm4b:s1+s30] =	stream.strided.scatter [tilespmem:s26], [sflag:$0x2], $0x100, s31, s30, $0x38;
	[tilespmem:$0xACC0] =	vst v63  }
.LBB2_18:
0xfc: {  	p0 =	sne.s32 s9, $0x4C00  }
.Ltmp11:
0xfd: {  	_ = 	snop;
	(pc) =	sbr.rel @p0 .LBB2_18-.Ltmp11, $4  }
0xfe: {  	_ = 	snop  }
0xff: {  	s16 =	sshra.s32 s9, $0x2;
	s9 =	sadd.s32 $0x400, s9  }
0x100: {  	s1 =	sadd.s32 $0x1880, s1;
	s16 =	sadd.s32 $0x5CC0, s16  }
0x101: {  	[hbm4b:s1+s30] =	stream.strided.scatter [tilespmem:s16], [sflag:$0x2], $0x100, s31, s30, $0x38;
	[tilespmem:$0xACC0] =	vst v63  }
0x102: {  	s1 =	sadd.s32 s2, s8  }
0x103: {  	s8 =	smulhi.u32 $0x92492493, s1;
	s9 =	sshrl.u32 s1, $0x4  }
0x104: {  	s1 =	sand.u32 $0xF, s1;
	s16 =	smulhi.u32 $0x12492493, s9  }
0x105: {  	s1 =	smul.u32 $0xF5000, s1  }
0x106: {  	s8 =	sshrl.u32 s8, $0x7;
	s16 =	smul.u32 $0xE, s16  }
0x107: {  	s8 =	smul.u32 $0xE00, s8  }
0x108: {  	s9 =	ssub.s32 s9, s16  }
0x109: {  	s1 =	sadd.s32 s8, s1;
	s25 =	sshll.u32 s9, $0x4  }
0x10a: {  	_ =	swait.ge [sflag:s29], $0x1400;
	s1 =	sor.u32 s25, s1  }
0x10b: {  	s26 =	simm.s32 $0x70C0;
	[sflag:s29] =	ssyncset.done $0x0;
	s1 =	sshrl.u32 s1, $0x3  }
0x10c: {  	[sflag:s29] =	ssyncadd.s32 $0xFFFFEC00;
	s8 =	simm.s32 $0x400;
	s1 =	sadd.s32 s6, s1  }
0x10d: {  	[hbm4b:s1+s30] =	stream.strided.scatter [tilespmem:s26], [sflag:$0x2], $0x100, s31, s30, $0x38;
	[tilespmem:$0xACC0] =	vst v63  }
.LBB2_20:
0x10e: {  	p0 =	sne.s32 s8, $0x4C00  }
.Ltmp12:
0x10f: {  	_ = 	snop;
	(pc) =	sbr.rel @p0 .LBB2_20-.Ltmp12, $4  }
0x110: {  	_ = 	snop  }
0x111: {  	s9 =	sshra.s32 s8, $0x2;
	s8 =	sadd.s32 $0x400, s8  }
0x112: {  	s1 =	sadd.s32 $0x1880, s1;
	s9 =	sadd.s32 $0x70C0, s9  }
0x113: {  	[hbm4b:s1+s30] =	stream.strided.scatter [tilespmem:s9], [sflag:$0x2], $0x100, s31, s30, $0x38;
	[tilespmem:$0xACC0] =	vst v63  }
0x114: {  	s1 =	sadd.s32 s2, s7  }
0x115: {  	s7 =	smulhi.u32 $0x92492493, s1;
	s8 =	sshrl.u32 s1, $0x4  }
0x116: {  	s1 =	sand.u32 $0xE, s1;
	s9 =	smulhi.u32 $0x12492493, s8  }
0x117: {  	s1 =	smul.u32 $0xF5000, s1  }
0x118: {  	s7 =	sshrl.u32 s7, $0x7;
	s9 =	smul.u32 $0xE, s9  }
0x119: {  	s7 =	smul.u32 $0xE00, s7  }
0x11a: {  	s8 =	ssub.s32 s8, s9  }
0x11b: {  	s1 =	sadd.s32 s7, s1;
	s25 =	sshll.u32 s8, $0x4  }
0x11c: {  	_ =	swait.ge [sflag:s29], $0x1400;
	s1 =	sor.u32 s25, s1  }
0x11d: {  	s26 =	simm.s32 $0x84C0;
	[sflag:s29] =	ssyncset.done $0x0;
	s1 =	sshrl.u32 s1, $0x3  }
0x11e: {  	[sflag:s29] =	ssyncadd.s32 $0xFFFFEC00;
	s7 =	simm.s32 $0x400;
	s1 =	sadd.s32 s6, s1  }
0x11f: {  	[hbm4b:s1+s30] =	stream.strided.scatter [tilespmem:s26], [sflag:$0x2], $0x100, s31, s30, $0x38;
	[tilespmem:$0xACC0] =	vst v63  }
.LBB2_22:
0x120: {  	p0 =	sne.s32 s7, $0x4C00  }
.Ltmp13:
0x121: {  	_ = 	snop;
	(pc) =	sbr.rel @p0 .LBB2_22-.Ltmp13, $4  }
0x122: {  	_ = 	snop  }
0x123: {  	s8 =	sshra.s32 s7, $0x2;
	s7 =	sadd.s32 $0x400, s7  }
0x124: {  	s1 =	sadd.s32 $0x1880, s1;
	s8 =	sadd.s32 $0x84C0, s8  }
0x125: {  	[hbm4b:s1+s30] =	stream.strided.scatter [tilespmem:s8], [sflag:$0x2], $0x100, s31, s30, $0x38;
	[tilespmem:$0xACC0] =	vst v63  }
0x126: {  	s1 =	sadd.s32 s2, s3  }
0x127: {  	s3 =	smulhi.u32 $0x92492493, s1;
	s7 =	sshrl.u32 s1, $0x4  }
0x128: {  	s1 =	sand.u32 $0xF, s1;
	s8 =	smulhi.u32 $0x12492493, s7  }
0x129: {  	s1 =	smul.u32 $0xF5000, s1  }
0x12a: {  	s3 =	sshrl.u32 s3, $0x7;
	s8 =	smul.u32 $0xE, s8  }
0x12b: {  	s3 =	smul.u32 $0xE00, s3  }
0x12c: {  	s7 =	ssub.s32 s7, s8  }
0x12d: {  	s1 =	sadd.s32 s3, s1;
	s25 =	sshll.u32 s7, $0x4  }
0x12e: {  	_ =	swait.ge [sflag:s29], $0x1400;
	s1 =	sor.u32 s25, s1  }
0x12f: {  	s26 =	simm.s32 $0x98C0;
	[sflag:s29] =	ssyncset.done $0x0;
	s1 =	sshrl.u32 s1, $0x3  }
0x130: {  	[sflag:s29] =	ssyncadd.s32 $0xFFFFEC00;
	s3 =	simm.s32 $0x400;
	s1 =	sadd.s32 s6, s1  }
0x131: {  	[hbm4b:s1+s30] =	stream.strided.scatter [tilespmem:s26], [sflag:$0x2], $0x100, s31, s30, $0x38;
	[tilespmem:$0xACC0] =	vst v63  }
.LBB2_24:
0x132: {  	p0 =	sne.s32 s3, $0x4C00  }
.Ltmp14:
0x133: {  	_ = 	snop;
	(pc) =	sbr.rel @p0 .LBB2_24-.Ltmp14, $4  }
0x134: {  	_ = 	snop  }
0x135: {  	s7 =	sshra.s32 s3, $0x2;
	s3 =	sadd.s32 $0x400, s3  }
0x136: {  	s1 =	sadd.s32 $0x1880, s1;
	s7 =	sadd.s32 $0x98C0, s7  }
0x137: {  	[hbm4b:s1+s30] =	stream.strided.scatter [tilespmem:s7], [sflag:$0x2], $0x100, s31, s30, $0x38;
	[tilespmem:$0xACC0] =	vst v63  }
.Ltmp15:
0x138: {  	_ = 	snop;
	(pc) =	sbr.rel .LBB2_25-.Ltmp15, $1  }
0x139: {  	_ =	sdelay $0x3  }
.LBB2_5:
0x13a: {  	p1 =	sgt.u32 s16, $0x61  }
.Ltmp16:
0x13b: {  	_ = 	snop;
	(pc) =	sbr.rel @!p1 .LBB2_4-.Ltmp16, $1  }
0x13c: {  	_ =	sdelay $0x3  }
.Ltmp17:
0x13d: {  	(pc) =	sbr.rel .LBB2_7-.Ltmp17, $3  }
0x13e: {  	_ =	sdelay $0x1  }
0x13f: {  	s3 =	simm.s32 $0x67;
	s7 =	simm.s32 $0x66;
	s8 =	simm.s32 $0x65  }
0x140: {  	s9 =	simm.s32 $0x64;
	p0 =	por $0x0, $0x0;
	s1 =	simm.s32 $0x63  }
.LBB2_27:
0x141: {  	_ =	sfence.sel $0x180000  }
0x142: {  	[bflag:$0x0] =	sbarrier.arrive $0xFFFF  }
0x143: {  	_ =	strace $0x90000047  }
0x144: {  	s0 =	stileid.u32;
	[bflag:$0x2] =	sbarrier.arrive $0xFFFF  }
0x145: {  	p0 =	sne.s32 s0, $0x0;
	s0 =	rddreg [dreg:$0x1]  }
0x146: {  	s0 =	sadd.s32 @!p0 $0x100000, s0  }
0x147: {  	[sflag:s0] =	ssyncadd.tile.s32 @!p0 $0x1;
	_ =	shalt  }
.Lfunc_end2:
_tile_overlayer_lowered:
.L_overlay_start_2:
0x148: {  	(tag) =	ssettag $0x2  }
0x149: {  	s0 =	rddreg [dreg:$0x0];
	s2 =	stileid.u32  }
0x14a: {  	s1 =	rddreg [dreg:$0x1];
	p0 =	sne.s32 s2, $0x0  }
0x14b: {  	s3 =	rddreg [dreg:$0x2];
	[bflag:$0x3] =	sbarrier.arrive $0xFFFF;
	s2 =	simm.s32 @!p0 $0x1C03  }
0x14c: {  	[timem:s3], [sflag:s2] =	dma.local @!p0 [hbm:s0], s1  }
0x14d: {  	s0 =	simm.s32 @!p0 $0x3  }
0x14e: {  	_ =	swait.ge @!p0 [sflag:s0], s1  }
0x14f: {  	s1 =	ssub.s32 @!p0 $0x0, s1;
	[sflag:s0] =	ssyncset.done @!p0 $0x0  }
0x150: {  	[sflag:s0] =	ssyncadd.s32 @!p0 s1  }
0x151: {  	[bflag:$0x3] =	sbarrier.arrive $0xFFFF  }
0x152: {  	_ =	shalt  }

</sc_bundles>
